<compile_context>
chip_gen: v7x
topology: tpu7x:2x2x1
jax: 0.10.2.dev20260603
libtpu: 0.0.44.dev20260713+nightly
codegen_flags: <defaults>
</compile_context>

<pallas_src>
import functools

import jax
import jax.numpy as jnp
from jax import lax
from jax.experimental import pallas as pl
from jax.experimental.pallas import tpu as pltpu
from jax.experimental.pallas import tpu_sc as plsc

NC = 2
NS = 16
NW = NC * NS
K = 128


def _tree_norm_body(C, B, CPT, xT_hbm, ids_hbm, segs_hbm, start_hbm, s_hbm,
                    start_v, idx_v, seg_v, rows_v, acc, sem):
    wid = lax.axis_index("s") * NC + lax.axis_index("c")
    c0 = wid * CPT

    pltpu.sync_copy(start_hbm, start_v)
    pvec = start_v[pl.ds(wid, 16)]
    p0 = pvec[0]
    p1 = pvec[1]
    a0 = (p0 >> 3) << 3
    nch = (p1 - a0 + K - 1) // K

    inf16 = jnp.full((16,), jnp.inf, dtype=jnp.float32)

    def init_row(i, _):
        for k in range(8):
            acc[i, pl.ds(k * 16, 16)] = inf16
        return 0

    lax.fori_loop(0, CPT + 1, init_row, 0)

    def chunk(g, _):
        off = pl.multiple_of(a0 + g * K, 8)
        pltpu.sync_copy(ids_hbm.at[pl.ds(off, K)], idx_v)
        pltpu.sync_copy(segs_hbm.at[pl.ds(off, K)], seg_v)
        pltpu.async_copy(xT_hbm.at[idx_v], rows_v, sem).wait()

        def pair16(jj, _):
            segvec = seg_v[pl.ds(jj * 16, 16)]
            for t in range(16):
                j = jj * 16 + t
                loc = segvec[t] - c0
                valid = jnp.logical_and(loc >= 0, loc < CPT)
                row = jnp.where(valid, loc, CPT)
                for k in range(8):
                    a = acc[row, pl.ds(k * 16, 16)]
                    gv = rows_v[j, pl.ds(k * 16, 16)]
                    acc[row, pl.ds(k * 16, 16)] = jnp.minimum(a, gv)
            return 0

        lax.fori_loop(0, K // 16, pair16, 0)
        return 0

    lax.fori_loop(0, nch, chunk, 0)
    pltpu.sync_copy(acc.at[pl.ds(0, CPT)], s_hbm.at[pl.ds(c0, CPT)])


def kernel(inputs, ids, segments):
    B, C = inputs.shape
    N = ids.shape[0]
    CPT = (-(-C // NW) + 7) // 8 * 8
    CP = NW * CPT

    xT = jnp.transpose(inputs)
    boundaries = jnp.arange(NW + 1, dtype=jnp.int32) * CPT
    start = jnp.searchsorted(segments, boundaries, side="left").astype(jnp.int32)
    start = jnp.concatenate([start, jnp.full((15,), N, jnp.int32)])
    ids_pad = jnp.concatenate([ids, jnp.zeros((K,), jnp.int32)])
    segs_pad = jnp.concatenate([segments, jnp.full((K,), C, jnp.int32)])

    mesh = plsc.VectorSubcoreMesh(
        core_axis_name="c", subcore_axis_name="s", num_cores=NC, num_subcores=NS
    )
    body = functools.partial(_tree_norm_body, C, B, CPT)
    s = pl.kernel(
        body,
        out_type=jax.ShapeDtypeStruct((CP, B), jnp.float32),
        mesh=mesh,
        scratch_types=[
            pltpu.VMEM((NW + 16,), jnp.int32),
            pltpu.VMEM((K,), jnp.int32),
            pltpu.VMEM((K,), jnp.int32),
            pltpu.VMEM((K, B), jnp.float32),
            pltpu.VMEM((CPT + 1, B), jnp.float32),
            pltpu.SemaphoreType.DMA,
        ],
    )(xT, ids_pad, segs_pad, start)
    return jnp.transpose(s[:C])

# --- scband reference (transcript-rebuilt; emitter-appended) ---
"""Pipeline reference for scband-tree-norm-24240795419409 (READ-ONLY COPY).

The authoritative reference and input builder live on the scoring server;
editing this copy changes nothing except your own understanding.
"""

import jax, jax.numpy as jnp
import numpy as np

C = 10000   # number of GO terms / output classes
N = 160000  # number of (node, ancestor) pairs
B = 128     # batch size


def setup_inputs(seed: int = 0) -> dict:
    key = jax.random.key(seed)
    k1, k2, k3 = jax.random.split(key, 3)
    inputs = jax.random.uniform(k1, (B, C), dtype=jnp.float32)
    ids = jax.random.randint(k2, (N,), 0, C, dtype=jnp.int32)
    segments = jnp.sort(jax.random.randint(k3, (N,), 0, C, dtype=jnp.int32))
    return {"inputs": inputs, "ids": ids, "segments": segments}


def reference(inputs, ids, segments):
    # TreeNorm.call:
    #   tf.transpose(tf.math.segment_min(tf.gather(tf.transpose(inputs), ids), segments))
    x = jnp.transpose(inputs)                    # [C, B]
    g = jnp.take(x, ids, axis=0)                 # gather ancestor rows -> [N, B]
    s = jax.ops.segment_min(g, segments, num_segments=C)  # [C, B] (sorted segments)
    return jnp.transpose(s)                      # [B, C]

if __name__ == "__main__":
    import jax
    _d = setup_inputs()
    print(jax.jit(kernel)(*tuple(_d.values())))

</pallas_src>

<mosaic_0001>
#map = affine_map<(d0, d1) -> (0, 0)>
#map1 = affine_map<(d0, d1) -> (0)>
module attributes {stable_mosaic.version = 14 : i64} {
  func.func @_tree_norm_body(%arg0: i32, %arg1: i32, %arg2: memref<10000x128xf32, #tpu.memory_space<hbm>>, %arg3: memref<160128xi32, #tpu.memory_space<hbm>>, %arg4: memref<160128xi32, #tpu.memory_space<hbm>>, %arg5: memref<48xi32, #tpu.memory_space<hbm>>, %arg6: memref<10240x128xf32, #tpu.memory_space<hbm>>, %arg7: memref<48xi32, #tpu.memory_space<vmem>>, %arg8: memref<128xi32, #tpu.memory_space<vmem>>, %arg9: memref<128xi32, #tpu.memory_space<vmem>>, %arg10: memref<128x128xf32, #tpu.memory_space<vmem>>, %arg11: memref<321x128xf32, #tpu.memory_space<vmem>>, %arg12: memref<!tpu.dma_semaphore, #tpu.memory_space<semaphore_mem>>) attributes {dimension_semantics = [#tpu.dimension_semantics<core_parallel>, #tpu.dimension_semantics<subcore_parallel>], iteration_bounds = array<i64: 2, 16>, scalar_prefetch = 0 : i64, scratch_operands = 6 : i64, tpu.core_type = #tpu.core_type<sc_vector_subcore>, window_params = [{transform_indices = #map}, {transform_indices = #map1}, {transform_indices = #map1}, {transform_indices = #map1}, {transform_indices = #map}]} {
    %mul3A = arith.constant 2 : i32
    %mul3A_0 = arith.muli %arg1, %mul3A : i32
    %add3A = arith.addi %mul3A_0, %arg0 : i32
    %mul3A_1 = arith.constant 320 : i32
    %mul3A_2 = arith.muli %add3A, %mul3A_1 : i32
    "tpu.region"() ({
      %run_scoped3A = tpu.sem_alloc : memref<!tpu.dma_semaphore, #tpu.memory_space<semaphore_mem>>
      tpu.enqueue_dma source(%arg5 : memref<48xi32, #tpu.memory_space<hbm>>) target(%arg7 : memref<48xi32, #tpu.memory_space<vmem>>) target_semaphore(%run_scoped3A : memref<!tpu.dma_semaphore, #tpu.memory_space<semaphore_mem>>)
      tpu.wait_dma2 semaphore(%run_scoped3A : memref<!tpu.dma_semaphore, #tpu.memory_space<semaphore_mem>>) src(%arg5 : memref<48xi32, #tpu.memory_space<hbm>>) dst(%arg7 : memref<48xi32, #tpu.memory_space<vmem>>)
      tpu.yield
    }) : () -> ()
    %get3A = arith.index_cast %add3A : i32 to index
    %get3A_3 = tpu.vector_load %arg7[%get3A] {strides = array<i32>} : memref<48xi32, #tpu.memory_space<vmem>>, vector<16xi32>,
    %get3A_4 = vector.shape_cast %get3A_3 : vector<16xi32> to vector<16xi32>
    %slice3A = vector.extract_strided_slice %get3A_4 {offsets = [0], sizes = [1], strides = [1]} : vector<16xi32> to vector<1xi32>
    %squeeze3A = vector.extract %slice3A[0] : i32 from vector<1xi32>
    %slice3A_5 = vector.extract_strided_slice %get3A_4 {offsets = [1], sizes = [1], strides = [1]} : vector<16xi32> to vector<1xi32>
    %squeeze3A_6 = vector.extract %slice3A_5[0] : i32 from vector<1xi32>
    %shift_right_arithmetic3A = arith.constant 3 : i32
    %shift_right_arithmetic3A_7 = arith.shrsi %squeeze3A, %shift_right_arithmetic3A : i32
    %shift_left3A = arith.constant 3 : i32
    %shift_left3A_8 = arith.shli %shift_right_arithmetic3A_7, %shift_left3A : i32
    %sub3A = arith.subi %squeeze3A_6, %shift_left3A_8 : i32
    %add3A_9 = arith.constant 128 : i32
    %add3A_10 = arith.addi %sub3A, %add3A_9 : i32
    %sub3A_11 = arith.constant 1 : i32
    %sub3A_12 = arith.subi %add3A_10, %sub3A_11 : i32
    %jit3A = arith.constant 128 : i32
    %div3A = arith.divsi %sub3A_12, %jit3A : i32
    %sign3A = arith.constant 0 : i32
    %sign3A_13 = arith.cmpi sgt, %sub3A_12, %sign3A : i32
    %sign3A_14 = arith.extui %sign3A_13 : i1 to i32
    %sign3A_15 = arith.constant 0 : i32
    %sign3A_16 = arith.cmpi slt, %sub3A_12, %sign3A_15 : i32
    %sign3A_17 = arith.extui %sign3A_16 : i1 to i32
    %sign3A_18 = arith.subi %sign3A_14, %sign3A_17 : i32
    %sign3A_19 = arith.constant 0 : i32
    %sign3A_20 = arith.cmpi sgt, %jit3A, %sign3A_19 : i32
    %sign3A_21 = arith.extui %sign3A_20 : i1 to i32
    %sign3A_22 = arith.constant 0 : i32
    %sign3A_23 = arith.cmpi slt, %jit3A, %sign3A_22 : i32
    %sign3A_24 = arith.extui %sign3A_23 : i1 to i32
    %sign3A_25 = arith.subi %sign3A_21, %sign3A_24 : i32
    %ne3A = arith.cmpi ne, %sign3A_18, %sign3A_25 : i32
    %rem3A = arith.remsi %sub3A_12, %jit3A : i32
    %ne3A_26 = arith.constant 0 : i32
    %ne3A_27 = arith.cmpi ne, %rem3A, %ne3A_26 : i32
    %and3A = arith.andi %ne3A, %ne3A_27 : i1
    %sub3A_28 = arith.constant 1 : i32
    %sub3A_29 = arith.subi %div3A, %sub3A_28 : i32
    %select_n3A = arith.select %and3A, %sub3A_29, %div3A : i32
    %broadcast_in_dim3A = arith.constant 0x7F800000 : f32
    %broadcast_in_dim3A_30 = vector.broadcast %broadcast_in_dim3A : f32 to vector<16xf32>
    %scan3A = arith.constant 0 : i32
    %scan3A_31 = arith.constant 0 : i32
    %scan3A_32 = arith.constant 321 : i32
    %scan3A_33 = arith.addi %scan3A_31, %scan3A_32 : i32
    %scan3A_34 = arith.constant 1 : i32
    %scan3A_35 = scf.for %scan3A_48 = %scan3A_31 to %scan3A_33 step %scan3A_34 iter_args(%scan3A_49 = %scan3A) -> (i32)  : i32 {
      %swap3A = arith.index_cast %scan3A_48 : i32 to index
      %swap3A_50 = arith.constant 0 : index
      %swap3A_51 = tpu.vector_load %arg11[%swap3A, %swap3A_50] {strides = array<i32>} : memref<321x128xf32, #tpu.memory_space<vmem>>, vector<1x16xf32>,
      %swap3A_52 = vector.shape_cast %swap3A_51 : vector<1x16xf32> to vector<16xf32>
      %swap3A_53 = vector.shape_cast %broadcast_in_dim3A_30 : vector<16xf32> to vector<1x16xf32>
      tpu.vector_store %arg11[%swap3A, %swap3A_50], %swap3A_53 {strides = array<i32>} : memref<321x128xf32, #tpu.memory_space<vmem>>, vector<1x16xf32>,
      %swap3A_54 = arith.index_cast %scan3A_48 : i32 to index
      %swap3A_55 = arith.constant 16 : index
      %swap3A_56 = tpu.vector_load %arg11[%swap3A_54, %swap3A_55] {strides = array<i32>} : memref<321x128xf32, #tpu.memory_space<vmem>>, vector<1x16xf32>,
      %swap3A_57 = vector.shape_cast %swap3A_56 : vector<1x16xf32> to vector<16xf32>
      %swap3A_58 = vector.shape_cast %broadcast_in_dim3A_30 : vector<16xf32> to vector<1x16xf32>
      tpu.vector_store %arg11[%swap3A_54, %swap3A_55], %swap3A_58 {strides = array<i32>} : memref<321x128xf32, #tpu.memory_space<vmem>>, vector<1x16xf32>,
      %swap3A_59 = arith.index_cast %scan3A_48 : i32 to index
      %swap3A_60 = arith.constant 32 : index
      %swap3A_61 = tpu.vector_load %arg11[%swap3A_59, %swap3A_60] {strides = array<i32>} : memref<321x128xf32, #tpu.memory_space<vmem>>, vector<1x16xf32>,
      %swap3A_62 = vector.shape_cast %swap3A_61 : vector<1x16xf32> to vector<16xf32>
      %swap3A_63 = vector.shape_cast %broadcast_in_dim3A_30 : vector<16xf32> to vector<1x16xf32>
      tpu.vector_store %arg11[%swap3A_59, %swap3A_60], %swap3A_63 {strides = array<i32>} : memref<321x128xf32, #tpu.memory_space<vmem>>, vector<1x16xf32>,
      %swap3A_64 = arith.index_cast %scan3A_48 : i32 to index
      %swap3A_65 = arith.constant 48 : index
      %swap3A_66 = tpu.vector_load %arg11[%swap3A_64, %swap3A_65] {strides = array<i32>} : memref<321x128xf32, #tpu.memory_space<vmem>>, vector<1x16xf32>,
      %swap3A_67 = vector.shape_cast %swap3A_66 : vector<1x16xf32> to vector<16xf32>
      %swap3A_68 = vector.shape_cast %broadcast_in_dim3A_30 : vector<16xf32> to vector<1x16xf32>
      tpu.vector_store %arg11[%swap3A_64, %swap3A_65], %swap3A_68 {strides = array<i32>} : memref<321x128xf32, #tpu.memory_space<vmem>>, vector<1x16xf32>,
      %swap3A_69 = arith.index_cast %scan3A_48 : i32 to index
      %swap3A_70 = arith.constant 64 : index
      %swap3A_71 = tpu.vector_load %arg11[%swap3A_69, %swap3A_70] {strides = array<i32>} : memref<321x128xf32, #tpu.memory_space<vmem>>, vector<1x16xf32>,
      %swap3A_72 = vector.shape_cast %swap3A_71 : vector<1x16xf32> to vector<16xf32>
      %swap3A_73 = vector.shape_cast %broadcast_in_dim3A_30 : vector<16xf32> to vector<1x16xf32>
      tpu.vector_store %arg11[%swap3A_69, %swap3A_70], %swap3A_73 {strides = array<i32>} : memref<321x128xf32, #tpu.memory_space<vmem>>, vector<1x16xf32>,
      %swap3A_74 = arith.index_cast %scan3A_48 : i32 to index
      %swap3A_75 = arith.constant 80 : index
      %swap3A_76 = tpu.vector_load %arg11[%swap3A_74, %swap3A_75] {strides = array<i32>} : memref<321x128xf32, #tpu.memory_space<vmem>>, vector<1x16xf32>,
      %swap3A_77 = vector.shape_cast %swap3A_76 : vector<1x16xf32> to vector<16xf32>
      %swap3A_78 = vector.shape_cast %broadcast_in_dim3A_30 : vector<16xf32> to vector<1x16xf32>
      tpu.vector_store %arg11[%swap3A_74, %swap3A_75], %swap3A_78 {strides = array<i32>} : memref<321x128xf32, #tpu.memory_space<vmem>>, vector<1x16xf32>,
      %swap3A_79 = arith.index_cast %scan3A_48 : i32 to index
      %swap3A_80 = arith.constant 96 : index
      %swap3A_81 = tpu.vector_load %arg11[%swap3A_79, %swap3A_80] {strides = array<i32>} : memref<321x128xf32, #tpu.memory_space<vmem>>, vector<1x16xf32>,
      %swap3A_82 = vector.shape_cast %swap3A_81 : vector<1x16xf32> to vector<16xf32>
      %swap3A_83 = vector.shape_cast %broadcast_in_dim3A_30 : vector<16xf32> to vector<1x16xf32>
      tpu.vector_store %arg11[%swap3A_79, %swap3A_80], %swap3A_83 {strides = array<i32>} : memref<321x128xf32, #tpu.memory_space<vmem>>, vector<1x16xf32>,
      %swap3A_84 = arith.index_cast %scan3A_48 : i32 to index
      %swap3A_85 = arith.constant 112 : index
      %swap3A_86 = tpu.vector_load %arg11[%swap3A_84, %swap3A_85] {strides = array<i32>} : memref<321x128xf32, #tpu.memory_space<vmem>>, vector<1x16xf32>,
      %swap3A_87 = vector.shape_cast %swap3A_86 : vector<1x16xf32> to vector<16xf32>
      %swap3A_88 = vector.shape_cast %broadcast_in_dim3A_30 : vector<16xf32> to vector<1x16xf32>
      tpu.vector_store %arg11[%swap3A_84, %swap3A_85], %swap3A_88 {strides = array<i32>} : memref<321x128xf32, #tpu.memory_space<vmem>>, vector<1x16xf32>,
      %scan3A_89 = arith.constant 0 : i32
      scf.yield %scan3A_89 : i32
    }
    %scan3A_36 = arith.constant 321 : i32
    %while3A = arith.constant 0 : i32
    %while3A_37 = arith.constant 0 : i32
    %while3A_38 = arith.subi %select_n3A, %while3A : i32
    %while3A_39 = arith.addi %while3A, %while3A_38 : i32
    %while3A_40 = arith.constant 1 : i32
    %while3A_41 = arith.divsi %while3A_38, %while3A_40 : i32
    %while3A_42 = arith.muli %while3A_41, %while3A_40 : i32
    %while3A_43 = arith.addi %while3A, %while3A_42 : i32
    %while3A_44 = arith.constant 1 : i32
    %while3A_45 = scf.for %while3A_48 = %while3A to %while3A_43 step %while3A_44 iter_args(%while3A_49 = %while3A_37) -> (i32)  : i32 {
      %mul3A_50 = arith.constant 128 : i32
      %mul3A_51 = arith.muli %while3A_48, %mul3A_50 : i32
      %add3A_52 = arith.addi %shift_left3A_8, %mul3A_51 : i32
      %multiple_of3A = tpu.assume_multiple %add3A_52, 8 : i32
      "tpu.region"() ({
        %run_scoped3A = tpu.sem_alloc : memref<!tpu.dma_semaphore, #tpu.memory_space<semaphore_mem>>
        %dma_start3A_65 = tpu.memref_slice %arg3[%multiple_of3A] : memref<160128xi32, #tpu.memory_space<hbm>> -> memref<128xi32, #tpu.memory_space<hbm>>
        %dma_start3A_66 = tpu.memref_slice %arg3[%multiple_of3A] : memref<160128xi32, #tpu.memory_space<hbm>> -> memref<128xi32, #tpu.memory_space<hbm>>
        tpu.enqueue_dma source(%dma_start3A_66 : memref<128xi32, #tpu.memory_space<hbm>>) target(%arg8 : memref<128xi32, #tpu.memory_space<vmem>>) target_semaphore(%run_scoped3A : memref<!tpu.dma_semaphore, #tpu.memory_space<semaphore_mem>>)
        %dma_wait3A_67 = tpu.memref_slice %arg3[%multiple_of3A] : memref<160128xi32, #tpu.memory_space<hbm>> -> memref<128xi32, #tpu.memory_space<hbm>>
        %dma_wait3A_68 = tpu.memref_slice %arg3[%multiple_of3A] : memref<160128xi32, #tpu.memory_space<hbm>> -> memref<128xi32, #tpu.memory_space<hbm>>
        tpu.wait_dma2 semaphore(%run_scoped3A : memref<!tpu.dma_semaphore, #tpu.memory_space<semaphore_mem>>) src(%dma_wait3A_68 : memref<128xi32, #tpu.memory_space<hbm>>) dst(%arg8 : memref<128xi32, #tpu.memory_space<vmem>>)
        tpu.yield
      }) : () -> ()
      "tpu.region"() ({
        %run_scoped3A = tpu.sem_alloc : memref<!tpu.dma_semaphore, #tpu.memory_space<semaphore_mem>>
        %dma_start3A_65 = tpu.memref_slice %arg4[%multiple_of3A] : memref<160128xi32, #tpu.memory_space<hbm>> -> memref<128xi32, #tpu.memory_space<hbm>>
        %dma_start3A_66 = tpu.memref_slice %arg4[%multiple_of3A] : memref<160128xi32, #tpu.memory_space<hbm>> -> memref<128xi32, #tpu.memory_space<hbm>>
        tpu.enqueue_dma source(%dma_start3A_66 : memref<128xi32, #tpu.memory_space<hbm>>) target(%arg9 : memref<128xi32, #tpu.memory_space<vmem>>) target_semaphore(%run_scoped3A : memref<!tpu.dma_semaphore, #tpu.memory_space<semaphore_mem>>)
        %dma_wait3A_67 = tpu.memref_slice %arg4[%multiple_of3A] : memref<160128xi32, #tpu.memory_space<hbm>> -> memref<128xi32, #tpu.memory_space<hbm>>
        %dma_wait3A_68 = tpu.memref_slice %arg4[%multiple_of3A] : memref<160128xi32, #tpu.memory_space<hbm>> -> memref<128xi32, #tpu.memory_space<hbm>>
        tpu.wait_dma2 semaphore(%run_scoped3A : memref<!tpu.dma_semaphore, #tpu.memory_space<semaphore_mem>>) src(%dma_wait3A_68 : memref<128xi32, #tpu.memory_space<hbm>>) dst(%arg9 : memref<128xi32, #tpu.memory_space<vmem>>)
        tpu.yield
      }) : () -> ()
      %dma_start3A = arith.constant 0 : i32
      %dma_start3A_53 = arith.constant 0 : i32
      %dma_start3A_54 = tpu.memref_slice %arg2[%dma_start3A, %dma_start3A_53] : memref<10000x128xf32, #tpu.memory_space<hbm>> -> memref<10000x128xf32, #tpu.memory_space<hbm>>
      tpu.enqueue_indirect_dma source(%dma_start3A_54 : memref<10000x128xf32, #tpu.memory_space<hbm>>) target(%arg10 : memref<128x128xf32, #tpu.memory_space<vmem>>) offsets(%arg8 : memref<128xi32, #tpu.memory_space<vmem>>) semaphore(%arg12 : memref<!tpu.dma_semaphore, #tpu.memory_space<semaphore_mem>>)
      %dma_wait3A = arith.constant 0 : i32
      %dma_wait3A_55 = arith.constant 0 : i32
      %dma_wait3A_56 = tpu.memref_slice %arg2[%dma_wait3A, %dma_wait3A_55] : memref<10000x128xf32, #tpu.memory_space<hbm>> -> memref<10000x128xf32, #tpu.memory_space<hbm>>
      tpu.wait_indirect_dma semaphore(%arg12 : memref<!tpu.dma_semaphore, #tpu.memory_space<semaphore_mem>>) src(%dma_wait3A_56 : memref<10000x128xf32, #tpu.memory_space<hbm>>) dst(%arg10 : memref<128x128xf32, #tpu.memory_space<vmem>>)
      %scan3A_57 = arith.constant 0 : i32
      %scan3A_58 = arith.constant 0 : i32
      %scan3A_59 = arith.constant 8 : i32
      %scan3A_60 = arith.addi %scan3A_58, %scan3A_59 : i32
      %scan3A_61 = arith.constant 1 : i32
      %scan3A_62 = scf.for %scan3A_65 = %scan3A_58 to %scan3A_60 step %scan3A_61 iter_args(%scan3A_66 = %scan3A_57) -> (i32)  : i32 {
        %mul3A_67 = arith.constant 16 : i32
        %mul3A_68 = arith.muli %scan3A_65, %mul3A_67 : i32
        %get3A_69 = arith.index_cast %mul3A_68 : i32 to index
        %get3A_70 = tpu.vector_load %arg9[%get3A_69] {strides = array<i32>} : memref<128xi32, #tpu.memory_space<vmem>>, vector<16xi32>,
        %get3A_71 = vector.shape_cast %get3A_70 : vector<16xi32> to vector<16xi32>
        %mul3A_72 = arith.constant 16 : i32
        %mul3A_73 = arith.muli %scan3A_65, %mul3A_72 : i32
        %add3A_74 = arith.constant 0 : i32
        %add3A_75 = arith.addi %mul3A_73, %add3A_74 : i32
        %slice3A_76 = vector.extract_strided_slice %get3A_71 {offsets = [0], sizes = [1], strides = [1]} : vector<16xi32> to vector<1xi32>
        %squeeze3A_77 = vector.extract %slice3A_76[0] : i32 from vector<1xi32>
        %sub3A_78 = arith.subi %squeeze3A_77, %mul3A_2 : i32
        %ge3A = arith.constant 0 : i32
        %ge3A_79 = arith.cmpi sge, %sub3A_78, %ge3A : i32
        %lt3A = arith.constant 320 : i32
        %lt3A_80 = arith.cmpi slt, %sub3A_78, %lt3A : i32
        %and3A_81 = arith.andi %ge3A_79, %lt3A_80 : i1
        %jit3A_82 = arith.constant 320 : i32
        %select_n3A_83 = arith.select %and3A_81, %sub3A_78, %jit3A_82 : i32
        %get3A_84 = arith.index_cast %select_n3A_83 : i32 to index
        %get3A_85 = arith.constant 0 : index
        %get3A_86 = tpu.vector_load %arg11[%get3A_84, %get3A_85] {strides = array<i32>} : memref<321x128xf32, #tpu.memory_space<vmem>>, vector<1x16xf32>,
        %get3A_87 = vector.shape_cast %get3A_86 : vector<1x16xf32> to vector<16xf32>
        %get3A_88 = arith.index_cast %add3A_75 : i32 to index
        %get3A_89 = arith.constant 0 : index
        %get3A_90 = tpu.vector_load %arg10[%get3A_88, %get3A_89] {strides = array<i32>} : memref<128x128xf32, #tpu.memory_space<vmem>>, vector<1x16xf32>,
        %get3A_91 = vector.shape_cast %get3A_90 : vector<1x16xf32> to vector<16xf32>
        %min3A = arith.minimumf %get3A_87, %get3A_91 : vector<16xf32>
        %swap3A = arith.index_cast %select_n3A_83 : i32 to index
        %swap3A_92 = arith.constant 0 : index
        %swap3A_93 = tpu.vector_load %arg11[%swap3A, %swap3A_92] {strides = array<i32>} : memref<321x128xf32, #tpu.memory_space<vmem>>, vector<1x16xf32>,
        %swap3A_94 = vector.shape_cast %swap3A_93 : vector<1x16xf32> to vector<16xf32>
        %swap3A_95 = vector.shape_cast %min3A : vector<16xf32> to vector<1x16xf32>
        tpu.vector_store %arg11[%swap3A, %swap3A_92], %swap3A_95 {strides = array<i32>} : memref<321x128xf32, #tpu.memory_space<vmem>>, vector<1x16xf32>,
        %get3A_96 = arith.index_cast %select_n3A_83 : i32 to index
        %get3A_97 = arith.constant 16 : index
        %get3A_98 = tpu.vector_load %arg11[%get3A_96, %get3A_97] {strides = array<i32>} : memref<321x128xf32, #tpu.memory_space<vmem>>, vector<1x16xf32>,
        %get3A_99 = vector.shape_cast %get3A_98 : vector<1x16xf32> to vector<16xf32>
        %get3A_100 = arith.index_cast %add3A_75 : i32 to index
        %get3A_101 = arith.constant 16 : index
        %get3A_102 = tpu.vector_load %arg10[%get3A_100, %get3A_101] {strides = array<i32>} : memref<128x128xf32, #tpu.memory_space<vmem>>, vector<1x16xf32>,
        %get3A_103 = vector.shape_cast %get3A_102 : vector<1x16xf32> to vector<16xf32>
        %min3A_104 = arith.minimumf %get3A_99, %get3A_103 : vector<16xf32>
        %swap3A_105 = arith.index_cast %select_n3A_83 : i32 to index
        %swap3A_106 = arith.constant 16 : index
        %swap3A_107 = tpu.vector_load %arg11[%swap3A_105, %swap3A_106] {strides = array<i32>} : memref<321x128xf32, #tpu.memory_space<vmem>>, vector<1x16xf32>,
        %swap3A_108 = vector.shape_cast %swap3A_107 : vector<1x16xf32> to vector<16xf32>
        %swap3A_109 = vector.shape_cast %min3A_104 : vector<16xf32> to vector<1x16xf32>
        tpu.vector_store %arg11[%swap3A_105, %swap3A_106], %swap3A_109 {strides = array<i32>} : memref<321x128xf32, #tpu.memory_space<vmem>>, vector<1x16xf32>,
        %get3A_110 = arith.index_cast %select_n3A_83 : i32 to index
        %get3A_111 = arith.constant 32 : index
        %get3A_112 = tpu.vector_load %arg11[%get3A_110, %get3A_111] {strides = array<i32>} : memref<321x128xf32, #tpu.memory_space<vmem>>, vector<1x16xf32>,
        %get3A_113 = vector.shape_cast %get3A_112 : vector<1x16xf32> to vector<16xf32>
        %get3A_114 = arith.index_cast %add3A_75 : i32 to index
        %get3A_115 = arith.constant 32 : index
        %get3A_116 = tpu.vector_load %arg10[%get3A_114, %get3A_115] {strides = array<i32>} : memref<128x128xf32, #tpu.memory_space<vmem>>, vector<1x16xf32>,
        %get3A_117 = vector.shape_cast %get3A_116 : vector<1x16xf32> to vector<16xf32>
        %min3A_118 = arith.minimumf %get3A_113, %get3A_117 : vector<16xf32>
        %swap3A_119 = arith.index_cast %select_n3A_83 : i32 to index
        %swap3A_120 = arith.constant 32 : index
        %swap3A_121 = tpu.vector_load %arg11[%swap3A_119, %swap3A_120] {strides = array<i32>} : memref<321x128xf32, #tpu.memory_space<vmem>>, vector<1x16xf32>,
        %swap3A_122 = vector.shape_cast %swap3A_121 : vector<1x16xf32> to vector<16xf32>
        %swap3A_123 = vector.shape_cast %min3A_118 : vector<16xf32> to vector<1x16xf32>
        tpu.vector_store %arg11[%swap3A_119, %swap3A_120], %swap3A_123 {strides = array<i32>} : memref<321x128xf32, #tpu.memory_space<vmem>>, vector<1x16xf32>,
        %get3A_124 = arith.index_cast %select_n3A_83 : i32 to index
        %get3A_125 = arith.constant 48 : index
        %get3A_126 = tpu.vector_load %arg11[%get3A_124, %get3A_125] {strides = array<i32>} : memref<321x128xf32, #tpu.memory_space<vmem>>, vector<1x16xf32>,
        %get3A_127 = vector.shape_cast %get3A_126 : vector<1x16xf32> to vector<16xf32>
        %get3A_128 = arith.index_cast %add3A_75 : i32 to index
        %get3A_129 = arith.constant 48 : index
        %get3A_130 = tpu.vector_load %arg10[%get3A_128, %get3A_129] {strides = array<i32>} : memref<128x128xf32, #tpu.memory_space<vmem>>, vector<1x16xf32>,
        %get3A_131 = vector.shape_cast %get3A_130 : vector<1x16xf32> to vector<16xf32>
        %min3A_132 = arith.minimumf %get3A_127, %get3A_131 : vector<16xf32>
        %swap3A_133 = arith.index_cast %select_n3A_83 : i32 to index
        %swap3A_134 = arith.constant 48 : index
        %swap3A_135 = tpu.vector_load %arg11[%swap3A_133, %swap3A_134] {strides = array<i32>} : memref<321x128xf32, #tpu.memory_space<vmem>>, vector<1x16xf32>,
        %swap3A_136 = vector.shape_cast %swap3A_135 : vector<1x16xf32> to vector<16xf32>
        %swap3A_137 = vector.shape_cast %min3A_132 : vector<16xf32> to vector<1x16xf32>
        tpu.vector_store %arg11[%swap3A_133, %swap3A_134], %swap3A_137 {strides = array<i32>} : memref<321x128xf32, #tpu.memory_space<vmem>>, vector<1x16xf32>,
        %get3A_138 = arith.index_cast %select_n3A_83 : i32 to index
        %get3A_139 = arith.constant 64 : index
        %get3A_140 = tpu.vector_load %arg11[%get3A_138, %get3A_139] {strides = array<i32>} : memref<321x128xf32, #tpu.memory_space<vmem>>, vector<1x16xf32>,
        %get3A_141 = vector.shape_cast %get3A_140 : vector<1x16xf32> to vector<16xf32>
        %get3A_142 = arith.index_cast %add3A_75 : i32 to index
        %get3A_143 = arith.constant 64 : index
        %get3A_144 = tpu.vector_load %arg10[%get3A_142, %get3A_143] {strides = array<i32>} : memref<128x128xf32, #tpu.memory_space<vmem>>, vector<1x16xf32>,
        %get3A_145 = vector.shape_cast %get3A_144 : vector<1x16xf32> to vector<16xf32>
        %min3A_146 = arith.minimumf %get3A_141, %get3A_145 : vector<16xf32>
        %swap3A_147 = arith.index_cast %select_n3A_83 : i32 to index
        %swap3A_148 = arith.constant 64 : index
        %swap3A_149 = tpu.vector_load %arg11[%swap3A_147, %swap3A_148] {strides = array<i32>} : memref<321x128xf32, #tpu.memory_space<vmem>>, vector<1x16xf32>,
        %swap3A_150 = vector.shape_cast %swap3A_149 : vector<1x16xf32> to vector<16xf32>
        %swap3A_151 = vector.shape_cast %min3A_146 : vector<16xf32> to vector<1x16xf32>
        tpu.vector_store %arg11[%swap3A_147, %swap3A_148], %swap3A_151 {strides = array<i32>} : memref<321x128xf32, #tpu.memory_space<vmem>>, vector<1x16xf32>,
        %get3A_152 = arith.index_cast %select_n3A_83 : i32 to index
        %get3A_153 = arith.constant 80 : index
        %get3A_154 = tpu.vector_load %arg11[%get3A_152, %get3A_153] {strides = array<i32>} : memref<321x128xf32, #tpu.memory_space<vmem>>, vector<1x16xf32>,
        %get3A_155 = vector.shape_cast %get3A_154 : vector<1x16xf32> to vector<16xf32>
        %get3A_156 = arith.index_cast %add3A_75 : i32 to index
        %get3A_157 = arith.constant 80 : index
        %get3A_158 = tpu.vector_load %arg10[%get3A_156, %get3A_157] {strides = array<i32>} : memref<128x128xf32, #tpu.memory_space<vmem>>, vector<1x16xf32>,
        %get3A_159 = vector.shape_cast %get3A_158 : vector<1x16xf32> to vector<16xf32>
        %min3A_160 = arith.minimumf %get3A_155, %get3A_159 : vector<16xf32>
        %swap3A_161 = arith.index_cast %select_n3A_83 : i32 to index
        %swap3A_162 = arith.constant 80 : index
        %swap3A_163 = tpu.vector_load %arg11[%swap3A_161, %swap3A_162] {strides = array<i32>} : memref<321x128xf32, #tpu.memory_space<vmem>>, vector<1x16xf32>,
        %swap3A_164 = vector.shape_cast %swap3A_163 : vector<1x16xf32> to vector<16xf32>
        %swap3A_165 = vector.shape_cast %min3A_160 : vector<16xf32> to vector<1x16xf32>
        tpu.vector_store %arg11[%swap3A_161, %swap3A_162], %swap3A_165 {strides = array<i32>} : memref<321x128xf32, #tpu.memory_space<vmem>>, vector<1x16xf32>,
        %get3A_166 = arith.index_cast %select_n3A_83 : i32 to index
        %get3A_167 = arith.constant 96 : index
        %get3A_168 = tpu.vector_load %arg11[%get3A_166, %get3A_167] {strides = array<i32>} : memref<321x128xf32, #tpu.memory_space<vmem>>, vector<1x16xf32>,
        %get3A_169 = vector.shape_cast %get3A_168 : vector<1x16xf32> to vector<16xf32>
        %get3A_170 = arith.index_cast %add3A_75 : i32 to index
        %get3A_171 = arith.constant 96 : index
        %get3A_172 = tpu.vector_load %arg10[%get3A_170, %get3A_171] {strides = array<i32>} : memref<128x128xf32, #tpu.memory_space<vmem>>, vector<1x16xf32>,
        %get3A_173 = vector.shape_cast %get3A_172 : vector<1x16xf32> to vector<16xf32>
        %min3A_174 = arith.minimumf %get3A_169, %get3A_173 : vector<16xf32>
        %swap3A_175 = arith.index_cast %select_n3A_83 : i32 to index
        %swap3A_176 = arith.constant 96 : index
        %swap3A_177 = tpu.vector_load %arg11[%swap3A_175, %swap3A_176] {strides = array<i32>} : memref<321x128xf32, #tpu.memory_space<vmem>>, vector<1x16xf32>,
        %swap3A_178 = vector.shape_cast %swap3A_177 : vector<1x16xf32> to vector<16xf32>
        %swap3A_179 = vector.shape_cast %min3A_174 : vector<16xf32> to vector<1x16xf32>
        tpu.vector_store %arg11[%swap3A_175, %swap3A_176], %swap3A_179 {strides = array<i32>} : memref<321x128xf32, #tpu.memory_space<vmem>>, vector<1x16xf32>,
        %get3A_180 = arith.index_cast %select_n3A_83 : i32 to index
        %get3A_181 = arith.constant 112 : index
        %get3A_182 = tpu.vector_load %arg11[%get3A_180, %get3A_181] {strides = array<i32>} : memref<321x128xf32, #tpu.memory_space<vmem>>, vector<1x16xf32>,
        %get3A_183 = vector.shape_cast %get3A_182 : vector<1x16xf32> to vector<16xf32>
        %get3A_184 = arith.index_cast %add3A_75 : i32 to index
        %get3A_185 = arith.constant 112 : index
        %get3A_186 = tpu.vector_load %arg10[%get3A_184, %get3A_185] {strides = array<i32>} : memref<128x128xf32, #tpu.memory_space<vmem>>, vector<1x16xf32>,
        %get3A_187 = vector.shape_cast %get3A_186 : vector<1x16xf32> to vector<16xf32>
        %min3A_188 = arith.minimumf %get3A_183, %get3A_187 : vector<16xf32>
        %swap3A_189 = arith.index_cast %select_n3A_83 : i32 to index
        %swap3A_190 = arith.constant 112 : index
        %swap3A_191 = tpu.vector_load %arg11[%swap3A_189, %swap3A_190] {strides = array<i32>} : memref<321x128xf32, #tpu.memory_space<vmem>>, vector<1x16xf32>,
        %swap3A_192 = vector.shape_cast %swap3A_191 : vector<1x16xf32> to vector<16xf32>
        %swap3A_193 = vector.shape_cast %min3A_188 : vector<16xf32> to vector<1x16xf32>
        tpu.vector_store %arg11[%swap3A_189, %swap3A_190], %swap3A_193 {strides = array<i32>} : memref<321x128xf32, #tpu.memory_space<vmem>>, vector<1x16xf32>,
        %mul3A_194 = arith.constant 16 : i32
        %mul3A_195 = arith.muli %scan3A_65, %mul3A_194 : i32
        %add3A_196 = arith.constant 1 : i32
        %add3A_197 = arith.addi %mul3A_195, %add3A_196 : i32
        %slice3A_198 = vector.extract_strided_slice %get3A_71 {offsets = [1], sizes = [1], strides = [1]} : vector<16xi32> to vector<1xi32>
        %squeeze3A_199 = vector.extract %slice3A_198[0] : i32 from vector<1xi32>
        %sub3A_200 = arith.subi %squeeze3A_199, %mul3A_2 : i32
        %ge3A_201 = arith.constant 0 : i32
        %ge3A_202 = arith.cmpi sge, %sub3A_200, %ge3A_201 : i32
        %lt3A_203 = arith.constant 320 : i32
        %lt3A_204 = arith.cmpi slt, %sub3A_200, %lt3A_203 : i32
        %and3A_205 = arith.andi %ge3A_202, %lt3A_204 : i1
        %jit3A_206 = arith.constant 320 : i32
        %select_n3A_207 = arith.select %and3A_205, %sub3A_200, %jit3A_206 : i32
        %get3A_208 = arith.index_cast %select_n3A_207 : i32 to index
        %get3A_209 = arith.constant 0 : index
        %get3A_210 = tpu.vector_load %arg11[%get3A_208, %get3A_209] {strides = array<i32>} : memref<321x128xf32, #tpu.memory_space<vmem>>, vector<1x16xf32>,
        %get3A_211 = vector.shape_cast %get3A_210 : vector<1x16xf32> to vector<16xf32>
        %get3A_212 = arith.index_cast %add3A_197 : i32 to index
        %get3A_213 = arith.constant 0 : index
        %get3A_214 = tpu.vector_load %arg10[%get3A_212, %get3A_213] {strides = array<i32>} : memref<128x128xf32, #tpu.memory_space<vmem>>, vector<1x16xf32>,
        %get3A_215 = vector.shape_cast %get3A_214 : vector<1x16xf32> to vector<16xf32>
        %min3A_216 = arith.minimumf %get3A_211, %get3A_215 : vector<16xf32>
        %swap3A_217 = arith.index_cast %select_n3A_207 : i32 to index
        %swap3A_218 = arith.constant 0 : index
        %swap3A_219 = tpu.vector_load %arg11[%swap3A_217, %swap3A_218] {strides = array<i32>} : memref<321x128xf32, #tpu.memory_space<vmem>>, vector<1x16xf32>,
        %swap3A_220 = vector.shape_cast %swap3A_219 : vector<1x16xf32> to vector<16xf32>
        %swap3A_221 = vector.shape_cast %min3A_216 : vector<16xf32> to vector<1x16xf32>
        tpu.vector_store %arg11[%swap3A_217, %swap3A_218], %swap3A_221 {strides = array<i32>} : memref<321x128xf32, #tpu.memory_space<vmem>>, vector<1x16xf32>,
        %get3A_222 = arith.index_cast %select_n3A_207 : i32 to index
        %get3A_223 = arith.constant 16 : index
        %get3A_224 = tpu.vector_load %arg11[%get3A_222, %get3A_223] {strides = array<i32>} : memref<321x128xf32, #tpu.memory_space<vmem>>, vector<1x16xf32>,
        %get3A_225 = vector.shape_cast %get3A_224 : vector<1x16xf32> to vector<16xf32>
        %get3A_226 = arith.index_cast %add3A_197 : i32 to index
        %get3A_227 = arith.constant 16 : index
        %get3A_228 = tpu.vector_load %arg10[%get3A_226, %get3A_227] {strides = array<i32>} : memref<128x128xf32, #tpu.memory_space<vmem>>, vector<1x16xf32>,
        %get3A_229 = vector.shape_cast %get3A_228 : vector<1x16xf32> to vector<16xf32>
        %min3A_230 = arith.minimumf %get3A_225, %get3A_229 : vector<16xf32>
        %swap3A_231 = arith.index_cast %select_n3A_207 : i32 to index
        %swap3A_232 = arith.constant 16 : index
        %swap3A_233 = tpu.vector_load %arg11[%swap3A_231, %swap3A_232] {strides = array<i32>} : memref<321x128xf32, #tpu.memory_space<vmem>>, vector<1x16xf32>,
        %swap3A_234 = vector.shape_cast %swap3A_233 : vector<1x16xf32> to vector<16xf32>
        %swap3A_235 = vector.shape_cast %min3A_230 : vector<16xf32> to vector<1x16xf32>
        tpu.vector_store %arg11[%swap3A_231, %swap3A_232], %swap3A_235 {strides = array<i32>} : memref<321x128xf32, #tpu.memory_space<vmem>>, vector<1x16xf32>,
        %get3A_236 = arith.index_cast %select_n3A_207 : i32 to index
        %get3A_237 = arith.constant 32 : index
        %get3A_238 = tpu.vector_load %arg11[%get3A_236, %get3A_237] {strides = array<i32>} : memref<321x128xf32, #tpu.memory_space<vmem>>, vector<1x16xf32>,
        %get3A_239 = vector.shape_cast %get3A_238 : vector<1x16xf32> to vector<16xf32>
        %get3A_240 = arith.index_cast %add3A_197 : i32 to index
        %get3A_241 = arith.constant 32 : index
        %get3A_242 = tpu.vector_load %arg10[%get3A_240, %get3A_241] {strides = array<i32>} : memref<128x128xf32, #tpu.memory_space<vmem>>, vector<1x16xf32>,
        %get3A_243 = vector.shape_cast %get3A_242 : vector<1x16xf32> to vector<16xf32>
        %min3A_244 = arith.minimumf %get3A_239, %get3A_243 : vector<16xf32>
        %swap3A_245 = arith.index_cast %select_n3A_207 : i32 to index
        %swap3A_246 = arith.constant 32 : index
        %swap3A_247 = tpu.vector_load %arg11[%swap3A_245, %swap3A_246] {strides = array<i32>} : memref<321x128xf32, #tpu.memory_space<vmem>>, vector<1x16xf32>,
        %swap3A_248 = vector.shape_cast %swap3A_247 : vector<1x16xf32> to vector<16xf32>
        %swap3A_249 = vector.shape_cast %min3A_244 : vector<16xf32> to vector<1x16xf32>
        tpu.vector_store %arg11[%swap3A_245, %swap3A_246], %swap3A_249 {strides = array<i32>} : memref<321x128xf32, #tpu.memory_space<vmem>>, vector<1x16xf32>,
        %get3A_250 = arith.index_cast %select_n3A_207 : i32 to index
        %get3A_251 = arith.constant 48 : index
        %get3A_252 = tpu.vector_load %arg11[%get3A_250, %get3A_251] {strides = array<i32>} : memref<321x128xf32, #tpu.memory_space<vmem>>, vector<1x16xf32>,
        %get3A_253 = vector.shape_cast %get3A_252 : vector<1x16xf32> to vector<16xf32>
        %get3A_254 = arith.index_cast %add3A_197 : i32 to index
        %get3A_255 = arith.constant 48 : index
        %get3A_256 = tpu.vector_load %arg10[%get3A_254, %get3A_255] {strides = array<i32>} : memref<128x128xf32, #tpu.memory_space<vmem>>, vector<1x16xf32>,
        %get3A_257 = vector.shape_cast %get3A_256 : vector<1x16xf32> to vector<16xf32>
        %min3A_258 = arith.minimumf %get3A_253, %get3A_257 : vector<16xf32>
        %swap3A_259 = arith.index_cast %select_n3A_207 : i32 to index
        %swap3A_260 = arith.constant 48 : index
        %swap3A_261 = tpu.vector_load %arg11[%swap3A_259, %swap3A_260] {strides = array<i32>} : memref<321x128xf32, #tpu.memory_space<vmem>>, vector<1x16xf32>,
        %swap3A_262 = vector.shape_cast %swap3A_261 : vector<1x16xf32> to vector<16xf32>
        %swap3A_263 = vector.shape_cast %min3A_258 : vector<16xf32> to vector<1x16xf32>
        tpu.vector_store %arg11[%swap3A_259, %swap3A_260], %swap3A_263 {strides = array<i32>} : memref<321x128xf32, #tpu.memory_space<vmem>>, vector<1x16xf32>,
        %get3A_264 = arith.index_cast %select_n3A_207 : i32 to index
        %get3A_265 = arith.constant 64 : index
        %get3A_266 = tpu.vector_load %arg11[%get3A_264, %get3A_265] {strides = array<i32>} : memref<321x128xf32, #tpu.memory_space<vmem>>, vector<1x16xf32>,
        %get3A_267 = vector.shape_cast %get3A_266 : vector<1x16xf32> to vector<16xf32>
        %get3A_268 = arith.index_cast %add3A_197 : i32 to index
        %get3A_269 = arith.constant 64 : index
        %get3A_270 = tpu.vector_load %arg10[%get3A_268, %get3A_269] {strides = array<i32>} : memref<128x128xf32, #tpu.memory_space<vmem>>, vector<1x16xf32>,
        %get3A_271 = vector.shape_cast %get3A_270 : vector<1x16xf32> to vector<16xf32>
        %min3A_272 = arith.minimumf %get3A_267, %get3A_271 : vector<16xf32>
        %swap3A_273 = arith.index_cast %select_n3A_207 : i32 to index
        %swap3A_274 = arith.constant 64 : index
        %swap3A_275 = tpu.vector_load %arg11[%swap3A_273, %swap3A_274] {strides = array<i32>} : memref<321x128xf32, #tpu.memory_space<vmem>>, vector<1x16xf32>,
        %swap3A_276 = vector.shape_cast %swap3A_275 : vector<1x16xf32> to vector<16xf32>
        %swap3A_277 = vector.shape_cast %min3A_272 : vector<16xf32> to vector<1x16xf32>
        tpu.vector_store %arg11[%swap3A_273, %swap3A_274], %swap3A_277 {strides = array<i32>} : memref<321x128xf32, #tpu.memory_space<vmem>>, vector<1x16xf32>,
        %get3A_278 = arith.index_cast %select_n3A_207 : i32 to index
        %get3A_279 = arith.constant 80 : index
        %get3A_280 = tpu.vector_load %arg11[%get3A_278, %get3A_279] {strides = array<i32>} : memref<321x128xf32, #tpu.memory_space<vmem>>, vector<1x16xf32>,
        %get3A_281 = vector.shape_cast %get3A_280 : vector<1x16xf32> to vector<16xf32>
        %get3A_282 = arith.index_cast %add3A_197 : i32 to index
        %get3A_283 = arith.constant 80 : index
        %get3A_284 = tpu.vector_load %arg10[%get3A_282, %get3A_283] {strides = array<i32>} : memref<128x128xf32, #tpu.memory_space<vmem>>, vector<1x16xf32>,
        %get3A_285 = vector.shape_cast %get3A_284 : vector<1x16xf32> to vector<16xf32>
        %min3A_286 = arith.minimumf %get3A_281, %get3A_285 : vector<16xf32>
        %swap3A_287 = arith.index_cast %select_n3A_207 : i32 to index
        %swap3A_288 = arith.constant 80 : index
        %swap3A_289 = tpu.vector_load %arg11[%swap3A_287, %swap3A_288] {strides = array<i32>} : memref<321x128xf32, #tpu.memory_space<vmem>>, vector<1x16xf32>,
        %swap3A_290 = vector.shape_cast %swap3A_289 : vector<1x16xf32> to vector<16xf32>
        %swap3A_291 = vector.shape_cast %min3A_286 : vector<16xf32> to vector<1x16xf32>
        tpu.vector_store %arg11[%swap3A_287, %swap3A_288], %swap3A_291 {strides = array<i32>} : memref<321x128xf32, #tpu.memory_space<vmem>>, vector<1x16xf32>,
        %get3A_292 = arith.index_cast %select_n3A_207 : i32 to index
        %get3A_293 = arith.constant 96 : index
        %get3A_294 = tpu.vector_load %arg11[%get3A_292, %get3A_293] {strides = array<i32>} : memref<321x128xf32, #tpu.memory_space<vmem>>, vector<1x16xf32>,
        %get3A_295 = vector.shape_cast %get3A_294 : vector<1x16xf32> to vector<16xf32>
        %get3A_296 = arith.index_cast %add3A_197 : i32 to index
        %get3A_297 = arith.constant 96 : index
        %get3A_298 = tpu.vector_load %arg10[%get3A_296, %get3A_297] {strides = array<i32>} : memref<128x128xf32, #tpu.memory_space<vmem>>, vector<1x16xf32>,
        %get3A_299 = vector.shape_cast %get3A_298 : vector<1x16xf32> to vector<16xf32>
        %min3A_300 = arith.minimumf %get3A_295, %get3A_299 : vector<16xf32>
        %swap3A_301 = arith.index_cast %select_n3A_207 : i32 to index
        %swap3A_302 = arith.constant 96 : index
        %swap3A_303 = tpu.vector_load %arg11[%swap3A_301, %swap3A_302] {strides = array<i32>} : memref<321x128xf32, #tpu.memory_space<vmem>>, vector<1x16xf32>,
        %swap3A_304 = vector.shape_cast %swap3A_303 : vector<1x16xf32> to vector<16xf32>
        %swap3A_305 = vector.shape_cast %min3A_300 : vector<16xf32> to vector<1x16xf32>
        tpu.vector_store %arg11[%swap3A_301, %swap3A_302], %swap3A_305 {strides = array<i32>} : memref<321x128xf32, #tpu.memory_space<vmem>>, vector<1x16xf32>,
        %get3A_306 = arith.index_cast %select_n3A_207 : i32 to index
        %get3A_307 = arith.constant 112 : index
        %get3A_308 = tpu.vector_load %arg11[%get3A_306, %get3A_307] {strides = array<i32>} : memref<321x128xf32, #tpu.memory_space<vmem>>, vector<1x16xf32>,
        %get3A_309 = vector.shape_cast %get3A_308 : vector<1x16xf32> to vector<16xf32>
        %get3A_310 = arith.index_cast %add3A_197 : i32 to index
        %get3A_311 = arith.constant 112 : index
        %get3A_312 = tpu.vector_load %arg10[%get3A_310, %get3A_311] {strides = array<i32>} : memref<128x128xf32, #tpu.memory_space<vmem>>, vector<1x16xf32>,
        %get3A_313 = vector.shape_cast %get3A_312 : vector<1x16xf32> to vector<16xf32>
        %min3A_314 = arith.minimumf %get3A_309, %get3A_313 : vector<16xf32>
        %swap3A_315 = arith.index_cast %select_n3A_207 : i32 to index
        %swap3A_316 = arith.constant 112 : index
        %swap3A_317 = tpu.vector_load %arg11[%swap3A_315, %swap3A_316] {strides = array<i32>} : memref<321x128xf32, #tpu.memory_space<vmem>>, vector<1x16xf32>,
        %swap3A_318 = vector.shape_cast %swap3A_317 : vector<1x16xf32> to vector<16xf32>
        %swap3A_319 = vector.shape_cast %min3A_314 : vector<16xf32> to vector<1x16xf32>
        tpu.vector_store %arg11[%swap3A_315, %swap3A_316], %swap3A_319 {strides = array<i32>} : memref<321x128xf32, #tpu.memory_space<vmem>>, vector<1x16xf32>,
        %mul3A_320 = arith.constant 16 : i32
        %mul3A_321 = arith.muli %scan3A_65, %mul3A_320 : i32
        %add3A_322 = arith.constant 2 : i32
        %add3A_323 = arith.addi %mul3A_321, %add3A_322 : i32
        %slice3A_324 = vector.extract_strided_slice %get3A_71 {offsets = [2], sizes = [1], strides = [1]} : vector<16xi32> to vector<1xi32>
        %squeeze3A_325 = vector.extract %slice3A_324[0] : i32 from vector<1xi32>
        %sub3A_326 = arith.subi %squeeze3A_325, %mul3A_2 : i32
        %ge3A_327 = arith.constant 0 : i32
        %ge3A_328 = arith.cmpi sge, %sub3A_326, %ge3A_327 : i32
        %lt3A_329 = arith.constant 320 : i32
        %lt3A_330 = arith.cmpi slt, %sub3A_326, %lt3A_329 : i32
        %and3A_331 = arith.andi %ge3A_328, %lt3A_330 : i1
        %jit3A_332 = arith.constant 320 : i32
        %select_n3A_333 = arith.select %and3A_331, %sub3A_326, %jit3A_332 : i32
        %get3A_334 = arith.index_cast %select_n3A_333 : i32 to index
        %get3A_335 = arith.constant 0 : index
        %get3A_336 = tpu.vector_load %arg11[%get3A_334, %get3A_335] {strides = array<i32>} : memref<321x128xf32, #tpu.memory_space<vmem>>, vector<1x16xf32>,
        %get3A_337 = vector.shape_cast %get3A_336 : vector<1x16xf32> to vector<16xf32>
        %get3A_338 = arith.index_cast %add3A_323 : i32 to index
        %get3A_339 = arith.constant 0 : index
        %get3A_340 = tpu.vector_load %arg10[%get3A_338, %get3A_339] {strides = array<i32>} : memref<128x128xf32, #tpu.memory_space<vmem>>, vector<1x16xf32>,
        %get3A_341 = vector.shape_cast %get3A_340 : vector<1x16xf32> to vector<16xf32>
        %min3A_342 = arith.minimumf %get3A_337, %get3A_341 : vector<16xf32>
        %swap3A_343 = arith.index_cast %select_n3A_333 : i32 to index
        %swap3A_344 = arith.constant 0 : index
        %swap3A_345 = tpu.vector_load %arg11[%swap3A_343, %swap3A_344] {strides = array<i32>} : memref<321x128xf32, #tpu.memory_space<vmem>>, vector<1x16xf32>,
        %swap3A_346 = vector.shape_cast %swap3A_345 : vector<1x16xf32> to vector<16xf32>
        %swap3A_347 = vector.shape_cast %min3A_342 : vector<16xf32> to vector<1x16xf32>
        tpu.vector_store %arg11[%swap3A_343, %swap3A_344], %swap3A_347 {strides = array<i32>} : memref<321x128xf32, #tpu.memory_space<vmem>>, vector<1x16xf32>,
        %get3A_348 = arith.index_cast %select_n3A_333 : i32 to index
        %get3A_349 = arith.constant 16 : index
        %get3A_350 = tpu.vector_load %arg11[%get3A_348, %get3A_349] {strides = array<i32>} : memref<321x128xf32, #tpu.memory_space<vmem>>, vector<1x16xf32>,
        %get3A_351 = vector.shape_cast %get3A_350 : vector<1x16xf32> to vector<16xf32>
        %get3A_352 = arith.index_cast %add3A_323 : i32 to index
        %get3A_353 = arith.constant 16 : index
        %get3A_354 = tpu.vector_load %arg10[%get3A_352, %get3A_353] {strides = array<i32>} : memref<128x128xf32, #tpu.memory_space<vmem>>, vector<1x16xf32>,
        %get3A_355 = vector.shape_cast %get3A_354 : vector<1x16xf32> to vector<16xf32>
        %min3A_356 = arith.minimumf %get3A_351, %get3A_355 : vector<16xf32>
        %swap3A_357 = arith.index_cast %select_n3A_333 : i32 to index
        %swap3A_358 = arith.constant 16 : index
        %swap3A_359 = tpu.vector_load %arg11[%swap3A_357, %swap3A_358] {strides = array<i32>} : memref<321x128xf32, #tpu.memory_space<vmem>>, vector<1x16xf32>,
        %swap3A_360 = vector.shape_cast %swap3A_359 : vector<1x16xf32> to vector<16xf32>
        %swap3A_361 = vector.shape_cast %min3A_356 : vector<16xf32> to vector<1x16xf32>
        tpu.vector_store %arg11[%swap3A_357, %swap3A_358], %swap3A_361 {strides = array<i32>} : memref<321x128xf32, #tpu.memory_space<vmem>>, vector<1x16xf32>,
        %get3A_362 = arith.index_cast %select_n3A_333 : i32 to index
        %get3A_363 = arith.constant 32 : index
        %get3A_364 = tpu.vector_load %arg11[%get3A_362, %get3A_363] {strides = array<i32>} : memref<321x128xf32, #tpu.memory_space<vmem>>, vector<1x16xf32>,
        %get3A_365 = vector.shape_cast %get3A_364 : vector<1x16xf32> to vector<16xf32>
        %get3A_366 = arith.index_cast %add3A_323 : i32 to index
        %get3A_367 = arith.constant 32 : index
        %get3A_368 = tpu.vector_load %arg10[%get3A_366, %get3A_367] {strides = array<i32>} : memref<128x128xf32, #tpu.memory_space<vmem>>, vector<1x16xf32>,
        %get3A_369 = vector.shape_cast %get3A_368 : vector<1x16xf32> to vector<16xf32>
        %min3A_370 = arith.minimumf %get3A_365, %get3A_369 : vector<16xf32>
        %swap3A_371 = arith.index_cast %select_n3A_333 : i32 to index
        %swap3A_372 = arith.constant 32 : index
        %swap3A_373 = tpu.vector_load %arg11[%swap3A_371, %swap3A_372] {strides = array<i32>} : memref<321x128xf32, #tpu.memory_space<vmem>>, vector<1x16xf32>,
        %swap3A_374 = vector.shape_cast %swap3A_373 : vector<1x16xf32> to vector<16xf32>
        %swap3A_375 = vector.shape_cast %min3A_370 : vector<16xf32> to vector<1x16xf32>
        tpu.vector_store %arg11[%swap3A_371, %swap3A_372], %swap3A_375 {strides = array<i32>} : memref<321x128xf32, #tpu.memory_space<vmem>>, vector<1x16xf32>,
        %get3A_376 = arith.index_cast %select_n3A_333 : i32 to index
        %get3A_377 = arith.constant 48 : index
        %get3A_378 = tpu.vector_load %arg11[%get3A_376, %get3A_377] {strides = array<i32>} : memref<321x128xf32, #tpu.memory_space<vmem>>, vector<1x16xf32>,
        %get3A_379 = vector.shape_cast %get3A_378 : vector<1x16xf32> to vector<16xf32>
        %get3A_380 = arith.index_cast %add3A_323 : i32 to index
        %get3A_381 = arith.constant 48 : index
        %get3A_382 = tpu.vector_load %arg10[%get3A_380, %get3A_381] {strides = array<i32>} : memref<128x128xf32, #tpu.memory_space<vmem>>, vector<1x16xf32>,
        %get3A_383 = vector.shape_cast %get3A_382 : vector<1x16xf32> to vector<16xf32>
        %min3A_384 = arith.minimumf %get3A_379, %get3A_383 : vector<16xf32>
        %swap3A_385 = arith.index_cast %select_n3A_333 : i32 to index
        %swap3A_386 = arith.constant 48 : index
        %swap3A_387 = tpu.vector_load %arg11[%swap3A_385, %swap3A_386] {strides = array<i32>} : memref<321x128xf32, #tpu.memory_space<vmem>>, vector<1x16xf32>,
        %swap3A_388 = vector.shape_cast %swap3A_387 : vector<1x16xf32> to vector<16xf32>
        %swap3A_389 = vector.shape_cast %min3A_384 : vector<16xf32> to vector<1x16xf32>
        tpu.vector_store %arg11[%swap3A_385, %swap3A_386], %swap3A_389 {strides = array<i32>} : memref<321x128xf32, #tpu.memory_space<vmem>>, vector<1x16xf32>,
        %get3A_390 = arith.index_cast %select_n3A_333 : i32 to index
        %get3A_391 = arith.constant 64 : index
        %get3A_392 = tpu.vector_load %arg11[%get3A_390, %get3A_391] {strides = array<i32>} : memref<321x128xf32, #tpu.memory_space<vmem>>, vector<1x16xf32>,
        %get3A_393 = vector.shape_cast %get3A_392 : vector<1x16xf32> to vector<16xf32>
        %get3A_394 = arith.index_cast %add3A_323 : i32 to index
        %get3A_395 = arith.constant 64 : index
        %get3A_396 = tpu.vector_load %arg10[%get3A_394, %get3A_395] {strides = array<i32>} : memref<128x128xf32, #tpu.memory_space<vmem>>, vector<1x16xf32>,
        %get3A_397 = vector.shape_cast %get3A_396 : vector<1x16xf32> to vector<16xf32>
        %min3A_398 = arith.minimumf %get3A_393, %get3A_397 : vector<16xf32>
        %swap3A_399 = arith.index_cast %select_n3A_333 : i32 to index
        %swap3A_400 = arith.constant 64 : index
        %swap3A_401 = tpu.vector_load %arg11[%swap3A_399, %swap3A_400] {strides = array<i32>} : memref<321x128xf32, #tpu.memory_space<vmem>>, vector<1x16xf32>,
        %swap3A_402 = vector.shape_cast %swap3A_401 : vector<1x16xf32> to vector<16xf32>
        %swap3A_403 = vector.shape_cast %min3A_398 : vector<16xf32> to vector<1x16xf32>
        tpu.vector_store %arg11[%swap3A_399, %swap3A_400], %swap3A_403 {strides = array<i32>} : memref<321x128xf32, #tpu.memory_space<vmem>>, vector<1x16xf32>,
        %get3A_404 = arith.index_cast %select_n3A_333 : i32 to index
        %get3A_405 = arith.constant 80 : index
        %get3A_406 = tpu.vector_load %arg11[%get3A_404, %get3A_405] {strides = array<i32>} : memref<321x128xf32, #tpu.memory_space<vmem>>, vector<1x16xf32>,
        %get3A_407 = vector.shape_cast %get3A_406 : vector<1x16xf32> to vector<16xf32>
        %get3A_408 = arith.index_cast %add3A_323 : i32 to index
        %get3A_409 = arith.constant 80 : index
        %get3A_410 = tpu.vector_load %arg10[%get3A_408, %get3A_409] {strides = array<i32>} : memref<128x128xf32, #tpu.memory_space<vmem>>, vector<1x16xf32>,
        %get3A_411 = vector.shape_cast %get3A_410 : vector<1x16xf32> to vector<16xf32>
        %min3A_412 = arith.minimumf %get3A_407, %get3A_411 : vector<16xf32>
        %swap3A_413 = arith.index_cast %select_n3A_333 : i32 to index
        %swap3A_414 = arith.constant 80 : index
        %swap3A_415 = tpu.vector_load %arg11[%swap3A_413, %swap3A_414] {strides = array<i32>} : memref<321x128xf32, #tpu.memory_space<vmem>>, vector<1x16xf32>,
        %swap3A_416 = vector.shape_cast %swap3A_415 : vector<1x16xf32> to vector<16xf32>
        %swap3A_417 = vector.shape_cast %min3A_412 : vector<16xf32> to vector<1x16xf32>
        tpu.vector_store %arg11[%swap3A_413, %swap3A_414], %swap3A_417 {strides = array<i32>} : memref<321x128xf32, #tpu.memory_space<vmem>>, vector<1x16xf32>,
        %get3A_418 = arith.index_cast %select_n3A_333 : i32 to index
        %get3A_419 = arith.constant 96 : index
        %get3A_420 = tpu.vector_load %arg11[%get3A_418, %get3A_419] {strides = array<i32>} : memref<321x128xf32, #tpu.memory_space<vmem>>, vector<1x16xf32>,
        %get3A_421 = vector.shape_cast %get3A_420 : vector<1x16xf32> to vector<16xf32>
        %get3A_422 = arith.index_cast %add3A_323 : i32 to index
        %get3A_423 = arith.constant 96 : index
        %get3A_424 = tpu.vector_load %arg10[%get3A_422, %get3A_423] {strides = array<i32>} : memref<128x128xf32, #tpu.memory_space<vmem>>, vector<1x16xf32>,
        %get3A_425 = vector.shape_cast %get3A_424 : vector<1x16xf32> to vector<16xf32>
        %min3A_426 = arith.minimumf %get3A_421, %get3A_425 : vector<16xf32>
        %swap3A_427 = arith.index_cast %select_n3A_333 : i32 to index
        %swap3A_428 = arith.constant 96 : index
        %swap3A_429 = tpu.vector_load %arg11[%swap3A_427, %swap3A_428] {strides = array<i32>} : memref<321x128xf32, #tpu.memory_space<vmem>>, vector<1x16xf32>,
        %swap3A_430 = vector.shape_cast %swap3A_429 : vector<1x16xf32> to vector<16xf32>
        %swap3A_431 = vector.shape_cast %min3A_426 : vector<16xf32> to vector<1x16xf32>
        tpu.vector_store %arg11[%swap3A_427, %swap3A_428], %swap3A_431 {strides = array<i32>} : memref<321x128xf32, #tpu.memory_space<vmem>>, vector<1x16xf32>,
        %get3A_432 = arith.index_cast %select_n3A_333 : i32 to index
        %get3A_433 = arith.constant 112 : index
        %get3A_434 = tpu.vector_load %arg11[%get3A_432, %get3A_433] {strides = array<i32>} : memref<321x128xf32, #tpu.memory_space<vmem>>, vector<1x16xf32>,
        %get3A_435 = vector.shape_cast %get3A_434 : vector<1x16xf32> to vector<16xf32>
        %get3A_436 = arith.index_cast %add3A_323 : i32 to index
        %get3A_437 = arith.constant 112 : index
        %get3A_438 = tpu.vector_load %arg10[%get3A_436, %get3A_437] {strides = array<i32>} : memref<128x128xf32, #tpu.memory_space<vmem>>, vector<1x16xf32>,
        %get3A_439 = vector.shape_cast %get3A_438 : vector<1x16xf32> to vector<16xf32>
        %min3A_440 = arith.minimumf %get3A_435, %get3A_439 : vector<16xf32>
        %swap3A_441 = arith.index_cast %select_n3A_333 : i32 to index
        %swap3A_442 = arith.constant 112 : index
        %swap3A_443 = tpu.vector_load %arg11[%swap3A_441, %swap3A_442] {strides = array<i32>} : memref<321x128xf32, #tpu.memory_space<vmem>>, vector<1x16xf32>,
        %swap3A_444 = vector.shape_cast %swap3A_443 : vector<1x16xf32> to vector<16xf32>
        %swap3A_445 = vector.shape_cast %min3A_440 : vector<16xf32> to vector<1x16xf32>
        tpu.vector_store %arg11[%swap3A_441, %swap3A_442], %swap3A_445 {strides = array<i32>} : memref<321x128xf32, #tpu.memory_space<vmem>>, vector<1x16xf32>,
        %mul3A_446 = arith.constant 16 : i32
        %mul3A_447 = arith.muli %scan3A_65, %mul3A_446 : i32
        %add3A_448 = arith.constant 3 : i32
        %add3A_449 = arith.addi %mul3A_447, %add3A_448 : i32
        %slice3A_450 = vector.extract_strided_slice %get3A_71 {offsets = [3], sizes = [1], strides = [1]} : vector<16xi32> to vector<1xi32>
        %squeeze3A_451 = vector.extract %slice3A_450[0] : i32 from vector<1xi32>
        %sub3A_452 = arith.subi %squeeze3A_451, %mul3A_2 : i32
        %ge3A_453 = arith.constant 0 : i32
        %ge3A_454 = arith.cmpi sge, %sub3A_452, %ge3A_453 : i32
        %lt3A_455 = arith.constant 320 : i32
        %lt3A_456 = arith.cmpi slt, %sub3A_452, %lt3A_455 : i32
        %and3A_457 = arith.andi %ge3A_454, %lt3A_456 : i1
        %jit3A_458 = arith.constant 320 : i32
        %select_n3A_459 = arith.select %and3A_457, %sub3A_452, %jit3A_458 : i32
        %get3A_460 = arith.index_cast %select_n3A_459 : i32 to index
        %get3A_461 = arith.constant 0 : index
        %get3A_462 = tpu.vector_load %arg11[%get3A_460, %get3A_461] {strides = array<i32>} : memref<321x128xf32, #tpu.memory_space<vmem>>, vector<1x16xf32>,
        %get3A_463 = vector.shape_cast %get3A_462 : vector<1x16xf32> to vector<16xf32>
        %get3A_464 = arith.index_cast %add3A_449 : i32 to index
        %get3A_465 = arith.constant 0 : index
        %get3A_466 = tpu.vector_load %arg10[%get3A_464, %get3A_465] {strides = array<i32>} : memref<128x128xf32, #tpu.memory_space<vmem>>, vector<1x16xf32>,
        %get3A_467 = vector.shape_cast %get3A_466 : vector<1x16xf32> to vector<16xf32>
        %min3A_468 = arith.minimumf %get3A_463, %get3A_467 : vector<16xf32>
        %swap3A_469 = arith.index_cast %select_n3A_459 : i32 to index
        %swap3A_470 = arith.constant 0 : index
        %swap3A_471 = tpu.vector_load %arg11[%swap3A_469, %swap3A_470] {strides = array<i32>} : memref<321x128xf32, #tpu.memory_space<vmem>>, vector<1x16xf32>,
        %swap3A_472 = vector.shape_cast %swap3A_471 : vector<1x16xf32> to vector<16xf32>
        %swap3A_473 = vector.shape_cast %min3A_468 : vector<16xf32> to vector<1x16xf32>
        tpu.vector_store %arg11[%swap3A_469, %swap3A_470], %swap3A_473 {strides = array<i32>} : memref<321x128xf32, #tpu.memory_space<vmem>>, vector<1x16xf32>,
        %get3A_474 = arith.index_cast %select_n3A_459 : i32 to index
        %get3A_475 = arith.constant 16 : index
        %get3A_476 = tpu.vector_load %arg11[%get3A_474, %get3A_475] {strides = array<i32>} : memref<321x128xf32, #tpu.memory_space<vmem>>, vector<1x16xf32>,
        %get3A_477 = vector.shape_cast %get3A_476 : vector<1x16xf32> to vector<16xf32>
        %get3A_478 = arith.index_cast %add3A_449 : i32 to index
        %get3A_479 = arith.constant 16 : index
        %get3A_480 = tpu.vector_load %arg10[%get3A_478, %get3A_479] {strides = array<i32>} : memref<128x128xf32, #tpu.memory_space<vmem>>, vector<1x16xf32>,
        %get3A_481 = vector.shape_cast %get3A_480 : vector<1x16xf32> to vector<16xf32>
        %min3A_482 = arith.minimumf %get3A_477, %get3A_481 : vector<16xf32>
        %swap3A_483 = arith.index_cast %select_n3A_459 : i32 to index
        %swap3A_484 = arith.constant 16 : index
        %swap3A_485 = tpu.vector_load %arg11[%swap3A_483, %swap3A_484] {strides = array<i32>} : memref<321x128xf32, #tpu.memory_space<vmem>>, vector<1x16xf32>,
        %swap3A_486 = vector.shape_cast %swap3A_485 : vector<1x16xf32> to vector<16xf32>
        %swap3A_487 = vector.shape_cast %min3A_482 : vector<16xf32> to vector<1x16xf32>
        tpu.vector_store %arg11[%swap3A_483, %swap3A_484], %swap3A_487 {strides = array<i32>} : memref<321x128xf32, #tpu.memory_space<vmem>>, vector<1x16xf32>,
        %get3A_488 = arith.index_cast %select_n3A_459 : i32 to index
        %get3A_489 = arith.constant 32 : index
        %get3A_490 = tpu.vector_load %arg11[%get3A_488, %get3A_489] {strides = array<i32>} : memref<321x128xf32, #tpu.memory_space<vmem>>, vector<1x16xf32>,
        %get3A_491 = vector.shape_cast %get3A_490 : vector<1x16xf32> to vector<16xf32>
        %get3A_492 = arith.index_cast %add3A_449 : i32 to index
        %get3A_493 = arith.constant 32 : index
        %get3A_494 = tpu.vector_load %arg10[%get3A_492, %get3A_493] {strides = array<i32>} : memref<128x128xf32, #tpu.memory_space<vmem>>, vector<1x16xf32>,
        %get3A_495 = vector.shape_cast %get3A_494 : vector<1x16xf32> to vector<16xf32>
        %min3A_496 = arith.minimumf %get3A_491, %get3A_495 : vector<16xf32>
        %swap3A_497 = arith.index_cast %select_n3A_459 : i32 to index
        %swap3A_498 = arith.constant 32 : index
        %swap3A_499 = tpu.vector_load %arg11[%swap3A_497, %swap3A_498] {strides = array<i32>} : memref<321x128xf32, #tpu.memory_space<vmem>>, vector<1x16xf32>,
        %swap3A_500 = vector.shape_cast %swap3A_499 : vector<1x16xf32> to vector<16xf32>
        %swap3A_501 = vector.shape_cast %min3A_496 : vector<16xf32> to vector<1x16xf32>
        tpu.vector_store %arg11[%swap3A_497, %swap3A_498], %swap3A_501 {strides = array<i32>} : memref<321x128xf32, #tpu.memory_space<vmem>>, vector<1x16xf32>,
        %get3A_502 = arith.index_cast %select_n3A_459 : i32 to index
        %get3A_503 = arith.constant 48 : index
        %get3A_504 = tpu.vector_load %arg11[%get3A_502, %get3A_503] {strides = array<i32>} : memref<321x128xf32, #tpu.memory_space<vmem>>, vector<1x16xf32>,
        %get3A_505 = vector.shape_cast %get3A_504 : vector<1x16xf32> to vector<16xf32>
        %get3A_506 = arith.index_cast %add3A_449 : i32 to index
        %get3A_507 = arith.constant 48 : index
        %get3A_508 = tpu.vector_load %arg10[%get3A_506, %get3A_507] {strides = array<i32>} : memref<128x128xf32, #tpu.memory_space<vmem>>, vector<1x16xf32>,
        %get3A_509 = vector.shape_cast %get3A_508 : vector<1x16xf32> to vector<16xf32>
        %min3A_510 = arith.minimumf %get3A_505, %get3A_509 : vector<16xf32>
        %swap3A_511 = arith.index_cast %select_n3A_459 : i32 to index
        %swap3A_512 = arith.constant 48 : index
        %swap3A_513 = tpu.vector_load %arg11[%swap3A_511, %swap3A_512] {strides = array<i32>} : memref<321x128xf32, #tpu.memory_space<vmem>>, vector<1x16xf32>,
        %swap3A_514 = vector.shape_cast %swap3A_513 : vector<1x16xf32> to vector<16xf32>
        %swap3A_515 = vector.shape_cast %min3A_510 : vector<16xf32> to vector<1x16xf32>
        tpu.vector_store %arg11[%swap3A_511, %swap3A_512], %swap3A_515 {strides = array<i32>} : memref<321x128xf32, #tpu.memory_space<vmem>>, vector<1x16xf32>,
        %get3A_516 = arith.index_cast %select_n3A_459 : i32 to index
        %get3A_517 = arith.constant 64 : index
        %get3A_518 = tpu.vector_load %arg11[%get3A_516, %get3A_517] {strides = array<i32>} : memref<321x128xf32, #tpu.memory_space<vmem>>, vector<1x16xf32>,
        %get3A_519 = vector.shape_cast %get3A_518 : vector<1x16xf32> to vector<16xf32>
        %get3A_520 = arith.index_cast %add3A_449 : i32 to index
        %get3A_521 = arith.constant 64 : index
        %get3A_522 = tpu.vector_load %arg10[%get3A_520, %get3A_521] {strides = array<i32>} : memref<128x128xf32, #tpu.memory_space<vmem>>, vector<1x16xf32>,
        %get3A_523 = vector.shape_cast %get3A_522 : vector<1x16xf32> to vector<16xf32>
        %min3A_524 = arith.minimumf %get3A_519, %get3A_523 : vector<16xf32>
        %swap3A_525 = arith.index_cast %select_n3A_459 : i32 to index
        %swap3A_526 = arith.constant 64 : index
        %swap3A_527 = tpu.vector_load %arg11[%swap3A_525, %swap3A_526] {strides = array<i32>} : memref<321x128xf32, #tpu.memory_space<vmem>>, vector<1x16xf32>,
        %swap3A_528 = vector.shape_cast %swap3A_527 : vector<1x16xf32> to vector<16xf32>
        %swap3A_529 = vector.shape_cast %min3A_524 : vector<16xf32> to vector<1x16xf32>
        tpu.vector_store %arg11[%swap3A_525, %swap3A_526], %swap3A_529 {strides = array<i32>} : memref<321x128xf32, #tpu.memory_space<vmem>>, vector<1x16xf32>,
        %get3A_530 = arith.index_cast %select_n3A_459 : i32 to index
        %get3A_531 = arith.constant 80 : index
        %get3A_532 = tpu.vector_load %arg11[%get3A_530, %get3A_531] {strides = array<i32>} : memref<321x128xf32, #tpu.memory_space<vmem>>, vector<1x16xf32>,
        %get3A_533 = vector.shape_cast %get3A_532 : vector<1x16xf32> to vector<16xf32>
        %get3A_534 = arith.index_cast %add3A_449 : i32 to index
        %get3A_535 = arith.constant 80 : index
        %get3A_536 = tpu.vector_load %arg10[%get3A_534, %get3A_535] {strides = array<i32>} : memref<128x128xf32, #tpu.memory_space<vmem>>, vector<1x16xf32>,
        %get3A_537 = vector.shape_cast %get3A_536 : vector<1x16xf32> to vector<16xf32>
        %min3A_538 = arith.minimumf %get3A_533, %get3A_537 : vector<16xf32>
        %swap3A_539 = arith.index_cast %select_n3A_459 : i32 to index
        %swap3A_540 = arith.constant 80 : index
        %swap3A_541 = tpu.vector_load %arg11[%swap3A_539, %swap3A_540] {strides = array<i32>} : memref<321x128xf32, #tpu.memory_space<vmem>>, vector<1x16xf32>,
        %swap3A_542 = vector.shape_cast %swap3A_541 : vector<1x16xf32> to vector<16xf32>
        %swap3A_543 = vector.shape_cast %min3A_538 : vector<16xf32> to vector<1x16xf32>
        tpu.vector_store %arg11[%swap3A_539, %swap3A_540], %swap3A_543 {strides = array<i32>} : memref<321x128xf32, #tpu.memory_space<vmem>>, vector<1x16xf32>,
        %get3A_544 = arith.index_cast %select_n3A_459 : i32 to index
        %get3A_545 = arith.constant 96 : index
        %get3A_546 = tpu.vector_load %arg11[%get3A_544, %get3A_545] {strides = array<i32>} : memref<321x128xf32, #tpu.memory_space<vmem>>, vector<1x16xf32>,
        %get3A_547 = vector.shape_cast %get3A_546 : vector<1x16xf32> to vector<16xf32>
        %get3A_548 = arith.index_cast %add3A_449 : i32 to index
        %get3A_549 = arith.constant 96 : index
        %get3A_550 = tpu.vector_load %arg10[%get3A_548, %get3A_549] {strides = array<i32>} : memref<128x128xf32, #tpu.memory_space<vmem>>, vector<1x16xf32>,
        %get3A_551 = vector.shape_cast %get3A_550 : vector<1x16xf32> to vector<16xf32>
        %min3A_552 = arith.minimumf %get3A_547, %get3A_551 : vector<16xf32>
        %swap3A_553 = arith.index_cast %select_n3A_459 : i32 to index
        %swap3A_554 = arith.constant 96 : index
        %swap3A_555 = tpu.vector_load %arg11[%swap3A_553, %swap3A_554] {strides = array<i32>} : memref<321x128xf32, #tpu.memory_space<vmem>>, vector<1x16xf32>,
        %swap3A_556 = vector.shape_cast %swap3A_555 : vector<1x16xf32> to vector<16xf32>
        %swap3A_557 = vector.shape_cast %min3A_552 : vector<16xf32> to vector<1x16xf32>
        tpu.vector_store %arg11[%swap3A_553, %swap3A_554], %swap3A_557 {strides = array<i32>} : memref<321x128xf32, #tpu.memory_space<vmem>>, vector<1x16xf32>,
        %get3A_558 = arith.index_cast %select_n3A_459 : i32 to index
        %get3A_559 = arith.constant 112 : index
        %get3A_560 = tpu.vector_load %arg11[%get3A_558, %get3A_559] {strides = array<i32>} : memref<321x128xf32, #tpu.memory_space<vmem>>, vector<1x16xf32>,
        %get3A_561 = vector.shape_cast %get3A_560 : vector<1x16xf32> to vector<16xf32>
        %get3A_562 = arith.index_cast %add3A_449 : i32 to index
        %get3A_563 = arith.constant 112 : index
        %get3A_564 = tpu.vector_load %arg10[%get3A_562, %get3A_563] {strides = array<i32>} : memref<128x128xf32, #tpu.memory_space<vmem>>, vector<1x16xf32>,
        %get3A_565 = vector.shape_cast %get3A_564 : vector<1x16xf32> to vector<16xf32>
        %min3A_566 = arith.minimumf %get3A_561, %get3A_565 : vector<16xf32>
        %swap3A_567 = arith.index_cast %select_n3A_459 : i32 to index
        %swap3A_568 = arith.constant 112 : index
        %swap3A_569 = tpu.vector_load %arg11[%swap3A_567, %swap3A_568] {strides = array<i32>} : memref<321x128xf32, #tpu.memory_space<vmem>>, vector<1x16xf32>,
        %swap3A_570 = vector.shape_cast %swap3A_569 : vector<1x16xf32> to vector<16xf32>
        %swap3A_571 = vector.shape_cast %min3A_566 : vector<16xf32> to vector<1x16xf32>
        tpu.vector_store %arg11[%swap3A_567, %swap3A_568], %swap3A_571 {strides = array<i32>} : memref<321x128xf32, #tpu.memory_space<vmem>>, vector<1x16xf32>,
        %mul3A_572 = arith.constant 16 : i32
        %mul3A_573 = arith.muli %scan3A_65, %mul3A_572 : i32
        %add3A_574 = arith.constant 4 : i32
        %add3A_575 = arith.addi %mul3A_573, %add3A_574 : i32
        %slice3A_576 = vector.extract_strided_slice %get3A_71 {offsets = [4], sizes = [1], strides = [1]} : vector<16xi32> to vector<1xi32>
        %squeeze3A_577 = vector.extract %slice3A_576[0] : i32 from vector<1xi32>
        %sub3A_578 = arith.subi %squeeze3A_577, %mul3A_2 : i32
        %ge3A_579 = arith.constant 0 : i32
        %ge3A_580 = arith.cmpi sge, %sub3A_578, %ge3A_579 : i32
        %lt3A_581 = arith.constant 320 : i32
        %lt3A_582 = arith.cmpi slt, %sub3A_578, %lt3A_581 : i32
        %and3A_583 = arith.andi %ge3A_580, %lt3A_582 : i1
        %jit3A_584 = arith.constant 320 : i32
        %select_n3A_585 = arith.select %and3A_583, %sub3A_578, %jit3A_584 : i32
        %get3A_586 = arith.index_cast %select_n3A_585 : i32 to index
        %get3A_587 = arith.constant 0 : index
        %get3A_588 = tpu.vector_load %arg11[%get3A_586, %get3A_587] {strides = array<i32>} : memref<321x128xf32, #tpu.memory_space<vmem>>, vector<1x16xf32>,
        %get3A_589 = vector.shape_cast %get3A_588 : vector<1x16xf32> to vector<16xf32>
        %get3A_590 = arith.index_cast %add3A_575 : i32 to index
        %get3A_591 = arith.constant 0 : index
        %get3A_592 = tpu.vector_load %arg10[%get3A_590, %get3A_591] {strides = array<i32>} : memref<128x128xf32, #tpu.memory_space<vmem>>, vector<1x16xf32>,
        %get3A_593 = vector.shape_cast %get3A_592 : vector<1x16xf32> to vector<16xf32>
        %min3A_594 = arith.minimumf %get3A_589, %get3A_593 : vector<16xf32>
        %swap3A_595 = arith.index_cast %select_n3A_585 : i32 to index
        %swap3A_596 = arith.constant 0 : index
        %swap3A_597 = tpu.vector_load %arg11[%swap3A_595, %swap3A_596] {strides = array<i32>} : memref<321x128xf32, #tpu.memory_space<vmem>>, vector<1x16xf32>,
        %swap3A_598 = vector.shape_cast %swap3A_597 : vector<1x16xf32> to vector<16xf32>
        %swap3A_599 = vector.shape_cast %min3A_594 : vector<16xf32> to vector<1x16xf32>
        tpu.vector_store %arg11[%swap3A_595, %swap3A_596], %swap3A_599 {strides = array<i32>} : memref<321x128xf32, #tpu.memory_space<vmem>>, vector<1x16xf32>,
        %get3A_600 = arith.index_cast %select_n3A_585 : i32 to index
        %get3A_601 = arith.constant 16 : index
        %get3A_602 = tpu.vector_load %arg11[%get3A_600, %get3A_601] {strides = array<i32>} : memref<321x128xf32, #tpu.memory_space<vmem>>, vector<1x16xf32>,
        %get3A_603 = vector.shape_cast %get3A_602 : vector<1x16xf32> to vector<16xf32>
        %get3A_604 = arith.index_cast %add3A_575 : i32 to index
        %get3A_605 = arith.constant 16 : index
        %get3A_606 = tpu.vector_load %arg10[%get3A_604, %get3A_605] {strides = array<i32>} : memref<128x128xf32, #tpu.memory_space<vmem>>, vector<1x16xf32>,
        %get3A_607 = vector.shape_cast %get3A_606 : vector<1x16xf32> to vector<16xf32>
        %min3A_608 = arith.minimumf %get3A_603, %get3A_607 : vector<16xf32>
        %swap3A_609 = arith.index_cast %select_n3A_585 : i32 to index
        %swap3A_610 = arith.constant 16 : index
        %swap3A_611 = tpu.vector_load %arg11[%swap3A_609, %swap3A_610] {strides = array<i32>} : memref<321x128xf32, #tpu.memory_space<vmem>>, vector<1x16xf32>,
        %swap3A_612 = vector.shape_cast %swap3A_611 : vector<1x16xf32> to vector<16xf32>
        %swap3A_613 = vector.shape_cast %min3A_608 : vector<16xf32> to vector<1x16xf32>
        tpu.vector_store %arg11[%swap3A_609, %swap3A_610], %swap3A_613 {strides = array<i32>} : memref<321x128xf32, #tpu.memory_space<vmem>>, vector<1x16xf32>,
        %get3A_614 = arith.index_cast %select_n3A_585 : i32 to index
        %get3A_615 = arith.constant 32 : index
        %get3A_616 = tpu.vector_load %arg11[%get3A_614, %get3A_615] {strides = array<i32>} : memref<321x128xf32, #tpu.memory_space<vmem>>, vector<1x16xf32>,
        %get3A_617 = vector.shape_cast %get3A_616 : vector<1x16xf32> to vector<16xf32>
        %get3A_618 = arith.index_cast %add3A_575 : i32 to index
        %get3A_619 = arith.constant 32 : index
        %get3A_620 = tpu.vector_load %arg10[%get3A_618, %get3A_619] {strides = array<i32>} : memref<128x128xf32, #tpu.memory_space<vmem>>, vector<1x16xf32>,
        %get3A_621 = vector.shape_cast %get3A_620 : vector<1x16xf32> to vector<16xf32>
        %min3A_622 = arith.minimumf %get3A_617, %get3A_621 : vector<16xf32>
        %swap3A_623 = arith.index_cast %select_n3A_585 : i32 to index
        %swap3A_624 = arith.constant 32 : index
        %swap3A_625 = tpu.vector_load %arg11[%swap3A_623, %swap3A_624] {strides = array<i32>} : memref<321x128xf32, #tpu.memory_space<vmem>>, vector<1x16xf32>,
        %swap3A_626 = vector.shape_cast %swap3A_625 : vector<1x16xf32> to vector<16xf32>
        %swap3A_627 = vector.shape_cast %min3A_622 : vector<16xf32> to vector<1x16xf32>
        tpu.vector_store %arg11[%swap3A_623, %swap3A_624], %swap3A_627 {strides = array<i32>} : memref<321x128xf32, #tpu.memory_space<vmem>>, vector<1x16xf32>,
        %get3A_628 = arith.index_cast %select_n3A_585 : i32 to index
        %get3A_629 = arith.constant 48 : index
        %get3A_630 = tpu.vector_load %arg11[%get3A_628, %get3A_629] {strides = array<i32>} : memref<321x128xf32, #tpu.memory_space<vmem>>, vector<1x16xf32>,
        %get3A_631 = vector.shape_cast %get3A_630 : vector<1x16xf32> to vector<16xf32>
        %get3A_632 = arith.index_cast %add3A_575 : i32 to index
        %get3A_633 = arith.constant 48 : index
        %get3A_634 = tpu.vector_load %arg10[%get3A_632, %get3A_633] {strides = array<i32>} : memref<128x128xf32, #tpu.memory_space<vmem>>, vector<1x16xf32>,
        %get3A_635 = vector.shape_cast %get3A_634 : vector<1x16xf32> to vector<16xf32>
        %min3A_636 = arith.minimumf %get3A_631, %get3A_635 : vector<16xf32>
        %swap3A_637 = arith.index_cast %select_n3A_585 : i32 to index
        %swap3A_638 = arith.constant 48 : index
        %swap3A_639 = tpu.vector_load %arg11[%swap3A_637, %swap3A_638] {strides = array<i32>} : memref<321x128xf32, #tpu.memory_space<vmem>>, vector<1x16xf32>,
        %swap3A_640 = vector.shape_cast %swap3A_639 : vector<1x16xf32> to vector<16xf32>
        %swap3A_641 = vector.shape_cast %min3A_636 : vector<16xf32> to vector<1x16xf32>
        tpu.vector_store %arg11[%swap3A_637, %swap3A_638], %swap3A_641 {strides = array<i32>} : memref<321x128xf32, #tpu.memory_space<vmem>>, vector<1x16xf32>,
        %get3A_642 = arith.index_cast %select_n3A_585 : i32 to index
        %get3A_643 = arith.constant 64 : index
        %get3A_644 = tpu.vector_load %arg11[%get3A_642, %get3A_643] {strides = array<i32>} : memref<321x128xf32, #tpu.memory_space<vmem>>, vector<1x16xf32>,
        %get3A_645 = vector.shape_cast %get3A_644 : vector<1x16xf32> to vector<16xf32>
        %get3A_646 = arith.index_cast %add3A_575 : i32 to index
        %get3A_647 = arith.constant 64 : index
        %get3A_648 = tpu.vector_load %arg10[%get3A_646, %get3A_647] {strides = array<i32>} : memref<128x128xf32, #tpu.memory_space<vmem>>, vector<1x16xf32>,
        %get3A_649 = vector.shape_cast %get3A_648 : vector<1x16xf32> to vector<16xf32>
        %min3A_650 = arith.minimumf %get3A_645, %get3A_649 : vector<16xf32>
        %swap3A_651 = arith.index_cast %select_n3A_585 : i32 to index
        %swap3A_652 = arith.constant 64 : index
        %swap3A_653 = tpu.vector_load %arg11[%swap3A_651, %swap3A_652] {strides = array<i32>} : memref<321x128xf32, #tpu.memory_space<vmem>>, vector<1x16xf32>,
        %swap3A_654 = vector.shape_cast %swap3A_653 : vector<1x16xf32> to vector<16xf32>
        %swap3A_655 = vector.shape_cast %min3A_650 : vector<16xf32> to vector<1x16xf32>
        tpu.vector_store %arg11[%swap3A_651, %swap3A_652], %swap3A_655 {strides = array<i32>} : memref<321x128xf32, #tpu.memory_space<vmem>>, vector<1x16xf32>,
        %get3A_656 = arith.index_cast %select_n3A_585 : i32 to index
        %get3A_657 = arith.constant 80 : index
        %get3A_658 = tpu.vector_load %arg11[%get3A_656, %get3A_657] {strides = array<i32>} : memref<321x128xf32, #tpu.memory_space<vmem>>, vector<1x16xf32>,
        %get3A_659 = vector.shape_cast %get3A_658 : vector<1x16xf32> to vector<16xf32>
        %get3A_660 = arith.index_cast %add3A_575 : i32 to index
        %get3A_661 = arith.constant 80 : index
        %get3A_662 = tpu.vector_load %arg10[%get3A_660, %get3A_661] {strides = array<i32>} : memref<128x128xf32, #tpu.memory_space<vmem>>, vector<1x16xf32>,
        %get3A_663 = vector.shape_cast %get3A_662 : vector<1x16xf32> to vector<16xf32>
        %min3A_664 = arith.minimumf %get3A_659, %get3A_663 : vector<16xf32>
        %swap3A_665 = arith.index_cast %select_n3A_585 : i32 to index
        %swap3A_666 = arith.constant 80 : index
        %swap3A_667 = tpu.vector_load %arg11[%swap3A_665, %swap3A_666] {strides = array<i32>} : memref<321x128xf32, #tpu.memory_space<vmem>>, vector<1x16xf32>,
        %swap3A_668 = vector.shape_cast %swap3A_667 : vector<1x16xf32> to vector<16xf32>
        %swap3A_669 = vector.shape_cast %min3A_664 : vector<16xf32> to vector<1x16xf32>
        tpu.vector_store %arg11[%swap3A_665, %swap3A_666], %swap3A_669 {strides = array<i32>} : memref<321x128xf32, #tpu.memory_space<vmem>>, vector<1x16xf32>,
        %get3A_670 = arith.index_cast %select_n3A_585 : i32 to index
        %get3A_671 = arith.constant 96 : index
        %get3A_672 = tpu.vector_load %arg11[%get3A_670, %get3A_671] {strides = array<i32>} : memref<321x128xf32, #tpu.memory_space<vmem>>, vector<1x16xf32>,
        %get3A_673 = vector.shape_cast %get3A_672 : vector<1x16xf32> to vector<16xf32>
        %get3A_674 = arith.index_cast %add3A_575 : i32 to index
        %get3A_675 = arith.constant 96 : index
        %get3A_676 = tpu.vector_load %arg10[%get3A_674, %get3A_675] {strides = array<i32>} : memref<128x128xf32, #tpu.memory_space<vmem>>, vector<1x16xf32>,
        %get3A_677 = vector.shape_cast %get3A_676 : vector<1x16xf32> to vector<16xf32>
        %min3A_678 = arith.minimumf %get3A_673, %get3A_677 : vector<16xf32>
        %swap3A_679 = arith.index_cast %select_n3A_585 : i32 to index
        %swap3A_680 = arith.constant 96 : index
        %swap3A_681 = tpu.vector_load %arg11[%swap3A_679, %swap3A_680] {strides = array<i32>} : memref<321x128xf32, #tpu.memory_space<vmem>>, vector<1x16xf32>,
        %swap3A_682 = vector.shape_cast %swap3A_681 : vector<1x16xf32> to vector<16xf32>
        %swap3A_683 = vector.shape_cast %min3A_678 : vector<16xf32> to vector<1x16xf32>
        tpu.vector_store %arg11[%swap3A_679, %swap3A_680], %swap3A_683 {strides = array<i32>} : memref<321x128xf32, #tpu.memory_space<vmem>>, vector<1x16xf32>,
        %get3A_684 = arith.index_cast %select_n3A_585 : i32 to index
        %get3A_685 = arith.constant 112 : index
        %get3A_686 = tpu.vector_load %arg11[%get3A_684, %get3A_685] {strides = array<i32>} : memref<321x128xf32, #tpu.memory_space<vmem>>, vector<1x16xf32>,
        %get3A_687 = vector.shape_cast %get3A_686 : vector<1x16xf32> to vector<16xf32>
        %get3A_688 = arith.index_cast %add3A_575 : i32 to index
        %get3A_689 = arith.constant 112 : index
        %get3A_690 = tpu.vector_load %arg10[%get3A_688, %get3A_689] {strides = array<i32>} : memref<128x128xf32, #tpu.memory_space<vmem>>, vector<1x16xf32>,
        %get3A_691 = vector.shape_cast %get3A_690 : vector<1x16xf32> to vector<16xf32>
        %min3A_692 = arith.minimumf %get3A_687, %get3A_691 : vector<16xf32>
        %swap3A_693 = arith.index_cast %select_n3A_585 : i32 to index
        %swap3A_694 = arith.constant 112 : index
        %swap3A_695 = tpu.vector_load %arg11[%swap3A_693, %swap3A_694] {strides = array<i32>} : memref<321x128xf32, #tpu.memory_space<vmem>>, vector<1x16xf32>,
        %swap3A_696 = vector.shape_cast %swap3A_695 : vector<1x16xf32> to vector<16xf32>
        %swap3A_697 = vector.shape_cast %min3A_692 : vector<16xf32> to vector<1x16xf32>
        tpu.vector_store %arg11[%swap3A_693, %swap3A_694], %swap3A_697 {strides = array<i32>} : memref<321x128xf32, #tpu.memory_space<vmem>>, vector<1x16xf32>,
        %mul3A_698 = arith.constant 16 : i32
        %mul3A_699 = arith.muli %scan3A_65, %mul3A_698 : i32
        %add3A_700 = arith.constant 5 : i32
        %add3A_701 = arith.addi %mul3A_699, %add3A_700 : i32
        %slice3A_702 = vector.extract_strided_slice %get3A_71 {offsets = [5], sizes = [1], strides = [1]} : vector<16xi32> to vector<1xi32>
        %squeeze3A_703 = vector.extract %slice3A_702[0] : i32 from vector<1xi32>
        %sub3A_704 = arith.subi %squeeze3A_703, %mul3A_2 : i32
        %ge3A_705 = arith.constant 0 : i32
        %ge3A_706 = arith.cmpi sge, %sub3A_704, %ge3A_705 : i32
        %lt3A_707 = arith.constant 320 : i32
        %lt3A_708 = arith.cmpi slt, %sub3A_704, %lt3A_707 : i32
        %and3A_709 = arith.andi %ge3A_706, %lt3A_708 : i1
        %jit3A_710 = arith.constant 320 : i32
        %select_n3A_711 = arith.select %and3A_709, %sub3A_704, %jit3A_710 : i32
        %get3A_712 = arith.index_cast %select_n3A_711 : i32 to index
        %get3A_713 = arith.constant 0 : index
        %get3A_714 = tpu.vector_load %arg11[%get3A_712, %get3A_713] {strides = array<i32>} : memref<321x128xf32, #tpu.memory_space<vmem>>, vector<1x16xf32>,
        %get3A_715 = vector.shape_cast %get3A_714 : vector<1x16xf32> to vector<16xf32>
        %get3A_716 = arith.index_cast %add3A_701 : i32 to index
        %get3A_717 = arith.constant 0 : index
        %get3A_718 = tpu.vector_load %arg10[%get3A_716, %get3A_717] {strides = array<i32>} : memref<128x128xf32, #tpu.memory_space<vmem>>, vector<1x16xf32>,
        %get3A_719 = vector.shape_cast %get3A_718 : vector<1x16xf32> to vector<16xf32>
        %min3A_720 = arith.minimumf %get3A_715, %get3A_719 : vector<16xf32>
        %swap3A_721 = arith.index_cast %select_n3A_711 : i32 to index
        %swap3A_722 = arith.constant 0 : index
        %swap3A_723 = tpu.vector_load %arg11[%swap3A_721, %swap3A_722] {strides = array<i32>} : memref<321x128xf32, #tpu.memory_space<vmem>>, vector<1x16xf32>,
        %swap3A_724 = vector.shape_cast %swap3A_723 : vector<1x16xf32> to vector<16xf32>
        %swap3A_725 = vector.shape_cast %min3A_720 : vector<16xf32> to vector<1x16xf32>
        tpu.vector_store %arg11[%swap3A_721, %swap3A_722], %swap3A_725 {strides = array<i32>} : memref<321x128xf32, #tpu.memory_space<vmem>>, vector<1x16xf32>,
        %get3A_726 = arith.index_cast %select_n3A_711 : i32 to index
        %get3A_727 = arith.constant 16 : index
        %get3A_728 = tpu.vector_load %arg11[%get3A_726, %get3A_727] {strides = array<i32>} : memref<321x128xf32, #tpu.memory_space<vmem>>, vector<1x16xf32>,
        %get3A_729 = vector.shape_cast %get3A_728 : vector<1x16xf32> to vector<16xf32>
        %get3A_730 = arith.index_cast %add3A_701 : i32 to index
        %get3A_731 = arith.constant 16 : index
        %get3A_732 = tpu.vector_load %arg10[%get3A_730, %get3A_731] {strides = array<i32>} : memref<128x128xf32, #tpu.memory_space<vmem>>, vector<1x16xf32>,
        %get3A_733 = vector.shape_cast %get3A_732 : vector<1x16xf32> to vector<16xf32>
        %min3A_734 = arith.minimumf %get3A_729, %get3A_733 : vector<16xf32>
        %swap3A_735 = arith.index_cast %select_n3A_711 : i32 to index
        %swap3A_736 = arith.constant 16 : index
        %swap3A_737 = tpu.vector_load %arg11[%swap3A_735, %swap3A_736] {strides = array<i32>} : memref<321x128xf32, #tpu.memory_space<vmem>>, vector<1x16xf32>,
        %swap3A_738 = vector.shape_cast %swap3A_737 : vector<1x16xf32> to vector<16xf32>
        %swap3A_739 = vector.shape_cast %min3A_734 : vector<16xf32> to vector<1x16xf32>
        tpu.vector_store %arg11[%swap3A_735, %swap3A_736], %swap3A_739 {strides = array<i32>} : memref<321x128xf32, #tpu.memory_space<vmem>>, vector<1x16xf32>,
        %get3A_740 = arith.index_cast %select_n3A_711 : i32 to index
        %get3A_741 = arith.constant 32 : index
        %get3A_742 = tpu.vector_load %arg11[%get3A_740, %get3A_741] {strides = array<i32>} : memref<321x128xf32, #tpu.memory_space<vmem>>, vector<1x16xf32>,
        %get3A_743 = vector.shape_cast %get3A_742 : vector<1x16xf32> to vector<16xf32>
        %get3A_744 = arith.index_cast %add3A_701 : i32 to index
        %get3A_745 = arith.constant 32 : index
        %get3A_746 = tpu.vector_load %arg10[%get3A_744, %get3A_745] {strides = array<i32>} : memref<128x128xf32, #tpu.memory_space<vmem>>, vector<1x16xf32>,
        %get3A_747 = vector.shape_cast %get3A_746 : vector<1x16xf32> to vector<16xf32>
        %min3A_748 = arith.minimumf %get3A_743, %get3A_747 : vector<16xf32>
        %swap3A_749 = arith.index_cast %select_n3A_711 : i32 to index
        %swap3A_750 = arith.constant 32 : index
        %swap3A_751 = tpu.vector_load %arg11[%swap3A_749, %swap3A_750] {strides = array<i32>} : memref<321x128xf32, #tpu.memory_space<vmem>>, vector<1x16xf32>,
        %swap3A_752 = vector.shape_cast %swap3A_751 : vector<1x16xf32> to vector<16xf32>
        %swap3A_753 = vector.shape_cast %min3A_748 : vector<16xf32> to vector<1x16xf32>
        tpu.vector_store %arg11[%swap3A_749, %swap3A_750], %swap3A_753 {strides = array<i32>} : memref<321x128xf32, #tpu.memory_space<vmem>>, vector<1x16xf32>,
        %get3A_754 = arith.index_cast %select_n3A_711 : i32 to index
        %get3A_755 = arith.constant 48 : index
        %get3A_756 = tpu.vector_load %arg11[%get3A_754, %get3A_755] {strides = array<i32>} : memref<321x128xf32, #tpu.memory_space<vmem>>, vector<1x16xf32>,
        %get3A_757 = vector.shape_cast %get3A_756 : vector<1x16xf32> to vector<16xf32>
        %get3A_758 = arith.index_cast %add3A_701 : i32 to index
        %get3A_759 = arith.constant 48 : index
        %get3A_760 = tpu.vector_load %arg10[%get3A_758, %get3A_759] {strides = array<i32>} : memref<128x128xf32, #tpu.memory_space<vmem>>, vector<1x16xf32>,
        %get3A_761 = vector.shape_cast %get3A_760 : vector<1x16xf32> to vector<16xf32>
        %min3A_762 = arith.minimumf %get3A_757, %get3A_761 : vector<16xf32>
        %swap3A_763 = arith.index_cast %select_n3A_711 : i32 to index
        %swap3A_764 = arith.constant 48 : index
        %swap3A_765 = tpu.vector_load %arg11[%swap3A_763, %swap3A_764] {strides = array<i32>} : memref<321x128xf32, #tpu.memory_space<vmem>>, vector<1x16xf32>,
        %swap3A_766 = vector.shape_cast %swap3A_765 : vector<1x16xf32> to vector<16xf32>
        %swap3A_767 = vector.shape_cast %min3A_762 : vector<16xf32> to vector<1x16xf32>
        tpu.vector_store %arg11[%swap3A_763, %swap3A_764], %swap3A_767 {strides = array<i32>} : memref<321x128xf32, #tpu.memory_space<vmem>>, vector<1x16xf32>,
        %get3A_768 = arith.index_cast %select_n3A_711 : i32 to index
        %get3A_769 = arith.constant 64 : index
        %get3A_770 = tpu.vector_load %arg11[%get3A_768, %get3A_769] {strides = array<i32>} : memref<321x128xf32, #tpu.memory_space<vmem>>, vector<1x16xf32>,
        %get3A_771 = vector.shape_cast %get3A_770 : vector<1x16xf32> to vector<16xf32>
        %get3A_772 = arith.index_cast %add3A_701 : i32 to index
        %get3A_773 = arith.constant 64 : index
        %get3A_774 = tpu.vector_load %arg10[%get3A_772, %get3A_773] {strides = array<i32>} : memref<128x128xf32, #tpu.memory_space<vmem>>, vector<1x16xf32>,
        %get3A_775 = vector.shape_cast %get3A_774 : vector<1x16xf32> to vector<16xf32>
        %min3A_776 = arith.minimumf %get3A_771, %get3A_775 : vector<16xf32>
        %swap3A_777 = arith.index_cast %select_n3A_711 : i32 to index
        %swap3A_778 = arith.constant 64 : index
        %swap3A_779 = tpu.vector_load %arg11[%swap3A_777, %swap3A_778] {strides = array<i32>} : memref<321x128xf32, #tpu.memory_space<vmem>>, vector<1x16xf32>,
        %swap3A_780 = vector.shape_cast %swap3A_779 : vector<1x16xf32> to vector<16xf32>
        %swap3A_781 = vector.shape_cast %min3A_776 : vector<16xf32> to vector<1x16xf32>
        tpu.vector_store %arg11[%swap3A_777, %swap3A_778], %swap3A_781 {strides = array<i32>} : memref<321x128xf32, #tpu.memory_space<vmem>>, vector<1x16xf32>,
        %get3A_782 = arith.index_cast %select_n3A_711 : i32 to index
        %get3A_783 = arith.constant 80 : index
        %get3A_784 = tpu.vector_load %arg11[%get3A_782, %get3A_783] {strides = array<i32>} : memref<321x128xf32, #tpu.memory_space<vmem>>, vector<1x16xf32>,
        %get3A_785 = vector.shape_cast %get3A_784 : vector<1x16xf32> to vector<16xf32>
        %get3A_786 = arith.index_cast %add3A_701 : i32 to index
        %get3A_787 = arith.constant 80 : index
        %get3A_788 = tpu.vector_load %arg10[%get3A_786, %get3A_787] {strides = array<i32>} : memref<128x128xf32, #tpu.memory_space<vmem>>, vector<1x16xf32>,
        %get3A_789 = vector.shape_cast %get3A_788 : vector<1x16xf32> to vector<16xf32>
        %min3A_790 = arith.minimumf %get3A_785, %get3A_789 : vector<16xf32>
        %swap3A_791 = arith.index_cast %select_n3A_711 : i32 to index
        %swap3A_792 = arith.constant 80 : index
        %swap3A_793 = tpu.vector_load %arg11[%swap3A_791, %swap3A_792] {strides = array<i32>} : memref<321x128xf32, #tpu.memory_space<vmem>>, vector<1x16xf32>,
        %swap3A_794 = vector.shape_cast %swap3A_793 : vector<1x16xf32> to vector<16xf32>
        %swap3A_795 = vector.shape_cast %min3A_790 : vector<16xf32> to vector<1x16xf32>
        tpu.vector_store %arg11[%swap3A_791, %swap3A_792], %swap3A_795 {strides = array<i32>} : memref<321x128xf32, #tpu.memory_space<vmem>>, vector<1x16xf32>,
        %get3A_796 = arith.index_cast %select_n3A_711 : i32 to index
        %get3A_797 = arith.constant 96 : index
        %get3A_798 = tpu.vector_load %arg11[%get3A_796, %get3A_797] {strides = array<i32>} : memref<321x128xf32, #tpu.memory_space<vmem>>, vector<1x16xf32>,
        %get3A_799 = vector.shape_cast %get3A_798 : vector<1x16xf32> to vector<16xf32>
        %get3A_800 = arith.index_cast %add3A_701 : i32 to index
        %get3A_801 = arith.constant 96 : index
        %get3A_802 = tpu.vector_load %arg10[%get3A_800, %get3A_801] {strides = array<i32>} : memref<128x128xf32, #tpu.memory_space<vmem>>, vector<1x16xf32>,
        %get3A_803 = vector.shape_cast %get3A_802 : vector<1x16xf32> to vector<16xf32>
        %min3A_804 = arith.minimumf %get3A_799, %get3A_803 : vector<16xf32>
        %swap3A_805 = arith.index_cast %select_n3A_711 : i32 to index
        %swap3A_806 = arith.constant 96 : index
        %swap3A_807 = tpu.vector_load %arg11[%swap3A_805, %swap3A_806] {strides = array<i32>} : memref<321x128xf32, #tpu.memory_space<vmem>>, vector<1x16xf32>,
        %swap3A_808 = vector.shape_cast %swap3A_807 : vector<1x16xf32> to vector<16xf32>
        %swap3A_809 = vector.shape_cast %min3A_804 : vector<16xf32> to vector<1x16xf32>
        tpu.vector_store %arg11[%swap3A_805, %swap3A_806], %swap3A_809 {strides = array<i32>} : memref<321x128xf32, #tpu.memory_space<vmem>>, vector<1x16xf32>,
        %get3A_810 = arith.index_cast %select_n3A_711 : i32 to index
        %get3A_811 = arith.constant 112 : index
        %get3A_812 = tpu.vector_load %arg11[%get3A_810, %get3A_811] {strides = array<i32>} : memref<321x128xf32, #tpu.memory_space<vmem>>, vector<1x16xf32>,
        %get3A_813 = vector.shape_cast %get3A_812 : vector<1x16xf32> to vector<16xf32>
        %get3A_814 = arith.index_cast %add3A_701 : i32 to index
        %get3A_815 = arith.constant 112 : index
        %get3A_816 = tpu.vector_load %arg10[%get3A_814, %get3A_815] {strides = array<i32>} : memref<128x128xf32, #tpu.memory_space<vmem>>, vector<1x16xf32>,
        %get3A_817 = vector.shape_cast %get3A_816 : vector<1x16xf32> to vector<16xf32>
        %min3A_818 = arith.minimumf %get3A_813, %get3A_817 : vector<16xf32>
        %swap3A_819 = arith.index_cast %select_n3A_711 : i32 to index
        %swap3A_820 = arith.constant 112 : index
        %swap3A_821 = tpu.vector_load %arg11[%swap3A_819, %swap3A_820] {strides = array<i32>} : memref<321x128xf32, #tpu.memory_space<vmem>>, vector<1x16xf32>,
        %swap3A_822 = vector.shape_cast %swap3A_821 : vector<1x16xf32> to vector<16xf32>
        %swap3A_823 = vector.shape_cast %min3A_818 : vector<16xf32> to vector<1x16xf32>
        tpu.vector_store %arg11[%swap3A_819, %swap3A_820], %swap3A_823 {strides = array<i32>} : memref<321x128xf32, #tpu.memory_space<vmem>>, vector<1x16xf32>,
        %mul3A_824 = arith.constant 16 : i32
        %mul3A_825 = arith.muli %scan3A_65, %mul3A_824 : i32
        %add3A_826 = arith.constant 6 : i32
        %add3A_827 = arith.addi %mul3A_825, %add3A_826 : i32
        %slice3A_828 = vector.extract_strided_slice %get3A_71 {offsets = [6], sizes = [1], strides = [1]} : vector<16xi32> to vector<1xi32>
        %squeeze3A_829 = vector.extract %slice3A_828[0] : i32 from vector<1xi32>
        %sub3A_830 = arith.subi %squeeze3A_829, %mul3A_2 : i32
        %ge3A_831 = arith.constant 0 : i32
        %ge3A_832 = arith.cmpi sge, %sub3A_830, %ge3A_831 : i32
        %lt3A_833 = arith.constant 320 : i32
        %lt3A_834 = arith.cmpi slt, %sub3A_830, %lt3A_833 : i32
        %and3A_835 = arith.andi %ge3A_832, %lt3A_834 : i1
        %jit3A_836 = arith.constant 320 : i32
        %select_n3A_837 = arith.select %and3A_835, %sub3A_830, %jit3A_836 : i32
        %get3A_838 = arith.index_cast %select_n3A_837 : i32 to index
        %get3A_839 = arith.constant 0 : index
        %get3A_840 = tpu.vector_load %arg11[%get3A_838, %get3A_839] {strides = array<i32>} : memref<321x128xf32, #tpu.memory_space<vmem>>, vector<1x16xf32>,
        %get3A_841 = vector.shape_cast %get3A_840 : vector<1x16xf32> to vector<16xf32>
        %get3A_842 = arith.index_cast %add3A_827 : i32 to index
        %get3A_843 = arith.constant 0 : index
        %get3A_844 = tpu.vector_load %arg10[%get3A_842, %get3A_843] {strides = array<i32>} : memref<128x128xf32, #tpu.memory_space<vmem>>, vector<1x16xf32>,
        %get3A_845 = vector.shape_cast %get3A_844 : vector<1x16xf32> to vector<16xf32>
        %min3A_846 = arith.minimumf %get3A_841, %get3A_845 : vector<16xf32>
        %swap3A_847 = arith.index_cast %select_n3A_837 : i32 to index
        %swap3A_848 = arith.constant 0 : index
        %swap3A_849 = tpu.vector_load %arg11[%swap3A_847, %swap3A_848] {strides = array<i32>} : memref<321x128xf32, #tpu.memory_space<vmem>>, vector<1x16xf32>,
        %swap3A_850 = vector.shape_cast %swap3A_849 : vector<1x16xf32> to vector<16xf32>
        %swap3A_851 = vector.shape_cast %min3A_846 : vector<16xf32> to vector<1x16xf32>
        tpu.vector_store %arg11[%swap3A_847, %swap3A_848], %swap3A_851 {strides = array<i32>} : memref<321x128xf32, #tpu.memory_space<vmem>>, vector<1x16xf32>,
        %get3A_852 = arith.index_cast %select_n3A_837 : i32 to index
        %get3A_853 = arith.constant 16 : index
        %get3A_854 = tpu.vector_load %arg11[%get3A_852, %get3A_853] {strides = array<i32>} : memref<321x128xf32, #tpu.memory_space<vmem>>, vector<1x16xf32>,
        %get3A_855 = vector.shape_cast %get3A_854 : vector<1x16xf32> to vector<16xf32>
        %get3A_856 = arith.index_cast %add3A_827 : i32 to index
        %get3A_857 = arith.constant 16 : index
        %get3A_858 = tpu.vector_load %arg10[%get3A_856, %get3A_857] {strides = array<i32>} : memref<128x128xf32, #tpu.memory_space<vmem>>, vector<1x16xf32>,
        %get3A_859 = vector.shape_cast %get3A_858 : vector<1x16xf32> to vector<16xf32>
        %min3A_860 = arith.minimumf %get3A_855, %get3A_859 : vector<16xf32>
        %swap3A_861 = arith.index_cast %select_n3A_837 : i32 to index
        %swap3A_862 = arith.constant 16 : index
        %swap3A_863 = tpu.vector_load %arg11[%swap3A_861, %swap3A_862] {strides = array<i32>} : memref<321x128xf32, #tpu.memory_space<vmem>>, vector<1x16xf32>,
        %swap3A_864 = vector.shape_cast %swap3A_863 : vector<1x16xf32> to vector<16xf32>
        %swap3A_865 = vector.shape_cast %min3A_860 : vector<16xf32> to vector<1x16xf32>
        tpu.vector_store %arg11[%swap3A_861, %swap3A_862], %swap3A_865 {strides = array<i32>} : memref<321x128xf32, #tpu.memory_space<vmem>>, vector<1x16xf32>,
        %get3A_866 = arith.index_cast %select_n3A_837 : i32 to index
        %get3A_867 = arith.constant 32 : index
        %get3A_868 = tpu.vector_load %arg11[%get3A_866, %get3A_867] {strides = array<i32>} : memref<321x128xf32, #tpu.memory_space<vmem>>, vector<1x16xf32>,
        %get3A_869 = vector.shape_cast %get3A_868 : vector<1x16xf32> to vector<16xf32>
        %get3A_870 = arith.index_cast %add3A_827 : i32 to index
        %get3A_871 = arith.constant 32 : index
        %get3A_872 = tpu.vector_load %arg10[%get3A_870, %get3A_871] {strides = array<i32>} : memref<128x128xf32, #tpu.memory_space<vmem>>, vector<1x16xf32>,
        %get3A_873 = vector.shape_cast %get3A_872 : vector<1x16xf32> to vector<16xf32>
        %min3A_874 = arith.minimumf %get3A_869, %get3A_873 : vector<16xf32>
        %swap3A_875 = arith.index_cast %select_n3A_837 : i32 to index
        %swap3A_876 = arith.constant 32 : index
        %swap3A_877 = tpu.vector_load %arg11[%swap3A_875, %swap3A_876] {strides = array<i32>} : memref<321x128xf32, #tpu.memory_space<vmem>>, vector<1x16xf32>,
        %swap3A_878 = vector.shape_cast %swap3A_877 : vector<1x16xf32> to vector<16xf32>
        %swap3A_879 = vector.shape_cast %min3A_874 : vector<16xf32> to vector<1x16xf32>
        tpu.vector_store %arg11[%swap3A_875, %swap3A_876], %swap3A_879 {strides = array<i32>} : memref<321x128xf32, #tpu.memory_space<vmem>>, vector<1x16xf32>,
        %get3A_880 = arith.index_cast %select_n3A_837 : i32 to index
        %get3A_881 = arith.constant 48 : index
        %get3A_882 = tpu.vector_load %arg11[%get3A_880, %get3A_881] {strides = array<i32>} : memref<321x128xf32, #tpu.memory_space<vmem>>, vector<1x16xf32>,
        %get3A_883 = vector.shape_cast %get3A_882 : vector<1x16xf32> to vector<16xf32>
        %get3A_884 = arith.index_cast %add3A_827 : i32 to index
        %get3A_885 = arith.constant 48 : index
        %get3A_886 = tpu.vector_load %arg10[%get3A_884, %get3A_885] {strides = array<i32>} : memref<128x128xf32, #tpu.memory_space<vmem>>, vector<1x16xf32>,
        %get3A_887 = vector.shape_cast %get3A_886 : vector<1x16xf32> to vector<16xf32>
        %min3A_888 = arith.minimumf %get3A_883, %get3A_887 : vector<16xf32>
        %swap3A_889 = arith.index_cast %select_n3A_837 : i32 to index
        %swap3A_890 = arith.constant 48 : index
        %swap3A_891 = tpu.vector_load %arg11[%swap3A_889, %swap3A_890] {strides = array<i32>} : memref<321x128xf32, #tpu.memory_space<vmem>>, vector<1x16xf32>,
        %swap3A_892 = vector.shape_cast %swap3A_891 : vector<1x16xf32> to vector<16xf32>
        %swap3A_893 = vector.shape_cast %min3A_888 : vector<16xf32> to vector<1x16xf32>
        tpu.vector_store %arg11[%swap3A_889, %swap3A_890], %swap3A_893 {strides = array<i32>} : memref<321x128xf32, #tpu.memory_space<vmem>>, vector<1x16xf32>,
        %get3A_894 = arith.index_cast %select_n3A_837 : i32 to index
        %get3A_895 = arith.constant 64 : index
        %get3A_896 = tpu.vector_load %arg11[%get3A_894, %get3A_895] {strides = array<i32>} : memref<321x128xf32, #tpu.memory_space<vmem>>, vector<1x16xf32>,
        %get3A_897 = vector.shape_cast %get3A_896 : vector<1x16xf32> to vector<16xf32>
        %get3A_898 = arith.index_cast %add3A_827 : i32 to index
        %get3A_899 = arith.constant 64 : index
        %get3A_900 = tpu.vector_load %arg10[%get3A_898, %get3A_899] {strides = array<i32>} : memref<128x128xf32, #tpu.memory_space<vmem>>, vector<1x16xf32>,
        %get3A_901 = vector.shape_cast %get3A_900 : vector<1x16xf32> to vector<16xf32>
        %min3A_902 = arith.minimumf %get3A_897, %get3A_901 : vector<16xf32>
        %swap3A_903 = arith.index_cast %select_n3A_837 : i32 to index
        %swap3A_904 = arith.constant 64 : index
        %swap3A_905 = tpu.vector_load %arg11[%swap3A_903, %swap3A_904] {strides = array<i32>} : memref<321x128xf32, #tpu.memory_space<vmem>>, vector<1x16xf32>,
        %swap3A_906 = vector.shape_cast %swap3A_905 : vector<1x16xf32> to vector<16xf32>
        %swap3A_907 = vector.shape_cast %min3A_902 : vector<16xf32> to vector<1x16xf32>
        tpu.vector_store %arg11[%swap3A_903, %swap3A_904], %swap3A_907 {strides = array<i32>} : memref<321x128xf32, #tpu.memory_space<vmem>>, vector<1x16xf32>,
        %get3A_908 = arith.index_cast %select_n3A_837 : i32 to index
        %get3A_909 = arith.constant 80 : index
        %get3A_910 = tpu.vector_load %arg11[%get3A_908, %get3A_909] {strides = array<i32>} : memref<321x128xf32, #tpu.memory_space<vmem>>, vector<1x16xf32>,
        %get3A_911 = vector.shape_cast %get3A_910 : vector<1x16xf32> to vector<16xf32>
        %get3A_912 = arith.index_cast %add3A_827 : i32 to index
        %get3A_913 = arith.constant 80 : index
        %get3A_914 = tpu.vector_load %arg10[%get3A_912, %get3A_913] {strides = array<i32>} : memref<128x128xf32, #tpu.memory_space<vmem>>, vector<1x16xf32>,
        %get3A_915 = vector.shape_cast %get3A_914 : vector<1x16xf32> to vector<16xf32>
        %min3A_916 = arith.minimumf %get3A_911, %get3A_915 : vector<16xf32>
        %swap3A_917 = arith.index_cast %select_n3A_837 : i32 to index
        %swap3A_918 = arith.constant 80 : index
        %swap3A_919 = tpu.vector_load %arg11[%swap3A_917, %swap3A_918] {strides = array<i32>} : memref<321x128xf32, #tpu.memory_space<vmem>>, vector<1x16xf32>,
        %swap3A_920 = vector.shape_cast %swap3A_919 : vector<1x16xf32> to vector<16xf32>
        %swap3A_921 = vector.shape_cast %min3A_916 : vector<16xf32> to vector<1x16xf32>
        tpu.vector_store %arg11[%swap3A_917, %swap3A_918], %swap3A_921 {strides = array<i32>} : memref<321x128xf32, #tpu.memory_space<vmem>>, vector<1x16xf32>,
        %get3A_922 = arith.index_cast %select_n3A_837 : i32 to index
        %get3A_923 = arith.constant 96 : index
        %get3A_924 = tpu.vector_load %arg11[%get3A_922, %get3A_923] {strides = array<i32>} : memref<321x128xf32, #tpu.memory_space<vmem>>, vector<1x16xf32>,
        %get3A_925 = vector.shape_cast %get3A_924 : vector<1x16xf32> to vector<16xf32>
        %get3A_926 = arith.index_cast %add3A_827 : i32 to index
        %get3A_927 = arith.constant 96 : index
        %get3A_928 = tpu.vector_load %arg10[%get3A_926, %get3A_927] {strides = array<i32>} : memref<128x128xf32, #tpu.memory_space<vmem>>, vector<1x16xf32>,
        %get3A_929 = vector.shape_cast %get3A_928 : vector<1x16xf32> to vector<16xf32>
        %min3A_930 = arith.minimumf %get3A_925, %get3A_929 : vector<16xf32>
        %swap3A_931 = arith.index_cast %select_n3A_837 : i32 to index
        %swap3A_932 = arith.constant 96 : index
        %swap3A_933 = tpu.vector_load %arg11[%swap3A_931, %swap3A_932] {strides = array<i32>} : memref<321x128xf32, #tpu.memory_space<vmem>>, vector<1x16xf32>,
        %swap3A_934 = vector.shape_cast %swap3A_933 : vector<1x16xf32> to vector<16xf32>
        %swap3A_935 = vector.shape_cast %min3A_930 : vector<16xf32> to vector<1x16xf32>
        tpu.vector_store %arg11[%swap3A_931, %swap3A_932], %swap3A_935 {strides = array<i32>} : memref<321x128xf32, #tpu.memory_space<vmem>>, vector<1x16xf32>,
        %get3A_936 = arith.index_cast %select_n3A_837 : i32 to index
        %get3A_937 = arith.constant 112 : index
        %get3A_938 = tpu.vector_load %arg11[%get3A_936, %get3A_937] {strides = array<i32>} : memref<321x128xf32, #tpu.memory_space<vmem>>, vector<1x16xf32>,
        %get3A_939 = vector.shape_cast %get3A_938 : vector<1x16xf32> to vector<16xf32>
        %get3A_940 = arith.index_cast %add3A_827 : i32 to index
        %get3A_941 = arith.constant 112 : index
        %get3A_942 = tpu.vector_load %arg10[%get3A_940, %get3A_941] {strides = array<i32>} : memref<128x128xf32, #tpu.memory_space<vmem>>, vector<1x16xf32>,
        %get3A_943 = vector.shape_cast %get3A_942 : vector<1x16xf32> to vector<16xf32>
        %min3A_944 = arith.minimumf %get3A_939, %get3A_943 : vector<16xf32>
        %swap3A_945 = arith.index_cast %select_n3A_837 : i32 to index
        %swap3A_946 = arith.constant 112 : index
        %swap3A_947 = tpu.vector_load %arg11[%swap3A_945, %swap3A_946] {strides = array<i32>} : memref<321x128xf32, #tpu.memory_space<vmem>>, vector<1x16xf32>,
        %swap3A_948 = vector.shape_cast %swap3A_947 : vector<1x16xf32> to vector<16xf32>
        %swap3A_949 = vector.shape_cast %min3A_944 : vector<16xf32> to vector<1x16xf32>
        tpu.vector_store %arg11[%swap3A_945, %swap3A_946], %swap3A_949 {strides = array<i32>} : memref<321x128xf32, #tpu.memory_space<vmem>>, vector<1x16xf32>,
        %mul3A_950 = arith.constant 16 : i32
        %mul3A_951 = arith.muli %scan3A_65, %mul3A_950 : i32
        %add3A_952 = arith.constant 7 : i32
        %add3A_953 = arith.addi %mul3A_951, %add3A_952 : i32
        %slice3A_954 = vector.extract_strided_slice %get3A_71 {offsets = [7], sizes = [1], strides = [1]} : vector<16xi32> to vector<1xi32>
        %squeeze3A_955 = vector.extract %slice3A_954[0] : i32 from vector<1xi32>
        %sub3A_956 = arith.subi %squeeze3A_955, %mul3A_2 : i32
        %ge3A_957 = arith.constant 0 : i32
        %ge3A_958 = arith.cmpi sge, %sub3A_956, %ge3A_957 : i32
        %lt3A_959 = arith.constant 320 : i32
        %lt3A_960 = arith.cmpi slt, %sub3A_956, %lt3A_959 : i32
        %and3A_961 = arith.andi %ge3A_958, %lt3A_960 : i1
        %jit3A_962 = arith.constant 320 : i32
        %select_n3A_963 = arith.select %and3A_961, %sub3A_956, %jit3A_962 : i32
        %get3A_964 = arith.index_cast %select_n3A_963 : i32 to index
        %get3A_965 = arith.constant 0 : index
        %get3A_966 = tpu.vector_load %arg11[%get3A_964, %get3A_965] {strides = array<i32>} : memref<321x128xf32, #tpu.memory_space<vmem>>, vector<1x16xf32>,
        %get3A_967 = vector.shape_cast %get3A_966 : vector<1x16xf32> to vector<16xf32>
        %get3A_968 = arith.index_cast %add3A_953 : i32 to index
        %get3A_969 = arith.constant 0 : index
        %get3A_970 = tpu.vector_load %arg10[%get3A_968, %get3A_969] {strides = array<i32>} : memref<128x128xf32, #tpu.memory_space<vmem>>, vector<1x16xf32>,
        %get3A_971 = vector.shape_cast %get3A_970 : vector<1x16xf32> to vector<16xf32>
        %min3A_972 = arith.minimumf %get3A_967, %get3A_971 : vector<16xf32>
        %swap3A_973 = arith.index_cast %select_n3A_963 : i32 to index
        %swap3A_974 = arith.constant 0 : index
        %swap3A_975 = tpu.vector_load %arg11[%swap3A_973, %swap3A_974] {strides = array<i32>} : memref<321x128xf32, #tpu.memory_space<vmem>>, vector<1x16xf32>,
        %swap3A_976 = vector.shape_cast %swap3A_975 : vector<1x16xf32> to vector<16xf32>
        %swap3A_977 = vector.shape_cast %min3A_972 : vector<16xf32> to vector<1x16xf32>
        tpu.vector_store %arg11[%swap3A_973, %swap3A_974], %swap3A_977 {strides = array<i32>} : memref<321x128xf32, #tpu.memory_space<vmem>>, vector<1x16xf32>,
        %get3A_978 = arith.index_cast %select_n3A_963 : i32 to index
        %get3A_979 = arith.constant 16 : index
        %get3A_980 = tpu.vector_load %arg11[%get3A_978, %get3A_979] {strides = array<i32>} : memref<321x128xf32, #tpu.memory_space<vmem>>, vector<1x16xf32>,
        %get3A_981 = vector.shape_cast %get3A_980 : vector<1x16xf32> to vector<16xf32>
        %get3A_982 = arith.index_cast %add3A_953 : i32 to index
        %get3A_983 = arith.constant 16 : index
        %get3A_984 = tpu.vector_load %arg10[%get3A_982, %get3A_983] {strides = array<i32>} : memref<128x128xf32, #tpu.memory_space<vmem>>, vector<1x16xf32>,
        %get3A_985 = vector.shape_cast %get3A_984 : vector<1x16xf32> to vector<16xf32>
        %min3A_986 = arith.minimumf %get3A_981, %get3A_985 : vector<16xf32>
        %swap3A_987 = arith.index_cast %select_n3A_963 : i32 to index
        %swap3A_988 = arith.constant 16 : index
        %swap3A_989 = tpu.vector_load %arg11[%swap3A_987, %swap3A_988] {strides = array<i32>} : memref<321x128xf32, #tpu.memory_space<vmem>>, vector<1x16xf32>,
        %swap3A_990 = vector.shape_cast %swap3A_989 : vector<1x16xf32> to vector<16xf32>
        %swap3A_991 = vector.shape_cast %min3A_986 : vector<16xf32> to vector<1x16xf32>
        tpu.vector_store %arg11[%swap3A_987, %swap3A_988], %swap3A_991 {strides = array<i32>} : memref<321x128xf32, #tpu.memory_space<vmem>>, vector<1x16xf32>,
        %get3A_992 = arith.index_cast %select_n3A_963 : i32 to index
        %get3A_993 = arith.constant 32 : index
        %get3A_994 = tpu.vector_load %arg11[%get3A_992, %get3A_993] {strides = array<i32>} : memref<321x128xf32, #tpu.memory_space<vmem>>, vector<1x16xf32>,
        %get3A_995 = vector.shape_cast %get3A_994 : vector<1x16xf32> to vector<16xf32>
        %get3A_996 = arith.index_cast %add3A_953 : i32 to index
        %get3A_997 = arith.constant 32 : index
        %get3A_998 = tpu.vector_load %arg10[%get3A_996, %get3A_997] {strides = array<i32>} : memref<128x128xf32, #tpu.memory_space<vmem>>, vector<1x16xf32>,
        %get3A_999 = vector.shape_cast %get3A_998 : vector<1x16xf32> to vector<16xf32>
        %min3A_1000 = arith.minimumf %get3A_995, %get3A_999 : vector<16xf32>
        %swap3A_1001 = arith.index_cast %select_n3A_963 : i32 to index
        %swap3A_1002 = arith.constant 32 : index
        %swap3A_1003 = tpu.vector_load %arg11[%swap3A_1001, %swap3A_1002] {strides = array<i32>} : memref<321x128xf32, #tpu.memory_space<vmem>>, vector<1x16xf32>,
        %swap3A_1004 = vector.shape_cast %swap3A_1003 : vector<1x16xf32> to vector<16xf32>
        %swap3A_1005 = vector.shape_cast %min3A_1000 : vector<16xf32> to vector<1x16xf32>
        tpu.vector_store %arg11[%swap3A_1001, %swap3A_1002], %swap3A_1005 {strides = array<i32>} : memref<321x128xf32, #tpu.memory_space<vmem>>, vector<1x16xf32>,
        %get3A_1006 = arith.index_cast %select_n3A_963 : i32 to index
        %get3A_1007 = arith.constant 48 : index
        %get3A_1008 = tpu.vector_load %arg11[%get3A_1006, %get3A_1007] {strides = array<i32>} : memref<321x128xf32, #tpu.memory_space<vmem>>, vector<1x16xf32>,
        %get3A_1009 = vector.shape_cast %get3A_1008 : vector<1x16xf32> to vector<16xf32>
        %get3A_1010 = arith.index_cast %add3A_953 : i32 to index
        %get3A_1011 = arith.constant 48 : index
        %get3A_1012 = tpu.vector_load %arg10[%get3A_1010, %get3A_1011] {strides = array<i32>} : memref<128x128xf32, #tpu.memory_space<vmem>>, vector<1x16xf32>,
        %get3A_1013 = vector.shape_cast %get3A_1012 : vector<1x16xf32> to vector<16xf32>
        %min3A_1014 = arith.minimumf %get3A_1009, %get3A_1013 : vector<16xf32>
        %swap3A_1015 = arith.index_cast %select_n3A_963 : i32 to index
        %swap3A_1016 = arith.constant 48 : index
        %swap3A_1017 = tpu.vector_load %arg11[%swap3A_1015, %swap3A_1016] {strides = array<i32>} : memref<321x128xf32, #tpu.memory_space<vmem>>, vector<1x16xf32>,
        %swap3A_1018 = vector.shape_cast %swap3A_1017 : vector<1x16xf32> to vector<16xf32>
        %swap3A_1019 = vector.shape_cast %min3A_1014 : vector<16xf32> to vector<1x16xf32>
        tpu.vector_store %arg11[%swap3A_1015, %swap3A_1016], %swap3A_1019 {strides = array<i32>} : memref<321x128xf32, #tpu.memory_space<vmem>>, vector<1x16xf32>,
        %get3A_1020 = arith.index_cast %select_n3A_963 : i32 to index
        %get3A_1021 = arith.constant 64 : index
        %get3A_1022 = tpu.vector_load %arg11[%get3A_1020, %get3A_1021] {strides = array<i32>} : memref<321x128xf32, #tpu.memory_space<vmem>>, vector<1x16xf32>,
        %get3A_1023 = vector.shape_cast %get3A_1022 : vector<1x16xf32> to vector<16xf32>
        %get3A_1024 = arith.index_cast %add3A_953 : i32 to index
        %get3A_1025 = arith.constant 64 : index
        %get3A_1026 = tpu.vector_load %arg10[%get3A_1024, %get3A_1025] {strides = array<i32>} : memref<128x128xf32, #tpu.memory_space<vmem>>, vector<1x16xf32>,
        %get3A_1027 = vector.shape_cast %get3A_1026 : vector<1x16xf32> to vector<16xf32>
        %min3A_1028 = arith.minimumf %get3A_1023, %get3A_1027 : vector<16xf32>
        %swap3A_1029 = arith.index_cast %select_n3A_963 : i32 to index
        %swap3A_1030 = arith.constant 64 : index
        %swap3A_1031 = tpu.vector_load %arg11[%swap3A_1029, %swap3A_1030] {strides = array<i32>} : memref<321x128xf32, #tpu.memory_space<vmem>>, vector<1x16xf32>,
        %swap3A_1032 = vector.shape_cast %swap3A_1031 : vector<1x16xf32> to vector<16xf32>
        %swap3A_1033 = vector.shape_cast %min3A_1028 : vector<16xf32> to vector<1x16xf32>
        tpu.vector_store %arg11[%swap3A_1029, %swap3A_1030], %swap3A_1033 {strides = array<i32>} : memref<321x128xf32, #tpu.memory_space<vmem>>, vector<1x16xf32>,
        %get3A_1034 = arith.index_cast %select_n3A_963 : i32 to index
        %get3A_1035 = arith.constant 80 : index
        %get3A_1036 = tpu.vector_load %arg11[%get3A_1034, %get3A_1035] {strides = array<i32>} : memref<321x128xf32, #tpu.memory_space<vmem>>, vector<1x16xf32>,
        %get3A_1037 = vector.shape_cast %get3A_1036 : vector<1x16xf32> to vector<16xf32>
        %get3A_1038 = arith.index_cast %add3A_953 : i32 to index
        %get3A_1039 = arith.constant 80 : index
        %get3A_1040 = tpu.vector_load %arg10[%get3A_1038, %get3A_1039] {strides = array<i32>} : memref<128x128xf32, #tpu.memory_space<vmem>>, vector<1x16xf32>,
        %get3A_1041 = vector.shape_cast %get3A_1040 : vector<1x16xf32> to vector<16xf32>
        %min3A_1042 = arith.minimumf %get3A_1037, %get3A_1041 : vector<16xf32>
        %swap3A_1043 = arith.index_cast %select_n3A_963 : i32 to index
        %swap3A_1044 = arith.constant 80 : index
        %swap3A_1045 = tpu.vector_load %arg11[%swap3A_1043, %swap3A_1044] {strides = array<i32>} : memref<321x128xf32, #tpu.memory_space<vmem>>, vector<1x16xf32>,
        %swap3A_1046 = vector.shape_cast %swap3A_1045 : vector<1x16xf32> to vector<16xf32>
        %swap3A_1047 = vector.shape_cast %min3A_1042 : vector<16xf32> to vector<1x16xf32>
        tpu.vector_store %arg11[%swap3A_1043, %swap3A_1044], %swap3A_1047 {strides = array<i32>} : memref<321x128xf32, #tpu.memory_space<vmem>>, vector<1x16xf32>,
        %get3A_1048 = arith.index_cast %select_n3A_963 : i32 to index
        %get3A_1049 = arith.constant 96 : index
        %get3A_1050 = tpu.vector_load %arg11[%get3A_1048, %get3A_1049] {strides = array<i32>} : memref<321x128xf32, #tpu.memory_space<vmem>>, vector<1x16xf32>,
        %get3A_1051 = vector.shape_cast %get3A_1050 : vector<1x16xf32> to vector<16xf32>
        %get3A_1052 = arith.index_cast %add3A_953 : i32 to index
        %get3A_1053 = arith.constant 96 : index
        %get3A_1054 = tpu.vector_load %arg10[%get3A_1052, %get3A_1053] {strides = array<i32>} : memref<128x128xf32, #tpu.memory_space<vmem>>, vector<1x16xf32>,
        %get3A_1055 = vector.shape_cast %get3A_1054 : vector<1x16xf32> to vector<16xf32>
        %min3A_1056 = arith.minimumf %get3A_1051, %get3A_1055 : vector<16xf32>
        %swap3A_1057 = arith.index_cast %select_n3A_963 : i32 to index
        %swap3A_1058 = arith.constant 96 : index
        %swap3A_1059 = tpu.vector_load %arg11[%swap3A_1057, %swap3A_1058] {strides = array<i32>} : memref<321x128xf32, #tpu.memory_space<vmem>>, vector<1x16xf32>,
        %swap3A_1060 = vector.shape_cast %swap3A_1059 : vector<1x16xf32> to vector<16xf32>
        %swap3A_1061 = vector.shape_cast %min3A_1056 : vector<16xf32> to vector<1x16xf32>
        tpu.vector_store %arg11[%swap3A_1057, %swap3A_1058], %swap3A_1061 {strides = array<i32>} : memref<321x128xf32, #tpu.memory_space<vmem>>, vector<1x16xf32>,
        %get3A_1062 = arith.index_cast %select_n3A_963 : i32 to index
        %get3A_1063 = arith.constant 112 : index
        %get3A_1064 = tpu.vector_load %arg11[%get3A_1062, %get3A_1063] {strides = array<i32>} : memref<321x128xf32, #tpu.memory_space<vmem>>, vector<1x16xf32>,
        %get3A_1065 = vector.shape_cast %get3A_1064 : vector<1x16xf32> to vector<16xf32>
        %get3A_1066 = arith.index_cast %add3A_953 : i32 to index
        %get3A_1067 = arith.constant 112 : index
        %get3A_1068 = tpu.vector_load %arg10[%get3A_1066, %get3A_1067] {strides = array<i32>} : memref<128x128xf32, #tpu.memory_space<vmem>>, vector<1x16xf32>,
        %get3A_1069 = vector.shape_cast %get3A_1068 : vector<1x16xf32> to vector<16xf32>
        %min3A_1070 = arith.minimumf %get3A_1065, %get3A_1069 : vector<16xf32>
        %swap3A_1071 = arith.index_cast %select_n3A_963 : i32 to index
        %swap3A_1072 = arith.constant 112 : index
        %swap3A_1073 = tpu.vector_load %arg11[%swap3A_1071, %swap3A_1072] {strides = array<i32>} : memref<321x128xf32, #tpu.memory_space<vmem>>, vector<1x16xf32>,
        %swap3A_1074 = vector.shape_cast %swap3A_1073 : vector<1x16xf32> to vector<16xf32>
        %swap3A_1075 = vector.shape_cast %min3A_1070 : vector<16xf32> to vector<1x16xf32>
        tpu.vector_store %arg11[%swap3A_1071, %swap3A_1072], %swap3A_1075 {strides = array<i32>} : memref<321x128xf32, #tpu.memory_space<vmem>>, vector<1x16xf32>,
        %mul3A_1076 = arith.constant 16 : i32
        %mul3A_1077 = arith.muli %scan3A_65, %mul3A_1076 : i32
        %add3A_1078 = arith.constant 8 : i32
        %add3A_1079 = arith.addi %mul3A_1077, %add3A_1078 : i32
        %slice3A_1080 = vector.extract_strided_slice %get3A_71 {offsets = [8], sizes = [1], strides = [1]} : vector<16xi32> to vector<1xi32>
        %squeeze3A_1081 = vector.extract %slice3A_1080[0] : i32 from vector<1xi32>
        %sub3A_1082 = arith.subi %squeeze3A_1081, %mul3A_2 : i32
        %ge3A_1083 = arith.constant 0 : i32
        %ge3A_1084 = arith.cmpi sge, %sub3A_1082, %ge3A_1083 : i32
        %lt3A_1085 = arith.constant 320 : i32
        %lt3A_1086 = arith.cmpi slt, %sub3A_1082, %lt3A_1085 : i32
        %and3A_1087 = arith.andi %ge3A_1084, %lt3A_1086 : i1
        %jit3A_1088 = arith.constant 320 : i32
        %select_n3A_1089 = arith.select %and3A_1087, %sub3A_1082, %jit3A_1088 : i32
        %get3A_1090 = arith.index_cast %select_n3A_1089 : i32 to index
        %get3A_1091 = arith.constant 0 : index
        %get3A_1092 = tpu.vector_load %arg11[%get3A_1090, %get3A_1091] {strides = array<i32>} : memref<321x128xf32, #tpu.memory_space<vmem>>, vector<1x16xf32>,
        %get3A_1093 = vector.shape_cast %get3A_1092 : vector<1x16xf32> to vector<16xf32>
        %get3A_1094 = arith.index_cast %add3A_1079 : i32 to index
        %get3A_1095 = arith.constant 0 : index
        %get3A_1096 = tpu.vector_load %arg10[%get3A_1094, %get3A_1095] {strides = array<i32>} : memref<128x128xf32, #tpu.memory_space<vmem>>, vector<1x16xf32>,
        %get3A_1097 = vector.shape_cast %get3A_1096 : vector<1x16xf32> to vector<16xf32>
        %min3A_1098 = arith.minimumf %get3A_1093, %get3A_1097 : vector<16xf32>
        %swap3A_1099 = arith.index_cast %select_n3A_1089 : i32 to index
        %swap3A_1100 = arith.constant 0 : index
        %swap3A_1101 = tpu.vector_load %arg11[%swap3A_1099, %swap3A_1100] {strides = array<i32>} : memref<321x128xf32, #tpu.memory_space<vmem>>, vector<1x16xf32>,
        %swap3A_1102 = vector.shape_cast %swap3A_1101 : vector<1x16xf32> to vector<16xf32>
        %swap3A_1103 = vector.shape_cast %min3A_1098 : vector<16xf32> to vector<1x16xf32>
        tpu.vector_store %arg11[%swap3A_1099, %swap3A_1100], %swap3A_1103 {strides = array<i32>} : memref<321x128xf32, #tpu.memory_space<vmem>>, vector<1x16xf32>,
        %get3A_1104 = arith.index_cast %select_n3A_1089 : i32 to index
        %get3A_1105 = arith.constant 16 : index
        %get3A_1106 = tpu.vector_load %arg11[%get3A_1104, %get3A_1105] {strides = array<i32>} : memref<321x128xf32, #tpu.memory_space<vmem>>, vector<1x16xf32>,
        %get3A_1107 = vector.shape_cast %get3A_1106 : vector<1x16xf32> to vector<16xf32>
        %get3A_1108 = arith.index_cast %add3A_1079 : i32 to index
        %get3A_1109 = arith.constant 16 : index
        %get3A_1110 = tpu.vector_load %arg10[%get3A_1108, %get3A_1109] {strides = array<i32>} : memref<128x128xf32, #tpu.memory_space<vmem>>, vector<1x16xf32>,
        %get3A_1111 = vector.shape_cast %get3A_1110 : vector<1x16xf32> to vector<16xf32>
        %min3A_1112 = arith.minimumf %get3A_1107, %get3A_1111 : vector<16xf32>
        %swap3A_1113 = arith.index_cast %select_n3A_1089 : i32 to index
        %swap3A_1114 = arith.constant 16 : index
        %swap3A_1115 = tpu.vector_load %arg11[%swap3A_1113, %swap3A_1114] {strides = array<i32>} : memref<321x128xf32, #tpu.memory_space<vmem>>, vector<1x16xf32>,
        %swap3A_1116 = vector.shape_cast %swap3A_1115 : vector<1x16xf32> to vector<16xf32>
        %swap3A_1117 = vector.shape_cast %min3A_1112 : vector<16xf32> to vector<1x16xf32>
        tpu.vector_store %arg11[%swap3A_1113, %swap3A_1114], %swap3A_1117 {strides = array<i32>} : memref<321x128xf32, #tpu.memory_space<vmem>>, vector<1x16xf32>,
        %get3A_1118 = arith.index_cast %select_n3A_1089 : i32 to index
        %get3A_1119 = arith.constant 32 : index
        %get3A_1120 = tpu.vector_load %arg11[%get3A_1118, %get3A_1119] {strides = array<i32>} : memref<321x128xf32, #tpu.memory_space<vmem>>, vector<1x16xf32>,
        %get3A_1121 = vector.shape_cast %get3A_1120 : vector<1x16xf32> to vector<16xf32>
        %get3A_1122 = arith.index_cast %add3A_1079 : i32 to index
        %get3A_1123 = arith.constant 32 : index
        %get3A_1124 = tpu.vector_load %arg10[%get3A_1122, %get3A_1123] {strides = array<i32>} : memref<128x128xf32, #tpu.memory_space<vmem>>, vector<1x16xf32>,
        %get3A_1125 = vector.shape_cast %get3A_1124 : vector<1x16xf32> to vector<16xf32>
        %min3A_1126 = arith.minimumf %get3A_1121, %get3A_1125 : vector<16xf32>
        %swap3A_1127 = arith.index_cast %select_n3A_1089 : i32 to index
        %swap3A_1128 = arith.constant 32 : index
        %swap3A_1129 = tpu.vector_load %arg11[%swap3A_1127, %swap3A_1128] {strides = array<i32>} : memref<321x128xf32, #tpu.memory_space<vmem>>, vector<1x16xf32>,
        %swap3A_1130 = vector.shape_cast %swap3A_1129 : vector<1x16xf32> to vector<16xf32>
        %swap3A_1131 = vector.shape_cast %min3A_1126 : vector<16xf32> to vector<1x16xf32>
        tpu.vector_store %arg11[%swap3A_1127, %swap3A_1128], %swap3A_1131 {strides = array<i32>} : memref<321x128xf32, #tpu.memory_space<vmem>>, vector<1x16xf32>,
        %get3A_1132 = arith.index_cast %select_n3A_1089 : i32 to index
        %get3A_1133 = arith.constant 48 : index
        %get3A_1134 = tpu.vector_load %arg11[%get3A_1132, %get3A_1133] {strides = array<i32>} : memref<321x128xf32, #tpu.memory_space<vmem>>, vector<1x16xf32>,
        %get3A_1135 = vector.shape_cast %get3A_1134 : vector<1x16xf32> to vector<16xf32>
        %get3A_1136 = arith.index_cast %add3A_1079 : i32 to index
        %get3A_1137 = arith.constant 48 : index
        %get3A_1138 = tpu.vector_load %arg10[%get3A_1136, %get3A_1137] {strides = array<i32>} : memref<128x128xf32, #tpu.memory_space<vmem>>, vector<1x16xf32>,
        %get3A_1139 = vector.shape_cast %get3A_1138 : vector<1x16xf32> to vector<16xf32>
        %min3A_1140 = arith.minimumf %get3A_1135, %get3A_1139 : vector<16xf32>
        %swap3A_1141 = arith.index_cast %select_n3A_1089 : i32 to index
        %swap3A_1142 = arith.constant 48 : index
        %swap3A_1143 = tpu.vector_load %arg11[%swap3A_1141, %swap3A_1142] {strides = array<i32>} : memref<321x128xf32, #tpu.memory_space<vmem>>, vector<1x16xf32>,
        %swap3A_1144 = vector.shape_cast %swap3A_1143 : vector<1x16xf32> to vector<16xf32>
        %swap3A_1145 = vector.shape_cast %min3A_1140 : vector<16xf32> to vector<1x16xf32>
        tpu.vector_store %arg11[%swap3A_1141, %swap3A_1142], %swap3A_1145 {strides = array<i32>} : memref<321x128xf32, #tpu.memory_space<vmem>>, vector<1x16xf32>,
        %get3A_1146 = arith.index_cast %select_n3A_1089 : i32 to index
        %get3A_1147 = arith.constant 64 : index
        %get3A_1148 = tpu.vector_load %arg11[%get3A_1146, %get3A_1147] {strides = array<i32>} : memref<321x128xf32, #tpu.memory_space<vmem>>, vector<1x16xf32>,
        %get3A_1149 = vector.shape_cast %get3A_1148 : vector<1x16xf32> to vector<16xf32>
        %get3A_1150 = arith.index_cast %add3A_1079 : i32 to index
        %get3A_1151 = arith.constant 64 : index
        %get3A_1152 = tpu.vector_load %arg10[%get3A_1150, %get3A_1151] {strides = array<i32>} : memref<128x128xf32, #tpu.memory_space<vmem>>, vector<1x16xf32>,
        %get3A_1153 = vector.shape_cast %get3A_1152 : vector<1x16xf32> to vector<16xf32>
        %min3A_1154 = arith.minimumf %get3A_1149, %get3A_1153 : vector<16xf32>
        %swap3A_1155 = arith.index_cast %select_n3A_1089 : i32 to index
        %swap3A_1156 = arith.constant 64 : index
        %swap3A_1157 = tpu.vector_load %arg11[%swap3A_1155, %swap3A_1156] {strides = array<i32>} : memref<321x128xf32, #tpu.memory_space<vmem>>, vector<1x16xf32>,
        %swap3A_1158 = vector.shape_cast %swap3A_1157 : vector<1x16xf32> to vector<16xf32>
        %swap3A_1159 = vector.shape_cast %min3A_1154 : vector<16xf32> to vector<1x16xf32>
        tpu.vector_store %arg11[%swap3A_1155, %swap3A_1156], %swap3A_1159 {strides = array<i32>} : memref<321x128xf32, #tpu.memory_space<vmem>>, vector<1x16xf32>,
        %get3A_1160 = arith.index_cast %select_n3A_1089 : i32 to index
        %get3A_1161 = arith.constant 80 : index
        %get3A_1162 = tpu.vector_load %arg11[%get3A_1160, %get3A_1161] {strides = array<i32>} : memref<321x128xf32, #tpu.memory_space<vmem>>, vector<1x16xf32>,
        %get3A_1163 = vector.shape_cast %get3A_1162 : vector<1x16xf32> to vector<16xf32>
        %get3A_1164 = arith.index_cast %add3A_1079 : i32 to index
        %get3A_1165 = arith.constant 80 : index
        %get3A_1166 = tpu.vector_load %arg10[%get3A_1164, %get3A_1165] {strides = array<i32>} : memref<128x128xf32, #tpu.memory_space<vmem>>, vector<1x16xf32>,
        %get3A_1167 = vector.shape_cast %get3A_1166 : vector<1x16xf32> to vector<16xf32>
        %min3A_1168 = arith.minimumf %get3A_1163, %get3A_1167 : vector<16xf32>
        %swap3A_1169 = arith.index_cast %select_n3A_1089 : i32 to index
        %swap3A_1170 = arith.constant 80 : index
        %swap3A_1171 = tpu.vector_load %arg11[%swap3A_1169, %swap3A_1170] {strides = array<i32>} : memref<321x128xf32, #tpu.memory_space<vmem>>, vector<1x16xf32>,
        %swap3A_1172 = vector.shape_cast %swap3A_1171 : vector<1x16xf32> to vector<16xf32>
        %swap3A_1173 = vector.shape_cast %min3A_1168 : vector<16xf32> to vector<1x16xf32>
        tpu.vector_store %arg11[%swap3A_1169, %swap3A_1170], %swap3A_1173 {strides = array<i32>} : memref<321x128xf32, #tpu.memory_space<vmem>>, vector<1x16xf32>,
        %get3A_1174 = arith.index_cast %select_n3A_1089 : i32 to index
        %get3A_1175 = arith.constant 96 : index
        %get3A_1176 = tpu.vector_load %arg11[%get3A_1174, %get3A_1175] {strides = array<i32>} : memref<321x128xf32, #tpu.memory_space<vmem>>, vector<1x16xf32>,
        %get3A_1177 = vector.shape_cast %get3A_1176 : vector<1x16xf32> to vector<16xf32>
        %get3A_1178 = arith.index_cast %add3A_1079 : i32 to index
        %get3A_1179 = arith.constant 96 : index
        %get3A_1180 = tpu.vector_load %arg10[%get3A_1178, %get3A_1179] {strides = array<i32>} : memref<128x128xf32, #tpu.memory_space<vmem>>, vector<1x16xf32>,
        %get3A_1181 = vector.shape_cast %get3A_1180 : vector<1x16xf32> to vector<16xf32>
        %min3A_1182 = arith.minimumf %get3A_1177, %get3A_1181 : vector<16xf32>
        %swap3A_1183 = arith.index_cast %select_n3A_1089 : i32 to index
        %swap3A_1184 = arith.constant 96 : index
        %swap3A_1185 = tpu.vector_load %arg11[%swap3A_1183, %swap3A_1184] {strides = array<i32>} : memref<321x128xf32, #tpu.memory_space<vmem>>, vector<1x16xf32>,
        %swap3A_1186 = vector.shape_cast %swap3A_1185 : vector<1x16xf32> to vector<16xf32>
        %swap3A_1187 = vector.shape_cast %min3A_1182 : vector<16xf32> to vector<1x16xf32>
        tpu.vector_store %arg11[%swap3A_1183, %swap3A_1184], %swap3A_1187 {strides = array<i32>} : memref<321x128xf32, #tpu.memory_space<vmem>>, vector<1x16xf32>,
        %get3A_1188 = arith.index_cast %select_n3A_1089 : i32 to index
        %get3A_1189 = arith.constant 112 : index
        %get3A_1190 = tpu.vector_load %arg11[%get3A_1188, %get3A_1189] {strides = array<i32>} : memref<321x128xf32, #tpu.memory_space<vmem>>, vector<1x16xf32>,
        %get3A_1191 = vector.shape_cast %get3A_1190 : vector<1x16xf32> to vector<16xf32>
        %get3A_1192 = arith.index_cast %add3A_1079 : i32 to index
        %get3A_1193 = arith.constant 112 : index
        %get3A_1194 = tpu.vector_load %arg10[%get3A_1192, %get3A_1193] {strides = array<i32>} : memref<128x128xf32, #tpu.memory_space<vmem>>, vector<1x16xf32>,
        %get3A_1195 = vector.shape_cast %get3A_1194 : vector<1x16xf32> to vector<16xf32>
        %min3A_1196 = arith.minimumf %get3A_1191, %get3A_1195 : vector<16xf32>
        %swap3A_1197 = arith.index_cast %select_n3A_1089 : i32 to index
        %swap3A_1198 = arith.constant 112 : index
        %swap3A_1199 = tpu.vector_load %arg11[%swap3A_1197, %swap3A_1198] {strides = array<i32>} : memref<321x128xf32, #tpu.memory_space<vmem>>, vector<1x16xf32>,
        %swap3A_1200 = vector.shape_cast %swap3A_1199 : vector<1x16xf32> to vector<16xf32>
        %swap3A_1201 = vector.shape_cast %min3A_1196 : vector<16xf32> to vector<1x16xf32>
        tpu.vector_store %arg11[%swap3A_1197, %swap3A_1198], %swap3A_1201 {strides = array<i32>} : memref<321x128xf32, #tpu.memory_space<vmem>>, vector<1x16xf32>,
        %mul3A_1202 = arith.constant 16 : i32
        %mul3A_1203 = arith.muli %scan3A_65, %mul3A_1202 : i32
        %add3A_1204 = arith.constant 9 : i32
        %add3A_1205 = arith.addi %mul3A_1203, %add3A_1204 : i32
        %slice3A_1206 = vector.extract_strided_slice %get3A_71 {offsets = [9], sizes = [1], strides = [1]} : vector<16xi32> to vector<1xi32>
        %squeeze3A_1207 = vector.extract %slice3A_1206[0] : i32 from vector<1xi32>
        %sub3A_1208 = arith.subi %squeeze3A_1207, %mul3A_2 : i32
        %ge3A_1209 = arith.constant 0 : i32
        %ge3A_1210 = arith.cmpi sge, %sub3A_1208, %ge3A_1209 : i32
        %lt3A_1211 = arith.constant 320 : i32
        %lt3A_1212 = arith.cmpi slt, %sub3A_1208, %lt3A_1211 : i32
        %and3A_1213 = arith.andi %ge3A_1210, %lt3A_1212 : i1
        %jit3A_1214 = arith.constant 320 : i32
        %select_n3A_1215 = arith.select %and3A_1213, %sub3A_1208, %jit3A_1214 : i32
        %get3A_1216 = arith.index_cast %select_n3A_1215 : i32 to index
        %get3A_1217 = arith.constant 0 : index
        %get3A_1218 = tpu.vector_load %arg11[%get3A_1216, %get3A_1217] {strides = array<i32>} : memref<321x128xf32, #tpu.memory_space<vmem>>, vector<1x16xf32>,
        %get3A_1219 = vector.shape_cast %get3A_1218 : vector<1x16xf32> to vector<16xf32>
        %get3A_1220 = arith.index_cast %add3A_1205 : i32 to index
        %get3A_1221 = arith.constant 0 : index
        %get3A_1222 = tpu.vector_load %arg10[%get3A_1220, %get3A_1221] {strides = array<i32>} : memref<128x128xf32, #tpu.memory_space<vmem>>, vector<1x16xf32>,
        %get3A_1223 = vector.shape_cast %get3A_1222 : vector<1x16xf32> to vector<16xf32>
        %min3A_1224 = arith.minimumf %get3A_1219, %get3A_1223 : vector<16xf32>
        %swap3A_1225 = arith.index_cast %select_n3A_1215 : i32 to index
        %swap3A_1226 = arith.constant 0 : index
        %swap3A_1227 = tpu.vector_load %arg11[%swap3A_1225, %swap3A_1226] {strides = array<i32>} : memref<321x128xf32, #tpu.memory_space<vmem>>, vector<1x16xf32>,
        %swap3A_1228 = vector.shape_cast %swap3A_1227 : vector<1x16xf32> to vector<16xf32>
        %swap3A_1229 = vector.shape_cast %min3A_1224 : vector<16xf32> to vector<1x16xf32>
        tpu.vector_store %arg11[%swap3A_1225, %swap3A_1226], %swap3A_1229 {strides = array<i32>} : memref<321x128xf32, #tpu.memory_space<vmem>>, vector<1x16xf32>,
        %get3A_1230 = arith.index_cast %select_n3A_1215 : i32 to index
        %get3A_1231 = arith.constant 16 : index
        %get3A_1232 = tpu.vector_load %arg11[%get3A_1230, %get3A_1231] {strides = array<i32>} : memref<321x128xf32, #tpu.memory_space<vmem>>, vector<1x16xf32>,
        %get3A_1233 = vector.shape_cast %get3A_1232 : vector<1x16xf32> to vector<16xf32>
        %get3A_1234 = arith.index_cast %add3A_1205 : i32 to index
        %get3A_1235 = arith.constant 16 : index
        %get3A_1236 = tpu.vector_load %arg10[%get3A_1234, %get3A_1235] {strides = array<i32>} : memref<128x128xf32, #tpu.memory_space<vmem>>, vector<1x16xf32>,
        %get3A_1237 = vector.shape_cast %get3A_1236 : vector<1x16xf32> to vector<16xf32>
        %min3A_1238 = arith.minimumf %get3A_1233, %get3A_1237 : vector<16xf32>
        %swap3A_1239 = arith.index_cast %select_n3A_1215 : i32 to index
        %swap3A_1240 = arith.constant 16 : index
        %swap3A_1241 = tpu.vector_load %arg11[%swap3A_1239, %swap3A_1240] {strides = array<i32>} : memref<321x128xf32, #tpu.memory_space<vmem>>, vector<1x16xf32>,
        %swap3A_1242 = vector.shape_cast %swap3A_1241 : vector<1x16xf32> to vector<16xf32>
        %swap3A_1243 = vector.shape_cast %min3A_1238 : vector<16xf32> to vector<1x16xf32>
        tpu.vector_store %arg11[%swap3A_1239, %swap3A_1240], %swap3A_1243 {strides = array<i32>} : memref<321x128xf32, #tpu.memory_space<vmem>>, vector<1x16xf32>,
        %get3A_1244 = arith.index_cast %select_n3A_1215 : i32 to index
        %get3A_1245 = arith.constant 32 : index
        %get3A_1246 = tpu.vector_load %arg11[%get3A_1244, %get3A_1245] {strides = array<i32>} : memref<321x128xf32, #tpu.memory_space<vmem>>, vector<1x16xf32>,
        %get3A_1247 = vector.shape_cast %get3A_1246 : vector<1x16xf32> to vector<16xf32>
        %get3A_1248 = arith.index_cast %add3A_1205 : i32 to index
        %get3A_1249 = arith.constant 32 : index
        %get3A_1250 = tpu.vector_load %arg10[%get3A_1248, %get3A_1249] {strides = array<i32>} : memref<128x128xf32, #tpu.memory_space<vmem>>, vector<1x16xf32>,
        %get3A_1251 = vector.shape_cast %get3A_1250 : vector<1x16xf32> to vector<16xf32>
        %min3A_1252 = arith.minimumf %get3A_1247, %get3A_1251 : vector<16xf32>
        %swap3A_1253 = arith.index_cast %select_n3A_1215 : i32 to index
        %swap3A_1254 = arith.constant 32 : index
        %swap3A_1255 = tpu.vector_load %arg11[%swap3A_1253, %swap3A_1254] {strides = array<i32>} : memref<321x128xf32, #tpu.memory_space<vmem>>, vector<1x16xf32>,
        %swap3A_1256 = vector.shape_cast %swap3A_1255 : vector<1x16xf32> to vector<16xf32>
        %swap3A_1257 = vector.shape_cast %min3A_1252 : vector<16xf32> to vector<1x16xf32>
        tpu.vector_store %arg11[%swap3A_1253, %swap3A_1254], %swap3A_1257 {strides = array<i32>} : memref<321x128xf32, #tpu.memory_space<vmem>>, vector<1x16xf32>,
        %get3A_1258 = arith.index_cast %select_n3A_1215 : i32 to index
        %get3A_1259 = arith.constant 48 : index
        %get3A_1260 = tpu.vector_load %arg11[%get3A_1258, %get3A_1259] {strides = array<i32>} : memref<321x128xf32, #tpu.memory_space<vmem>>, vector<1x16xf32>,
        %get3A_1261 = vector.shape_cast %get3A_1260 : vector<1x16xf32> to vector<16xf32>
        %get3A_1262 = arith.index_cast %add3A_1205 : i32 to index
        %get3A_1263 = arith.constant 48 : index
        %get3A_1264 = tpu.vector_load %arg10[%get3A_1262, %get3A_1263] {strides = array<i32>} : memref<128x128xf32, #tpu.memory_space<vmem>>, vector<1x16xf32>,
        %get3A_1265 = vector.shape_cast %get3A_1264 : vector<1x16xf32> to vector<16xf32>
        %min3A_1266 = arith.minimumf %get3A_1261, %get3A_1265 : vector<16xf32>
        %swap3A_1267 = arith.index_cast %select_n3A_1215 : i32 to index
        %swap3A_1268 = arith.constant 48 : index
        %swap3A_1269 = tpu.vector_load %arg11[%swap3A_1267, %swap3A_1268] {strides = array<i32>} : memref<321x128xf32, #tpu.memory_space<vmem>>, vector<1x16xf32>,
        %swap3A_1270 = vector.shape_cast %swap3A_1269 : vector<1x16xf32> to vector<16xf32>
        %swap3A_1271 = vector.shape_cast %min3A_1266 : vector<16xf32> to vector<1x16xf32>
        tpu.vector_store %arg11[%swap3A_1267, %swap3A_1268], %swap3A_1271 {strides = array<i32>} : memref<321x128xf32, #tpu.memory_space<vmem>>, vector<1x16xf32>,
        %get3A_1272 = arith.index_cast %select_n3A_1215 : i32 to index
        %get3A_1273 = arith.constant 64 : index
        %get3A_1274 = tpu.vector_load %arg11[%get3A_1272, %get3A_1273] {strides = array<i32>} : memref<321x128xf32, #tpu.memory_space<vmem>>, vector<1x16xf32>,
        %get3A_1275 = vector.shape_cast %get3A_1274 : vector<1x16xf32> to vector<16xf32>
        %get3A_1276 = arith.index_cast %add3A_1205 : i32 to index
        %get3A_1277 = arith.constant 64 : index
        %get3A_1278 = tpu.vector_load %arg10[%get3A_1276, %get3A_1277] {strides = array<i32>} : memref<128x128xf32, #tpu.memory_space<vmem>>, vector<1x16xf32>,
        %get3A_1279 = vector.shape_cast %get3A_1278 : vector<1x16xf32> to vector<16xf32>
        %min3A_1280 = arith.minimumf %get3A_1275, %get3A_1279 : vector<16xf32>
        %swap3A_1281 = arith.index_cast %select_n3A_1215 : i32 to index
        %swap3A_1282 = arith.constant 64 : index
        %swap3A_1283 = tpu.vector_load %arg11[%swap3A_1281, %swap3A_1282] {strides = array<i32>} : memref<321x128xf32, #tpu.memory_space<vmem>>, vector<1x16xf32>,
        %swap3A_1284 = vector.shape_cast %swap3A_1283 : vector<1x16xf32> to vector<16xf32>
        %swap3A_1285 = vector.shape_cast %min3A_1280 : vector<16xf32> to vector<1x16xf32>
        tpu.vector_store %arg11[%swap3A_1281, %swap3A_1282], %swap3A_1285 {strides = array<i32>} : memref<321x128xf32, #tpu.memory_space<vmem>>, vector<1x16xf32>,
        %get3A_1286 = arith.index_cast %select_n3A_1215 : i32 to index
        %get3A_1287 = arith.constant 80 : index
        %get3A_1288 = tpu.vector_load %arg11[%get3A_1286, %get3A_1287] {strides = array<i32>} : memref<321x128xf32, #tpu.memory_space<vmem>>, vector<1x16xf32>,
        %get3A_1289 = vector.shape_cast %get3A_1288 : vector<1x16xf32> to vector<16xf32>
        %get3A_1290 = arith.index_cast %add3A_1205 : i32 to index
        %get3A_1291 = arith.constant 80 : index
        %get3A_1292 = tpu.vector_load %arg10[%get3A_1290, %get3A_1291] {strides = array<i32>} : memref<128x128xf32, #tpu.memory_space<vmem>>, vector<1x16xf32>,
        %get3A_1293 = vector.shape_cast %get3A_1292 : vector<1x16xf32> to vector<16xf32>
        %min3A_1294 = arith.minimumf %get3A_1289, %get3A_1293 : vector<16xf32>
        %swap3A_1295 = arith.index_cast %select_n3A_1215 : i32 to index
        %swap3A_1296 = arith.constant 80 : index
        %swap3A_1297 = tpu.vector_load %arg11[%swap3A_1295, %swap3A_1296] {strides = array<i32>} : memref<321x128xf32, #tpu.memory_space<vmem>>, vector<1x16xf32>,
        %swap3A_1298 = vector.shape_cast %swap3A_1297 : vector<1x16xf32> to vector<16xf32>
        %swap3A_1299 = vector.shape_cast %min3A_1294 : vector<16xf32> to vector<1x16xf32>
        tpu.vector_store %arg11[%swap3A_1295, %swap3A_1296], %swap3A_1299 {strides = array<i32>} : memref<321x128xf32, #tpu.memory_space<vmem>>, vector<1x16xf32>,
        %get3A_1300 = arith.index_cast %select_n3A_1215 : i32 to index
        %get3A_1301 = arith.constant 96 : index
        %get3A_1302 = tpu.vector_load %arg11[%get3A_1300, %get3A_1301] {strides = array<i32>} : memref<321x128xf32, #tpu.memory_space<vmem>>, vector<1x16xf32>,
        %get3A_1303 = vector.shape_cast %get3A_1302 : vector<1x16xf32> to vector<16xf32>
        %get3A_1304 = arith.index_cast %add3A_1205 : i32 to index
        %get3A_1305 = arith.constant 96 : index
        %get3A_1306 = tpu.vector_load %arg10[%get3A_1304, %get3A_1305] {strides = array<i32>} : memref<128x128xf32, #tpu.memory_space<vmem>>, vector<1x16xf32>,
        %get3A_1307 = vector.shape_cast %get3A_1306 : vector<1x16xf32> to vector<16xf32>
        %min3A_1308 = arith.minimumf %get3A_1303, %get3A_1307 : vector<16xf32>
        %swap3A_1309 = arith.index_cast %select_n3A_1215 : i32 to index
        %swap3A_1310 = arith.constant 96 : index
        %swap3A_1311 = tpu.vector_load %arg11[%swap3A_1309, %swap3A_1310] {strides = array<i32>} : memref<321x128xf32, #tpu.memory_space<vmem>>, vector<1x16xf32>,
        %swap3A_1312 = vector.shape_cast %swap3A_1311 : vector<1x16xf32> to vector<16xf32>
        %swap3A_1313 = vector.shape_cast %min3A_1308 : vector<16xf32> to vector<1x16xf32>
        tpu.vector_store %arg11[%swap3A_1309, %swap3A_1310], %swap3A_1313 {strides = array<i32>} : memref<321x128xf32, #tpu.memory_space<vmem>>, vector<1x16xf32>,
        %get3A_1314 = arith.index_cast %select_n3A_1215 : i32 to index
        %get3A_1315 = arith.constant 112 : index
        %get3A_1316 = tpu.vector_load %arg11[%get3A_1314, %get3A_1315] {strides = array<i32>} : memref<321x128xf32, #tpu.memory_space<vmem>>, vector<1x16xf32>,
        %get3A_1317 = vector.shape_cast %get3A_1316 : vector<1x16xf32> to vector<16xf32>
        %get3A_1318 = arith.index_cast %add3A_1205 : i32 to index
        %get3A_1319 = arith.constant 112 : index
        %get3A_1320 = tpu.vector_load %arg10[%get3A_1318, %get3A_1319] {strides = array<i32>} : memref<128x128xf32, #tpu.memory_space<vmem>>, vector<1x16xf32>,
        %get3A_1321 = vector.shape_cast %get3A_1320 : vector<1x16xf32> to vector<16xf32>
        %min3A_1322 = arith.minimumf %get3A_1317, %get3A_1321 : vector<16xf32>
        %swap3A_1323 = arith.index_cast %select_n3A_1215 : i32 to index
        %swap3A_1324 = arith.constant 112 : index
        %swap3A_1325 = tpu.vector_load %arg11[%swap3A_1323, %swap3A_1324] {strides = array<i32>} : memref<321x128xf32, #tpu.memory_space<vmem>>, vector<1x16xf32>,
        %swap3A_1326 = vector.shape_cast %swap3A_1325 : vector<1x16xf32> to vector<16xf32>
        %swap3A_1327 = vector.shape_cast %min3A_1322 : vector<16xf32> to vector<1x16xf32>
        tpu.vector_store %arg11[%swap3A_1323, %swap3A_1324], %swap3A_1327 {strides = array<i32>} : memref<321x128xf32, #tpu.memory_space<vmem>>, vector<1x16xf32>,
        %mul3A_1328 = arith.constant 16 : i32
        %mul3A_1329 = arith.muli %scan3A_65, %mul3A_1328 : i32
        %add3A_1330 = arith.constant 10 : i32
        %add3A_1331 = arith.addi %mul3A_1329, %add3A_1330 : i32
        %slice3A_1332 = vector.extract_strided_slice %get3A_71 {offsets = [10], sizes = [1], strides = [1]} : vector<16xi32> to vector<1xi32>
        %squeeze3A_1333 = vector.extract %slice3A_1332[0] : i32 from vector<1xi32>
        %sub3A_1334 = arith.subi %squeeze3A_1333, %mul3A_2 : i32
        %ge3A_1335 = arith.constant 0 : i32
        %ge3A_1336 = arith.cmpi sge, %sub3A_1334, %ge3A_1335 : i32
        %lt3A_1337 = arith.constant 320 : i32
        %lt3A_1338 = arith.cmpi slt, %sub3A_1334, %lt3A_1337 : i32
        %and3A_1339 = arith.andi %ge3A_1336, %lt3A_1338 : i1
        %jit3A_1340 = arith.constant 320 : i32
        %select_n3A_1341 = arith.select %and3A_1339, %sub3A_1334, %jit3A_1340 : i32
        %get3A_1342 = arith.index_cast %select_n3A_1341 : i32 to index
        %get3A_1343 = arith.constant 0 : index
        %get3A_1344 = tpu.vector_load %arg11[%get3A_1342, %get3A_1343] {strides = array<i32>} : memref<321x128xf32, #tpu.memory_space<vmem>>, vector<1x16xf32>,
        %get3A_1345 = vector.shape_cast %get3A_1344 : vector<1x16xf32> to vector<16xf32>
        %get3A_1346 = arith.index_cast %add3A_1331 : i32 to index
        %get3A_1347 = arith.constant 0 : index
        %get3A_1348 = tpu.vector_load %arg10[%get3A_1346, %get3A_1347] {strides = array<i32>} : memref<128x128xf32, #tpu.memory_space<vmem>>, vector<1x16xf32>,
        %get3A_1349 = vector.shape_cast %get3A_1348 : vector<1x16xf32> to vector<16xf32>
        %min3A_1350 = arith.minimumf %get3A_1345, %get3A_1349 : vector<16xf32>
        %swap3A_1351 = arith.index_cast %select_n3A_1341 : i32 to index
        %swap3A_1352 = arith.constant 0 : index
        %swap3A_1353 = tpu.vector_load %arg11[%swap3A_1351, %swap3A_1352] {strides = array<i32>} : memref<321x128xf32, #tpu.memory_space<vmem>>, vector<1x16xf32>,
        %swap3A_1354 = vector.shape_cast %swap3A_1353 : vector<1x16xf32> to vector<16xf32>
        %swap3A_1355 = vector.shape_cast %min3A_1350 : vector<16xf32> to vector<1x16xf32>
        tpu.vector_store %arg11[%swap3A_1351, %swap3A_1352], %swap3A_1355 {strides = array<i32>} : memref<321x128xf32, #tpu.memory_space<vmem>>, vector<1x16xf32>,
        %get3A_1356 = arith.index_cast %select_n3A_1341 : i32 to index
        %get3A_1357 = arith.constant 16 : index
        %get3A_1358 = tpu.vector_load %arg11[%get3A_1356, %get3A_1357] {strides = array<i32>} : memref<321x128xf32, #tpu.memory_space<vmem>>, vector<1x16xf32>,
        %get3A_1359 = vector.shape_cast %get3A_1358 : vector<1x16xf32> to vector<16xf32>
        %get3A_1360 = arith.index_cast %add3A_1331 : i32 to index
        %get3A_1361 = arith.constant 16 : index
        %get3A_1362 = tpu.vector_load %arg10[%get3A_1360, %get3A_1361] {strides = array<i32>} : memref<128x128xf32, #tpu.memory_space<vmem>>, vector<1x16xf32>,
        %get3A_1363 = vector.shape_cast %get3A_1362 : vector<1x16xf32> to vector<16xf32>
        %min3A_1364 = arith.minimumf %get3A_1359, %get3A_1363 : vector<16xf32>
        %swap3A_1365 = arith.index_cast %select_n3A_1341 : i32 to index
        %swap3A_1366 = arith.constant 16 : index
        %swap3A_1367 = tpu.vector_load %arg11[%swap3A_1365, %swap3A_1366] {strides = array<i32>} : memref<321x128xf32, #tpu.memory_space<vmem>>, vector<1x16xf32>,
        %swap3A_1368 = vector.shape_cast %swap3A_1367 : vector<1x16xf32> to vector<16xf32>
        %swap3A_1369 = vector.shape_cast %min3A_1364 : vector<16xf32> to vector<1x16xf32>
        tpu.vector_store %arg11[%swap3A_1365, %swap3A_1366], %swap3A_1369 {strides = array<i32>} : memref<321x128xf32, #tpu.memory_space<vmem>>, vector<1x16xf32>,
        %get3A_1370 = arith.index_cast %select_n3A_1341 : i32 to index
        %get3A_1371 = arith.constant 32 : index
        %get3A_1372 = tpu.vector_load %arg11[%get3A_1370, %get3A_1371] {strides = array<i32>} : memref<321x128xf32, #tpu.memory_space<vmem>>, vector<1x16xf32>,
        %get3A_1373 = vector.shape_cast %get3A_1372 : vector<1x16xf32> to vector<16xf32>
        %get3A_1374 = arith.index_cast %add3A_1331 : i32 to index
        %get3A_1375 = arith.constant 32 : index
        %get3A_1376 = tpu.vector_load %arg10[%get3A_1374, %get3A_1375] {strides = array<i32>} : memref<128x128xf32, #tpu.memory_space<vmem>>, vector<1x16xf32>,
        %get3A_1377 = vector.shape_cast %get3A_1376 : vector<1x16xf32> to vector<16xf32>
        %min3A_1378 = arith.minimumf %get3A_1373, %get3A_1377 : vector<16xf32>
        %swap3A_1379 = arith.index_cast %select_n3A_1341 : i32 to index
        %swap3A_1380 = arith.constant 32 : index
        %swap3A_1381 = tpu.vector_load %arg11[%swap3A_1379, %swap3A_1380] {strides = array<i32>} : memref<321x128xf32, #tpu.memory_space<vmem>>, vector<1x16xf32>,
        %swap3A_1382 = vector.shape_cast %swap3A_1381 : vector<1x16xf32> to vector<16xf32>
        %swap3A_1383 = vector.shape_cast %min3A_1378 : vector<16xf32> to vector<1x16xf32>
        tpu.vector_store %arg11[%swap3A_1379, %swap3A_1380], %swap3A_1383 {strides = array<i32>} : memref<321x128xf32, #tpu.memory_space<vmem>>, vector<1x16xf32>,
        %get3A_1384 = arith.index_cast %select_n3A_1341 : i32 to index
        %get3A_1385 = arith.constant 48 : index
        %get3A_1386 = tpu.vector_load %arg11[%get3A_1384, %get3A_1385] {strides = array<i32>} : memref<321x128xf32, #tpu.memory_space<vmem>>, vector<1x16xf32>,
        %get3A_1387 = vector.shape_cast %get3A_1386 : vector<1x16xf32> to vector<16xf32>
        %get3A_1388 = arith.index_cast %add3A_1331 : i32 to index
        %get3A_1389 = arith.constant 48 : index
        %get3A_1390 = tpu.vector_load %arg10[%get3A_1388, %get3A_1389] {strides = array<i32>} : memref<128x128xf32, #tpu.memory_space<vmem>>, vector<1x16xf32>,
        %get3A_1391 = vector.shape_cast %get3A_1390 : vector<1x16xf32> to vector<16xf32>
        %min3A_1392 = arith.minimumf %get3A_1387, %get3A_1391 : vector<16xf32>
        %swap3A_1393 = arith.index_cast %select_n3A_1341 : i32 to index
        %swap3A_1394 = arith.constant 48 : index
        %swap3A_1395 = tpu.vector_load %arg11[%swap3A_1393, %swap3A_1394] {strides = array<i32>} : memref<321x128xf32, #tpu.memory_space<vmem>>, vector<1x16xf32>,
        %swap3A_1396 = vector.shape_cast %swap3A_1395 : vector<1x16xf32> to vector<16xf32>
        %swap3A_1397 = vector.shape_cast %min3A_1392 : vector<16xf32> to vector<1x16xf32>
        tpu.vector_store %arg11[%swap3A_1393, %swap3A_1394], %swap3A_1397 {strides = array<i32>} : memref<321x128xf32, #tpu.memory_space<vmem>>, vector<1x16xf32>,
        %get3A_1398 = arith.index_cast %select_n3A_1341 : i32 to index
        %get3A_1399 = arith.constant 64 : index
        %get3A_1400 = tpu.vector_load %arg11[%get3A_1398, %get3A_1399] {strides = array<i32>} : memref<321x128xf32, #tpu.memory_space<vmem>>, vector<1x16xf32>,
        %get3A_1401 = vector.shape_cast %get3A_1400 : vector<1x16xf32> to vector<16xf32>
        %get3A_1402 = arith.index_cast %add3A_1331 : i32 to index
        %get3A_1403 = arith.constant 64 : index
        %get3A_1404 = tpu.vector_load %arg10[%get3A_1402, %get3A_1403] {strides = array<i32>} : memref<128x128xf32, #tpu.memory_space<vmem>>, vector<1x16xf32>,
        %get3A_1405 = vector.shape_cast %get3A_1404 : vector<1x16xf32> to vector<16xf32>
        %min3A_1406 = arith.minimumf %get3A_1401, %get3A_1405 : vector<16xf32>
        %swap3A_1407 = arith.index_cast %select_n3A_1341 : i32 to index
        %swap3A_1408 = arith.constant 64 : index
        %swap3A_1409 = tpu.vector_load %arg11[%swap3A_1407, %swap3A_1408] {strides = array<i32>} : memref<321x128xf32, #tpu.memory_space<vmem>>, vector<1x16xf32>,
        %swap3A_1410 = vector.shape_cast %swap3A_1409 : vector<1x16xf32> to vector<16xf32>
        %swap3A_1411 = vector.shape_cast %min3A_1406 : vector<16xf32> to vector<1x16xf32>
        tpu.vector_store %arg11[%swap3A_1407, %swap3A_1408], %swap3A_1411 {strides = array<i32>} : memref<321x128xf32, #tpu.memory_space<vmem>>, vector<1x16xf32>,
        %get3A_1412 = arith.index_cast %select_n3A_1341 : i32 to index
        %get3A_1413 = arith.constant 80 : index
        %get3A_1414 = tpu.vector_load %arg11[%get3A_1412, %get3A_1413] {strides = array<i32>} : memref<321x128xf32, #tpu.memory_space<vmem>>, vector<1x16xf32>,
        %get3A_1415 = vector.shape_cast %get3A_1414 : vector<1x16xf32> to vector<16xf32>
        %get3A_1416 = arith.index_cast %add3A_1331 : i32 to index
        %get3A_1417 = arith.constant 80 : index
        %get3A_1418 = tpu.vector_load %arg10[%get3A_1416, %get3A_1417] {strides = array<i32>} : memref<128x128xf32, #tpu.memory_space<vmem>>, vector<1x16xf32>,
        %get3A_1419 = vector.shape_cast %get3A_1418 : vector<1x16xf32> to vector<16xf32>
        %min3A_1420 = arith.minimumf %get3A_1415, %get3A_1419 : vector<16xf32>
        %swap3A_1421 = arith.index_cast %select_n3A_1341 : i32 to index
        %swap3A_1422 = arith.constant 80 : index
        %swap3A_1423 = tpu.vector_load %arg11[%swap3A_1421, %swap3A_1422] {strides = array<i32>} : memref<321x128xf32, #tpu.memory_space<vmem>>, vector<1x16xf32>,
        %swap3A_1424 = vector.shape_cast %swap3A_1423 : vector<1x16xf32> to vector<16xf32>
        %swap3A_1425 = vector.shape_cast %min3A_1420 : vector<16xf32> to vector<1x16xf32>
        tpu.vector_store %arg11[%swap3A_1421, %swap3A_1422], %swap3A_1425 {strides = array<i32>} : memref<321x128xf32, #tpu.memory_space<vmem>>, vector<1x16xf32>,
        %get3A_1426 = arith.index_cast %select_n3A_1341 : i32 to index
        %get3A_1427 = arith.constant 96 : index
        %get3A_1428 = tpu.vector_load %arg11[%get3A_1426, %get3A_1427] {strides = array<i32>} : memref<321x128xf32, #tpu.memory_space<vmem>>, vector<1x16xf32>,
        %get3A_1429 = vector.shape_cast %get3A_1428 : vector<1x16xf32> to vector<16xf32>
        %get3A_1430 = arith.index_cast %add3A_1331 : i32 to index
        %get3A_1431 = arith.constant 96 : index
        %get3A_1432 = tpu.vector_load %arg10[%get3A_1430, %get3A_1431] {strides = array<i32>} : memref<128x128xf32, #tpu.memory_space<vmem>>, vector<1x16xf32>,
        %get3A_1433 = vector.shape_cast %get3A_1432 : vector<1x16xf32> to vector<16xf32>
        %min3A_1434 = arith.minimumf %get3A_1429, %get3A_1433 : vector<16xf32>
        %swap3A_1435 = arith.index_cast %select_n3A_1341 : i32 to index
        %swap3A_1436 = arith.constant 96 : index
        %swap3A_1437 = tpu.vector_load %arg11[%swap3A_1435, %swap3A_1436] {strides = array<i32>} : memref<321x128xf32, #tpu.memory_space<vmem>>, vector<1x16xf32>,
        %swap3A_1438 = vector.shape_cast %swap3A_1437 : vector<1x16xf32> to vector<16xf32>
        %swap3A_1439 = vector.shape_cast %min3A_1434 : vector<16xf32> to vector<1x16xf32>
        tpu.vector_store %arg11[%swap3A_1435, %swap3A_1436], %swap3A_1439 {strides = array<i32>} : memref<321x128xf32, #tpu.memory_space<vmem>>, vector<1x16xf32>,
        %get3A_1440 = arith.index_cast %select_n3A_1341 : i32 to index
        %get3A_1441 = arith.constant 112 : index
        %get3A_1442 = tpu.vector_load %arg11[%get3A_1440, %get3A_1441] {strides = array<i32>} : memref<321x128xf32, #tpu.memory_space<vmem>>, vector<1x16xf32>,
        %get3A_1443 = vector.shape_cast %get3A_1442 : vector<1x16xf32> to vector<16xf32>
        %get3A_1444 = arith.index_cast %add3A_1331 : i32 to index
        %get3A_1445 = arith.constant 112 : index
        %get3A_1446 = tpu.vector_load %arg10[%get3A_1444, %get3A_1445] {strides = array<i32>} : memref<128x128xf32, #tpu.memory_space<vmem>>, vector<1x16xf32>,
        %get3A_1447 = vector.shape_cast %get3A_1446 : vector<1x16xf32> to vector<16xf32>
        %min3A_1448 = arith.minimumf %get3A_1443, %get3A_1447 : vector<16xf32>
        %swap3A_1449 = arith.index_cast %select_n3A_1341 : i32 to index
        %swap3A_1450 = arith.constant 112 : index
        %swap3A_1451 = tpu.vector_load %arg11[%swap3A_1449, %swap3A_1450] {strides = array<i32>} : memref<321x128xf32, #tpu.memory_space<vmem>>, vector<1x16xf32>,
        %swap3A_1452 = vector.shape_cast %swap3A_1451 : vector<1x16xf32> to vector<16xf32>
        %swap3A_1453 = vector.shape_cast %min3A_1448 : vector<16xf32> to vector<1x16xf32>
        tpu.vector_store %arg11[%swap3A_1449, %swap3A_1450], %swap3A_1453 {strides = array<i32>} : memref<321x128xf32, #tpu.memory_space<vmem>>, vector<1x16xf32>,
        %mul3A_1454 = arith.constant 16 : i32
        %mul3A_1455 = arith.muli %scan3A_65, %mul3A_1454 : i32
        %add3A_1456 = arith.constant 11 : i32
        %add3A_1457 = arith.addi %mul3A_1455, %add3A_1456 : i32
        %slice3A_1458 = vector.extract_strided_slice %get3A_71 {offsets = [11], sizes = [1], strides = [1]} : vector<16xi32> to vector<1xi32>
        %squeeze3A_1459 = vector.extract %slice3A_1458[0] : i32 from vector<1xi32>
        %sub3A_1460 = arith.subi %squeeze3A_1459, %mul3A_2 : i32
        %ge3A_1461 = arith.constant 0 : i32
        %ge3A_1462 = arith.cmpi sge, %sub3A_1460, %ge3A_1461 : i32
        %lt3A_1463 = arith.constant 320 : i32
        %lt3A_1464 = arith.cmpi slt, %sub3A_1460, %lt3A_1463 : i32
        %and3A_1465 = arith.andi %ge3A_1462, %lt3A_1464 : i1
        %jit3A_1466 = arith.constant 320 : i32
        %select_n3A_1467 = arith.select %and3A_1465, %sub3A_1460, %jit3A_1466 : i32
        %get3A_1468 = arith.index_cast %select_n3A_1467 : i32 to index
        %get3A_1469 = arith.constant 0 : index
        %get3A_1470 = tpu.vector_load %arg11[%get3A_1468, %get3A_1469] {strides = array<i32>} : memref<321x128xf32, #tpu.memory_space<vmem>>, vector<1x16xf32>,
        %get3A_1471 = vector.shape_cast %get3A_1470 : vector<1x16xf32> to vector<16xf32>
        %get3A_1472 = arith.index_cast %add3A_1457 : i32 to index
        %get3A_1473 = arith.constant 0 : index
        %get3A_1474 = tpu.vector_load %arg10[%get3A_1472, %get3A_1473] {strides = array<i32>} : memref<128x128xf32, #tpu.memory_space<vmem>>, vector<1x16xf32>,
        %get3A_1475 = vector.shape_cast %get3A_1474 : vector<1x16xf32> to vector<16xf32>
        %min3A_1476 = arith.minimumf %get3A_1471, %get3A_1475 : vector<16xf32>
        %swap3A_1477 = arith.index_cast %select_n3A_1467 : i32 to index
        %swap3A_1478 = arith.constant 0 : index
        %swap3A_1479 = tpu.vector_load %arg11[%swap3A_1477, %swap3A_1478] {strides = array<i32>} : memref<321x128xf32, #tpu.memory_space<vmem>>, vector<1x16xf32>,
        %swap3A_1480 = vector.shape_cast %swap3A_1479 : vector<1x16xf32> to vector<16xf32>
        %swap3A_1481 = vector.shape_cast %min3A_1476 : vector<16xf32> to vector<1x16xf32>
        tpu.vector_store %arg11[%swap3A_1477, %swap3A_1478], %swap3A_1481 {strides = array<i32>} : memref<321x128xf32, #tpu.memory_space<vmem>>, vector<1x16xf32>,
        %get3A_1482 = arith.index_cast %select_n3A_1467 : i32 to index
        %get3A_1483 = arith.constant 16 : index
        %get3A_1484 = tpu.vector_load %arg11[%get3A_1482, %get3A_1483] {strides = array<i32>} : memref<321x128xf32, #tpu.memory_space<vmem>>, vector<1x16xf32>,
        %get3A_1485 = vector.shape_cast %get3A_1484 : vector<1x16xf32> to vector<16xf32>
        %get3A_1486 = arith.index_cast %add3A_1457 : i32 to index
        %get3A_1487 = arith.constant 16 : index
        %get3A_1488 = tpu.vector_load %arg10[%get3A_1486, %get3A_1487] {strides = array<i32>} : memref<128x128xf32, #tpu.memory_space<vmem>>, vector<1x16xf32>,
        %get3A_1489 = vector.shape_cast %get3A_1488 : vector<1x16xf32> to vector<16xf32>
        %min3A_1490 = arith.minimumf %get3A_1485, %get3A_1489 : vector<16xf32>
        %swap3A_1491 = arith.index_cast %select_n3A_1467 : i32 to index
        %swap3A_1492 = arith.constant 16 : index
        %swap3A_1493 = tpu.vector_load %arg11[%swap3A_1491, %swap3A_1492] {strides = array<i32>} : memref<321x128xf32, #tpu.memory_space<vmem>>, vector<1x16xf32>,
        %swap3A_1494 = vector.shape_cast %swap3A_1493 : vector<1x16xf32> to vector<16xf32>
        %swap3A_1495 = vector.shape_cast %min3A_1490 : vector<16xf32> to vector<1x16xf32>
        tpu.vector_store %arg11[%swap3A_1491, %swap3A_1492], %swap3A_1495 {strides = array<i32>} : memref<321x128xf32, #tpu.memory_space<vmem>>, vector<1x16xf32>,
        %get3A_1496 = arith.index_cast %select_n3A_1467 : i32 to index
        %get3A_1497 = arith.constant 32 : index
        %get3A_1498 = tpu.vector_load %arg11[%get3A_1496, %get3A_1497] {strides = array<i32>} : memref<321x128xf32, #tpu.memory_space<vmem>>, vector<1x16xf32>,
        %get3A_1499 = vector.shape_cast %get3A_1498 : vector<1x16xf32> to vector<16xf32>
        %get3A_1500 = arith.index_cast %add3A_1457 : i32 to index
        %get3A_1501 = arith.constant 32 : index
        %get3A_1502 = tpu.vector_load %arg10[%get3A_1500, %get3A_1501] {strides = array<i32>} : memref<128x128xf32, #tpu.memory_space<vmem>>, vector<1x16xf32>,
        %get3A_1503 = vector.shape_cast %get3A_1502 : vector<1x16xf32> to vector<16xf32>
        %min3A_1504 = arith.minimumf %get3A_1499, %get3A_1503 : vector<16xf32>
        %swap3A_1505 = arith.index_cast %select_n3A_1467 : i32 to index
        %swap3A_1506 = arith.constant 32 : index
        %swap3A_1507 = tpu.vector_load %arg11[%swap3A_1505, %swap3A_1506] {strides = array<i32>} : memref<321x128xf32, #tpu.memory_space<vmem>>, vector<1x16xf32>,
        %swap3A_1508 = vector.shape_cast %swap3A_1507 : vector<1x16xf32> to vector<16xf32>
        %swap3A_1509 = vector.shape_cast %min3A_1504 : vector<16xf32> to vector<1x16xf32>
        tpu.vector_store %arg11[%swap3A_1505, %swap3A_1506], %swap3A_1509 {strides = array<i32>} : memref<321x128xf32, #tpu.memory_space<vmem>>, vector<1x16xf32>,
        %get3A_1510 = arith.index_cast %select_n3A_1467 : i32 to index
        %get3A_1511 = arith.constant 48 : index
        %get3A_1512 = tpu.vector_load %arg11[%get3A_1510, %get3A_1511] {strides = array<i32>} : memref<321x128xf32, #tpu.memory_space<vmem>>, vector<1x16xf32>,
        %get3A_1513 = vector.shape_cast %get3A_1512 : vector<1x16xf32> to vector<16xf32>
        %get3A_1514 = arith.index_cast %add3A_1457 : i32 to index
        %get3A_1515 = arith.constant 48 : index
        %get3A_1516 = tpu.vector_load %arg10[%get3A_1514, %get3A_1515] {strides = array<i32>} : memref<128x128xf32, #tpu.memory_space<vmem>>, vector<1x16xf32>,
        %get3A_1517 = vector.shape_cast %get3A_1516 : vector<1x16xf32> to vector<16xf32>
        %min3A_1518 = arith.minimumf %get3A_1513, %get3A_1517 : vector<16xf32>
        %swap3A_1519 = arith.index_cast %select_n3A_1467 : i32 to index
        %swap3A_1520 = arith.constant 48 : index
        %swap3A_1521 = tpu.vector_load %arg11[%swap3A_1519, %swap3A_1520] {strides = array<i32>} : memref<321x128xf32, #tpu.memory_space<vmem>>, vector<1x16xf32>,
        %swap3A_1522 = vector.shape_cast %swap3A_1521 : vector<1x16xf32> to vector<16xf32>
        %swap3A_1523 = vector.shape_cast %min3A_1518 : vector<16xf32> to vector<1x16xf32>
        tpu.vector_store %arg11[%swap3A_1519, %swap3A_1520], %swap3A_1523 {strides = array<i32>} : memref<321x128xf32, #tpu.memory_space<vmem>>, vector<1x16xf32>,
        %get3A_1524 = arith.index_cast %select_n3A_1467 : i32 to index
        %get3A_1525 = arith.constant 64 : index
        %get3A_1526 = tpu.vector_load %arg11[%get3A_1524, %get3A_1525] {strides = array<i32>} : memref<321x128xf32, #tpu.memory_space<vmem>>, vector<1x16xf32>,
        %get3A_1527 = vector.shape_cast %get3A_1526 : vector<1x16xf32> to vector<16xf32>
        %get3A_1528 = arith.index_cast %add3A_1457 : i32 to index
        %get3A_1529 = arith.constant 64 : index
        %get3A_1530 = tpu.vector_load %arg10[%get3A_1528, %get3A_1529] {strides = array<i32>} : memref<128x128xf32, #tpu.memory_space<vmem>>, vector<1x16xf32>,
        %get3A_1531 = vector.shape_cast %get3A_1530 : vector<1x16xf32> to vector<16xf32>
        %min3A_1532 = arith.minimumf %get3A_1527, %get3A_1531 : vector<16xf32>
        %swap3A_1533 = arith.index_cast %select_n3A_1467 : i32 to index
        %swap3A_1534 = arith.constant 64 : index
        %swap3A_1535 = tpu.vector_load %arg11[%swap3A_1533, %swap3A_1534] {strides = array<i32>} : memref<321x128xf32, #tpu.memory_space<vmem>>, vector<1x16xf32>,
        %swap3A_1536 = vector.shape_cast %swap3A_1535 : vector<1x16xf32> to vector<16xf32>
        %swap3A_1537 = vector.shape_cast %min3A_1532 : vector<16xf32> to vector<1x16xf32>
        tpu.vector_store %arg11[%swap3A_1533, %swap3A_1534], %swap3A_1537 {strides = array<i32>} : memref<321x128xf32, #tpu.memory_space<vmem>>, vector<1x16xf32>,
        %get3A_1538 = arith.index_cast %select_n3A_1467 : i32 to index
        %get3A_1539 = arith.constant 80 : index
        %get3A_1540 = tpu.vector_load %arg11[%get3A_1538, %get3A_1539] {strides = array<i32>} : memref<321x128xf32, #tpu.memory_space<vmem>>, vector<1x16xf32>,
        %get3A_1541 = vector.shape_cast %get3A_1540 : vector<1x16xf32> to vector<16xf32>
        %get3A_1542 = arith.index_cast %add3A_1457 : i32 to index
        %get3A_1543 = arith.constant 80 : index
        %get3A_1544 = tpu.vector_load %arg10[%get3A_1542, %get3A_1543] {strides = array<i32>} : memref<128x128xf32, #tpu.memory_space<vmem>>, vector<1x16xf32>,
        %get3A_1545 = vector.shape_cast %get3A_1544 : vector<1x16xf32> to vector<16xf32>
        %min3A_1546 = arith.minimumf %get3A_1541, %get3A_1545 : vector<16xf32>
        %swap3A_1547 = arith.index_cast %select_n3A_1467 : i32 to index
        %swap3A_1548 = arith.constant 80 : index
        %swap3A_1549 = tpu.vector_load %arg11[%swap3A_1547, %swap3A_1548] {strides = array<i32>} : memref<321x128xf32, #tpu.memory_space<vmem>>, vector<1x16xf32>,
        %swap3A_1550 = vector.shape_cast %swap3A_1549 : vector<1x16xf32> to vector<16xf32>
        %swap3A_1551 = vector.shape_cast %min3A_1546 : vector<16xf32> to vector<1x16xf32>
        tpu.vector_store %arg11[%swap3A_1547, %swap3A_1548], %swap3A_1551 {strides = array<i32>} : memref<321x128xf32, #tpu.memory_space<vmem>>, vector<1x16xf32>,
        %get3A_1552 = arith.index_cast %select_n3A_1467 : i32 to index
        %get3A_1553 = arith.constant 96 : index
        %get3A_1554 = tpu.vector_load %arg11[%get3A_1552, %get3A_1553] {strides = array<i32>} : memref<321x128xf32, #tpu.memory_space<vmem>>, vector<1x16xf32>,
        %get3A_1555 = vector.shape_cast %get3A_1554 : vector<1x16xf32> to vector<16xf32>
        %get3A_1556 = arith.index_cast %add3A_1457 : i32 to index
        %get3A_1557 = arith.constant 96 : index
        %get3A_1558 = tpu.vector_load %arg10[%get3A_1556, %get3A_1557] {strides = array<i32>} : memref<128x128xf32, #tpu.memory_space<vmem>>, vector<1x16xf32>,
        %get3A_1559 = vector.shape_cast %get3A_1558 : vector<1x16xf32> to vector<16xf32>
        %min3A_1560 = arith.minimumf %get3A_1555, %get3A_1559 : vector<16xf32>
        %swap3A_1561 = arith.index_cast %select_n3A_1467 : i32 to index
        %swap3A_1562 = arith.constant 96 : index
        %swap3A_1563 = tpu.vector_load %arg11[%swap3A_1561, %swap3A_1562] {strides = array<i32>} : memref<321x128xf32, #tpu.memory_space<vmem>>, vector<1x16xf32>,
        %swap3A_1564 = vector.shape_cast %swap3A_1563 : vector<1x16xf32> to vector<16xf32>
        %swap3A_1565 = vector.shape_cast %min3A_1560 : vector<16xf32> to vector<1x16xf32>
        tpu.vector_store %arg11[%swap3A_1561, %swap3A_1562], %swap3A_1565 {strides = array<i32>} : memref<321x128xf32, #tpu.memory_space<vmem>>, vector<1x16xf32>,
        %get3A_1566 = arith.index_cast %select_n3A_1467 : i32 to index
        %get3A_1567 = arith.constant 112 : index
        %get3A_1568 = tpu.vector_load %arg11[%get3A_1566, %get3A_1567] {strides = array<i32>} : memref<321x128xf32, #tpu.memory_space<vmem>>, vector<1x16xf32>,
        %get3A_1569 = vector.shape_cast %get3A_1568 : vector<1x16xf32> to vector<16xf32>
        %get3A_1570 = arith.index_cast %add3A_1457 : i32 to index
        %get3A_1571 = arith.constant 112 : index
        %get3A_1572 = tpu.vector_load %arg10[%get3A_1570, %get3A_1571] {strides = array<i32>} : memref<128x128xf32, #tpu.memory_space<vmem>>, vector<1x16xf32>,
        %get3A_1573 = vector.shape_cast %get3A_1572 : vector<1x16xf32> to vector<16xf32>
        %min3A_1574 = arith.minimumf %get3A_1569, %get3A_1573 : vector<16xf32>
        %swap3A_1575 = arith.index_cast %select_n3A_1467 : i32 to index
        %swap3A_1576 = arith.constant 112 : index
        %swap3A_1577 = tpu.vector_load %arg11[%swap3A_1575, %swap3A_1576] {strides = array<i32>} : memref<321x128xf32, #tpu.memory_space<vmem>>, vector<1x16xf32>,
        %swap3A_1578 = vector.shape_cast %swap3A_1577 : vector<1x16xf32> to vector<16xf32>
        %swap3A_1579 = vector.shape_cast %min3A_1574 : vector<16xf32> to vector<1x16xf32>
        tpu.vector_store %arg11[%swap3A_1575, %swap3A_1576], %swap3A_1579 {strides = array<i32>} : memref<321x128xf32, #tpu.memory_space<vmem>>, vector<1x16xf32>,
        %mul3A_1580 = arith.constant 16 : i32
        %mul3A_1581 = arith.muli %scan3A_65, %mul3A_1580 : i32
        %add3A_1582 = arith.constant 12 : i32
        %add3A_1583 = arith.addi %mul3A_1581, %add3A_1582 : i32
        %slice3A_1584 = vector.extract_strided_slice %get3A_71 {offsets = [12], sizes = [1], strides = [1]} : vector<16xi32> to vector<1xi32>
        %squeeze3A_1585 = vector.extract %slice3A_1584[0] : i32 from vector<1xi32>
        %sub3A_1586 = arith.subi %squeeze3A_1585, %mul3A_2 : i32
        %ge3A_1587 = arith.constant 0 : i32
        %ge3A_1588 = arith.cmpi sge, %sub3A_1586, %ge3A_1587 : i32
        %lt3A_1589 = arith.constant 320 : i32
        %lt3A_1590 = arith.cmpi slt, %sub3A_1586, %lt3A_1589 : i32
        %and3A_1591 = arith.andi %ge3A_1588, %lt3A_1590 : i1
        %jit3A_1592 = arith.constant 320 : i32
        %select_n3A_1593 = arith.select %and3A_1591, %sub3A_1586, %jit3A_1592 : i32
        %get3A_1594 = arith.index_cast %select_n3A_1593 : i32 to index
        %get3A_1595 = arith.constant 0 : index
        %get3A_1596 = tpu.vector_load %arg11[%get3A_1594, %get3A_1595] {strides = array<i32>} : memref<321x128xf32, #tpu.memory_space<vmem>>, vector<1x16xf32>,
        %get3A_1597 = vector.shape_cast %get3A_1596 : vector<1x16xf32> to vector<16xf32>
        %get3A_1598 = arith.index_cast %add3A_1583 : i32 to index
        %get3A_1599 = arith.constant 0 : index
        %get3A_1600 = tpu.vector_load %arg10[%get3A_1598, %get3A_1599] {strides = array<i32>} : memref<128x128xf32, #tpu.memory_space<vmem>>, vector<1x16xf32>,
        %get3A_1601 = vector.shape_cast %get3A_1600 : vector<1x16xf32> to vector<16xf32>
        %min3A_1602 = arith.minimumf %get3A_1597, %get3A_1601 : vector<16xf32>
        %swap3A_1603 = arith.index_cast %select_n3A_1593 : i32 to index
        %swap3A_1604 = arith.constant 0 : index
        %swap3A_1605 = tpu.vector_load %arg11[%swap3A_1603, %swap3A_1604] {strides = array<i32>} : memref<321x128xf32, #tpu.memory_space<vmem>>, vector<1x16xf32>,
        %swap3A_1606 = vector.shape_cast %swap3A_1605 : vector<1x16xf32> to vector<16xf32>
        %swap3A_1607 = vector.shape_cast %min3A_1602 : vector<16xf32> to vector<1x16xf32>
        tpu.vector_store %arg11[%swap3A_1603, %swap3A_1604], %swap3A_1607 {strides = array<i32>} : memref<321x128xf32, #tpu.memory_space<vmem>>, vector<1x16xf32>,
        %get3A_1608 = arith.index_cast %select_n3A_1593 : i32 to index
        %get3A_1609 = arith.constant 16 : index
        %get3A_1610 = tpu.vector_load %arg11[%get3A_1608, %get3A_1609] {strides = array<i32>} : memref<321x128xf32, #tpu.memory_space<vmem>>, vector<1x16xf32>,
        %get3A_1611 = vector.shape_cast %get3A_1610 : vector<1x16xf32> to vector<16xf32>
        %get3A_1612 = arith.index_cast %add3A_1583 : i32 to index
        %get3A_1613 = arith.constant 16 : index
        %get3A_1614 = tpu.vector_load %arg10[%get3A_1612, %get3A_1613] {strides = array<i32>} : memref<128x128xf32, #tpu.memory_space<vmem>>, vector<1x16xf32>,
        %get3A_1615 = vector.shape_cast %get3A_1614 : vector<1x16xf32> to vector<16xf32>
        %min3A_1616 = arith.minimumf %get3A_1611, %get3A_1615 : vector<16xf32>
        %swap3A_1617 = arith.index_cast %select_n3A_1593 : i32 to index
        %swap3A_1618 = arith.constant 16 : index
        %swap3A_1619 = tpu.vector_load %arg11[%swap3A_1617, %swap3A_1618] {strides = array<i32>} : memref<321x128xf32, #tpu.memory_space<vmem>>, vector<1x16xf32>,
        %swap3A_1620 = vector.shape_cast %swap3A_1619 : vector<1x16xf32> to vector<16xf32>
        %swap3A_1621 = vector.shape_cast %min3A_1616 : vector<16xf32> to vector<1x16xf32>
        tpu.vector_store %arg11[%swap3A_1617, %swap3A_1618], %swap3A_1621 {strides = array<i32>} : memref<321x128xf32, #tpu.memory_space<vmem>>, vector<1x16xf32>,
        %get3A_1622 = arith.index_cast %select_n3A_1593 : i32 to index
        %get3A_1623 = arith.constant 32 : index
        %get3A_1624 = tpu.vector_load %arg11[%get3A_1622, %get3A_1623] {strides = array<i32>} : memref<321x128xf32, #tpu.memory_space<vmem>>, vector<1x16xf32>,
        %get3A_1625 = vector.shape_cast %get3A_1624 : vector<1x16xf32> to vector<16xf32>
        %get3A_1626 = arith.index_cast %add3A_1583 : i32 to index
        %get3A_1627 = arith.constant 32 : index
        %get3A_1628 = tpu.vector_load %arg10[%get3A_1626, %get3A_1627] {strides = array<i32>} : memref<128x128xf32, #tpu.memory_space<vmem>>, vector<1x16xf32>,
        %get3A_1629 = vector.shape_cast %get3A_1628 : vector<1x16xf32> to vector<16xf32>
        %min3A_1630 = arith.minimumf %get3A_1625, %get3A_1629 : vector<16xf32>
        %swap3A_1631 = arith.index_cast %select_n3A_1593 : i32 to index
        %swap3A_1632 = arith.constant 32 : index
        %swap3A_1633 = tpu.vector_load %arg11[%swap3A_1631, %swap3A_1632] {strides = array<i32>} : memref<321x128xf32, #tpu.memory_space<vmem>>, vector<1x16xf32>,
        %swap3A_1634 = vector.shape_cast %swap3A_1633 : vector<1x16xf32> to vector<16xf32>
        %swap3A_1635 = vector.shape_cast %min3A_1630 : vector<16xf32> to vector<1x16xf32>
        tpu.vector_store %arg11[%swap3A_1631, %swap3A_1632], %swap3A_1635 {strides = array<i32>} : memref<321x128xf32, #tpu.memory_space<vmem>>, vector<1x16xf32>,
        %get3A_1636 = arith.index_cast %select_n3A_1593 : i32 to index
        %get3A_1637 = arith.constant 48 : index
        %get3A_1638 = tpu.vector_load %arg11[%get3A_1636, %get3A_1637] {strides = array<i32>} : memref<321x128xf32, #tpu.memory_space<vmem>>, vector<1x16xf32>,
        %get3A_1639 = vector.shape_cast %get3A_1638 : vector<1x16xf32> to vector<16xf32>
        %get3A_1640 = arith.index_cast %add3A_1583 : i32 to index
        %get3A_1641 = arith.constant 48 : index
        %get3A_1642 = tpu.vector_load %arg10[%get3A_1640, %get3A_1641] {strides = array<i32>} : memref<128x128xf32, #tpu.memory_space<vmem>>, vector<1x16xf32>,
        %get3A_1643 = vector.shape_cast %get3A_1642 : vector<1x16xf32> to vector<16xf32>
        %min3A_1644 = arith.minimumf %get3A_1639, %get3A_1643 : vector<16xf32>
        %swap3A_1645 = arith.index_cast %select_n3A_1593 : i32 to index
        %swap3A_1646 = arith.constant 48 : index
        %swap3A_1647 = tpu.vector_load %arg11[%swap3A_1645, %swap3A_1646] {strides = array<i32>} : memref<321x128xf32, #tpu.memory_space<vmem>>, vector<1x16xf32>,
        %swap3A_1648 = vector.shape_cast %swap3A_1647 : vector<1x16xf32> to vector<16xf32>
        %swap3A_1649 = vector.shape_cast %min3A_1644 : vector<16xf32> to vector<1x16xf32>
        tpu.vector_store %arg11[%swap3A_1645, %swap3A_1646], %swap3A_1649 {strides = array<i32>} : memref<321x128xf32, #tpu.memory_space<vmem>>, vector<1x16xf32>,
        %get3A_1650 = arith.index_cast %select_n3A_1593 : i32 to index
        %get3A_1651 = arith.constant 64 : index
        %get3A_1652 = tpu.vector_load %arg11[%get3A_1650, %get3A_1651] {strides = array<i32>} : memref<321x128xf32, #tpu.memory_space<vmem>>, vector<1x16xf32>,
        %get3A_1653 = vector.shape_cast %get3A_1652 : vector<1x16xf32> to vector<16xf32>
        %get3A_1654 = arith.index_cast %add3A_1583 : i32 to index
        %get3A_1655 = arith.constant 64 : index
        %get3A_1656 = tpu.vector_load %arg10[%get3A_1654, %get3A_1655] {strides = array<i32>} : memref<128x128xf32, #tpu.memory_space<vmem>>, vector<1x16xf32>,
        %get3A_1657 = vector.shape_cast %get3A_1656 : vector<1x16xf32> to vector<16xf32>
        %min3A_1658 = arith.minimumf %get3A_1653, %get3A_1657 : vector<16xf32>
        %swap3A_1659 = arith.index_cast %select_n3A_1593 : i32 to index
        %swap3A_1660 = arith.constant 64 : index
        %swap3A_1661 = tpu.vector_load %arg11[%swap3A_1659, %swap3A_1660] {strides = array<i32>} : memref<321x128xf32, #tpu.memory_space<vmem>>, vector<1x16xf32>,
        %swap3A_1662 = vector.shape_cast %swap3A_1661 : vector<1x16xf32> to vector<16xf32>
        %swap3A_1663 = vector.shape_cast %min3A_1658 : vector<16xf32> to vector<1x16xf32>
        tpu.vector_store %arg11[%swap3A_1659, %swap3A_1660], %swap3A_1663 {strides = array<i32>} : memref<321x128xf32, #tpu.memory_space<vmem>>, vector<1x16xf32>,
        %get3A_1664 = arith.index_cast %select_n3A_1593 : i32 to index
        %get3A_1665 = arith.constant 80 : index
        %get3A_1666 = tpu.vector_load %arg11[%get3A_1664, %get3A_1665] {strides = array<i32>} : memref<321x128xf32, #tpu.memory_space<vmem>>, vector<1x16xf32>,
        %get3A_1667 = vector.shape_cast %get3A_1666 : vector<1x16xf32> to vector<16xf32>
        %get3A_1668 = arith.index_cast %add3A_1583 : i32 to index
        %get3A_1669 = arith.constant 80 : index
        %get3A_1670 = tpu.vector_load %arg10[%get3A_1668, %get3A_1669] {strides = array<i32>} : memref<128x128xf32, #tpu.memory_space<vmem>>, vector<1x16xf32>,
        %get3A_1671 = vector.shape_cast %get3A_1670 : vector<1x16xf32> to vector<16xf32>
        %min3A_1672 = arith.minimumf %get3A_1667, %get3A_1671 : vector<16xf32>
        %swap3A_1673 = arith.index_cast %select_n3A_1593 : i32 to index
        %swap3A_1674 = arith.constant 80 : index
        %swap3A_1675 = tpu.vector_load %arg11[%swap3A_1673, %swap3A_1674] {strides = array<i32>} : memref<321x128xf32, #tpu.memory_space<vmem>>, vector<1x16xf32>,
        %swap3A_1676 = vector.shape_cast %swap3A_1675 : vector<1x16xf32> to vector<16xf32>
        %swap3A_1677 = vector.shape_cast %min3A_1672 : vector<16xf32> to vector<1x16xf32>
        tpu.vector_store %arg11[%swap3A_1673, %swap3A_1674], %swap3A_1677 {strides = array<i32>} : memref<321x128xf32, #tpu.memory_space<vmem>>, vector<1x16xf32>,
        %get3A_1678 = arith.index_cast %select_n3A_1593 : i32 to index
        %get3A_1679 = arith.constant 96 : index
        %get3A_1680 = tpu.vector_load %arg11[%get3A_1678, %get3A_1679] {strides = array<i32>} : memref<321x128xf32, #tpu.memory_space<vmem>>, vector<1x16xf32>,
        %get3A_1681 = vector.shape_cast %get3A_1680 : vector<1x16xf32> to vector<16xf32>
        %get3A_1682 = arith.index_cast %add3A_1583 : i32 to index
        %get3A_1683 = arith.constant 96 : index
        %get3A_1684 = tpu.vector_load %arg10[%get3A_1682, %get3A_1683] {strides = array<i32>} : memref<128x128xf32, #tpu.memory_space<vmem>>, vector<1x16xf32>,
        %get3A_1685 = vector.shape_cast %get3A_1684 : vector<1x16xf32> to vector<16xf32>
        %min3A_1686 = arith.minimumf %get3A_1681, %get3A_1685 : vector<16xf32>
        %swap3A_1687 = arith.index_cast %select_n3A_1593 : i32 to index
        %swap3A_1688 = arith.constant 96 : index
        %swap3A_1689 = tpu.vector_load %arg11[%swap3A_1687, %swap3A_1688] {strides = array<i32>} : memref<321x128xf32, #tpu.memory_space<vmem>>, vector<1x16xf32>,
        %swap3A_1690 = vector.shape_cast %swap3A_1689 : vector<1x16xf32> to vector<16xf32>
        %swap3A_1691 = vector.shape_cast %min3A_1686 : vector<16xf32> to vector<1x16xf32>
        tpu.vector_store %arg11[%swap3A_1687, %swap3A_1688], %swap3A_1691 {strides = array<i32>} : memref<321x128xf32, #tpu.memory_space<vmem>>, vector<1x16xf32>,
        %get3A_1692 = arith.index_cast %select_n3A_1593 : i32 to index
        %get3A_1693 = arith.constant 112 : index
        %get3A_1694 = tpu.vector_load %arg11[%get3A_1692, %get3A_1693] {strides = array<i32>} : memref<321x128xf32, #tpu.memory_space<vmem>>, vector<1x16xf32>,
        %get3A_1695 = vector.shape_cast %get3A_1694 : vector<1x16xf32> to vector<16xf32>
        %get3A_1696 = arith.index_cast %add3A_1583 : i32 to index
        %get3A_1697 = arith.constant 112 : index
        %get3A_1698 = tpu.vector_load %arg10[%get3A_1696, %get3A_1697] {strides = array<i32>} : memref<128x128xf32, #tpu.memory_space<vmem>>, vector<1x16xf32>,
        %get3A_1699 = vector.shape_cast %get3A_1698 : vector<1x16xf32> to vector<16xf32>
        %min3A_1700 = arith.minimumf %get3A_1695, %get3A_1699 : vector<16xf32>
        %swap3A_1701 = arith.index_cast %select_n3A_1593 : i32 to index
        %swap3A_1702 = arith.constant 112 : index
        %swap3A_1703 = tpu.vector_load %arg11[%swap3A_1701, %swap3A_1702] {strides = array<i32>} : memref<321x128xf32, #tpu.memory_space<vmem>>, vector<1x16xf32>,
        %swap3A_1704 = vector.shape_cast %swap3A_1703 : vector<1x16xf32> to vector<16xf32>
        %swap3A_1705 = vector.shape_cast %min3A_1700 : vector<16xf32> to vector<1x16xf32>
        tpu.vector_store %arg11[%swap3A_1701, %swap3A_1702], %swap3A_1705 {strides = array<i32>} : memref<321x128xf32, #tpu.memory_space<vmem>>, vector<1x16xf32>,
        %mul3A_1706 = arith.constant 16 : i32
        %mul3A_1707 = arith.muli %scan3A_65, %mul3A_1706 : i32
        %add3A_1708 = arith.constant 13 : i32
        %add3A_1709 = arith.addi %mul3A_1707, %add3A_1708 : i32
        %slice3A_1710 = vector.extract_strided_slice %get3A_71 {offsets = [13], sizes = [1], strides = [1]} : vector<16xi32> to vector<1xi32>
        %squeeze3A_1711 = vector.extract %slice3A_1710[0] : i32 from vector<1xi32>
        %sub3A_1712 = arith.subi %squeeze3A_1711, %mul3A_2 : i32
        %ge3A_1713 = arith.constant 0 : i32
        %ge3A_1714 = arith.cmpi sge, %sub3A_1712, %ge3A_1713 : i32
        %lt3A_1715 = arith.constant 320 : i32
        %lt3A_1716 = arith.cmpi slt, %sub3A_1712, %lt3A_1715 : i32
        %and3A_1717 = arith.andi %ge3A_1714, %lt3A_1716 : i1
        %jit3A_1718 = arith.constant 320 : i32
        %select_n3A_1719 = arith.select %and3A_1717, %sub3A_1712, %jit3A_1718 : i32
        %get3A_1720 = arith.index_cast %select_n3A_1719 : i32 to index
        %get3A_1721 = arith.constant 0 : index
        %get3A_1722 = tpu.vector_load %arg11[%get3A_1720, %get3A_1721] {strides = array<i32>} : memref<321x128xf32, #tpu.memory_space<vmem>>, vector<1x16xf32>,
        %get3A_1723 = vector.shape_cast %get3A_1722 : vector<1x16xf32> to vector<16xf32>
        %get3A_1724 = arith.index_cast %add3A_1709 : i32 to index
        %get3A_1725 = arith.constant 0 : index
        %get3A_1726 = tpu.vector_load %arg10[%get3A_1724, %get3A_1725] {strides = array<i32>} : memref<128x128xf32, #tpu.memory_space<vmem>>, vector<1x16xf32>,
        %get3A_1727 = vector.shape_cast %get3A_1726 : vector<1x16xf32> to vector<16xf32>
        %min3A_1728 = arith.minimumf %get3A_1723, %get3A_1727 : vector<16xf32>
        %swap3A_1729 = arith.index_cast %select_n3A_1719 : i32 to index
        %swap3A_1730 = arith.constant 0 : index
        %swap3A_1731 = tpu.vector_load %arg11[%swap3A_1729, %swap3A_1730] {strides = array<i32>} : memref<321x128xf32, #tpu.memory_space<vmem>>, vector<1x16xf32>,
        %swap3A_1732 = vector.shape_cast %swap3A_1731 : vector<1x16xf32> to vector<16xf32>
        %swap3A_1733 = vector.shape_cast %min3A_1728 : vector<16xf32> to vector<1x16xf32>
        tpu.vector_store %arg11[%swap3A_1729, %swap3A_1730], %swap3A_1733 {strides = array<i32>} : memref<321x128xf32, #tpu.memory_space<vmem>>, vector<1x16xf32>,
        %get3A_1734 = arith.index_cast %select_n3A_1719 : i32 to index
        %get3A_1735 = arith.constant 16 : index
        %get3A_1736 = tpu.vector_load %arg11[%get3A_1734, %get3A_1735] {strides = array<i32>} : memref<321x128xf32, #tpu.memory_space<vmem>>, vector<1x16xf32>,
        %get3A_1737 = vector.shape_cast %get3A_1736 : vector<1x16xf32> to vector<16xf32>
        %get3A_1738 = arith.index_cast %add3A_1709 : i32 to index
        %get3A_1739 = arith.constant 16 : index
        %get3A_1740 = tpu.vector_load %arg10[%get3A_1738, %get3A_1739] {strides = array<i32>} : memref<128x128xf32, #tpu.memory_space<vmem>>, vector<1x16xf32>,
        %get3A_1741 = vector.shape_cast %get3A_1740 : vector<1x16xf32> to vector<16xf32>
        %min3A_1742 = arith.minimumf %get3A_1737, %get3A_1741 : vector<16xf32>
        %swap3A_1743 = arith.index_cast %select_n3A_1719 : i32 to index
        %swap3A_1744 = arith.constant 16 : index
        %swap3A_1745 = tpu.vector_load %arg11[%swap3A_1743, %swap3A_1744] {strides = array<i32>} : memref<321x128xf32, #tpu.memory_space<vmem>>, vector<1x16xf32>,
        %swap3A_1746 = vector.shape_cast %swap3A_1745 : vector<1x16xf32> to vector<16xf32>
        %swap3A_1747 = vector.shape_cast %min3A_1742 : vector<16xf32> to vector<1x16xf32>
        tpu.vector_store %arg11[%swap3A_1743, %swap3A_1744], %swap3A_1747 {strides = array<i32>} : memref<321x128xf32, #tpu.memory_space<vmem>>, vector<1x16xf32>,
        %get3A_1748 = arith.index_cast %select_n3A_1719 : i32 to index
        %get3A_1749 = arith.constant 32 : index
        %get3A_1750 = tpu.vector_load %arg11[%get3A_1748, %get3A_1749] {strides = array<i32>} : memref<321x128xf32, #tpu.memory_space<vmem>>, vector<1x16xf32>,
        %get3A_1751 = vector.shape_cast %get3A_1750 : vector<1x16xf32> to vector<16xf32>
        %get3A_1752 = arith.index_cast %add3A_1709 : i32 to index
        %get3A_1753 = arith.constant 32 : index
        %get3A_1754 = tpu.vector_load %arg10[%get3A_1752, %get3A_1753] {strides = array<i32>} : memref<128x128xf32, #tpu.memory_space<vmem>>, vector<1x16xf32>,
        %get3A_1755 = vector.shape_cast %get3A_1754 : vector<1x16xf32> to vector<16xf32>
        %min3A_1756 = arith.minimumf %get3A_1751, %get3A_1755 : vector<16xf32>
        %swap3A_1757 = arith.index_cast %select_n3A_1719 : i32 to index
        %swap3A_1758 = arith.constant 32 : index
        %swap3A_1759 = tpu.vector_load %arg11[%swap3A_1757, %swap3A_1758] {strides = array<i32>} : memref<321x128xf32, #tpu.memory_space<vmem>>, vector<1x16xf32>,
        %swap3A_1760 = vector.shape_cast %swap3A_1759 : vector<1x16xf32> to vector<16xf32>
        %swap3A_1761 = vector.shape_cast %min3A_1756 : vector<16xf32> to vector<1x16xf32>
        tpu.vector_store %arg11[%swap3A_1757, %swap3A_1758], %swap3A_1761 {strides = array<i32>} : memref<321x128xf32, #tpu.memory_space<vmem>>, vector<1x16xf32>,
        %get3A_1762 = arith.index_cast %select_n3A_1719 : i32 to index
        %get3A_1763 = arith.constant 48 : index
        %get3A_1764 = tpu.vector_load %arg11[%get3A_1762, %get3A_1763] {strides = array<i32>} : memref<321x128xf32, #tpu.memory_space<vmem>>, vector<1x16xf32>,
        %get3A_1765 = vector.shape_cast %get3A_1764 : vector<1x16xf32> to vector<16xf32>
        %get3A_1766 = arith.index_cast %add3A_1709 : i32 to index
        %get3A_1767 = arith.constant 48 : index
        %get3A_1768 = tpu.vector_load %arg10[%get3A_1766, %get3A_1767] {strides = array<i32>} : memref<128x128xf32, #tpu.memory_space<vmem>>, vector<1x16xf32>,
        %get3A_1769 = vector.shape_cast %get3A_1768 : vector<1x16xf32> to vector<16xf32>
        %min3A_1770 = arith.minimumf %get3A_1765, %get3A_1769 : vector<16xf32>
        %swap3A_1771 = arith.index_cast %select_n3A_1719 : i32 to index
        %swap3A_1772 = arith.constant 48 : index
        %swap3A_1773 = tpu.vector_load %arg11[%swap3A_1771, %swap3A_1772] {strides = array<i32>} : memref<321x128xf32, #tpu.memory_space<vmem>>, vector<1x16xf32>,
        %swap3A_1774 = vector.shape_cast %swap3A_1773 : vector<1x16xf32> to vector<16xf32>
        %swap3A_1775 = vector.shape_cast %min3A_1770 : vector<16xf32> to vector<1x16xf32>
        tpu.vector_store %arg11[%swap3A_1771, %swap3A_1772], %swap3A_1775 {strides = array<i32>} : memref<321x128xf32, #tpu.memory_space<vmem>>, vector<1x16xf32>,
        %get3A_1776 = arith.index_cast %select_n3A_1719 : i32 to index
        %get3A_1777 = arith.constant 64 : index
        %get3A_1778 = tpu.vector_load %arg11[%get3A_1776, %get3A_1777] {strides = array<i32>} : memref<321x128xf32, #tpu.memory_space<vmem>>, vector<1x16xf32>,
        %get3A_1779 = vector.shape_cast %get3A_1778 : vector<1x16xf32> to vector<16xf32>
        %get3A_1780 = arith.index_cast %add3A_1709 : i32 to index
        %get3A_1781 = arith.constant 64 : index
        %get3A_1782 = tpu.vector_load %arg10[%get3A_1780, %get3A_1781] {strides = array<i32>} : memref<128x128xf32, #tpu.memory_space<vmem>>, vector<1x16xf32>,
        %get3A_1783 = vector.shape_cast %get3A_1782 : vector<1x16xf32> to vector<16xf32>
        %min3A_1784 = arith.minimumf %get3A_1779, %get3A_1783 : vector<16xf32>
        %swap3A_1785 = arith.index_cast %select_n3A_1719 : i32 to index
        %swap3A_1786 = arith.constant 64 : index
        %swap3A_1787 = tpu.vector_load %arg11[%swap3A_1785, %swap3A_1786] {strides = array<i32>} : memref<321x128xf32, #tpu.memory_space<vmem>>, vector<1x16xf32>,
        %swap3A_1788 = vector.shape_cast %swap3A_1787 : vector<1x16xf32> to vector<16xf32>
        %swap3A_1789 = vector.shape_cast %min3A_1784 : vector<16xf32> to vector<1x16xf32>
        tpu.vector_store %arg11[%swap3A_1785, %swap3A_1786], %swap3A_1789 {strides = array<i32>} : memref<321x128xf32, #tpu.memory_space<vmem>>, vector<1x16xf32>,
        %get3A_1790 = arith.index_cast %select_n3A_1719 : i32 to index
        %get3A_1791 = arith.constant 80 : index
        %get3A_1792 = tpu.vector_load %arg11[%get3A_1790, %get3A_1791] {strides = array<i32>} : memref<321x128xf32, #tpu.memory_space<vmem>>, vector<1x16xf32>,
        %get3A_1793 = vector.shape_cast %get3A_1792 : vector<1x16xf32> to vector<16xf32>
        %get3A_1794 = arith.index_cast %add3A_1709 : i32 to index
        %get3A_1795 = arith.constant 80 : index
        %get3A_1796 = tpu.vector_load %arg10[%get3A_1794, %get3A_1795] {strides = array<i32>} : memref<128x128xf32, #tpu.memory_space<vmem>>, vector<1x16xf32>,
        %get3A_1797 = vector.shape_cast %get3A_1796 : vector<1x16xf32> to vector<16xf32>
        %min3A_1798 = arith.minimumf %get3A_1793, %get3A_1797 : vector<16xf32>
        %swap3A_1799 = arith.index_cast %select_n3A_1719 : i32 to index
        %swap3A_1800 = arith.constant 80 : index
        %swap3A_1801 = tpu.vector_load %arg11[%swap3A_1799, %swap3A_1800] {strides = array<i32>} : memref<321x128xf32, #tpu.memory_space<vmem>>, vector<1x16xf32>,
        %swap3A_1802 = vector.shape_cast %swap3A_1801 : vector<1x16xf32> to vector<16xf32>
        %swap3A_1803 = vector.shape_cast %min3A_1798 : vector<16xf32> to vector<1x16xf32>
        tpu.vector_store %arg11[%swap3A_1799, %swap3A_1800], %swap3A_1803 {strides = array<i32>} : memref<321x128xf32, #tpu.memory_space<vmem>>, vector<1x16xf32>,
        %get3A_1804 = arith.index_cast %select_n3A_1719 : i32 to index
        %get3A_1805 = arith.constant 96 : index
        %get3A_1806 = tpu.vector_load %arg11[%get3A_1804, %get3A_1805] {strides = array<i32>} : memref<321x128xf32, #tpu.memory_space<vmem>>, vector<1x16xf32>,
        %get3A_1807 = vector.shape_cast %get3A_1806 : vector<1x16xf32> to vector<16xf32>
        %get3A_1808 = arith.index_cast %add3A_1709 : i32 to index
        %get3A_1809 = arith.constant 96 : index
        %get3A_1810 = tpu.vector_load %arg10[%get3A_1808, %get3A_1809] {strides = array<i32>} : memref<128x128xf32, #tpu.memory_space<vmem>>, vector<1x16xf32>,
        %get3A_1811 = vector.shape_cast %get3A_1810 : vector<1x16xf32> to vector<16xf32>
        %min3A_1812 = arith.minimumf %get3A_1807, %get3A_1811 : vector<16xf32>
        %swap3A_1813 = arith.index_cast %select_n3A_1719 : i32 to index
        %swap3A_1814 = arith.constant 96 : index
        %swap3A_1815 = tpu.vector_load %arg11[%swap3A_1813, %swap3A_1814] {strides = array<i32>} : memref<321x128xf32, #tpu.memory_space<vmem>>, vector<1x16xf32>,
        %swap3A_1816 = vector.shape_cast %swap3A_1815 : vector<1x16xf32> to vector<16xf32>
        %swap3A_1817 = vector.shape_cast %min3A_1812 : vector<16xf32> to vector<1x16xf32>
        tpu.vector_store %arg11[%swap3A_1813, %swap3A_1814], %swap3A_1817 {strides = array<i32>} : memref<321x128xf32, #tpu.memory_space<vmem>>, vector<1x16xf32>,
        %get3A_1818 = arith.index_cast %select_n3A_1719 : i32 to index
        %get3A_1819 = arith.constant 112 : index
        %get3A_1820 = tpu.vector_load %arg11[%get3A_1818, %get3A_1819] {strides = array<i32>} : memref<321x128xf32, #tpu.memory_space<vmem>>, vector<1x16xf32>,
        %get3A_1821 = vector.shape_cast %get3A_1820 : vector<1x16xf32> to vector<16xf32>
        %get3A_1822 = arith.index_cast %add3A_1709 : i32 to index
        %get3A_1823 = arith.constant 112 : index
        %get3A_1824 = tpu.vector_load %arg10[%get3A_1822, %get3A_1823] {strides = array<i32>} : memref<128x128xf32, #tpu.memory_space<vmem>>, vector<1x16xf32>,
        %get3A_1825 = vector.shape_cast %get3A_1824 : vector<1x16xf32> to vector<16xf32>
        %min3A_1826 = arith.minimumf %get3A_1821, %get3A_1825 : vector<16xf32>
        %swap3A_1827 = arith.index_cast %select_n3A_1719 : i32 to index
        %swap3A_1828 = arith.constant 112 : index
        %swap3A_1829 = tpu.vector_load %arg11[%swap3A_1827, %swap3A_1828] {strides = array<i32>} : memref<321x128xf32, #tpu.memory_space<vmem>>, vector<1x16xf32>,
        %swap3A_1830 = vector.shape_cast %swap3A_1829 : vector<1x16xf32> to vector<16xf32>
        %swap3A_1831 = vector.shape_cast %min3A_1826 : vector<16xf32> to vector<1x16xf32>
        tpu.vector_store %arg11[%swap3A_1827, %swap3A_1828], %swap3A_1831 {strides = array<i32>} : memref<321x128xf32, #tpu.memory_space<vmem>>, vector<1x16xf32>,
        %mul3A_1832 = arith.constant 16 : i32
        %mul3A_1833 = arith.muli %scan3A_65, %mul3A_1832 : i32
        %add3A_1834 = arith.constant 14 : i32
        %add3A_1835 = arith.addi %mul3A_1833, %add3A_1834 : i32
        %slice3A_1836 = vector.extract_strided_slice %get3A_71 {offsets = [14], sizes = [1], strides = [1]} : vector<16xi32> to vector<1xi32>
        %squeeze3A_1837 = vector.extract %slice3A_1836[0] : i32 from vector<1xi32>
        %sub3A_1838 = arith.subi %squeeze3A_1837, %mul3A_2 : i32
        %ge3A_1839 = arith.constant 0 : i32
        %ge3A_1840 = arith.cmpi sge, %sub3A_1838, %ge3A_1839 : i32
        %lt3A_1841 = arith.constant 320 : i32
        %lt3A_1842 = arith.cmpi slt, %sub3A_1838, %lt3A_1841 : i32
        %and3A_1843 = arith.andi %ge3A_1840, %lt3A_1842 : i1
        %jit3A_1844 = arith.constant 320 : i32
        %select_n3A_1845 = arith.select %and3A_1843, %sub3A_1838, %jit3A_1844 : i32
        %get3A_1846 = arith.index_cast %select_n3A_1845 : i32 to index
        %get3A_1847 = arith.constant 0 : index
        %get3A_1848 = tpu.vector_load %arg11[%get3A_1846, %get3A_1847] {strides = array<i32>} : memref<321x128xf32, #tpu.memory_space<vmem>>, vector<1x16xf32>,
        %get3A_1849 = vector.shape_cast %get3A_1848 : vector<1x16xf32> to vector<16xf32>
        %get3A_1850 = arith.index_cast %add3A_1835 : i32 to index
        %get3A_1851 = arith.constant 0 : index
        %get3A_1852 = tpu.vector_load %arg10[%get3A_1850, %get3A_1851] {strides = array<i32>} : memref<128x128xf32, #tpu.memory_space<vmem>>, vector<1x16xf32>,
        %get3A_1853 = vector.shape_cast %get3A_1852 : vector<1x16xf32> to vector<16xf32>
        %min3A_1854 = arith.minimumf %get3A_1849, %get3A_1853 : vector<16xf32>
        %swap3A_1855 = arith.index_cast %select_n3A_1845 : i32 to index
        %swap3A_1856 = arith.constant 0 : index
        %swap3A_1857 = tpu.vector_load %arg11[%swap3A_1855, %swap3A_1856] {strides = array<i32>} : memref<321x128xf32, #tpu.memory_space<vmem>>, vector<1x16xf32>,
        %swap3A_1858 = vector.shape_cast %swap3A_1857 : vector<1x16xf32> to vector<16xf32>
        %swap3A_1859 = vector.shape_cast %min3A_1854 : vector<16xf32> to vector<1x16xf32>
        tpu.vector_store %arg11[%swap3A_1855, %swap3A_1856], %swap3A_1859 {strides = array<i32>} : memref<321x128xf32, #tpu.memory_space<vmem>>, vector<1x16xf32>,
        %get3A_1860 = arith.index_cast %select_n3A_1845 : i32 to index
        %get3A_1861 = arith.constant 16 : index
        %get3A_1862 = tpu.vector_load %arg11[%get3A_1860, %get3A_1861] {strides = array<i32>} : memref<321x128xf32, #tpu.memory_space<vmem>>, vector<1x16xf32>,
        %get3A_1863 = vector.shape_cast %get3A_1862 : vector<1x16xf32> to vector<16xf32>
        %get3A_1864 = arith.index_cast %add3A_1835 : i32 to index
        %get3A_1865 = arith.constant 16 : index
        %get3A_1866 = tpu.vector_load %arg10[%get3A_1864, %get3A_1865] {strides = array<i32>} : memref<128x128xf32, #tpu.memory_space<vmem>>, vector<1x16xf32>,
        %get3A_1867 = vector.shape_cast %get3A_1866 : vector<1x16xf32> to vector<16xf32>
        %min3A_1868 = arith.minimumf %get3A_1863, %get3A_1867 : vector<16xf32>
        %swap3A_1869 = arith.index_cast %select_n3A_1845 : i32 to index
        %swap3A_1870 = arith.constant 16 : index
        %swap3A_1871 = tpu.vector_load %arg11[%swap3A_1869, %swap3A_1870] {strides = array<i32>} : memref<321x128xf32, #tpu.memory_space<vmem>>, vector<1x16xf32>,
        %swap3A_1872 = vector.shape_cast %swap3A_1871 : vector<1x16xf32> to vector<16xf32>
        %swap3A_1873 = vector.shape_cast %min3A_1868 : vector<16xf32> to vector<1x16xf32>
        tpu.vector_store %arg11[%swap3A_1869, %swap3A_1870], %swap3A_1873 {strides = array<i32>} : memref<321x128xf32, #tpu.memory_space<vmem>>, vector<1x16xf32>,
        %get3A_1874 = arith.index_cast %select_n3A_1845 : i32 to index
        %get3A_1875 = arith.constant 32 : index
        %get3A_1876 = tpu.vector_load %arg11[%get3A_1874, %get3A_1875] {strides = array<i32>} : memref<321x128xf32, #tpu.memory_space<vmem>>, vector<1x16xf32>,
        %get3A_1877 = vector.shape_cast %get3A_1876 : vector<1x16xf32> to vector<16xf32>
        %get3A_1878 = arith.index_cast %add3A_1835 : i32 to index
        %get3A_1879 = arith.constant 32 : index
        %get3A_1880 = tpu.vector_load %arg10[%get3A_1878, %get3A_1879] {strides = array<i32>} : memref<128x128xf32, #tpu.memory_space<vmem>>, vector<1x16xf32>,
        %get3A_1881 = vector.shape_cast %get3A_1880 : vector<1x16xf32> to vector<16xf32>
        %min3A_1882 = arith.minimumf %get3A_1877, %get3A_1881 : vector<16xf32>
        %swap3A_1883 = arith.index_cast %select_n3A_1845 : i32 to index
        %swap3A_1884 = arith.constant 32 : index
        %swap3A_1885 = tpu.vector_load %arg11[%swap3A_1883, %swap3A_1884] {strides = array<i32>} : memref<321x128xf32, #tpu.memory_space<vmem>>, vector<1x16xf32>,
        %swap3A_1886 = vector.shape_cast %swap3A_1885 : vector<1x16xf32> to vector<16xf32>
        %swap3A_1887 = vector.shape_cast %min3A_1882 : vector<16xf32> to vector<1x16xf32>
        tpu.vector_store %arg11[%swap3A_1883, %swap3A_1884], %swap3A_1887 {strides = array<i32>} : memref<321x128xf32, #tpu.memory_space<vmem>>, vector<1x16xf32>,
        %get3A_1888 = arith.index_cast %select_n3A_1845 : i32 to index
        %get3A_1889 = arith.constant 48 : index
        %get3A_1890 = tpu.vector_load %arg11[%get3A_1888, %get3A_1889] {strides = array<i32>} : memref<321x128xf32, #tpu.memory_space<vmem>>, vector<1x16xf32>,
        %get3A_1891 = vector.shape_cast %get3A_1890 : vector<1x16xf32> to vector<16xf32>
        %get3A_1892 = arith.index_cast %add3A_1835 : i32 to index
        %get3A_1893 = arith.constant 48 : index
        %get3A_1894 = tpu.vector_load %arg10[%get3A_1892, %get3A_1893] {strides = array<i32>} : memref<128x128xf32, #tpu.memory_space<vmem>>, vector<1x16xf32>,
        %get3A_1895 = vector.shape_cast %get3A_1894 : vector<1x16xf32> to vector<16xf32>
        %min3A_1896 = arith.minimumf %get3A_1891, %get3A_1895 : vector<16xf32>
        %swap3A_1897 = arith.index_cast %select_n3A_1845 : i32 to index
        %swap3A_1898 = arith.constant 48 : index
        %swap3A_1899 = tpu.vector_load %arg11[%swap3A_1897, %swap3A_1898] {strides = array<i32>} : memref<321x128xf32, #tpu.memory_space<vmem>>, vector<1x16xf32>,
        %swap3A_1900 = vector.shape_cast %swap3A_1899 : vector<1x16xf32> to vector<16xf32>
        %swap3A_1901 = vector.shape_cast %min3A_1896 : vector<16xf32> to vector<1x16xf32>
        tpu.vector_store %arg11[%swap3A_1897, %swap3A_1898], %swap3A_1901 {strides = array<i32>} : memref<321x128xf32, #tpu.memory_space<vmem>>, vector<1x16xf32>,
        %get3A_1902 = arith.index_cast %select_n3A_1845 : i32 to index
        %get3A_1903 = arith.constant 64 : index
        %get3A_1904 = tpu.vector_load %arg11[%get3A_1902, %get3A_1903] {strides = array<i32>} : memref<321x128xf32, #tpu.memory_space<vmem>>, vector<1x16xf32>,
        %get3A_1905 = vector.shape_cast %get3A_1904 : vector<1x16xf32> to vector<16xf32>
        %get3A_1906 = arith.index_cast %add3A_1835 : i32 to index
        %get3A_1907 = arith.constant 64 : index
        %get3A_1908 = tpu.vector_load %arg10[%get3A_1906, %get3A_1907] {strides = array<i32>} : memref<128x128xf32, #tpu.memory_space<vmem>>, vector<1x16xf32>,
        %get3A_1909 = vector.shape_cast %get3A_1908 : vector<1x16xf32> to vector<16xf32>
        %min3A_1910 = arith.minimumf %get3A_1905, %get3A_1909 : vector<16xf32>
        %swap3A_1911 = arith.index_cast %select_n3A_1845 : i32 to index
        %swap3A_1912 = arith.constant 64 : index
        %swap3A_1913 = tpu.vector_load %arg11[%swap3A_1911, %swap3A_1912] {strides = array<i32>} : memref<321x128xf32, #tpu.memory_space<vmem>>, vector<1x16xf32>,
        %swap3A_1914 = vector.shape_cast %swap3A_1913 : vector<1x16xf32> to vector<16xf32>
        %swap3A_1915 = vector.shape_cast %min3A_1910 : vector<16xf32> to vector<1x16xf32>
        tpu.vector_store %arg11[%swap3A_1911, %swap3A_1912], %swap3A_1915 {strides = array<i32>} : memref<321x128xf32, #tpu.memory_space<vmem>>, vector<1x16xf32>,
        %get3A_1916 = arith.index_cast %select_n3A_1845 : i32 to index
        %get3A_1917 = arith.constant 80 : index
        %get3A_1918 = tpu.vector_load %arg11[%get3A_1916, %get3A_1917] {strides = array<i32>} : memref<321x128xf32, #tpu.memory_space<vmem>>, vector<1x16xf32>,
        %get3A_1919 = vector.shape_cast %get3A_1918 : vector<1x16xf32> to vector<16xf32>
        %get3A_1920 = arith.index_cast %add3A_1835 : i32 to index
        %get3A_1921 = arith.constant 80 : index
        %get3A_1922 = tpu.vector_load %arg10[%get3A_1920, %get3A_1921] {strides = array<i32>} : memref<128x128xf32, #tpu.memory_space<vmem>>, vector<1x16xf32>,
        %get3A_1923 = vector.shape_cast %get3A_1922 : vector<1x16xf32> to vector<16xf32>
        %min3A_1924 = arith.minimumf %get3A_1919, %get3A_1923 : vector<16xf32>
        %swap3A_1925 = arith.index_cast %select_n3A_1845 : i32 to index
        %swap3A_1926 = arith.constant 80 : index
        %swap3A_1927 = tpu.vector_load %arg11[%swap3A_1925, %swap3A_1926] {strides = array<i32>} : memref<321x128xf32, #tpu.memory_space<vmem>>, vector<1x16xf32>,
        %swap3A_1928 = vector.shape_cast %swap3A_1927 : vector<1x16xf32> to vector<16xf32>
        %swap3A_1929 = vector.shape_cast %min3A_1924 : vector<16xf32> to vector<1x16xf32>
        tpu.vector_store %arg11[%swap3A_1925, %swap3A_1926], %swap3A_1929 {strides = array<i32>} : memref<321x128xf32, #tpu.memory_space<vmem>>, vector<1x16xf32>,
        %get3A_1930 = arith.index_cast %select_n3A_1845 : i32 to index
        %get3A_1931 = arith.constant 96 : index
        %get3A_1932 = tpu.vector_load %arg11[%get3A_1930, %get3A_1931] {strides = array<i32>} : memref<321x128xf32, #tpu.memory_space<vmem>>, vector<1x16xf32>,
        %get3A_1933 = vector.shape_cast %get3A_1932 : vector<1x16xf32> to vector<16xf32>
        %get3A_1934 = arith.index_cast %add3A_1835 : i32 to index
        %get3A_1935 = arith.constant 96 : index
        %get3A_1936 = tpu.vector_load %arg10[%get3A_1934, %get3A_1935] {strides = array<i32>} : memref<128x128xf32, #tpu.memory_space<vmem>>, vector<1x16xf32>,
        %get3A_1937 = vector.shape_cast %get3A_1936 : vector<1x16xf32> to vector<16xf32>
        %min3A_1938 = arith.minimumf %get3A_1933, %get3A_1937 : vector<16xf32>
        %swap3A_1939 = arith.index_cast %select_n3A_1845 : i32 to index
        %swap3A_1940 = arith.constant 96 : index
        %swap3A_1941 = tpu.vector_load %arg11[%swap3A_1939, %swap3A_1940] {strides = array<i32>} : memref<321x128xf32, #tpu.memory_space<vmem>>, vector<1x16xf32>,
        %swap3A_1942 = vector.shape_cast %swap3A_1941 : vector<1x16xf32> to vector<16xf32>
        %swap3A_1943 = vector.shape_cast %min3A_1938 : vector<16xf32> to vector<1x16xf32>
        tpu.vector_store %arg11[%swap3A_1939, %swap3A_1940], %swap3A_1943 {strides = array<i32>} : memref<321x128xf32, #tpu.memory_space<vmem>>, vector<1x16xf32>,
        %get3A_1944 = arith.index_cast %select_n3A_1845 : i32 to index
        %get3A_1945 = arith.constant 112 : index
        %get3A_1946 = tpu.vector_load %arg11[%get3A_1944, %get3A_1945] {strides = array<i32>} : memref<321x128xf32, #tpu.memory_space<vmem>>, vector<1x16xf32>,
        %get3A_1947 = vector.shape_cast %get3A_1946 : vector<1x16xf32> to vector<16xf32>
        %get3A_1948 = arith.index_cast %add3A_1835 : i32 to index
        %get3A_1949 = arith.constant 112 : index
        %get3A_1950 = tpu.vector_load %arg10[%get3A_1948, %get3A_1949] {strides = array<i32>} : memref<128x128xf32, #tpu.memory_space<vmem>>, vector<1x16xf32>,
        %get3A_1951 = vector.shape_cast %get3A_1950 : vector<1x16xf32> to vector<16xf32>
        %min3A_1952 = arith.minimumf %get3A_1947, %get3A_1951 : vector<16xf32>
        %swap3A_1953 = arith.index_cast %select_n3A_1845 : i32 to index
        %swap3A_1954 = arith.constant 112 : index
        %swap3A_1955 = tpu.vector_load %arg11[%swap3A_1953, %swap3A_1954] {strides = array<i32>} : memref<321x128xf32, #tpu.memory_space<vmem>>, vector<1x16xf32>,
        %swap3A_1956 = vector.shape_cast %swap3A_1955 : vector<1x16xf32> to vector<16xf32>
        %swap3A_1957 = vector.shape_cast %min3A_1952 : vector<16xf32> to vector<1x16xf32>
        tpu.vector_store %arg11[%swap3A_1953, %swap3A_1954], %swap3A_1957 {strides = array<i32>} : memref<321x128xf32, #tpu.memory_space<vmem>>, vector<1x16xf32>,
        %mul3A_1958 = arith.constant 16 : i32
        %mul3A_1959 = arith.muli %scan3A_65, %mul3A_1958 : i32
        %add3A_1960 = arith.constant 15 : i32
        %add3A_1961 = arith.addi %mul3A_1959, %add3A_1960 : i32
        %slice3A_1962 = vector.extract_strided_slice %get3A_71 {offsets = [15], sizes = [1], strides = [1]} : vector<16xi32> to vector<1xi32>
        %squeeze3A_1963 = vector.extract %slice3A_1962[0] : i32 from vector<1xi32>
        %sub3A_1964 = arith.subi %squeeze3A_1963, %mul3A_2 : i32
        %ge3A_1965 = arith.constant 0 : i32
        %ge3A_1966 = arith.cmpi sge, %sub3A_1964, %ge3A_1965 : i32
        %lt3A_1967 = arith.constant 320 : i32
        %lt3A_1968 = arith.cmpi slt, %sub3A_1964, %lt3A_1967 : i32
        %and3A_1969 = arith.andi %ge3A_1966, %lt3A_1968 : i1
        %jit3A_1970 = arith.constant 320 : i32
        %select_n3A_1971 = arith.select %and3A_1969, %sub3A_1964, %jit3A_1970 : i32
        %get3A_1972 = arith.index_cast %select_n3A_1971 : i32 to index
        %get3A_1973 = arith.constant 0 : index
        %get3A_1974 = tpu.vector_load %arg11[%get3A_1972, %get3A_1973] {strides = array<i32>} : memref<321x128xf32, #tpu.memory_space<vmem>>, vector<1x16xf32>,
        %get3A_1975 = vector.shape_cast %get3A_1974 : vector<1x16xf32> to vector<16xf32>
        %get3A_1976 = arith.index_cast %add3A_1961 : i32 to index
        %get3A_1977 = arith.constant 0 : index
        %get3A_1978 = tpu.vector_load %arg10[%get3A_1976, %get3A_1977] {strides = array<i32>} : memref<128x128xf32, #tpu.memory_space<vmem>>, vector<1x16xf32>,
        %get3A_1979 = vector.shape_cast %get3A_1978 : vector<1x16xf32> to vector<16xf32>
        %min3A_1980 = arith.minimumf %get3A_1975, %get3A_1979 : vector<16xf32>
        %swap3A_1981 = arith.index_cast %select_n3A_1971 : i32 to index
        %swap3A_1982 = arith.constant 0 : index
        %swap3A_1983 = tpu.vector_load %arg11[%swap3A_1981, %swap3A_1982] {strides = array<i32>} : memref<321x128xf32, #tpu.memory_space<vmem>>, vector<1x16xf32>,
        %swap3A_1984 = vector.shape_cast %swap3A_1983 : vector<1x16xf32> to vector<16xf32>
        %swap3A_1985 = vector.shape_cast %min3A_1980 : vector<16xf32> to vector<1x16xf32>
        tpu.vector_store %arg11[%swap3A_1981, %swap3A_1982], %swap3A_1985 {strides = array<i32>} : memref<321x128xf32, #tpu.memory_space<vmem>>, vector<1x16xf32>,
        %get3A_1986 = arith.index_cast %select_n3A_1971 : i32 to index
        %get3A_1987 = arith.constant 16 : index
        %get3A_1988 = tpu.vector_load %arg11[%get3A_1986, %get3A_1987] {strides = array<i32>} : memref<321x128xf32, #tpu.memory_space<vmem>>, vector<1x16xf32>,
        %get3A_1989 = vector.shape_cast %get3A_1988 : vector<1x16xf32> to vector<16xf32>
        %get3A_1990 = arith.index_cast %add3A_1961 : i32 to index
        %get3A_1991 = arith.constant 16 : index
        %get3A_1992 = tpu.vector_load %arg10[%get3A_1990, %get3A_1991] {strides = array<i32>} : memref<128x128xf32, #tpu.memory_space<vmem>>, vector<1x16xf32>,
        %get3A_1993 = vector.shape_cast %get3A_1992 : vector<1x16xf32> to vector<16xf32>
        %min3A_1994 = arith.minimumf %get3A_1989, %get3A_1993 : vector<16xf32>
        %swap3A_1995 = arith.index_cast %select_n3A_1971 : i32 to index
        %swap3A_1996 = arith.constant 16 : index
        %swap3A_1997 = tpu.vector_load %arg11[%swap3A_1995, %swap3A_1996] {strides = array<i32>} : memref<321x128xf32, #tpu.memory_space<vmem>>, vector<1x16xf32>,
        %swap3A_1998 = vector.shape_cast %swap3A_1997 : vector<1x16xf32> to vector<16xf32>
        %swap3A_1999 = vector.shape_cast %min3A_1994 : vector<16xf32> to vector<1x16xf32>
        tpu.vector_store %arg11[%swap3A_1995, %swap3A_1996], %swap3A_1999 {strides = array<i32>} : memref<321x128xf32, #tpu.memory_space<vmem>>, vector<1x16xf32>,
        %get3A_2000 = arith.index_cast %select_n3A_1971 : i32 to index
        %get3A_2001 = arith.constant 32 : index
        %get3A_2002 = tpu.vector_load %arg11[%get3A_2000, %get3A_2001] {strides = array<i32>} : memref<321x128xf32, #tpu.memory_space<vmem>>, vector<1x16xf32>,
        %get3A_2003 = vector.shape_cast %get3A_2002 : vector<1x16xf32> to vector<16xf32>
        %get3A_2004 = arith.index_cast %add3A_1961 : i32 to index
        %get3A_2005 = arith.constant 32 : index
        %get3A_2006 = tpu.vector_load %arg10[%get3A_2004, %get3A_2005] {strides = array<i32>} : memref<128x128xf32, #tpu.memory_space<vmem>>, vector<1x16xf32>,
        %get3A_2007 = vector.shape_cast %get3A_2006 : vector<1x16xf32> to vector<16xf32>
        %min3A_2008 = arith.minimumf %get3A_2003, %get3A_2007 : vector<16xf32>
        %swap3A_2009 = arith.index_cast %select_n3A_1971 : i32 to index
        %swap3A_2010 = arith.constant 32 : index
        %swap3A_2011 = tpu.vector_load %arg11[%swap3A_2009, %swap3A_2010] {strides = array<i32>} : memref<321x128xf32, #tpu.memory_space<vmem>>, vector<1x16xf32>,
        %swap3A_2012 = vector.shape_cast %swap3A_2011 : vector<1x16xf32> to vector<16xf32>
        %swap3A_2013 = vector.shape_cast %min3A_2008 : vector<16xf32> to vector<1x16xf32>
        tpu.vector_store %arg11[%swap3A_2009, %swap3A_2010], %swap3A_2013 {strides = array<i32>} : memref<321x128xf32, #tpu.memory_space<vmem>>, vector<1x16xf32>,
        %get3A_2014 = arith.index_cast %select_n3A_1971 : i32 to index
        %get3A_2015 = arith.constant 48 : index
        %get3A_2016 = tpu.vector_load %arg11[%get3A_2014, %get3A_2015] {strides = array<i32>} : memref<321x128xf32, #tpu.memory_space<vmem>>, vector<1x16xf32>,
        %get3A_2017 = vector.shape_cast %get3A_2016 : vector<1x16xf32> to vector<16xf32>
        %get3A_2018 = arith.index_cast %add3A_1961 : i32 to index
        %get3A_2019 = arith.constant 48 : index
        %get3A_2020 = tpu.vector_load %arg10[%get3A_2018, %get3A_2019] {strides = array<i32>} : memref<128x128xf32, #tpu.memory_space<vmem>>, vector<1x16xf32>,
        %get3A_2021 = vector.shape_cast %get3A_2020 : vector<1x16xf32> to vector<16xf32>
        %min3A_2022 = arith.minimumf %get3A_2017, %get3A_2021 : vector<16xf32>
        %swap3A_2023 = arith.index_cast %select_n3A_1971 : i32 to index
        %swap3A_2024 = arith.constant 48 : index
        %swap3A_2025 = tpu.vector_load %arg11[%swap3A_2023, %swap3A_2024] {strides = array<i32>} : memref<321x128xf32, #tpu.memory_space<vmem>>, vector<1x16xf32>,
        %swap3A_2026 = vector.shape_cast %swap3A_2025 : vector<1x16xf32> to vector<16xf32>
        %swap3A_2027 = vector.shape_cast %min3A_2022 : vector<16xf32> to vector<1x16xf32>
        tpu.vector_store %arg11[%swap3A_2023, %swap3A_2024], %swap3A_2027 {strides = array<i32>} : memref<321x128xf32, #tpu.memory_space<vmem>>, vector<1x16xf32>,
        %get3A_2028 = arith.index_cast %select_n3A_1971 : i32 to index
        %get3A_2029 = arith.constant 64 : index
        %get3A_2030 = tpu.vector_load %arg11[%get3A_2028, %get3A_2029] {strides = array<i32>} : memref<321x128xf32, #tpu.memory_space<vmem>>, vector<1x16xf32>,
        %get3A_2031 = vector.shape_cast %get3A_2030 : vector<1x16xf32> to vector<16xf32>
        %get3A_2032 = arith.index_cast %add3A_1961 : i32 to index
        %get3A_2033 = arith.constant 64 : index
        %get3A_2034 = tpu.vector_load %arg10[%get3A_2032, %get3A_2033] {strides = array<i32>} : memref<128x128xf32, #tpu.memory_space<vmem>>, vector<1x16xf32>,
        %get3A_2035 = vector.shape_cast %get3A_2034 : vector<1x16xf32> to vector<16xf32>
        %min3A_2036 = arith.minimumf %get3A_2031, %get3A_2035 : vector<16xf32>
        %swap3A_2037 = arith.index_cast %select_n3A_1971 : i32 to index
        %swap3A_2038 = arith.constant 64 : index
        %swap3A_2039 = tpu.vector_load %arg11[%swap3A_2037, %swap3A_2038] {strides = array<i32>} : memref<321x128xf32, #tpu.memory_space<vmem>>, vector<1x16xf32>,
        %swap3A_2040 = vector.shape_cast %swap3A_2039 : vector<1x16xf32> to vector<16xf32>
        %swap3A_2041 = vector.shape_cast %min3A_2036 : vector<16xf32> to vector<1x16xf32>
        tpu.vector_store %arg11[%swap3A_2037, %swap3A_2038], %swap3A_2041 {strides = array<i32>} : memref<321x128xf32, #tpu.memory_space<vmem>>, vector<1x16xf32>,
        %get3A_2042 = arith.index_cast %select_n3A_1971 : i32 to index
        %get3A_2043 = arith.constant 80 : index
        %get3A_2044 = tpu.vector_load %arg11[%get3A_2042, %get3A_2043] {strides = array<i32>} : memref<321x128xf32, #tpu.memory_space<vmem>>, vector<1x16xf32>,
        %get3A_2045 = vector.shape_cast %get3A_2044 : vector<1x16xf32> to vector<16xf32>
        %get3A_2046 = arith.index_cast %add3A_1961 : i32 to index
        %get3A_2047 = arith.constant 80 : index
        %get3A_2048 = tpu.vector_load %arg10[%get3A_2046, %get3A_2047] {strides = array<i32>} : memref<128x128xf32, #tpu.memory_space<vmem>>, vector<1x16xf32>,
        %get3A_2049 = vector.shape_cast %get3A_2048 : vector<1x16xf32> to vector<16xf32>
        %min3A_2050 = arith.minimumf %get3A_2045, %get3A_2049 : vector<16xf32>
        %swap3A_2051 = arith.index_cast %select_n3A_1971 : i32 to index
        %swap3A_2052 = arith.constant 80 : index
        %swap3A_2053 = tpu.vector_load %arg11[%swap3A_2051, %swap3A_2052] {strides = array<i32>} : memref<321x128xf32, #tpu.memory_space<vmem>>, vector<1x16xf32>,
        %swap3A_2054 = vector.shape_cast %swap3A_2053 : vector<1x16xf32> to vector<16xf32>
        %swap3A_2055 = vector.shape_cast %min3A_2050 : vector<16xf32> to vector<1x16xf32>
        tpu.vector_store %arg11[%swap3A_2051, %swap3A_2052], %swap3A_2055 {strides = array<i32>} : memref<321x128xf32, #tpu.memory_space<vmem>>, vector<1x16xf32>,
        %get3A_2056 = arith.index_cast %select_n3A_1971 : i32 to index
        %get3A_2057 = arith.constant 96 : index
        %get3A_2058 = tpu.vector_load %arg11[%get3A_2056, %get3A_2057] {strides = array<i32>} : memref<321x128xf32, #tpu.memory_space<vmem>>, vector<1x16xf32>,
        %get3A_2059 = vector.shape_cast %get3A_2058 : vector<1x16xf32> to vector<16xf32>
        %get3A_2060 = arith.index_cast %add3A_1961 : i32 to index
        %get3A_2061 = arith.constant 96 : index
        %get3A_2062 = tpu.vector_load %arg10[%get3A_2060, %get3A_2061] {strides = array<i32>} : memref<128x128xf32, #tpu.memory_space<vmem>>, vector<1x16xf32>,
        %get3A_2063 = vector.shape_cast %get3A_2062 : vector<1x16xf32> to vector<16xf32>
        %min3A_2064 = arith.minimumf %get3A_2059, %get3A_2063 : vector<16xf32>
        %swap3A_2065 = arith.index_cast %select_n3A_1971 : i32 to index
        %swap3A_2066 = arith.constant 96 : index
        %swap3A_2067 = tpu.vector_load %arg11[%swap3A_2065, %swap3A_2066] {strides = array<i32>} : memref<321x128xf32, #tpu.memory_space<vmem>>, vector<1x16xf32>,
        %swap3A_2068 = vector.shape_cast %swap3A_2067 : vector<1x16xf32> to vector<16xf32>
        %swap3A_2069 = vector.shape_cast %min3A_2064 : vector<16xf32> to vector<1x16xf32>
        tpu.vector_store %arg11[%swap3A_2065, %swap3A_2066], %swap3A_2069 {strides = array<i32>} : memref<321x128xf32, #tpu.memory_space<vmem>>, vector<1x16xf32>,
        %get3A_2070 = arith.index_cast %select_n3A_1971 : i32 to index
        %get3A_2071 = arith.constant 112 : index
        %get3A_2072 = tpu.vector_load %arg11[%get3A_2070, %get3A_2071] {strides = array<i32>} : memref<321x128xf32, #tpu.memory_space<vmem>>, vector<1x16xf32>,
        %get3A_2073 = vector.shape_cast %get3A_2072 : vector<1x16xf32> to vector<16xf32>
        %get3A_2074 = arith.index_cast %add3A_1961 : i32 to index
        %get3A_2075 = arith.constant 112 : index
        %get3A_2076 = tpu.vector_load %arg10[%get3A_2074, %get3A_2075] {strides = array<i32>} : memref<128x128xf32, #tpu.memory_space<vmem>>, vector<1x16xf32>,
        %get3A_2077 = vector.shape_cast %get3A_2076 : vector<1x16xf32> to vector<16xf32>
        %min3A_2078 = arith.minimumf %get3A_2073, %get3A_2077 : vector<16xf32>
        %swap3A_2079 = arith.index_cast %select_n3A_1971 : i32 to index
        %swap3A_2080 = arith.constant 112 : index
        %swap3A_2081 = tpu.vector_load %arg11[%swap3A_2079, %swap3A_2080] {strides = array<i32>} : memref<321x128xf32, #tpu.memory_space<vmem>>, vector<1x16xf32>,
        %swap3A_2082 = vector.shape_cast %swap3A_2081 : vector<1x16xf32> to vector<16xf32>
        %swap3A_2083 = vector.shape_cast %min3A_2078 : vector<16xf32> to vector<1x16xf32>
        tpu.vector_store %arg11[%swap3A_2079, %swap3A_2080], %swap3A_2083 {strides = array<i32>} : memref<321x128xf32, #tpu.memory_space<vmem>>, vector<1x16xf32>,
        %scan3A_2084 = arith.constant 0 : i32
        scf.yield %scan3A_2084 : i32
      }
      %scan3A_63 = arith.constant 8 : i32
      %while3A_64 = arith.constant 0 : i32
      scf.yield %while3A_64 : i32
    }
    %while3A_46 = arith.constant 1 : i32
    %while3A_47 = scf.for %while3A_48 = %while3A_43 to %while3A_39 step %while3A_46 iter_args(%while3A_49 = %while3A_45) -> (i32)  : i32 {
      %mul3A_50 = arith.constant 128 : i32
      %mul3A_51 = arith.muli %while3A_48, %mul3A_50 : i32
      %add3A_52 = arith.addi %shift_left3A_8, %mul3A_51 : i32
      %multiple_of3A = tpu.assume_multiple %add3A_52, 8 : i32
      "tpu.region"() ({
        %run_scoped3A = tpu.sem_alloc : memref<!tpu.dma_semaphore, #tpu.memory_space<semaphore_mem>>
        %dma_start3A_65 = tpu.memref_slice %arg3[%multiple_of3A] : memref<160128xi32, #tpu.memory_space<hbm>> -> memref<128xi32, #tpu.memory_space<hbm>>
        %dma_start3A_66 = tpu.memref_slice %arg3[%multiple_of3A] : memref<160128xi32, #tpu.memory_space<hbm>> -> memref<128xi32, #tpu.memory_space<hbm>>
        tpu.enqueue_dma source(%dma_start3A_66 : memref<128xi32, #tpu.memory_space<hbm>>) target(%arg8 : memref<128xi32, #tpu.memory_space<vmem>>) target_semaphore(%run_scoped3A : memref<!tpu.dma_semaphore, #tpu.memory_space<semaphore_mem>>)
        %dma_wait3A_67 = tpu.memref_slice %arg3[%multiple_of3A] : memref<160128xi32, #tpu.memory_space<hbm>> -> memref<128xi32, #tpu.memory_space<hbm>>
        %dma_wait3A_68 = tpu.memref_slice %arg3[%multiple_of3A] : memref<160128xi32, #tpu.memory_space<hbm>> -> memref<128xi32, #tpu.memory_space<hbm>>
        tpu.wait_dma2 semaphore(%run_scoped3A : memref<!tpu.dma_semaphore, #tpu.memory_space<semaphore_mem>>) src(%dma_wait3A_68 : memref<128xi32, #tpu.memory_space<hbm>>) dst(%arg8 : memref<128xi32, #tpu.memory_space<vmem>>)
        tpu.yield
      }) : () -> ()
      "tpu.region"() ({
        %run_scoped3A = tpu.sem_alloc : memref<!tpu.dma_semaphore, #tpu.memory_space<semaphore_mem>>
        %dma_start3A_65 = tpu.memref_slice %arg4[%multiple_of3A] : memref<160128xi32, #tpu.memory_space<hbm>> -> memref<128xi32, #tpu.memory_space<hbm>>
        %dma_start3A_66 = tpu.memref_slice %arg4[%multiple_of3A] : memref<160128xi32, #tpu.memory_space<hbm>> -> memref<128xi32, #tpu.memory_space<hbm>>
        tpu.enqueue_dma source(%dma_start3A_66 : memref<128xi32, #tpu.memory_space<hbm>>) target(%arg9 : memref<128xi32, #tpu.memory_space<vmem>>) target_semaphore(%run_scoped3A : memref<!tpu.dma_semaphore, #tpu.memory_space<semaphore_mem>>)
        %dma_wait3A_67 = tpu.memref_slice %arg4[%multiple_of3A] : memref<160128xi32, #tpu.memory_space<hbm>> -> memref<128xi32, #tpu.memory_space<hbm>>
        %dma_wait3A_68 = tpu.memref_slice %arg4[%multiple_of3A] : memref<160128xi32, #tpu.memory_space<hbm>> -> memref<128xi32, #tpu.memory_space<hbm>>
        tpu.wait_dma2 semaphore(%run_scoped3A : memref<!tpu.dma_semaphore, #tpu.memory_space<semaphore_mem>>) src(%dma_wait3A_68 : memref<128xi32, #tpu.memory_space<hbm>>) dst(%arg9 : memref<128xi32, #tpu.memory_space<vmem>>)
        tpu.yield
      }) : () -> ()
      %dma_start3A = arith.constant 0 : i32
      %dma_start3A_53 = arith.constant 0 : i32
      %dma_start3A_54 = tpu.memref_slice %arg2[%dma_start3A, %dma_start3A_53] : memref<10000x128xf32, #tpu.memory_space<hbm>> -> memref<10000x128xf32, #tpu.memory_space<hbm>>
      tpu.enqueue_indirect_dma source(%dma_start3A_54 : memref<10000x128xf32, #tpu.memory_space<hbm>>) target(%arg10 : memref<128x128xf32, #tpu.memory_space<vmem>>) offsets(%arg8 : memref<128xi32, #tpu.memory_space<vmem>>) semaphore(%arg12 : memref<!tpu.dma_semaphore, #tpu.memory_space<semaphore_mem>>)
      %dma_wait3A = arith.constant 0 : i32
      %dma_wait3A_55 = arith.constant 0 : i32
      %dma_wait3A_56 = tpu.memref_slice %arg2[%dma_wait3A, %dma_wait3A_55] : memref<10000x128xf32, #tpu.memory_space<hbm>> -> memref<10000x128xf32, #tpu.memory_space<hbm>>
      tpu.wait_indirect_dma semaphore(%arg12 : memref<!tpu.dma_semaphore, #tpu.memory_space<semaphore_mem>>) src(%dma_wait3A_56 : memref<10000x128xf32, #tpu.memory_space<hbm>>) dst(%arg10 : memref<128x128xf32, #tpu.memory_space<vmem>>)
      %scan3A_57 = arith.constant 0 : i32
      %scan3A_58 = arith.constant 0 : i32
      %scan3A_59 = arith.constant 8 : i32
      %scan3A_60 = arith.addi %scan3A_58, %scan3A_59 : i32
      %scan3A_61 = arith.constant 1 : i32
      %scan3A_62 = scf.for %scan3A_65 = %scan3A_58 to %scan3A_60 step %scan3A_61 iter_args(%scan3A_66 = %scan3A_57) -> (i32)  : i32 {
        %mul3A_67 = arith.constant 16 : i32
        %mul3A_68 = arith.muli %scan3A_65, %mul3A_67 : i32
        %get3A_69 = arith.index_cast %mul3A_68 : i32 to index
        %get3A_70 = tpu.vector_load %arg9[%get3A_69] {strides = array<i32>} : memref<128xi32, #tpu.memory_space<vmem>>, vector<16xi32>,
        %get3A_71 = vector.shape_cast %get3A_70 : vector<16xi32> to vector<16xi32>
        %mul3A_72 = arith.constant 16 : i32
        %mul3A_73 = arith.muli %scan3A_65, %mul3A_72 : i32
        %add3A_74 = arith.constant 0 : i32
        %add3A_75 = arith.addi %mul3A_73, %add3A_74 : i32
        %slice3A_76 = vector.extract_strided_slice %get3A_71 {offsets = [0], sizes = [1], strides = [1]} : vector<16xi32> to vector<1xi32>
        %squeeze3A_77 = vector.extract %slice3A_76[0] : i32 from vector<1xi32>
        %sub3A_78 = arith.subi %squeeze3A_77, %mul3A_2 : i32
        %ge3A = arith.constant 0 : i32
        %ge3A_79 = arith.cmpi sge, %sub3A_78, %ge3A : i32
        %lt3A = arith.constant 320 : i32
        %lt3A_80 = arith.cmpi slt, %sub3A_78, %lt3A : i32
        %and3A_81 = arith.andi %ge3A_79, %lt3A_80 : i1
        %jit3A_82 = arith.constant 320 : i32
        %select_n3A_83 = arith.select %and3A_81, %sub3A_78, %jit3A_82 : i32
        %get3A_84 = arith.index_cast %select_n3A_83 : i32 to index
        %get3A_85 = arith.constant 0 : index
        %get3A_86 = tpu.vector_load %arg11[%get3A_84, %get3A_85] {strides = array<i32>} : memref<321x128xf32, #tpu.memory_space<vmem>>, vector<1x16xf32>,
        %get3A_87 = vector.shape_cast %get3A_86 : vector<1x16xf32> to vector<16xf32>
        %get3A_88 = arith.index_cast %add3A_75 : i32 to index
        %get3A_89 = arith.constant 0 : index
        %get3A_90 = tpu.vector_load %arg10[%get3A_88, %get3A_89] {strides = array<i32>} : memref<128x128xf32, #tpu.memory_space<vmem>>, vector<1x16xf32>,
        %get3A_91 = vector.shape_cast %get3A_90 : vector<1x16xf32> to vector<16xf32>
        %min3A = arith.minimumf %get3A_87, %get3A_91 : vector<16xf32>
        %swap3A = arith.index_cast %select_n3A_83 : i32 to index
        %swap3A_92 = arith.constant 0 : index
        %swap3A_93 = tpu.vector_load %arg11[%swap3A, %swap3A_92] {strides = array<i32>} : memref<321x128xf32, #tpu.memory_space<vmem>>, vector<1x16xf32>,
        %swap3A_94 = vector.shape_cast %swap3A_93 : vector<1x16xf32> to vector<16xf32>
        %swap3A_95 = vector.shape_cast %min3A : vector<16xf32> to vector<1x16xf32>
        tpu.vector_store %arg11[%swap3A, %swap3A_92], %swap3A_95 {strides = array<i32>} : memref<321x128xf32, #tpu.memory_space<vmem>>, vector<1x16xf32>,
        %get3A_96 = arith.index_cast %select_n3A_83 : i32 to index
        %get3A_97 = arith.constant 16 : index
        %get3A_98 = tpu.vector_load %arg11[%get3A_96, %get3A_97] {strides = array<i32>} : memref<321x128xf32, #tpu.memory_space<vmem>>, vector<1x16xf32>,
        %get3A_99 = vector.shape_cast %get3A_98 : vector<1x16xf32> to vector<16xf32>
        %get3A_100 = arith.index_cast %add3A_75 : i32 to index
        %get3A_101 = arith.constant 16 : index
        %get3A_102 = tpu.vector_load %arg10[%get3A_100, %get3A_101] {strides = array<i32>} : memref<128x128xf32, #tpu.memory_space<vmem>>, vector<1x16xf32>,
        %get3A_103 = vector.shape_cast %get3A_102 : vector<1x16xf32> to vector<16xf32>
        %min3A_104 = arith.minimumf %get3A_99, %get3A_103 : vector<16xf32>
        %swap3A_105 = arith.index_cast %select_n3A_83 : i32 to index
        %swap3A_106 = arith.constant 16 : index
        %swap3A_107 = tpu.vector_load %arg11[%swap3A_105, %swap3A_106] {strides = array<i32>} : memref<321x128xf32, #tpu.memory_space<vmem>>, vector<1x16xf32>,
        %swap3A_108 = vector.shape_cast %swap3A_107 : vector<1x16xf32> to vector<16xf32>
        %swap3A_109 = vector.shape_cast %min3A_104 : vector<16xf32> to vector<1x16xf32>
        tpu.vector_store %arg11[%swap3A_105, %swap3A_106], %swap3A_109 {strides = array<i32>} : memref<321x128xf32, #tpu.memory_space<vmem>>, vector<1x16xf32>,
        %get3A_110 = arith.index_cast %select_n3A_83 : i32 to index
        %get3A_111 = arith.constant 32 : index
        %get3A_112 = tpu.vector_load %arg11[%get3A_110, %get3A_111] {strides = array<i32>} : memref<321x128xf32, #tpu.memory_space<vmem>>, vector<1x16xf32>,
        %get3A_113 = vector.shape_cast %get3A_112 : vector<1x16xf32> to vector<16xf32>
        %get3A_114 = arith.index_cast %add3A_75 : i32 to index
        %get3A_115 = arith.constant 32 : index
        %get3A_116 = tpu.vector_load %arg10[%get3A_114, %get3A_115] {strides = array<i32>} : memref<128x128xf32, #tpu.memory_space<vmem>>, vector<1x16xf32>,
        %get3A_117 = vector.shape_cast %get3A_116 : vector<1x16xf32> to vector<16xf32>
        %min3A_118 = arith.minimumf %get3A_113, %get3A_117 : vector<16xf32>
        %swap3A_119 = arith.index_cast %select_n3A_83 : i32 to index
        %swap3A_120 = arith.constant 32 : index
        %swap3A_121 = tpu.vector_load %arg11[%swap3A_119, %swap3A_120] {strides = array<i32>} : memref<321x128xf32, #tpu.memory_space<vmem>>, vector<1x16xf32>,
        %swap3A_122 = vector.shape_cast %swap3A_121 : vector<1x16xf32> to vector<16xf32>
        %swap3A_123 = vector.shape_cast %min3A_118 : vector<16xf32> to vector<1x16xf32>
        tpu.vector_store %arg11[%swap3A_119, %swap3A_120], %swap3A_123 {strides = array<i32>} : memref<321x128xf32, #tpu.memory_space<vmem>>, vector<1x16xf32>,
        %get3A_124 = arith.index_cast %select_n3A_83 : i32 to index
        %get3A_125 = arith.constant 48 : index
        %get3A_126 = tpu.vector_load %arg11[%get3A_124, %get3A_125] {strides = array<i32>} : memref<321x128xf32, #tpu.memory_space<vmem>>, vector<1x16xf32>,
        %get3A_127 = vector.shape_cast %get3A_126 : vector<1x16xf32> to vector<16xf32>
        %get3A_128 = arith.index_cast %add3A_75 : i32 to index
        %get3A_129 = arith.constant 48 : index
        %get3A_130 = tpu.vector_load %arg10[%get3A_128, %get3A_129] {strides = array<i32>} : memref<128x128xf32, #tpu.memory_space<vmem>>, vector<1x16xf32>,
        %get3A_131 = vector.shape_cast %get3A_130 : vector<1x16xf32> to vector<16xf32>
        %min3A_132 = arith.minimumf %get3A_127, %get3A_131 : vector<16xf32>
        %swap3A_133 = arith.index_cast %select_n3A_83 : i32 to index
        %swap3A_134 = arith.constant 48 : index
        %swap3A_135 = tpu.vector_load %arg11[%swap3A_133, %swap3A_134] {strides = array<i32>} : memref<321x128xf32, #tpu.memory_space<vmem>>, vector<1x16xf32>,
        %swap3A_136 = vector.shape_cast %swap3A_135 : vector<1x16xf32> to vector<16xf32>
        %swap3A_137 = vector.shape_cast %min3A_132 : vector<16xf32> to vector<1x16xf32>
        tpu.vector_store %arg11[%swap3A_133, %swap3A_134], %swap3A_137 {strides = array<i32>} : memref<321x128xf32, #tpu.memory_space<vmem>>, vector<1x16xf32>,
        %get3A_138 = arith.index_cast %select_n3A_83 : i32 to index
        %get3A_139 = arith.constant 64 : index
        %get3A_140 = tpu.vector_load %arg11[%get3A_138, %get3A_139] {strides = array<i32>} : memref<321x128xf32, #tpu.memory_space<vmem>>, vector<1x16xf32>,
        %get3A_141 = vector.shape_cast %get3A_140 : vector<1x16xf32> to vector<16xf32>
        %get3A_142 = arith.index_cast %add3A_75 : i32 to index
        %get3A_143 = arith.constant 64 : index
        %get3A_144 = tpu.vector_load %arg10[%get3A_142, %get3A_143] {strides = array<i32>} : memref<128x128xf32, #tpu.memory_space<vmem>>, vector<1x16xf32>,
        %get3A_145 = vector.shape_cast %get3A_144 : vector<1x16xf32> to vector<16xf32>
        %min3A_146 = arith.minimumf %get3A_141, %get3A_145 : vector<16xf32>
        %swap3A_147 = arith.index_cast %select_n3A_83 : i32 to index
        %swap3A_148 = arith.constant 64 : index
        %swap3A_149 = tpu.vector_load %arg11[%swap3A_147, %swap3A_148] {strides = array<i32>} : memref<321x128xf32, #tpu.memory_space<vmem>>, vector<1x16xf32>,
        %swap3A_150 = vector.shape_cast %swap3A_149 : vector<1x16xf32> to vector<16xf32>
        %swap3A_151 = vector.shape_cast %min3A_146 : vector<16xf32> to vector<1x16xf32>
        tpu.vector_store %arg11[%swap3A_147, %swap3A_148], %swap3A_151 {strides = array<i32>} : memref<321x128xf32, #tpu.memory_space<vmem>>, vector<1x16xf32>,
        %get3A_152 = arith.index_cast %select_n3A_83 : i32 to index
        %get3A_153 = arith.constant 80 : index
        %get3A_154 = tpu.vector_load %arg11[%get3A_152, %get3A_153] {strides = array<i32>} : memref<321x128xf32, #tpu.memory_space<vmem>>, vector<1x16xf32>,
        %get3A_155 = vector.shape_cast %get3A_154 : vector<1x16xf32> to vector<16xf32>
        %get3A_156 = arith.index_cast %add3A_75 : i32 to index
        %get3A_157 = arith.constant 80 : index
        %get3A_158 = tpu.vector_load %arg10[%get3A_156, %get3A_157] {strides = array<i32>} : memref<128x128xf32, #tpu.memory_space<vmem>>, vector<1x16xf32>,
        %get3A_159 = vector.shape_cast %get3A_158 : vector<1x16xf32> to vector<16xf32>
        %min3A_160 = arith.minimumf %get3A_155, %get3A_159 : vector<16xf32>
        %swap3A_161 = arith.index_cast %select_n3A_83 : i32 to index
        %swap3A_162 = arith.constant 80 : index
        %swap3A_163 = tpu.vector_load %arg11[%swap3A_161, %swap3A_162] {strides = array<i32>} : memref<321x128xf32, #tpu.memory_space<vmem>>, vector<1x16xf32>,
        %swap3A_164 = vector.shape_cast %swap3A_163 : vector<1x16xf32> to vector<16xf32>
        %swap3A_165 = vector.shape_cast %min3A_160 : vector<16xf32> to vector<1x16xf32>
        tpu.vector_store %arg11[%swap3A_161, %swap3A_162], %swap3A_165 {strides = array<i32>} : memref<321x128xf32, #tpu.memory_space<vmem>>, vector<1x16xf32>,
        %get3A_166 = arith.index_cast %select_n3A_83 : i32 to index
        %get3A_167 = arith.constant 96 : index
        %get3A_168 = tpu.vector_load %arg11[%get3A_166, %get3A_167] {strides = array<i32>} : memref<321x128xf32, #tpu.memory_space<vmem>>, vector<1x16xf32>,
        %get3A_169 = vector.shape_cast %get3A_168 : vector<1x16xf32> to vector<16xf32>
        %get3A_170 = arith.index_cast %add3A_75 : i32 to index
        %get3A_171 = arith.constant 96 : index
        %get3A_172 = tpu.vector_load %arg10[%get3A_170, %get3A_171] {strides = array<i32>} : memref<128x128xf32, #tpu.memory_space<vmem>>, vector<1x16xf32>,
        %get3A_173 = vector.shape_cast %get3A_172 : vector<1x16xf32> to vector<16xf32>
        %min3A_174 = arith.minimumf %get3A_169, %get3A_173 : vector<16xf32>
        %swap3A_175 = arith.index_cast %select_n3A_83 : i32 to index
        %swap3A_176 = arith.constant 96 : index
        %swap3A_177 = tpu.vector_load %arg11[%swap3A_175, %swap3A_176] {strides = array<i32>} : memref<321x128xf32, #tpu.memory_space<vmem>>, vector<1x16xf32>,
        %swap3A_178 = vector.shape_cast %swap3A_177 : vector<1x16xf32> to vector<16xf32>
        %swap3A_179 = vector.shape_cast %min3A_174 : vector<16xf32> to vector<1x16xf32>
        tpu.vector_store %arg11[%swap3A_175, %swap3A_176], %swap3A_179 {strides = array<i32>} : memref<321x128xf32, #tpu.memory_space<vmem>>, vector<1x16xf32>,
        %get3A_180 = arith.index_cast %select_n3A_83 : i32 to index
        %get3A_181 = arith.constant 112 : index
        %get3A_182 = tpu.vector_load %arg11[%get3A_180, %get3A_181] {strides = array<i32>} : memref<321x128xf32, #tpu.memory_space<vmem>>, vector<1x16xf32>,
        %get3A_183 = vector.shape_cast %get3A_182 : vector<1x16xf32> to vector<16xf32>
        %get3A_184 = arith.index_cast %add3A_75 : i32 to index
        %get3A_185 = arith.constant 112 : index
        %get3A_186 = tpu.vector_load %arg10[%get3A_184, %get3A_185] {strides = array<i32>} : memref<128x128xf32, #tpu.memory_space<vmem>>, vector<1x16xf32>,
        %get3A_187 = vector.shape_cast %get3A_186 : vector<1x16xf32> to vector<16xf32>
        %min3A_188 = arith.minimumf %get3A_183, %get3A_187 : vector<16xf32>
        %swap3A_189 = arith.index_cast %select_n3A_83 : i32 to index
        %swap3A_190 = arith.constant 112 : index
        %swap3A_191 = tpu.vector_load %arg11[%swap3A_189, %swap3A_190] {strides = array<i32>} : memref<321x128xf32, #tpu.memory_space<vmem>>, vector<1x16xf32>,
        %swap3A_192 = vector.shape_cast %swap3A_191 : vector<1x16xf32> to vector<16xf32>
        %swap3A_193 = vector.shape_cast %min3A_188 : vector<16xf32> to vector<1x16xf32>
        tpu.vector_store %arg11[%swap3A_189, %swap3A_190], %swap3A_193 {strides = array<i32>} : memref<321x128xf32, #tpu.memory_space<vmem>>, vector<1x16xf32>,
        %mul3A_194 = arith.constant 16 : i32
        %mul3A_195 = arith.muli %scan3A_65, %mul3A_194 : i32
        %add3A_196 = arith.constant 1 : i32
        %add3A_197 = arith.addi %mul3A_195, %add3A_196 : i32
        %slice3A_198 = vector.extract_strided_slice %get3A_71 {offsets = [1], sizes = [1], strides = [1]} : vector<16xi32> to vector<1xi32>
        %squeeze3A_199 = vector.extract %slice3A_198[0] : i32 from vector<1xi32>
        %sub3A_200 = arith.subi %squeeze3A_199, %mul3A_2 : i32
        %ge3A_201 = arith.constant 0 : i32
        %ge3A_202 = arith.cmpi sge, %sub3A_200, %ge3A_201 : i32
        %lt3A_203 = arith.constant 320 : i32
        %lt3A_204 = arith.cmpi slt, %sub3A_200, %lt3A_203 : i32
        %and3A_205 = arith.andi %ge3A_202, %lt3A_204 : i1
        %jit3A_206 = arith.constant 320 : i32
        %select_n3A_207 = arith.select %and3A_205, %sub3A_200, %jit3A_206 : i32
        %get3A_208 = arith.index_cast %select_n3A_207 : i32 to index
        %get3A_209 = arith.constant 0 : index
        %get3A_210 = tpu.vector_load %arg11[%get3A_208, %get3A_209] {strides = array<i32>} : memref<321x128xf32, #tpu.memory_space<vmem>>, vector<1x16xf32>,
        %get3A_211 = vector.shape_cast %get3A_210 : vector<1x16xf32> to vector<16xf32>
        %get3A_212 = arith.index_cast %add3A_197 : i32 to index
        %get3A_213 = arith.constant 0 : index
        %get3A_214 = tpu.vector_load %arg10[%get3A_212, %get3A_213] {strides = array<i32>} : memref<128x128xf32, #tpu.memory_space<vmem>>, vector<1x16xf32>,
        %get3A_215 = vector.shape_cast %get3A_214 : vector<1x16xf32> to vector<16xf32>
        %min3A_216 = arith.minimumf %get3A_211, %get3A_215 : vector<16xf32>
        %swap3A_217 = arith.index_cast %select_n3A_207 : i32 to index
        %swap3A_218 = arith.constant 0 : index
        %swap3A_219 = tpu.vector_load %arg11[%swap3A_217, %swap3A_218] {strides = array<i32>} : memref<321x128xf32, #tpu.memory_space<vmem>>, vector<1x16xf32>,
        %swap3A_220 = vector.shape_cast %swap3A_219 : vector<1x16xf32> to vector<16xf32>
        %swap3A_221 = vector.shape_cast %min3A_216 : vector<16xf32> to vector<1x16xf32>
        tpu.vector_store %arg11[%swap3A_217, %swap3A_218], %swap3A_221 {strides = array<i32>} : memref<321x128xf32, #tpu.memory_space<vmem>>, vector<1x16xf32>,
        %get3A_222 = arith.index_cast %select_n3A_207 : i32 to index
        %get3A_223 = arith.constant 16 : index
        %get3A_224 = tpu.vector_load %arg11[%get3A_222, %get3A_223] {strides = array<i32>} : memref<321x128xf32, #tpu.memory_space<vmem>>, vector<1x16xf32>,
        %get3A_225 = vector.shape_cast %get3A_224 : vector<1x16xf32> to vector<16xf32>
        %get3A_226 = arith.index_cast %add3A_197 : i32 to index
        %get3A_227 = arith.constant 16 : index
        %get3A_228 = tpu.vector_load %arg10[%get3A_226, %get3A_227] {strides = array<i32>} : memref<128x128xf32, #tpu.memory_space<vmem>>, vector<1x16xf32>,
        %get3A_229 = vector.shape_cast %get3A_228 : vector<1x16xf32> to vector<16xf32>
        %min3A_230 = arith.minimumf %get3A_225, %get3A_229 : vector<16xf32>
        %swap3A_231 = arith.index_cast %select_n3A_207 : i32 to index
        %swap3A_232 = arith.constant 16 : index
        %swap3A_233 = tpu.vector_load %arg11[%swap3A_231, %swap3A_232] {strides = array<i32>} : memref<321x128xf32, #tpu.memory_space<vmem>>, vector<1x16xf32>,
        %swap3A_234 = vector.shape_cast %swap3A_233 : vector<1x16xf32> to vector<16xf32>
        %swap3A_235 = vector.shape_cast %min3A_230 : vector<16xf32> to vector<1x16xf32>
        tpu.vector_store %arg11[%swap3A_231, %swap3A_232], %swap3A_235 {strides = array<i32>} : memref<321x128xf32, #tpu.memory_space<vmem>>, vector<1x16xf32>,
        %get3A_236 = arith.index_cast %select_n3A_207 : i32 to index
        %get3A_237 = arith.constant 32 : index
        %get3A_238 = tpu.vector_load %arg11[%get3A_236, %get3A_237] {strides = array<i32>} : memref<321x128xf32, #tpu.memory_space<vmem>>, vector<1x16xf32>,
        %get3A_239 = vector.shape_cast %get3A_238 : vector<1x16xf32> to vector<16xf32>
        %get3A_240 = arith.index_cast %add3A_197 : i32 to index
        %get3A_241 = arith.constant 32 : index
        %get3A_242 = tpu.vector_load %arg10[%get3A_240, %get3A_241] {strides = array<i32>} : memref<128x128xf32, #tpu.memory_space<vmem>>, vector<1x16xf32>,
        %get3A_243 = vector.shape_cast %get3A_242 : vector<1x16xf32> to vector<16xf32>
        %min3A_244 = arith.minimumf %get3A_239, %get3A_243 : vector<16xf32>
        %swap3A_245 = arith.index_cast %select_n3A_207 : i32 to index
        %swap3A_246 = arith.constant 32 : index
        %swap3A_247 = tpu.vector_load %arg11[%swap3A_245, %swap3A_246] {strides = array<i32>} : memref<321x128xf32, #tpu.memory_space<vmem>>, vector<1x16xf32>,
        %swap3A_248 = vector.shape_cast %swap3A_247 : vector<1x16xf32> to vector<16xf32>
        %swap3A_249 = vector.shape_cast %min3A_244 : vector<16xf32> to vector<1x16xf32>
        tpu.vector_store %arg11[%swap3A_245, %swap3A_246], %swap3A_249 {strides = array<i32>} : memref<321x128xf32, #tpu.memory_space<vmem>>, vector<1x16xf32>,
        %get3A_250 = arith.index_cast %select_n3A_207 : i32 to index
        %get3A_251 = arith.constant 48 : index
        %get3A_252 = tpu.vector_load %arg11[%get3A_250, %get3A_251] {strides = array<i32>} : memref<321x128xf32, #tpu.memory_space<vmem>>, vector<1x16xf32>,
        %get3A_253 = vector.shape_cast %get3A_252 : vector<1x16xf32> to vector<16xf32>
        %get3A_254 = arith.index_cast %add3A_197 : i32 to index
        %get3A_255 = arith.constant 48 : index
        %get3A_256 = tpu.vector_load %arg10[%get3A_254, %get3A_255] {strides = array<i32>} : memref<128x128xf32, #tpu.memory_space<vmem>>, vector<1x16xf32>,
        %get3A_257 = vector.shape_cast %get3A_256 : vector<1x16xf32> to vector<16xf32>
        %min3A_258 = arith.minimumf %get3A_253, %get3A_257 : vector<16xf32>
        %swap3A_259 = arith.index_cast %select_n3A_207 : i32 to index
        %swap3A_260 = arith.constant 48 : index
        %swap3A_261 = tpu.vector_load %arg11[%swap3A_259, %swap3A_260] {strides = array<i32>} : memref<321x128xf32, #tpu.memory_space<vmem>>, vector<1x16xf32>,
        %swap3A_262 = vector.shape_cast %swap3A_261 : vector<1x16xf32> to vector<16xf32>
        %swap3A_263 = vector.shape_cast %min3A_258 : vector<16xf32> to vector<1x16xf32>
        tpu.vector_store %arg11[%swap3A_259, %swap3A_260], %swap3A_263 {strides = array<i32>} : memref<321x128xf32, #tpu.memory_space<vmem>>, vector<1x16xf32>,
        %get3A_264 = arith.index_cast %select_n3A_207 : i32 to index
        %get3A_265 = arith.constant 64 : index
        %get3A_266 = tpu.vector_load %arg11[%get3A_264, %get3A_265] {strides = array<i32>} : memref<321x128xf32, #tpu.memory_space<vmem>>, vector<1x16xf32>,
        %get3A_267 = vector.shape_cast %get3A_266 : vector<1x16xf32> to vector<16xf32>
        %get3A_268 = arith.index_cast %add3A_197 : i32 to index
        %get3A_269 = arith.constant 64 : index
        %get3A_270 = tpu.vector_load %arg10[%get3A_268, %get3A_269] {strides = array<i32>} : memref<128x128xf32, #tpu.memory_space<vmem>>, vector<1x16xf32>,
        %get3A_271 = vector.shape_cast %get3A_270 : vector<1x16xf32> to vector<16xf32>
        %min3A_272 = arith.minimumf %get3A_267, %get3A_271 : vector<16xf32>
        %swap3A_273 = arith.index_cast %select_n3A_207 : i32 to index
        %swap3A_274 = arith.constant 64 : index
        %swap3A_275 = tpu.vector_load %arg11[%swap3A_273, %swap3A_274] {strides = array<i32>} : memref<321x128xf32, #tpu.memory_space<vmem>>, vector<1x16xf32>,
        %swap3A_276 = vector.shape_cast %swap3A_275 : vector<1x16xf32> to vector<16xf32>
        %swap3A_277 = vector.shape_cast %min3A_272 : vector<16xf32> to vector<1x16xf32>
        tpu.vector_store %arg11[%swap3A_273, %swap3A_274], %swap3A_277 {strides = array<i32>} : memref<321x128xf32, #tpu.memory_space<vmem>>, vector<1x16xf32>,
        %get3A_278 = arith.index_cast %select_n3A_207 : i32 to index
        %get3A_279 = arith.constant 80 : index
        %get3A_280 = tpu.vector_load %arg11[%get3A_278, %get3A_279] {strides = array<i32>} : memref<321x128xf32, #tpu.memory_space<vmem>>, vector<1x16xf32>,
        %get3A_281 = vector.shape_cast %get3A_280 : vector<1x16xf32> to vector<16xf32>
        %get3A_282 = arith.index_cast %add3A_197 : i32 to index
        %get3A_283 = arith.constant 80 : index
        %get3A_284 = tpu.vector_load %arg10[%get3A_282, %get3A_283] {strides = array<i32>} : memref<128x128xf32, #tpu.memory_space<vmem>>, vector<1x16xf32>,
        %get3A_285 = vector.shape_cast %get3A_284 : vector<1x16xf32> to vector<16xf32>
        %min3A_286 = arith.minimumf %get3A_281, %get3A_285 : vector<16xf32>
        %swap3A_287 = arith.index_cast %select_n3A_207 : i32 to index
        %swap3A_288 = arith.constant 80 : index
        %swap3A_289 = tpu.vector_load %arg11[%swap3A_287, %swap3A_288] {strides = array<i32>} : memref<321x128xf32, #tpu.memory_space<vmem>>, vector<1x16xf32>,
        %swap3A_290 = vector.shape_cast %swap3A_289 : vector<1x16xf32> to vector<16xf32>
        %swap3A_291 = vector.shape_cast %min3A_286 : vector<16xf32> to vector<1x16xf32>
        tpu.vector_store %arg11[%swap3A_287, %swap3A_288], %swap3A_291 {strides = array<i32>} : memref<321x128xf32, #tpu.memory_space<vmem>>, vector<1x16xf32>,
        %get3A_292 = arith.index_cast %select_n3A_207 : i32 to index
        %get3A_293 = arith.constant 96 : index
        %get3A_294 = tpu.vector_load %arg11[%get3A_292, %get3A_293] {strides = array<i32>} : memref<321x128xf32, #tpu.memory_space<vmem>>, vector<1x16xf32>,
        %get3A_295 = vector.shape_cast %get3A_294 : vector<1x16xf32> to vector<16xf32>
        %get3A_296 = arith.index_cast %add3A_197 : i32 to index
        %get3A_297 = arith.constant 96 : index
        %get3A_298 = tpu.vector_load %arg10[%get3A_296, %get3A_297] {strides = array<i32>} : memref<128x128xf32, #tpu.memory_space<vmem>>, vector<1x16xf32>,
        %get3A_299 = vector.shape_cast %get3A_298 : vector<1x16xf32> to vector<16xf32>
        %min3A_300 = arith.minimumf %get3A_295, %get3A_299 : vector<16xf32>
        %swap3A_301 = arith.index_cast %select_n3A_207 : i32 to index
        %swap3A_302 = arith.constant 96 : index
        %swap3A_303 = tpu.vector_load %arg11[%swap3A_301, %swap3A_302] {strides = array<i32>} : memref<321x128xf32, #tpu.memory_space<vmem>>, vector<1x16xf32>,
        %swap3A_304 = vector.shape_cast %swap3A_303 : vector<1x16xf32> to vector<16xf32>
        %swap3A_305 = vector.shape_cast %min3A_300 : vector<16xf32> to vector<1x16xf32>
        tpu.vector_store %arg11[%swap3A_301, %swap3A_302], %swap3A_305 {strides = array<i32>} : memref<321x128xf32, #tpu.memory_space<vmem>>, vector<1x16xf32>,
        %get3A_306 = arith.index_cast %select_n3A_207 : i32 to index
        %get3A_307 = arith.constant 112 : index
        %get3A_308 = tpu.vector_load %arg11[%get3A_306, %get3A_307] {strides = array<i32>} : memref<321x128xf32, #tpu.memory_space<vmem>>, vector<1x16xf32>,
        %get3A_309 = vector.shape_cast %get3A_308 : vector<1x16xf32> to vector<16xf32>
        %get3A_310 = arith.index_cast %add3A_197 : i32 to index
        %get3A_311 = arith.constant 112 : index
        %get3A_312 = tpu.vector_load %arg10[%get3A_310, %get3A_311] {strides = array<i32>} : memref<128x128xf32, #tpu.memory_space<vmem>>, vector<1x16xf32>,
        %get3A_313 = vector.shape_cast %get3A_312 : vector<1x16xf32> to vector<16xf32>
        %min3A_314 = arith.minimumf %get3A_309, %get3A_313 : vector<16xf32>
        %swap3A_315 = arith.index_cast %select_n3A_207 : i32 to index
        %swap3A_316 = arith.constant 112 : index
        %swap3A_317 = tpu.vector_load %arg11[%swap3A_315, %swap3A_316] {strides = array<i32>} : memref<321x128xf32, #tpu.memory_space<vmem>>, vector<1x16xf32>,
        %swap3A_318 = vector.shape_cast %swap3A_317 : vector<1x16xf32> to vector<16xf32>
        %swap3A_319 = vector.shape_cast %min3A_314 : vector<16xf32> to vector<1x16xf32>
        tpu.vector_store %arg11[%swap3A_315, %swap3A_316], %swap3A_319 {strides = array<i32>} : memref<321x128xf32, #tpu.memory_space<vmem>>, vector<1x16xf32>,
        %mul3A_320 = arith.constant 16 : i32
        %mul3A_321 = arith.muli %scan3A_65, %mul3A_320 : i32
        %add3A_322 = arith.constant 2 : i32
        %add3A_323 = arith.addi %mul3A_321, %add3A_322 : i32
        %slice3A_324 = vector.extract_strided_slice %get3A_71 {offsets = [2], sizes = [1], strides = [1]} : vector<16xi32> to vector<1xi32>
        %squeeze3A_325 = vector.extract %slice3A_324[0] : i32 from vector<1xi32>
        %sub3A_326 = arith.subi %squeeze3A_325, %mul3A_2 : i32
        %ge3A_327 = arith.constant 0 : i32
        %ge3A_328 = arith.cmpi sge, %sub3A_326, %ge3A_327 : i32
        %lt3A_329 = arith.constant 320 : i32
        %lt3A_330 = arith.cmpi slt, %sub3A_326, %lt3A_329 : i32
        %and3A_331 = arith.andi %ge3A_328, %lt3A_330 : i1
        %jit3A_332 = arith.constant 320 : i32
        %select_n3A_333 = arith.select %and3A_331, %sub3A_326, %jit3A_332 : i32
        %get3A_334 = arith.index_cast %select_n3A_333 : i32 to index
        %get3A_335 = arith.constant 0 : index
        %get3A_336 = tpu.vector_load %arg11[%get3A_334, %get3A_335] {strides = array<i32>} : memref<321x128xf32, #tpu.memory_space<vmem>>, vector<1x16xf32>,
        %get3A_337 = vector.shape_cast %get3A_336 : vector<1x16xf32> to vector<16xf32>
        %get3A_338 = arith.index_cast %add3A_323 : i32 to index
        %get3A_339 = arith.constant 0 : index
        %get3A_340 = tpu.vector_load %arg10[%get3A_338, %get3A_339] {strides = array<i32>} : memref<128x128xf32, #tpu.memory_space<vmem>>, vector<1x16xf32>,
        %get3A_341 = vector.shape_cast %get3A_340 : vector<1x16xf32> to vector<16xf32>
        %min3A_342 = arith.minimumf %get3A_337, %get3A_341 : vector<16xf32>
        %swap3A_343 = arith.index_cast %select_n3A_333 : i32 to index
        %swap3A_344 = arith.constant 0 : index
        %swap3A_345 = tpu.vector_load %arg11[%swap3A_343, %swap3A_344] {strides = array<i32>} : memref<321x128xf32, #tpu.memory_space<vmem>>, vector<1x16xf32>,
        %swap3A_346 = vector.shape_cast %swap3A_345 : vector<1x16xf32> to vector<16xf32>
        %swap3A_347 = vector.shape_cast %min3A_342 : vector<16xf32> to vector<1x16xf32>
        tpu.vector_store %arg11[%swap3A_343, %swap3A_344], %swap3A_347 {strides = array<i32>} : memref<321x128xf32, #tpu.memory_space<vmem>>, vector<1x16xf32>,
        %get3A_348 = arith.index_cast %select_n3A_333 : i32 to index
        %get3A_349 = arith.constant 16 : index
        %get3A_350 = tpu.vector_load %arg11[%get3A_348, %get3A_349] {strides = array<i32>} : memref<321x128xf32, #tpu.memory_space<vmem>>, vector<1x16xf32>,
        %get3A_351 = vector.shape_cast %get3A_350 : vector<1x16xf32> to vector<16xf32>
        %get3A_352 = arith.index_cast %add3A_323 : i32 to index
        %get3A_353 = arith.constant 16 : index
        %get3A_354 = tpu.vector_load %arg10[%get3A_352, %get3A_353] {strides = array<i32>} : memref<128x128xf32, #tpu.memory_space<vmem>>, vector<1x16xf32>,
        %get3A_355 = vector.shape_cast %get3A_354 : vector<1x16xf32> to vector<16xf32>
        %min3A_356 = arith.minimumf %get3A_351, %get3A_355 : vector<16xf32>
        %swap3A_357 = arith.index_cast %select_n3A_333 : i32 to index
        %swap3A_358 = arith.constant 16 : index
        %swap3A_359 = tpu.vector_load %arg11[%swap3A_357, %swap3A_358] {strides = array<i32>} : memref<321x128xf32, #tpu.memory_space<vmem>>, vector<1x16xf32>,
        %swap3A_360 = vector.shape_cast %swap3A_359 : vector<1x16xf32> to vector<16xf32>
        %swap3A_361 = vector.shape_cast %min3A_356 : vector<16xf32> to vector<1x16xf32>
        tpu.vector_store %arg11[%swap3A_357, %swap3A_358], %swap3A_361 {strides = array<i32>} : memref<321x128xf32, #tpu.memory_space<vmem>>, vector<1x16xf32>,
        %get3A_362 = arith.index_cast %select_n3A_333 : i32 to index
        %get3A_363 = arith.constant 32 : index
        %get3A_364 = tpu.vector_load %arg11[%get3A_362, %get3A_363] {strides = array<i32>} : memref<321x128xf32, #tpu.memory_space<vmem>>, vector<1x16xf32>,
        %get3A_365 = vector.shape_cast %get3A_364 : vector<1x16xf32> to vector<16xf32>
        %get3A_366 = arith.index_cast %add3A_323 : i32 to index
        %get3A_367 = arith.constant 32 : index
        %get3A_368 = tpu.vector_load %arg10[%get3A_366, %get3A_367] {strides = array<i32>} : memref<128x128xf32, #tpu.memory_space<vmem>>, vector<1x16xf32>,
        %get3A_369 = vector.shape_cast %get3A_368 : vector<1x16xf32> to vector<16xf32>
        %min3A_370 = arith.minimumf %get3A_365, %get3A_369 : vector<16xf32>
        %swap3A_371 = arith.index_cast %select_n3A_333 : i32 to index
        %swap3A_372 = arith.constant 32 : index
        %swap3A_373 = tpu.vector_load %arg11[%swap3A_371, %swap3A_372] {strides = array<i32>} : memref<321x128xf32, #tpu.memory_space<vmem>>, vector<1x16xf32>,
        %swap3A_374 = vector.shape_cast %swap3A_373 : vector<1x16xf32> to vector<16xf32>
        %swap3A_375 = vector.shape_cast %min3A_370 : vector<16xf32> to vector<1x16xf32>
        tpu.vector_store %arg11[%swap3A_371, %swap3A_372], %swap3A_375 {strides = array<i32>} : memref<321x128xf32, #tpu.memory_space<vmem>>, vector<1x16xf32>,
        %get3A_376 = arith.index_cast %select_n3A_333 : i32 to index
        %get3A_377 = arith.constant 48 : index
        %get3A_378 = tpu.vector_load %arg11[%get3A_376, %get3A_377] {strides = array<i32>} : memref<321x128xf32, #tpu.memory_space<vmem>>, vector<1x16xf32>,
        %get3A_379 = vector.shape_cast %get3A_378 : vector<1x16xf32> to vector<16xf32>
        %get3A_380 = arith.index_cast %add3A_323 : i32 to index
        %get3A_381 = arith.constant 48 : index
        %get3A_382 = tpu.vector_load %arg10[%get3A_380, %get3A_381] {strides = array<i32>} : memref<128x128xf32, #tpu.memory_space<vmem>>, vector<1x16xf32>,
        %get3A_383 = vector.shape_cast %get3A_382 : vector<1x16xf32> to vector<16xf32>
        %min3A_384 = arith.minimumf %get3A_379, %get3A_383 : vector<16xf32>
        %swap3A_385 = arith.index_cast %select_n3A_333 : i32 to index
        %swap3A_386 = arith.constant 48 : index
        %swap3A_387 = tpu.vector_load %arg11[%swap3A_385, %swap3A_386] {strides = array<i32>} : memref<321x128xf32, #tpu.memory_space<vmem>>, vector<1x16xf32>,
        %swap3A_388 = vector.shape_cast %swap3A_387 : vector<1x16xf32> to vector<16xf32>
        %swap3A_389 = vector.shape_cast %min3A_384 : vector<16xf32> to vector<1x16xf32>
        tpu.vector_store %arg11[%swap3A_385, %swap3A_386], %swap3A_389 {strides = array<i32>} : memref<321x128xf32, #tpu.memory_space<vmem>>, vector<1x16xf32>,
        %get3A_390 = arith.index_cast %select_n3A_333 : i32 to index
        %get3A_391 = arith.constant 64 : index
        %get3A_392 = tpu.vector_load %arg11[%get3A_390, %get3A_391] {strides = array<i32>} : memref<321x128xf32, #tpu.memory_space<vmem>>, vector<1x16xf32>,
        %get3A_393 = vector.shape_cast %get3A_392 : vector<1x16xf32> to vector<16xf32>
        %get3A_394 = arith.index_cast %add3A_323 : i32 to index
        %get3A_395 = arith.constant 64 : index
        %get3A_396 = tpu.vector_load %arg10[%get3A_394, %get3A_395] {strides = array<i32>} : memref<128x128xf32, #tpu.memory_space<vmem>>, vector<1x16xf32>,
        %get3A_397 = vector.shape_cast %get3A_396 : vector<1x16xf32> to vector<16xf32>
        %min3A_398 = arith.minimumf %get3A_393, %get3A_397 : vector<16xf32>
        %swap3A_399 = arith.index_cast %select_n3A_333 : i32 to index
        %swap3A_400 = arith.constant 64 : index
        %swap3A_401 = tpu.vector_load %arg11[%swap3A_399, %swap3A_400] {strides = array<i32>} : memref<321x128xf32, #tpu.memory_space<vmem>>, vector<1x16xf32>,
        %swap3A_402 = vector.shape_cast %swap3A_401 : vector<1x16xf32> to vector<16xf32>
        %swap3A_403 = vector.shape_cast %min3A_398 : vector<16xf32> to vector<1x16xf32>
        tpu.vector_store %arg11[%swap3A_399, %swap3A_400], %swap3A_403 {strides = array<i32>} : memref<321x128xf32, #tpu.memory_space<vmem>>, vector<1x16xf32>,
        %get3A_404 = arith.index_cast %select_n3A_333 : i32 to index
        %get3A_405 = arith.constant 80 : index
        %get3A_406 = tpu.vector_load %arg11[%get3A_404, %get3A_405] {strides = array<i32>} : memref<321x128xf32, #tpu.memory_space<vmem>>, vector<1x16xf32>,
        %get3A_407 = vector.shape_cast %get3A_406 : vector<1x16xf32> to vector<16xf32>
        %get3A_408 = arith.index_cast %add3A_323 : i32 to index
        %get3A_409 = arith.constant 80 : index
        %get3A_410 = tpu.vector_load %arg10[%get3A_408, %get3A_409] {strides = array<i32>} : memref<128x128xf32, #tpu.memory_space<vmem>>, vector<1x16xf32>,
        %get3A_411 = vector.shape_cast %get3A_410 : vector<1x16xf32> to vector<16xf32>
        %min3A_412 = arith.minimumf %get3A_407, %get3A_411 : vector<16xf32>
        %swap3A_413 = arith.index_cast %select_n3A_333 : i32 to index
        %swap3A_414 = arith.constant 80 : index
        %swap3A_415 = tpu.vector_load %arg11[%swap3A_413, %swap3A_414] {strides = array<i32>} : memref<321x128xf32, #tpu.memory_space<vmem>>, vector<1x16xf32>,
        %swap3A_416 = vector.shape_cast %swap3A_415 : vector<1x16xf32> to vector<16xf32>
        %swap3A_417 = vector.shape_cast %min3A_412 : vector<16xf32> to vector<1x16xf32>
        tpu.vector_store %arg11[%swap3A_413, %swap3A_414], %swap3A_417 {strides = array<i32>} : memref<321x128xf32, #tpu.memory_space<vmem>>, vector<1x16xf32>,
        %get3A_418 = arith.index_cast %select_n3A_333 : i32 to index
        %get3A_419 = arith.constant 96 : index
        %get3A_420 = tpu.vector_load %arg11[%get3A_418, %get3A_419] {strides = array<i32>} : memref<321x128xf32, #tpu.memory_space<vmem>>, vector<1x16xf32>,
        %get3A_421 = vector.shape_cast %get3A_420 : vector<1x16xf32> to vector<16xf32>
        %get3A_422 = arith.index_cast %add3A_323 : i32 to index
        %get3A_423 = arith.constant 96 : index
        %get3A_424 = tpu.vector_load %arg10[%get3A_422, %get3A_423] {strides = array<i32>} : memref<128x128xf32, #tpu.memory_space<vmem>>, vector<1x16xf32>,
        %get3A_425 = vector.shape_cast %get3A_424 : vector<1x16xf32> to vector<16xf32>
        %min3A_426 = arith.minimumf %get3A_421, %get3A_425 : vector<16xf32>
        %swap3A_427 = arith.index_cast %select_n3A_333 : i32 to index
        %swap3A_428 = arith.constant 96 : index
        %swap3A_429 = tpu.vector_load %arg11[%swap3A_427, %swap3A_428] {strides = array<i32>} : memref<321x128xf32, #tpu.memory_space<vmem>>, vector<1x16xf32>,
        %swap3A_430 = vector.shape_cast %swap3A_429 : vector<1x16xf32> to vector<16xf32>
        %swap3A_431 = vector.shape_cast %min3A_426 : vector<16xf32> to vector<1x16xf32>
        tpu.vector_store %arg11[%swap3A_427, %swap3A_428], %swap3A_431 {strides = array<i32>} : memref<321x128xf32, #tpu.memory_space<vmem>>, vector<1x16xf32>,
        %get3A_432 = arith.index_cast %select_n3A_333 : i32 to index
        %get3A_433 = arith.constant 112 : index
        %get3A_434 = tpu.vector_load %arg11[%get3A_432, %get3A_433] {strides = array<i32>} : memref<321x128xf32, #tpu.memory_space<vmem>>, vector<1x16xf32>,
        %get3A_435 = vector.shape_cast %get3A_434 : vector<1x16xf32> to vector<16xf32>
        %get3A_436 = arith.index_cast %add3A_323 : i32 to index
        %get3A_437 = arith.constant 112 : index
        %get3A_438 = tpu.vector_load %arg10[%get3A_436, %get3A_437] {strides = array<i32>} : memref<128x128xf32, #tpu.memory_space<vmem>>, vector<1x16xf32>,
        %get3A_439 = vector.shape_cast %get3A_438 : vector<1x16xf32> to vector<16xf32>
        %min3A_440 = arith.minimumf %get3A_435, %get3A_439 : vector<16xf32>
        %swap3A_441 = arith.index_cast %select_n3A_333 : i32 to index
        %swap3A_442 = arith.constant 112 : index
        %swap3A_443 = tpu.vector_load %arg11[%swap3A_441, %swap3A_442] {strides = array<i32>} : memref<321x128xf32, #tpu.memory_space<vmem>>, vector<1x16xf32>,
        %swap3A_444 = vector.shape_cast %swap3A_443 : vector<1x16xf32> to vector<16xf32>
        %swap3A_445 = vector.shape_cast %min3A_440 : vector<16xf32> to vector<1x16xf32>
        tpu.vector_store %arg11[%swap3A_441, %swap3A_442], %swap3A_445 {strides = array<i32>} : memref<321x128xf32, #tpu.memory_space<vmem>>, vector<1x16xf32>,
        %mul3A_446 = arith.constant 16 : i32
        %mul3A_447 = arith.muli %scan3A_65, %mul3A_446 : i32
        %add3A_448 = arith.constant 3 : i32
        %add3A_449 = arith.addi %mul3A_447, %add3A_448 : i32
        %slice3A_450 = vector.extract_strided_slice %get3A_71 {offsets = [3], sizes = [1], strides = [1]} : vector<16xi32> to vector<1xi32>
        %squeeze3A_451 = vector.extract %slice3A_450[0] : i32 from vector<1xi32>
        %sub3A_452 = arith.subi %squeeze3A_451, %mul3A_2 : i32
        %ge3A_453 = arith.constant 0 : i32
        %ge3A_454 = arith.cmpi sge, %sub3A_452, %ge3A_453 : i32
        %lt3A_455 = arith.constant 320 : i32
        %lt3A_456 = arith.cmpi slt, %sub3A_452, %lt3A_455 : i32
        %and3A_457 = arith.andi %ge3A_454, %lt3A_456 : i1
        %jit3A_458 = arith.constant 320 : i32
        %select_n3A_459 = arith.select %and3A_457, %sub3A_452, %jit3A_458 : i32
        %get3A_460 = arith.index_cast %select_n3A_459 : i32 to index
        %get3A_461 = arith.constant 0 : index
        %get3A_462 = tpu.vector_load %arg11[%get3A_460, %get3A_461] {strides = array<i32>} : memref<321x128xf32, #tpu.memory_space<vmem>>, vector<1x16xf32>,
        %get3A_463 = vector.shape_cast %get3A_462 : vector<1x16xf32> to vector<16xf32>
        %get3A_464 = arith.index_cast %add3A_449 : i32 to index
        %get3A_465 = arith.constant 0 : index
        %get3A_466 = tpu.vector_load %arg10[%get3A_464, %get3A_465] {strides = array<i32>} : memref<128x128xf32, #tpu.memory_space<vmem>>, vector<1x16xf32>,
        %get3A_467 = vector.shape_cast %get3A_466 : vector<1x16xf32> to vector<16xf32>
        %min3A_468 = arith.minimumf %get3A_463, %get3A_467 : vector<16xf32>
        %swap3A_469 = arith.index_cast %select_n3A_459 : i32 to index
        %swap3A_470 = arith.constant 0 : index
        %swap3A_471 = tpu.vector_load %arg11[%swap3A_469, %swap3A_470] {strides = array<i32>} : memref<321x128xf32, #tpu.memory_space<vmem>>, vector<1x16xf32>,
        %swap3A_472 = vector.shape_cast %swap3A_471 : vector<1x16xf32> to vector<16xf32>
        %swap3A_473 = vector.shape_cast %min3A_468 : vector<16xf32> to vector<1x16xf32>
        tpu.vector_store %arg11[%swap3A_469, %swap3A_470], %swap3A_473 {strides = array<i32>} : memref<321x128xf32, #tpu.memory_space<vmem>>, vector<1x16xf32>,
        %get3A_474 = arith.index_cast %select_n3A_459 : i32 to index
        %get3A_475 = arith.constant 16 : index
        %get3A_476 = tpu.vector_load %arg11[%get3A_474, %get3A_475] {strides = array<i32>} : memref<321x128xf32, #tpu.memory_space<vmem>>, vector<1x16xf32>,
        %get3A_477 = vector.shape_cast %get3A_476 : vector<1x16xf32> to vector<16xf32>
        %get3A_478 = arith.index_cast %add3A_449 : i32 to index
        %get3A_479 = arith.constant 16 : index
        %get3A_480 = tpu.vector_load %arg10[%get3A_478, %get3A_479] {strides = array<i32>} : memref<128x128xf32, #tpu.memory_space<vmem>>, vector<1x16xf32>,
        %get3A_481 = vector.shape_cast %get3A_480 : vector<1x16xf32> to vector<16xf32>
        %min3A_482 = arith.minimumf %get3A_477, %get3A_481 : vector<16xf32>
        %swap3A_483 = arith.index_cast %select_n3A_459 : i32 to index
        %swap3A_484 = arith.constant 16 : index
        %swap3A_485 = tpu.vector_load %arg11[%swap3A_483, %swap3A_484] {strides = array<i32>} : memref<321x128xf32, #tpu.memory_space<vmem>>, vector<1x16xf32>,
        %swap3A_486 = vector.shape_cast %swap3A_485 : vector<1x16xf32> to vector<16xf32>
        %swap3A_487 = vector.shape_cast %min3A_482 : vector<16xf32> to vector<1x16xf32>
        tpu.vector_store %arg11[%swap3A_483, %swap3A_484], %swap3A_487 {strides = array<i32>} : memref<321x128xf32, #tpu.memory_space<vmem>>, vector<1x16xf32>,
        %get3A_488 = arith.index_cast %select_n3A_459 : i32 to index
        %get3A_489 = arith.constant 32 : index
        %get3A_490 = tpu.vector_load %arg11[%get3A_488, %get3A_489] {strides = array<i32>} : memref<321x128xf32, #tpu.memory_space<vmem>>, vector<1x16xf32>,
        %get3A_491 = vector.shape_cast %get3A_490 : vector<1x16xf32> to vector<16xf32>
        %get3A_492 = arith.index_cast %add3A_449 : i32 to index
        %get3A_493 = arith.constant 32 : index
        %get3A_494 = tpu.vector_load %arg10[%get3A_492, %get3A_493] {strides = array<i32>} : memref<128x128xf32, #tpu.memory_space<vmem>>, vector<1x16xf32>,
        %get3A_495 = vector.shape_cast %get3A_494 : vector<1x16xf32> to vector<16xf32>
        %min3A_496 = arith.minimumf %get3A_491, %get3A_495 : vector<16xf32>
        %swap3A_497 = arith.index_cast %select_n3A_459 : i32 to index
        %swap3A_498 = arith.constant 32 : index
        %swap3A_499 = tpu.vector_load %arg11[%swap3A_497, %swap3A_498] {strides = array<i32>} : memref<321x128xf32, #tpu.memory_space<vmem>>, vector<1x16xf32>,
        %swap3A_500 = vector.shape_cast %swap3A_499 : vector<1x16xf32> to vector<16xf32>
        %swap3A_501 = vector.shape_cast %min3A_496 : vector<16xf32> to vector<1x16xf32>
        tpu.vector_store %arg11[%swap3A_497, %swap3A_498], %swap3A_501 {strides = array<i32>} : memref<321x128xf32, #tpu.memory_space<vmem>>, vector<1x16xf32>,
        %get3A_502 = arith.index_cast %select_n3A_459 : i32 to index
        %get3A_503 = arith.constant 48 : index
        %get3A_504 = tpu.vector_load %arg11[%get3A_502, %get3A_503] {strides = array<i32>} : memref<321x128xf32, #tpu.memory_space<vmem>>, vector<1x16xf32>,
        %get3A_505 = vector.shape_cast %get3A_504 : vector<1x16xf32> to vector<16xf32>
        %get3A_506 = arith.index_cast %add3A_449 : i32 to index
        %get3A_507 = arith.constant 48 : index
        %get3A_508 = tpu.vector_load %arg10[%get3A_506, %get3A_507] {strides = array<i32>} : memref<128x128xf32, #tpu.memory_space<vmem>>, vector<1x16xf32>,
        %get3A_509 = vector.shape_cast %get3A_508 : vector<1x16xf32> to vector<16xf32>
        %min3A_510 = arith.minimumf %get3A_505, %get3A_509 : vector<16xf32>
        %swap3A_511 = arith.index_cast %select_n3A_459 : i32 to index
        %swap3A_512 = arith.constant 48 : index
        %swap3A_513 = tpu.vector_load %arg11[%swap3A_511, %swap3A_512] {strides = array<i32>} : memref<321x128xf32, #tpu.memory_space<vmem>>, vector<1x16xf32>,
        %swap3A_514 = vector.shape_cast %swap3A_513 : vector<1x16xf32> to vector<16xf32>
        %swap3A_515 = vector.shape_cast %min3A_510 : vector<16xf32> to vector<1x16xf32>
        tpu.vector_store %arg11[%swap3A_511, %swap3A_512], %swap3A_515 {strides = array<i32>} : memref<321x128xf32, #tpu.memory_space<vmem>>, vector<1x16xf32>,
        %get3A_516 = arith.index_cast %select_n3A_459 : i32 to index
        %get3A_517 = arith.constant 64 : index
        %get3A_518 = tpu.vector_load %arg11[%get3A_516, %get3A_517] {strides = array<i32>} : memref<321x128xf32, #tpu.memory_space<vmem>>, vector<1x16xf32>,
        %get3A_519 = vector.shape_cast %get3A_518 : vector<1x16xf32> to vector<16xf32>
        %get3A_520 = arith.index_cast %add3A_449 : i32 to index
        %get3A_521 = arith.constant 64 : index
        %get3A_522 = tpu.vector_load %arg10[%get3A_520, %get3A_521] {strides = array<i32>} : memref<128x128xf32, #tpu.memory_space<vmem>>, vector<1x16xf32>,
        %get3A_523 = vector.shape_cast %get3A_522 : vector<1x16xf32> to vector<16xf32>
        %min3A_524 = arith.minimumf %get3A_519, %get3A_523 : vector<16xf32>
        %swap3A_525 = arith.index_cast %select_n3A_459 : i32 to index
        %swap3A_526 = arith.constant 64 : index
        %swap3A_527 = tpu.vector_load %arg11[%swap3A_525, %swap3A_526] {strides = array<i32>} : memref<321x128xf32, #tpu.memory_space<vmem>>, vector<1x16xf32>,
        %swap3A_528 = vector.shape_cast %swap3A_527 : vector<1x16xf32> to vector<16xf32>
        %swap3A_529 = vector.shape_cast %min3A_524 : vector<16xf32> to vector<1x16xf32>
        tpu.vector_store %arg11[%swap3A_525, %swap3A_526], %swap3A_529 {strides = array<i32>} : memref<321x128xf32, #tpu.memory_space<vmem>>, vector<1x16xf32>,
        %get3A_530 = arith.index_cast %select_n3A_459 : i32 to index
        %get3A_531 = arith.constant 80 : index
        %get3A_532 = tpu.vector_load %arg11[%get3A_530, %get3A_531] {strides = array<i32>} : memref<321x128xf32, #tpu.memory_space<vmem>>, vector<1x16xf32>,
        %get3A_533 = vector.shape_cast %get3A_532 : vector<1x16xf32> to vector<16xf32>
        %get3A_534 = arith.index_cast %add3A_449 : i32 to index
        %get3A_535 = arith.constant 80 : index
        %get3A_536 = tpu.vector_load %arg10[%get3A_534, %get3A_535] {strides = array<i32>} : memref<128x128xf32, #tpu.memory_space<vmem>>, vector<1x16xf32>,
        %get3A_537 = vector.shape_cast %get3A_536 : vector<1x16xf32> to vector<16xf32>
        %min3A_538 = arith.minimumf %get3A_533, %get3A_537 : vector<16xf32>
        %swap3A_539 = arith.index_cast %select_n3A_459 : i32 to index
        %swap3A_540 = arith.constant 80 : index
        %swap3A_541 = tpu.vector_load %arg11[%swap3A_539, %swap3A_540] {strides = array<i32>} : memref<321x128xf32, #tpu.memory_space<vmem>>, vector<1x16xf32>,
        %swap3A_542 = vector.shape_cast %swap3A_541 : vector<1x16xf32> to vector<16xf32>
        %swap3A_543 = vector.shape_cast %min3A_538 : vector<16xf32> to vector<1x16xf32>
        tpu.vector_store %arg11[%swap3A_539, %swap3A_540], %swap3A_543 {strides = array<i32>} : memref<321x128xf32, #tpu.memory_space<vmem>>, vector<1x16xf32>,
        %get3A_544 = arith.index_cast %select_n3A_459 : i32 to index
        %get3A_545 = arith.constant 96 : index
        %get3A_546 = tpu.vector_load %arg11[%get3A_544, %get3A_545] {strides = array<i32>} : memref<321x128xf32, #tpu.memory_space<vmem>>, vector<1x16xf32>,
        %get3A_547 = vector.shape_cast %get3A_546 : vector<1x16xf32> to vector<16xf32>
        %get3A_548 = arith.index_cast %add3A_449 : i32 to index
        %get3A_549 = arith.constant 96 : index
        %get3A_550 = tpu.vector_load %arg10[%get3A_548, %get3A_549] {strides = array<i32>} : memref<128x128xf32, #tpu.memory_space<vmem>>, vector<1x16xf32>,
        %get3A_551 = vector.shape_cast %get3A_550 : vector<1x16xf32> to vector<16xf32>
        %min3A_552 = arith.minimumf %get3A_547, %get3A_551 : vector<16xf32>
        %swap3A_553 = arith.index_cast %select_n3A_459 : i32 to index
        %swap3A_554 = arith.constant 96 : index
        %swap3A_555 = tpu.vector_load %arg11[%swap3A_553, %swap3A_554] {strides = array<i32>} : memref<321x128xf32, #tpu.memory_space<vmem>>, vector<1x16xf32>,
        %swap3A_556 = vector.shape_cast %swap3A_555 : vector<1x16xf32> to vector<16xf32>
        %swap3A_557 = vector.shape_cast %min3A_552 : vector<16xf32> to vector<1x16xf32>
        tpu.vector_store %arg11[%swap3A_553, %swap3A_554], %swap3A_557 {strides = array<i32>} : memref<321x128xf32, #tpu.memory_space<vmem>>, vector<1x16xf32>,
        %get3A_558 = arith.index_cast %select_n3A_459 : i32 to index
        %get3A_559 = arith.constant 112 : index
        %get3A_560 = tpu.vector_load %arg11[%get3A_558, %get3A_559] {strides = array<i32>} : memref<321x128xf32, #tpu.memory_space<vmem>>, vector<1x16xf32>,
        %get3A_561 = vector.shape_cast %get3A_560 : vector<1x16xf32> to vector<16xf32>
        %get3A_562 = arith.index_cast %add3A_449 : i32 to index
        %get3A_563 = arith.constant 112 : index
        %get3A_564 = tpu.vector_load %arg10[%get3A_562, %get3A_563] {strides = array<i32>} : memref<128x128xf32, #tpu.memory_space<vmem>>, vector<1x16xf32>,
        %get3A_565 = vector.shape_cast %get3A_564 : vector<1x16xf32> to vector<16xf32>
        %min3A_566 = arith.minimumf %get3A_561, %get3A_565 : vector<16xf32>
        %swap3A_567 = arith.index_cast %select_n3A_459 : i32 to index
        %swap3A_568 = arith.constant 112 : index
        %swap3A_569 = tpu.vector_load %arg11[%swap3A_567, %swap3A_568] {strides = array<i32>} : memref<321x128xf32, #tpu.memory_space<vmem>>, vector<1x16xf32>,
        %swap3A_570 = vector.shape_cast %swap3A_569 : vector<1x16xf32> to vector<16xf32>
        %swap3A_571 = vector.shape_cast %min3A_566 : vector<16xf32> to vector<1x16xf32>
        tpu.vector_store %arg11[%swap3A_567, %swap3A_568], %swap3A_571 {strides = array<i32>} : memref<321x128xf32, #tpu.memory_space<vmem>>, vector<1x16xf32>,
        %mul3A_572 = arith.constant 16 : i32
        %mul3A_573 = arith.muli %scan3A_65, %mul3A_572 : i32
        %add3A_574 = arith.constant 4 : i32
        %add3A_575 = arith.addi %mul3A_573, %add3A_574 : i32
        %slice3A_576 = vector.extract_strided_slice %get3A_71 {offsets = [4], sizes = [1], strides = [1]} : vector<16xi32> to vector<1xi32>
        %squeeze3A_577 = vector.extract %slice3A_576[0] : i32 from vector<1xi32>
        %sub3A_578 = arith.subi %squeeze3A_577, %mul3A_2 : i32
        %ge3A_579 = arith.constant 0 : i32
        %ge3A_580 = arith.cmpi sge, %sub3A_578, %ge3A_579 : i32
        %lt3A_581 = arith.constant 320 : i32
        %lt3A_582 = arith.cmpi slt, %sub3A_578, %lt3A_581 : i32
        %and3A_583 = arith.andi %ge3A_580, %lt3A_582 : i1
        %jit3A_584 = arith.constant 320 : i32
        %select_n3A_585 = arith.select %and3A_583, %sub3A_578, %jit3A_584 : i32
        %get3A_586 = arith.index_cast %select_n3A_585 : i32 to index
        %get3A_587 = arith.constant 0 : index
        %get3A_588 = tpu.vector_load %arg11[%get3A_586, %get3A_587] {strides = array<i32>} : memref<321x128xf32, #tpu.memory_space<vmem>>, vector<1x16xf32>,
        %get3A_589 = vector.shape_cast %get3A_588 : vector<1x16xf32> to vector<16xf32>
        %get3A_590 = arith.index_cast %add3A_575 : i32 to index
        %get3A_591 = arith.constant 0 : index
        %get3A_592 = tpu.vector_load %arg10[%get3A_590, %get3A_591] {strides = array<i32>} : memref<128x128xf32, #tpu.memory_space<vmem>>, vector<1x16xf32>,
        %get3A_593 = vector.shape_cast %get3A_592 : vector<1x16xf32> to vector<16xf32>
        %min3A_594 = arith.minimumf %get3A_589, %get3A_593 : vector<16xf32>
        %swap3A_595 = arith.index_cast %select_n3A_585 : i32 to index
        %swap3A_596 = arith.constant 0 : index
        %swap3A_597 = tpu.vector_load %arg11[%swap3A_595, %swap3A_596] {strides = array<i32>} : memref<321x128xf32, #tpu.memory_space<vmem>>, vector<1x16xf32>,
        %swap3A_598 = vector.shape_cast %swap3A_597 : vector<1x16xf32> to vector<16xf32>
        %swap3A_599 = vector.shape_cast %min3A_594 : vector<16xf32> to vector<1x16xf32>
        tpu.vector_store %arg11[%swap3A_595, %swap3A_596], %swap3A_599 {strides = array<i32>} : memref<321x128xf32, #tpu.memory_space<vmem>>, vector<1x16xf32>,
        %get3A_600 = arith.index_cast %select_n3A_585 : i32 to index
        %get3A_601 = arith.constant 16 : index
        %get3A_602 = tpu.vector_load %arg11[%get3A_600, %get3A_601] {strides = array<i32>} : memref<321x128xf32, #tpu.memory_space<vmem>>, vector<1x16xf32>,
        %get3A_603 = vector.shape_cast %get3A_602 : vector<1x16xf32> to vector<16xf32>
        %get3A_604 = arith.index_cast %add3A_575 : i32 to index
        %get3A_605 = arith.constant 16 : index
        %get3A_606 = tpu.vector_load %arg10[%get3A_604, %get3A_605] {strides = array<i32>} : memref<128x128xf32, #tpu.memory_space<vmem>>, vector<1x16xf32>,
        %get3A_607 = vector.shape_cast %get3A_606 : vector<1x16xf32> to vector<16xf32>
        %min3A_608 = arith.minimumf %get3A_603, %get3A_607 : vector<16xf32>
        %swap3A_609 = arith.index_cast %select_n3A_585 : i32 to index
        %swap3A_610 = arith.constant 16 : index
        %swap3A_611 = tpu.vector_load %arg11[%swap3A_609, %swap3A_610] {strides = array<i32>} : memref<321x128xf32, #tpu.memory_space<vmem>>, vector<1x16xf32>,
        %swap3A_612 = vector.shape_cast %swap3A_611 : vector<1x16xf32> to vector<16xf32>
        %swap3A_613 = vector.shape_cast %min3A_608 : vector<16xf32> to vector<1x16xf32>
        tpu.vector_store %arg11[%swap3A_609, %swap3A_610], %swap3A_613 {strides = array<i32>} : memref<321x128xf32, #tpu.memory_space<vmem>>, vector<1x16xf32>,
        %get3A_614 = arith.index_cast %select_n3A_585 : i32 to index
        %get3A_615 = arith.constant 32 : index
        %get3A_616 = tpu.vector_load %arg11[%get3A_614, %get3A_615] {strides = array<i32>} : memref<321x128xf32, #tpu.memory_space<vmem>>, vector<1x16xf32>,
        %get3A_617 = vector.shape_cast %get3A_616 : vector<1x16xf32> to vector<16xf32>
        %get3A_618 = arith.index_cast %add3A_575 : i32 to index
        %get3A_619 = arith.constant 32 : index
        %get3A_620 = tpu.vector_load %arg10[%get3A_618, %get3A_619] {strides = array<i32>} : memref<128x128xf32, #tpu.memory_space<vmem>>, vector<1x16xf32>,
        %get3A_621 = vector.shape_cast %get3A_620 : vector<1x16xf32> to vector<16xf32>
        %min3A_622 = arith.minimumf %get3A_617, %get3A_621 : vector<16xf32>
        %swap3A_623 = arith.index_cast %select_n3A_585 : i32 to index
        %swap3A_624 = arith.constant 32 : index
        %swap3A_625 = tpu.vector_load %arg11[%swap3A_623, %swap3A_624] {strides = array<i32>} : memref<321x128xf32, #tpu.memory_space<vmem>>, vector<1x16xf32>,
        %swap3A_626 = vector.shape_cast %swap3A_625 : vector<1x16xf32> to vector<16xf32>
        %swap3A_627 = vector.shape_cast %min3A_622 : vector<16xf32> to vector<1x16xf32>
        tpu.vector_store %arg11[%swap3A_623, %swap3A_624], %swap3A_627 {strides = array<i32>} : memref<321x128xf32, #tpu.memory_space<vmem>>, vector<1x16xf32>,
        %get3A_628 = arith.index_cast %select_n3A_585 : i32 to index
        %get3A_629 = arith.constant 48 : index
        %get3A_630 = tpu.vector_load %arg11[%get3A_628, %get3A_629] {strides = array<i32>} : memref<321x128xf32, #tpu.memory_space<vmem>>, vector<1x16xf32>,
        %get3A_631 = vector.shape_cast %get3A_630 : vector<1x16xf32> to vector<16xf32>
        %get3A_632 = arith.index_cast %add3A_575 : i32 to index
        %get3A_633 = arith.constant 48 : index
        %get3A_634 = tpu.vector_load %arg10[%get3A_632, %get3A_633] {strides = array<i32>} : memref<128x128xf32, #tpu.memory_space<vmem>>, vector<1x16xf32>,
        %get3A_635 = vector.shape_cast %get3A_634 : vector<1x16xf32> to vector<16xf32>
        %min3A_636 = arith.minimumf %get3A_631, %get3A_635 : vector<16xf32>
        %swap3A_637 = arith.index_cast %select_n3A_585 : i32 to index
        %swap3A_638 = arith.constant 48 : index
        %swap3A_639 = tpu.vector_load %arg11[%swap3A_637, %swap3A_638] {strides = array<i32>} : memref<321x128xf32, #tpu.memory_space<vmem>>, vector<1x16xf32>,
        %swap3A_640 = vector.shape_cast %swap3A_639 : vector<1x16xf32> to vector<16xf32>
        %swap3A_641 = vector.shape_cast %min3A_636 : vector<16xf32> to vector<1x16xf32>
        tpu.vector_store %arg11[%swap3A_637, %swap3A_638], %swap3A_641 {strides = array<i32>} : memref<321x128xf32, #tpu.memory_space<vmem>>, vector<1x16xf32>,
        %get3A_642 = arith.index_cast %select_n3A_585 : i32 to index
        %get3A_643 = arith.constant 64 : index
        %get3A_644 = tpu.vector_load %arg11[%get3A_642, %get3A_643] {strides = array<i32>} : memref<321x128xf32, #tpu.memory_space<vmem>>, vector<1x16xf32>,
        %get3A_645 = vector.shape_cast %get3A_644 : vector<1x16xf32> to vector<16xf32>
        %get3A_646 = arith.index_cast %add3A_575 : i32 to index
        %get3A_647 = arith.constant 64 : index
        %get3A_648 = tpu.vector_load %arg10[%get3A_646, %get3A_647] {strides = array<i32>} : memref<128x128xf32, #tpu.memory_space<vmem>>, vector<1x16xf32>,
        %get3A_649 = vector.shape_cast %get3A_648 : vector<1x16xf32> to vector<16xf32>
        %min3A_650 = arith.minimumf %get3A_645, %get3A_649 : vector<16xf32>
        %swap3A_651 = arith.index_cast %select_n3A_585 : i32 to index
        %swap3A_652 = arith.constant 64 : index
        %swap3A_653 = tpu.vector_load %arg11[%swap3A_651, %swap3A_652] {strides = array<i32>} : memref<321x128xf32, #tpu.memory_space<vmem>>, vector<1x16xf32>,
        %swap3A_654 = vector.shape_cast %swap3A_653 : vector<1x16xf32> to vector<16xf32>
        %swap3A_655 = vector.shape_cast %min3A_650 : vector<16xf32> to vector<1x16xf32>
        tpu.vector_store %arg11[%swap3A_651, %swap3A_652], %swap3A_655 {strides = array<i32>} : memref<321x128xf32, #tpu.memory_space<vmem>>, vector<1x16xf32>,
        %get3A_656 = arith.index_cast %select_n3A_585 : i32 to index
        %get3A_657 = arith.constant 80 : index
        %get3A_658 = tpu.vector_load %arg11[%get3A_656, %get3A_657] {strides = array<i32>} : memref<321x128xf32, #tpu.memory_space<vmem>>, vector<1x16xf32>,
        %get3A_659 = vector.shape_cast %get3A_658 : vector<1x16xf32> to vector<16xf32>
        %get3A_660 = arith.index_cast %add3A_575 : i32 to index
        %get3A_661 = arith.constant 80 : index
        %get3A_662 = tpu.vector_load %arg10[%get3A_660, %get3A_661] {strides = array<i32>} : memref<128x128xf32, #tpu.memory_space<vmem>>, vector<1x16xf32>,
        %get3A_663 = vector.shape_cast %get3A_662 : vector<1x16xf32> to vector<16xf32>
        %min3A_664 = arith.minimumf %get3A_659, %get3A_663 : vector<16xf32>
        %swap3A_665 = arith.index_cast %select_n3A_585 : i32 to index
        %swap3A_666 = arith.constant 80 : index
        %swap3A_667 = tpu.vector_load %arg11[%swap3A_665, %swap3A_666] {strides = array<i32>} : memref<321x128xf32, #tpu.memory_space<vmem>>, vector<1x16xf32>,
        %swap3A_668 = vector.shape_cast %swap3A_667 : vector<1x16xf32> to vector<16xf32>
        %swap3A_669 = vector.shape_cast %min3A_664 : vector<16xf32> to vector<1x16xf32>
        tpu.vector_store %arg11[%swap3A_665, %swap3A_666], %swap3A_669 {strides = array<i32>} : memref<321x128xf32, #tpu.memory_space<vmem>>, vector<1x16xf32>,
        %get3A_670 = arith.index_cast %select_n3A_585 : i32 to index
        %get3A_671 = arith.constant 96 : index
        %get3A_672 = tpu.vector_load %arg11[%get3A_670, %get3A_671] {strides = array<i32>} : memref<321x128xf32, #tpu.memory_space<vmem>>, vector<1x16xf32>,
        %get3A_673 = vector.shape_cast %get3A_672 : vector<1x16xf32> to vector<16xf32>
        %get3A_674 = arith.index_cast %add3A_575 : i32 to index
        %get3A_675 = arith.constant 96 : index
        %get3A_676 = tpu.vector_load %arg10[%get3A_674, %get3A_675] {strides = array<i32>} : memref<128x128xf32, #tpu.memory_space<vmem>>, vector<1x16xf32>,
        %get3A_677 = vector.shape_cast %get3A_676 : vector<1x16xf32> to vector<16xf32>
        %min3A_678 = arith.minimumf %get3A_673, %get3A_677 : vector<16xf32>
        %swap3A_679 = arith.index_cast %select_n3A_585 : i32 to index
        %swap3A_680 = arith.constant 96 : index
        %swap3A_681 = tpu.vector_load %arg11[%swap3A_679, %swap3A_680] {strides = array<i32>} : memref<321x128xf32, #tpu.memory_space<vmem>>, vector<1x16xf32>,
        %swap3A_682 = vector.shape_cast %swap3A_681 : vector<1x16xf32> to vector<16xf32>
        %swap3A_683 = vector.shape_cast %min3A_678 : vector<16xf32> to vector<1x16xf32>
        tpu.vector_store %arg11[%swap3A_679, %swap3A_680], %swap3A_683 {strides = array<i32>} : memref<321x128xf32, #tpu.memory_space<vmem>>, vector<1x16xf32>,
        %get3A_684 = arith.index_cast %select_n3A_585 : i32 to index
        %get3A_685 = arith.constant 112 : index
        %get3A_686 = tpu.vector_load %arg11[%get3A_684, %get3A_685] {strides = array<i32>} : memref<321x128xf32, #tpu.memory_space<vmem>>, vector<1x16xf32>,
        %get3A_687 = vector.shape_cast %get3A_686 : vector<1x16xf32> to vector<16xf32>
        %get3A_688 = arith.index_cast %add3A_575 : i32 to index
        %get3A_689 = arith.constant 112 : index
        %get3A_690 = tpu.vector_load %arg10[%get3A_688, %get3A_689] {strides = array<i32>} : memref<128x128xf32, #tpu.memory_space<vmem>>, vector<1x16xf32>,
        %get3A_691 = vector.shape_cast %get3A_690 : vector<1x16xf32> to vector<16xf32>
        %min3A_692 = arith.minimumf %get3A_687, %get3A_691 : vector<16xf32>
        %swap3A_693 = arith.index_cast %select_n3A_585 : i32 to index
        %swap3A_694 = arith.constant 112 : index
        %swap3A_695 = tpu.vector_load %arg11[%swap3A_693, %swap3A_694] {strides = array<i32>} : memref<321x128xf32, #tpu.memory_space<vmem>>, vector<1x16xf32>,
        %swap3A_696 = vector.shape_cast %swap3A_695 : vector<1x16xf32> to vector<16xf32>
        %swap3A_697 = vector.shape_cast %min3A_692 : vector<16xf32> to vector<1x16xf32>
        tpu.vector_store %arg11[%swap3A_693, %swap3A_694], %swap3A_697 {strides = array<i32>} : memref<321x128xf32, #tpu.memory_space<vmem>>, vector<1x16xf32>,
        %mul3A_698 = arith.constant 16 : i32
        %mul3A_699 = arith.muli %scan3A_65, %mul3A_698 : i32
        %add3A_700 = arith.constant 5 : i32
        %add3A_701 = arith.addi %mul3A_699, %add3A_700 : i32
        %slice3A_702 = vector.extract_strided_slice %get3A_71 {offsets = [5], sizes = [1], strides = [1]} : vector<16xi32> to vector<1xi32>
        %squeeze3A_703 = vector.extract %slice3A_702[0] : i32 from vector<1xi32>
        %sub3A_704 = arith.subi %squeeze3A_703, %mul3A_2 : i32
        %ge3A_705 = arith.constant 0 : i32
        %ge3A_706 = arith.cmpi sge, %sub3A_704, %ge3A_705 : i32
        %lt3A_707 = arith.constant 320 : i32
        %lt3A_708 = arith.cmpi slt, %sub3A_704, %lt3A_707 : i32
        %and3A_709 = arith.andi %ge3A_706, %lt3A_708 : i1
        %jit3A_710 = arith.constant 320 : i32
        %select_n3A_711 = arith.select %and3A_709, %sub3A_704, %jit3A_710 : i32
        %get3A_712 = arith.index_cast %select_n3A_711 : i32 to index
        %get3A_713 = arith.constant 0 : index
        %get3A_714 = tpu.vector_load %arg11[%get3A_712, %get3A_713] {strides = array<i32>} : memref<321x128xf32, #tpu.memory_space<vmem>>, vector<1x16xf32>,
        %get3A_715 = vector.shape_cast %get3A_714 : vector<1x16xf32> to vector<16xf32>
        %get3A_716 = arith.index_cast %add3A_701 : i32 to index
        %get3A_717 = arith.constant 0 : index
        %get3A_718 = tpu.vector_load %arg10[%get3A_716, %get3A_717] {strides = array<i32>} : memref<128x128xf32, #tpu.memory_space<vmem>>, vector<1x16xf32>,
        %get3A_719 = vector.shape_cast %get3A_718 : vector<1x16xf32> to vector<16xf32>
        %min3A_720 = arith.minimumf %get3A_715, %get3A_719 : vector<16xf32>
        %swap3A_721 = arith.index_cast %select_n3A_711 : i32 to index
        %swap3A_722 = arith.constant 0 : index
        %swap3A_723 = tpu.vector_load %arg11[%swap3A_721, %swap3A_722] {strides = array<i32>} : memref<321x128xf32, #tpu.memory_space<vmem>>, vector<1x16xf32>,
        %swap3A_724 = vector.shape_cast %swap3A_723 : vector<1x16xf32> to vector<16xf32>
        %swap3A_725 = vector.shape_cast %min3A_720 : vector<16xf32> to vector<1x16xf32>
        tpu.vector_store %arg11[%swap3A_721, %swap3A_722], %swap3A_725 {strides = array<i32>} : memref<321x128xf32, #tpu.memory_space<vmem>>, vector<1x16xf32>,
        %get3A_726 = arith.index_cast %select_n3A_711 : i32 to index
        %get3A_727 = arith.constant 16 : index
        %get3A_728 = tpu.vector_load %arg11[%get3A_726, %get3A_727] {strides = array<i32>} : memref<321x128xf32, #tpu.memory_space<vmem>>, vector<1x16xf32>,
        %get3A_729 = vector.shape_cast %get3A_728 : vector<1x16xf32> to vector<16xf32>
        %get3A_730 = arith.index_cast %add3A_701 : i32 to index
        %get3A_731 = arith.constant 16 : index
        %get3A_732 = tpu.vector_load %arg10[%get3A_730, %get3A_731] {strides = array<i32>} : memref<128x128xf32, #tpu.memory_space<vmem>>, vector<1x16xf32>,
        %get3A_733 = vector.shape_cast %get3A_732 : vector<1x16xf32> to vector<16xf32>
        %min3A_734 = arith.minimumf %get3A_729, %get3A_733 : vector<16xf32>
        %swap3A_735 = arith.index_cast %select_n3A_711 : i32 to index
        %swap3A_736 = arith.constant 16 : index
        %swap3A_737 = tpu.vector_load %arg11[%swap3A_735, %swap3A_736] {strides = array<i32>} : memref<321x128xf32, #tpu.memory_space<vmem>>, vector<1x16xf32>,
        %swap3A_738 = vector.shape_cast %swap3A_737 : vector<1x16xf32> to vector<16xf32>
        %swap3A_739 = vector.shape_cast %min3A_734 : vector<16xf32> to vector<1x16xf32>
        tpu.vector_store %arg11[%swap3A_735, %swap3A_736], %swap3A_739 {strides = array<i32>} : memref<321x128xf32, #tpu.memory_space<vmem>>, vector<1x16xf32>,
        %get3A_740 = arith.index_cast %select_n3A_711 : i32 to index
        %get3A_741 = arith.constant 32 : index
        %get3A_742 = tpu.vector_load %arg11[%get3A_740, %get3A_741] {strides = array<i32>} : memref<321x128xf32, #tpu.memory_space<vmem>>, vector<1x16xf32>,
        %get3A_743 = vector.shape_cast %get3A_742 : vector<1x16xf32> to vector<16xf32>
        %get3A_744 = arith.index_cast %add3A_701 : i32 to index
        %get3A_745 = arith.constant 32 : index
        %get3A_746 = tpu.vector_load %arg10[%get3A_744, %get3A_745] {strides = array<i32>} : memref<128x128xf32, #tpu.memory_space<vmem>>, vector<1x16xf32>,
        %get3A_747 = vector.shape_cast %get3A_746 : vector<1x16xf32> to vector<16xf32>
        %min3A_748 = arith.minimumf %get3A_743, %get3A_747 : vector<16xf32>
        %swap3A_749 = arith.index_cast %select_n3A_711 : i32 to index
        %swap3A_750 = arith.constant 32 : index
        %swap3A_751 = tpu.vector_load %arg11[%swap3A_749, %swap3A_750] {strides = array<i32>} : memref<321x128xf32, #tpu.memory_space<vmem>>, vector<1x16xf32>,
        %swap3A_752 = vector.shape_cast %swap3A_751 : vector<1x16xf32> to vector<16xf32>
        %swap3A_753 = vector.shape_cast %min3A_748 : vector<16xf32> to vector<1x16xf32>
        tpu.vector_store %arg11[%swap3A_749, %swap3A_750], %swap3A_753 {strides = array<i32>} : memref<321x128xf32, #tpu.memory_space<vmem>>, vector<1x16xf32>,
        %get3A_754 = arith.index_cast %select_n3A_711 : i32 to index
        %get3A_755 = arith.constant 48 : index
        %get3A_756 = tpu.vector_load %arg11[%get3A_754, %get3A_755] {strides = array<i32>} : memref<321x128xf32, #tpu.memory_space<vmem>>, vector<1x16xf32>,
        %get3A_757 = vector.shape_cast %get3A_756 : vector<1x16xf32> to vector<16xf32>
        %get3A_758 = arith.index_cast %add3A_701 : i32 to index
        %get3A_759 = arith.constant 48 : index
        %get3A_760 = tpu.vector_load %arg10[%get3A_758, %get3A_759] {strides = array<i32>} : memref<128x128xf32, #tpu.memory_space<vmem>>, vector<1x16xf32>,
        %get3A_761 = vector.shape_cast %get3A_760 : vector<1x16xf32> to vector<16xf32>
        %min3A_762 = arith.minimumf %get3A_757, %get3A_761 : vector<16xf32>
        %swap3A_763 = arith.index_cast %select_n3A_711 : i32 to index
        %swap3A_764 = arith.constant 48 : index
        %swap3A_765 = tpu.vector_load %arg11[%swap3A_763, %swap3A_764] {strides = array<i32>} : memref<321x128xf32, #tpu.memory_space<vmem>>, vector<1x16xf32>,
        %swap3A_766 = vector.shape_cast %swap3A_765 : vector<1x16xf32> to vector<16xf32>
        %swap3A_767 = vector.shape_cast %min3A_762 : vector<16xf32> to vector<1x16xf32>
        tpu.vector_store %arg11[%swap3A_763, %swap3A_764], %swap3A_767 {strides = array<i32>} : memref<321x128xf32, #tpu.memory_space<vmem>>, vector<1x16xf32>,
        %get3A_768 = arith.index_cast %select_n3A_711 : i32 to index
        %get3A_769 = arith.constant 64 : index
        %get3A_770 = tpu.vector_load %arg11[%get3A_768, %get3A_769] {strides = array<i32>} : memref<321x128xf32, #tpu.memory_space<vmem>>, vector<1x16xf32>,
        %get3A_771 = vector.shape_cast %get3A_770 : vector<1x16xf32> to vector<16xf32>
        %get3A_772 = arith.index_cast %add3A_701 : i32 to index
        %get3A_773 = arith.constant 64 : index
        %get3A_774 = tpu.vector_load %arg10[%get3A_772, %get3A_773] {strides = array<i32>} : memref<128x128xf32, #tpu.memory_space<vmem>>, vector<1x16xf32>,
        %get3A_775 = vector.shape_cast %get3A_774 : vector<1x16xf32> to vector<16xf32>
        %min3A_776 = arith.minimumf %get3A_771, %get3A_775 : vector<16xf32>
        %swap3A_777 = arith.index_cast %select_n3A_711 : i32 to index
        %swap3A_778 = arith.constant 64 : index
        %swap3A_779 = tpu.vector_load %arg11[%swap3A_777, %swap3A_778] {strides = array<i32>} : memref<321x128xf32, #tpu.memory_space<vmem>>, vector<1x16xf32>,
        %swap3A_780 = vector.shape_cast %swap3A_779 : vector<1x16xf32> to vector<16xf32>
        %swap3A_781 = vector.shape_cast %min3A_776 : vector<16xf32> to vector<1x16xf32>
        tpu.vector_store %arg11[%swap3A_777, %swap3A_778], %swap3A_781 {strides = array<i32>} : memref<321x128xf32, #tpu.memory_space<vmem>>, vector<1x16xf32>,
        %get3A_782 = arith.index_cast %select_n3A_711 : i32 to index
        %get3A_783 = arith.constant 80 : index
        %get3A_784 = tpu.vector_load %arg11[%get3A_782, %get3A_783] {strides = array<i32>} : memref<321x128xf32, #tpu.memory_space<vmem>>, vector<1x16xf32>,
        %get3A_785 = vector.shape_cast %get3A_784 : vector<1x16xf32> to vector<16xf32>
        %get3A_786 = arith.index_cast %add3A_701 : i32 to index
        %get3A_787 = arith.constant 80 : index
        %get3A_788 = tpu.vector_load %arg10[%get3A_786, %get3A_787] {strides = array<i32>} : memref<128x128xf32, #tpu.memory_space<vmem>>, vector<1x16xf32>,
        %get3A_789 = vector.shape_cast %get3A_788 : vector<1x16xf32> to vector<16xf32>
        %min3A_790 = arith.minimumf %get3A_785, %get3A_789 : vector<16xf32>
        %swap3A_791 = arith.index_cast %select_n3A_711 : i32 to index
        %swap3A_792 = arith.constant 80 : index
        %swap3A_793 = tpu.vector_load %arg11[%swap3A_791, %swap3A_792] {strides = array<i32>} : memref<321x128xf32, #tpu.memory_space<vmem>>, vector<1x16xf32>,
        %swap3A_794 = vector.shape_cast %swap3A_793 : vector<1x16xf32> to vector<16xf32>
        %swap3A_795 = vector.shape_cast %min3A_790 : vector<16xf32> to vector<1x16xf32>
        tpu.vector_store %arg11[%swap3A_791, %swap3A_792], %swap3A_795 {strides = array<i32>} : memref<321x128xf32, #tpu.memory_space<vmem>>, vector<1x16xf32>,
        %get3A_796 = arith.index_cast %select_n3A_711 : i32 to index
        %get3A_797 = arith.constant 96 : index
        %get3A_798 = tpu.vector_load %arg11[%get3A_796, %get3A_797] {strides = array<i32>} : memref<321x128xf32, #tpu.memory_space<vmem>>, vector<1x16xf32>,
        %get3A_799 = vector.shape_cast %get3A_798 : vector<1x16xf32> to vector<16xf32>
        %get3A_800 = arith.index_cast %add3A_701 : i32 to index
        %get3A_801 = arith.constant 96 : index
        %get3A_802 = tpu.vector_load %arg10[%get3A_800, %get3A_801] {strides = array<i32>} : memref<128x128xf32, #tpu.memory_space<vmem>>, vector<1x16xf32>,
        %get3A_803 = vector.shape_cast %get3A_802 : vector<1x16xf32> to vector<16xf32>
        %min3A_804 = arith.minimumf %get3A_799, %get3A_803 : vector<16xf32>
        %swap3A_805 = arith.index_cast %select_n3A_711 : i32 to index
        %swap3A_806 = arith.constant 96 : index
        %swap3A_807 = tpu.vector_load %arg11[%swap3A_805, %swap3A_806] {strides = array<i32>} : memref<321x128xf32, #tpu.memory_space<vmem>>, vector<1x16xf32>,
        %swap3A_808 = vector.shape_cast %swap3A_807 : vector<1x16xf32> to vector<16xf32>
        %swap3A_809 = vector.shape_cast %min3A_804 : vector<16xf32> to vector<1x16xf32>
        tpu.vector_store %arg11[%swap3A_805, %swap3A_806], %swap3A_809 {strides = array<i32>} : memref<321x128xf32, #tpu.memory_space<vmem>>, vector<1x16xf32>,
        %get3A_810 = arith.index_cast %select_n3A_711 : i32 to index
        %get3A_811 = arith.constant 112 : index
        %get3A_812 = tpu.vector_load %arg11[%get3A_810, %get3A_811] {strides = array<i32>} : memref<321x128xf32, #tpu.memory_space<vmem>>, vector<1x16xf32>,
        %get3A_813 = vector.shape_cast %get3A_812 : vector<1x16xf32> to vector<16xf32>
        %get3A_814 = arith.index_cast %add3A_701 : i32 to index
        %get3A_815 = arith.constant 112 : index
        %get3A_816 = tpu.vector_load %arg10[%get3A_814, %get3A_815] {strides = array<i32>} : memref<128x128xf32, #tpu.memory_space<vmem>>, vector<1x16xf32>,
        %get3A_817 = vector.shape_cast %get3A_816 : vector<1x16xf32> to vector<16xf32>
        %min3A_818 = arith.minimumf %get3A_813, %get3A_817 : vector<16xf32>
        %swap3A_819 = arith.index_cast %select_n3A_711 : i32 to index
        %swap3A_820 = arith.constant 112 : index
        %swap3A_821 = tpu.vector_load %arg11[%swap3A_819, %swap3A_820] {strides = array<i32>} : memref<321x128xf32, #tpu.memory_space<vmem>>, vector<1x16xf32>,
        %swap3A_822 = vector.shape_cast %swap3A_821 : vector<1x16xf32> to vector<16xf32>
        %swap3A_823 = vector.shape_cast %min3A_818 : vector<16xf32> to vector<1x16xf32>
        tpu.vector_store %arg11[%swap3A_819, %swap3A_820], %swap3A_823 {strides = array<i32>} : memref<321x128xf32, #tpu.memory_space<vmem>>, vector<1x16xf32>,
        %mul3A_824 = arith.constant 16 : i32
        %mul3A_825 = arith.muli %scan3A_65, %mul3A_824 : i32
        %add3A_826 = arith.constant 6 : i32
        %add3A_827 = arith.addi %mul3A_825, %add3A_826 : i32
        %slice3A_828 = vector.extract_strided_slice %get3A_71 {offsets = [6], sizes = [1], strides = [1]} : vector<16xi32> to vector<1xi32>
        %squeeze3A_829 = vector.extract %slice3A_828[0] : i32 from vector<1xi32>
        %sub3A_830 = arith.subi %squeeze3A_829, %mul3A_2 : i32
        %ge3A_831 = arith.constant 0 : i32
        %ge3A_832 = arith.cmpi sge, %sub3A_830, %ge3A_831 : i32
        %lt3A_833 = arith.constant 320 : i32
        %lt3A_834 = arith.cmpi slt, %sub3A_830, %lt3A_833 : i32
        %and3A_835 = arith.andi %ge3A_832, %lt3A_834 : i1
        %jit3A_836 = arith.constant 320 : i32
        %select_n3A_837 = arith.select %and3A_835, %sub3A_830, %jit3A_836 : i32
        %get3A_838 = arith.index_cast %select_n3A_837 : i32 to index
        %get3A_839 = arith.constant 0 : index
        %get3A_840 = tpu.vector_load %arg11[%get3A_838, %get3A_839] {strides = array<i32>} : memref<321x128xf32, #tpu.memory_space<vmem>>, vector<1x16xf32>,
        %get3A_841 = vector.shape_cast %get3A_840 : vector<1x16xf32> to vector<16xf32>
        %get3A_842 = arith.index_cast %add3A_827 : i32 to index
        %get3A_843 = arith.constant 0 : index
        %get3A_844 = tpu.vector_load %arg10[%get3A_842, %get3A_843] {strides = array<i32>} : memref<128x128xf32, #tpu.memory_space<vmem>>, vector<1x16xf32>,
        %get3A_845 = vector.shape_cast %get3A_844 : vector<1x16xf32> to vector<16xf32>
        %min3A_846 = arith.minimumf %get3A_841, %get3A_845 : vector<16xf32>
        %swap3A_847 = arith.index_cast %select_n3A_837 : i32 to index
        %swap3A_848 = arith.constant 0 : index
        %swap3A_849 = tpu.vector_load %arg11[%swap3A_847, %swap3A_848] {strides = array<i32>} : memref<321x128xf32, #tpu.memory_space<vmem>>, vector<1x16xf32>,
        %swap3A_850 = vector.shape_cast %swap3A_849 : vector<1x16xf32> to vector<16xf32>
        %swap3A_851 = vector.shape_cast %min3A_846 : vector<16xf32> to vector<1x16xf32>
        tpu.vector_store %arg11[%swap3A_847, %swap3A_848], %swap3A_851 {strides = array<i32>} : memref<321x128xf32, #tpu.memory_space<vmem>>, vector<1x16xf32>,
        %get3A_852 = arith.index_cast %select_n3A_837 : i32 to index
        %get3A_853 = arith.constant 16 : index
        %get3A_854 = tpu.vector_load %arg11[%get3A_852, %get3A_853] {strides = array<i32>} : memref<321x128xf32, #tpu.memory_space<vmem>>, vector<1x16xf32>,
        %get3A_855 = vector.shape_cast %get3A_854 : vector<1x16xf32> to vector<16xf32>
        %get3A_856 = arith.index_cast %add3A_827 : i32 to index
        %get3A_857 = arith.constant 16 : index
        %get3A_858 = tpu.vector_load %arg10[%get3A_856, %get3A_857] {strides = array<i32>} : memref<128x128xf32, #tpu.memory_space<vmem>>, vector<1x16xf32>,
        %get3A_859 = vector.shape_cast %get3A_858 : vector<1x16xf32> to vector<16xf32>
        %min3A_860 = arith.minimumf %get3A_855, %get3A_859 : vector<16xf32>
        %swap3A_861 = arith.index_cast %select_n3A_837 : i32 to index
        %swap3A_862 = arith.constant 16 : index
        %swap3A_863 = tpu.vector_load %arg11[%swap3A_861, %swap3A_862] {strides = array<i32>} : memref<321x128xf32, #tpu.memory_space<vmem>>, vector<1x16xf32>,
        %swap3A_864 = vector.shape_cast %swap3A_863 : vector<1x16xf32> to vector<16xf32>
        %swap3A_865 = vector.shape_cast %min3A_860 : vector<16xf32> to vector<1x16xf32>
        tpu.vector_store %arg11[%swap3A_861, %swap3A_862], %swap3A_865 {strides = array<i32>} : memref<321x128xf32, #tpu.memory_space<vmem>>, vector<1x16xf32>,
        %get3A_866 = arith.index_cast %select_n3A_837 : i32 to index
        %get3A_867 = arith.constant 32 : index
        %get3A_868 = tpu.vector_load %arg11[%get3A_866, %get3A_867] {strides = array<i32>} : memref<321x128xf32, #tpu.memory_space<vmem>>, vector<1x16xf32>,
        %get3A_869 = vector.shape_cast %get3A_868 : vector<1x16xf32> to vector<16xf32>
        %get3A_870 = arith.index_cast %add3A_827 : i32 to index
        %get3A_871 = arith.constant 32 : index
        %get3A_872 = tpu.vector_load %arg10[%get3A_870, %get3A_871] {strides = array<i32>} : memref<128x128xf32, #tpu.memory_space<vmem>>, vector<1x16xf32>,
        %get3A_873 = vector.shape_cast %get3A_872 : vector<1x16xf32> to vector<16xf32>
        %min3A_874 = arith.minimumf %get3A_869, %get3A_873 : vector<16xf32>
        %swap3A_875 = arith.index_cast %select_n3A_837 : i32 to index
        %swap3A_876 = arith.constant 32 : index
        %swap3A_877 = tpu.vector_load %arg11[%swap3A_875, %swap3A_876] {strides = array<i32>} : memref<321x128xf32, #tpu.memory_space<vmem>>, vector<1x16xf32>,
        %swap3A_878 = vector.shape_cast %swap3A_877 : vector<1x16xf32> to vector<16xf32>
        %swap3A_879 = vector.shape_cast %min3A_874 : vector<16xf32> to vector<1x16xf32>
        tpu.vector_store %arg11[%swap3A_875, %swap3A_876], %swap3A_879 {strides = array<i32>} : memref<321x128xf32, #tpu.memory_space<vmem>>, vector<1x16xf32>,
        %get3A_880 = arith.index_cast %select_n3A_837 : i32 to index
        %get3A_881 = arith.constant 48 : index
        %get3A_882 = tpu.vector_load %arg11[%get3A_880, %get3A_881] {strides = array<i32>} : memref<321x128xf32, #tpu.memory_space<vmem>>, vector<1x16xf32>,
        %get3A_883 = vector.shape_cast %get3A_882 : vector<1x16xf32> to vector<16xf32>
        %get3A_884 = arith.index_cast %add3A_827 : i32 to index
        %get3A_885 = arith.constant 48 : index
        %get3A_886 = tpu.vector_load %arg10[%get3A_884, %get3A_885] {strides = array<i32>} : memref<128x128xf32, #tpu.memory_space<vmem>>, vector<1x16xf32>,
        %get3A_887 = vector.shape_cast %get3A_886 : vector<1x16xf32> to vector<16xf32>
        %min3A_888 = arith.minimumf %get3A_883, %get3A_887 : vector<16xf32>
        %swap3A_889 = arith.index_cast %select_n3A_837 : i32 to index
        %swap3A_890 = arith.constant 48 : index
        %swap3A_891 = tpu.vector_load %arg11[%swap3A_889, %swap3A_890] {strides = array<i32>} : memref<321x128xf32, #tpu.memory_space<vmem>>, vector<1x16xf32>,
        %swap3A_892 = vector.shape_cast %swap3A_891 : vector<1x16xf32> to vector<16xf32>
        %swap3A_893 = vector.shape_cast %min3A_888 : vector<16xf32> to vector<1x16xf32>
        tpu.vector_store %arg11[%swap3A_889, %swap3A_890], %swap3A_893 {strides = array<i32>} : memref<321x128xf32, #tpu.memory_space<vmem>>, vector<1x16xf32>,
        %get3A_894 = arith.index_cast %select_n3A_837 : i32 to index
        %get3A_895 = arith.constant 64 : index
        %get3A_896 = tpu.vector_load %arg11[%get3A_894, %get3A_895] {strides = array<i32>} : memref<321x128xf32, #tpu.memory_space<vmem>>, vector<1x16xf32>,
        %get3A_897 = vector.shape_cast %get3A_896 : vector<1x16xf32> to vector<16xf32>
        %get3A_898 = arith.index_cast %add3A_827 : i32 to index
        %get3A_899 = arith.constant 64 : index
        %get3A_900 = tpu.vector_load %arg10[%get3A_898, %get3A_899] {strides = array<i32>} : memref<128x128xf32, #tpu.memory_space<vmem>>, vector<1x16xf32>,
        %get3A_901 = vector.shape_cast %get3A_900 : vector<1x16xf32> to vector<16xf32>
        %min3A_902 = arith.minimumf %get3A_897, %get3A_901 : vector<16xf32>
        %swap3A_903 = arith.index_cast %select_n3A_837 : i32 to index
        %swap3A_904 = arith.constant 64 : index
        %swap3A_905 = tpu.vector_load %arg11[%swap3A_903, %swap3A_904] {strides = array<i32>} : memref<321x128xf32, #tpu.memory_space<vmem>>, vector<1x16xf32>,
        %swap3A_906 = vector.shape_cast %swap3A_905 : vector<1x16xf32> to vector<16xf32>
        %swap3A_907 = vector.shape_cast %min3A_902 : vector<16xf32> to vector<1x16xf32>
        tpu.vector_store %arg11[%swap3A_903, %swap3A_904], %swap3A_907 {strides = array<i32>} : memref<321x128xf32, #tpu.memory_space<vmem>>, vector<1x16xf32>,
        %get3A_908 = arith.index_cast %select_n3A_837 : i32 to index
        %get3A_909 = arith.constant 80 : index
        %get3A_910 = tpu.vector_load %arg11[%get3A_908, %get3A_909] {strides = array<i32>} : memref<321x128xf32, #tpu.memory_space<vmem>>, vector<1x16xf32>,
        %get3A_911 = vector.shape_cast %get3A_910 : vector<1x16xf32> to vector<16xf32>
        %get3A_912 = arith.index_cast %add3A_827 : i32 to index
        %get3A_913 = arith.constant 80 : index
        %get3A_914 = tpu.vector_load %arg10[%get3A_912, %get3A_913] {strides = array<i32>} : memref<128x128xf32, #tpu.memory_space<vmem>>, vector<1x16xf32>,
        %get3A_915 = vector.shape_cast %get3A_914 : vector<1x16xf32> to vector<16xf32>
        %min3A_916 = arith.minimumf %get3A_911, %get3A_915 : vector<16xf32>
        %swap3A_917 = arith.index_cast %select_n3A_837 : i32 to index
        %swap3A_918 = arith.constant 80 : index
        %swap3A_919 = tpu.vector_load %arg11[%swap3A_917, %swap3A_918] {strides = array<i32>} : memref<321x128xf32, #tpu.memory_space<vmem>>, vector<1x16xf32>,
        %swap3A_920 = vector.shape_cast %swap3A_919 : vector<1x16xf32> to vector<16xf32>
        %swap3A_921 = vector.shape_cast %min3A_916 : vector<16xf32> to vector<1x16xf32>
        tpu.vector_store %arg11[%swap3A_917, %swap3A_918], %swap3A_921 {strides = array<i32>} : memref<321x128xf32, #tpu.memory_space<vmem>>, vector<1x16xf32>,
        %get3A_922 = arith.index_cast %select_n3A_837 : i32 to index
        %get3A_923 = arith.constant 96 : index
        %get3A_924 = tpu.vector_load %arg11[%get3A_922, %get3A_923] {strides = array<i32>} : memref<321x128xf32, #tpu.memory_space<vmem>>, vector<1x16xf32>,
        %get3A_925 = vector.shape_cast %get3A_924 : vector<1x16xf32> to vector<16xf32>
        %get3A_926 = arith.index_cast %add3A_827 : i32 to index
        %get3A_927 = arith.constant 96 : index
        %get3A_928 = tpu.vector_load %arg10[%get3A_926, %get3A_927] {strides = array<i32>} : memref<128x128xf32, #tpu.memory_space<vmem>>, vector<1x16xf32>,
        %get3A_929 = vector.shape_cast %get3A_928 : vector<1x16xf32> to vector<16xf32>
        %min3A_930 = arith.minimumf %get3A_925, %get3A_929 : vector<16xf32>
        %swap3A_931 = arith.index_cast %select_n3A_837 : i32 to index
        %swap3A_932 = arith.constant 96 : index
        %swap3A_933 = tpu.vector_load %arg11[%swap3A_931, %swap3A_932] {strides = array<i32>} : memref<321x128xf32, #tpu.memory_space<vmem>>, vector<1x16xf32>,
        %swap3A_934 = vector.shape_cast %swap3A_933 : vector<1x16xf32> to vector<16xf32>
        %swap3A_935 = vector.shape_cast %min3A_930 : vector<16xf32> to vector<1x16xf32>
        tpu.vector_store %arg11[%swap3A_931, %swap3A_932], %swap3A_935 {strides = array<i32>} : memref<321x128xf32, #tpu.memory_space<vmem>>, vector<1x16xf32>,
        %get3A_936 = arith.index_cast %select_n3A_837 : i32 to index
        %get3A_937 = arith.constant 112 : index
        %get3A_938 = tpu.vector_load %arg11[%get3A_936, %get3A_937] {strides = array<i32>} : memref<321x128xf32, #tpu.memory_space<vmem>>, vector<1x16xf32>,
        %get3A_939 = vector.shape_cast %get3A_938 : vector<1x16xf32> to vector<16xf32>
        %get3A_940 = arith.index_cast %add3A_827 : i32 to index
        %get3A_941 = arith.constant 112 : index
        %get3A_942 = tpu.vector_load %arg10[%get3A_940, %get3A_941] {strides = array<i32>} : memref<128x128xf32, #tpu.memory_space<vmem>>, vector<1x16xf32>,
        %get3A_943 = vector.shape_cast %get3A_942 : vector<1x16xf32> to vector<16xf32>
        %min3A_944 = arith.minimumf %get3A_939, %get3A_943 : vector<16xf32>
        %swap3A_945 = arith.index_cast %select_n3A_837 : i32 to index
        %swap3A_946 = arith.constant 112 : index
        %swap3A_947 = tpu.vector_load %arg11[%swap3A_945, %swap3A_946] {strides = array<i32>} : memref<321x128xf32, #tpu.memory_space<vmem>>, vector<1x16xf32>,
        %swap3A_948 = vector.shape_cast %swap3A_947 : vector<1x16xf32> to vector<16xf32>
        %swap3A_949 = vector.shape_cast %min3A_944 : vector<16xf32> to vector<1x16xf32>
        tpu.vector_store %arg11[%swap3A_945, %swap3A_946], %swap3A_949 {strides = array<i32>} : memref<321x128xf32, #tpu.memory_space<vmem>>, vector<1x16xf32>,
        %mul3A_950 = arith.constant 16 : i32
        %mul3A_951 = arith.muli %scan3A_65, %mul3A_950 : i32
        %add3A_952 = arith.constant 7 : i32
        %add3A_953 = arith.addi %mul3A_951, %add3A_952 : i32
        %slice3A_954 = vector.extract_strided_slice %get3A_71 {offsets = [7], sizes = [1], strides = [1]} : vector<16xi32> to vector<1xi32>
        %squeeze3A_955 = vector.extract %slice3A_954[0] : i32 from vector<1xi32>
        %sub3A_956 = arith.subi %squeeze3A_955, %mul3A_2 : i32
        %ge3A_957 = arith.constant 0 : i32
        %ge3A_958 = arith.cmpi sge, %sub3A_956, %ge3A_957 : i32
        %lt3A_959 = arith.constant 320 : i32
        %lt3A_960 = arith.cmpi slt, %sub3A_956, %lt3A_959 : i32
        %and3A_961 = arith.andi %ge3A_958, %lt3A_960 : i1
        %jit3A_962 = arith.constant 320 : i32
        %select_n3A_963 = arith.select %and3A_961, %sub3A_956, %jit3A_962 : i32
        %get3A_964 = arith.index_cast %select_n3A_963 : i32 to index
        %get3A_965 = arith.constant 0 : index
        %get3A_966 = tpu.vector_load %arg11[%get3A_964, %get3A_965] {strides = array<i32>} : memref<321x128xf32, #tpu.memory_space<vmem>>, vector<1x16xf32>,
        %get3A_967 = vector.shape_cast %get3A_966 : vector<1x16xf32> to vector<16xf32>
        %get3A_968 = arith.index_cast %add3A_953 : i32 to index
        %get3A_969 = arith.constant 0 : index
        %get3A_970 = tpu.vector_load %arg10[%get3A_968, %get3A_969] {strides = array<i32>} : memref<128x128xf32, #tpu.memory_space<vmem>>, vector<1x16xf32>,
        %get3A_971 = vector.shape_cast %get3A_970 : vector<1x16xf32> to vector<16xf32>
        %min3A_972 = arith.minimumf %get3A_967, %get3A_971 : vector<16xf32>
        %swap3A_973 = arith.index_cast %select_n3A_963 : i32 to index
        %swap3A_974 = arith.constant 0 : index
        %swap3A_975 = tpu.vector_load %arg11[%swap3A_973, %swap3A_974] {strides = array<i32>} : memref<321x128xf32, #tpu.memory_space<vmem>>, vector<1x16xf32>,
        %swap3A_976 = vector.shape_cast %swap3A_975 : vector<1x16xf32> to vector<16xf32>
        %swap3A_977 = vector.shape_cast %min3A_972 : vector<16xf32> to vector<1x16xf32>
        tpu.vector_store %arg11[%swap3A_973, %swap3A_974], %swap3A_977 {strides = array<i32>} : memref<321x128xf32, #tpu.memory_space<vmem>>, vector<1x16xf32>,
        %get3A_978 = arith.index_cast %select_n3A_963 : i32 to index
        %get3A_979 = arith.constant 16 : index
        %get3A_980 = tpu.vector_load %arg11[%get3A_978, %get3A_979] {strides = array<i32>} : memref<321x128xf32, #tpu.memory_space<vmem>>, vector<1x16xf32>,
        %get3A_981 = vector.shape_cast %get3A_980 : vector<1x16xf32> to vector<16xf32>
        %get3A_982 = arith.index_cast %add3A_953 : i32 to index
        %get3A_983 = arith.constant 16 : index
        %get3A_984 = tpu.vector_load %arg10[%get3A_982, %get3A_983] {strides = array<i32>} : memref<128x128xf32, #tpu.memory_space<vmem>>, vector<1x16xf32>,
        %get3A_985 = vector.shape_cast %get3A_984 : vector<1x16xf32> to vector<16xf32>
        %min3A_986 = arith.minimumf %get3A_981, %get3A_985 : vector<16xf32>
        %swap3A_987 = arith.index_cast %select_n3A_963 : i32 to index
        %swap3A_988 = arith.constant 16 : index
        %swap3A_989 = tpu.vector_load %arg11[%swap3A_987, %swap3A_988] {strides = array<i32>} : memref<321x128xf32, #tpu.memory_space<vmem>>, vector<1x16xf32>,
        %swap3A_990 = vector.shape_cast %swap3A_989 : vector<1x16xf32> to vector<16xf32>
        %swap3A_991 = vector.shape_cast %min3A_986 : vector<16xf32> to vector<1x16xf32>
        tpu.vector_store %arg11[%swap3A_987, %swap3A_988], %swap3A_991 {strides = array<i32>} : memref<321x128xf32, #tpu.memory_space<vmem>>, vector<1x16xf32>,
        %get3A_992 = arith.index_cast %select_n3A_963 : i32 to index
        %get3A_993 = arith.constant 32 : index
        %get3A_994 = tpu.vector_load %arg11[%get3A_992, %get3A_993] {strides = array<i32>} : memref<321x128xf32, #tpu.memory_space<vmem>>, vector<1x16xf32>,
        %get3A_995 = vector.shape_cast %get3A_994 : vector<1x16xf32> to vector<16xf32>
        %get3A_996 = arith.index_cast %add3A_953 : i32 to index
        %get3A_997 = arith.constant 32 : index
        %get3A_998 = tpu.vector_load %arg10[%get3A_996, %get3A_997] {strides = array<i32>} : memref<128x128xf32, #tpu.memory_space<vmem>>, vector<1x16xf32>,
        %get3A_999 = vector.shape_cast %get3A_998 : vector<1x16xf32> to vector<16xf32>
        %min3A_1000 = arith.minimumf %get3A_995, %get3A_999 : vector<16xf32>
        %swap3A_1001 = arith.index_cast %select_n3A_963 : i32 to index
        %swap3A_1002 = arith.constant 32 : index
        %swap3A_1003 = tpu.vector_load %arg11[%swap3A_1001, %swap3A_1002] {strides = array<i32>} : memref<321x128xf32, #tpu.memory_space<vmem>>, vector<1x16xf32>,
        %swap3A_1004 = vector.shape_cast %swap3A_1003 : vector<1x16xf32> to vector<16xf32>
        %swap3A_1005 = vector.shape_cast %min3A_1000 : vector<16xf32> to vector<1x16xf32>
        tpu.vector_store %arg11[%swap3A_1001, %swap3A_1002], %swap3A_1005 {strides = array<i32>} : memref<321x128xf32, #tpu.memory_space<vmem>>, vector<1x16xf32>,
        %get3A_1006 = arith.index_cast %select_n3A_963 : i32 to index
        %get3A_1007 = arith.constant 48 : index
        %get3A_1008 = tpu.vector_load %arg11[%get3A_1006, %get3A_1007] {strides = array<i32>} : memref<321x128xf32, #tpu.memory_space<vmem>>, vector<1x16xf32>,
        %get3A_1009 = vector.shape_cast %get3A_1008 : vector<1x16xf32> to vector<16xf32>
        %get3A_1010 = arith.index_cast %add3A_953 : i32 to index
        %get3A_1011 = arith.constant 48 : index
        %get3A_1012 = tpu.vector_load %arg10[%get3A_1010, %get3A_1011] {strides = array<i32>} : memref<128x128xf32, #tpu.memory_space<vmem>>, vector<1x16xf32>,
        %get3A_1013 = vector.shape_cast %get3A_1012 : vector<1x16xf32> to vector<16xf32>
        %min3A_1014 = arith.minimumf %get3A_1009, %get3A_1013 : vector<16xf32>
        %swap3A_1015 = arith.index_cast %select_n3A_963 : i32 to index
        %swap3A_1016 = arith.constant 48 : index
        %swap3A_1017 = tpu.vector_load %arg11[%swap3A_1015, %swap3A_1016] {strides = array<i32>} : memref<321x128xf32, #tpu.memory_space<vmem>>, vector<1x16xf32>,
        %swap3A_1018 = vector.shape_cast %swap3A_1017 : vector<1x16xf32> to vector<16xf32>
        %swap3A_1019 = vector.shape_cast %min3A_1014 : vector<16xf32> to vector<1x16xf32>
        tpu.vector_store %arg11[%swap3A_1015, %swap3A_1016], %swap3A_1019 {strides = array<i32>} : memref<321x128xf32, #tpu.memory_space<vmem>>, vector<1x16xf32>,
        %get3A_1020 = arith.index_cast %select_n3A_963 : i32 to index
        %get3A_1021 = arith.constant 64 : index
        %get3A_1022 = tpu.vector_load %arg11[%get3A_1020, %get3A_1021] {strides = array<i32>} : memref<321x128xf32, #tpu.memory_space<vmem>>, vector<1x16xf32>,
        %get3A_1023 = vector.shape_cast %get3A_1022 : vector<1x16xf32> to vector<16xf32>
        %get3A_1024 = arith.index_cast %add3A_953 : i32 to index
        %get3A_1025 = arith.constant 64 : index
        %get3A_1026 = tpu.vector_load %arg10[%get3A_1024, %get3A_1025] {strides = array<i32>} : memref<128x128xf32, #tpu.memory_space<vmem>>, vector<1x16xf32>,
        %get3A_1027 = vector.shape_cast %get3A_1026 : vector<1x16xf32> to vector<16xf32>
        %min3A_1028 = arith.minimumf %get3A_1023, %get3A_1027 : vector<16xf32>
        %swap3A_1029 = arith.index_cast %select_n3A_963 : i32 to index
        %swap3A_1030 = arith.constant 64 : index
        %swap3A_1031 = tpu.vector_load %arg11[%swap3A_1029, %swap3A_1030] {strides = array<i32>} : memref<321x128xf32, #tpu.memory_space<vmem>>, vector<1x16xf32>,
        %swap3A_1032 = vector.shape_cast %swap3A_1031 : vector<1x16xf32> to vector<16xf32>
        %swap3A_1033 = vector.shape_cast %min3A_1028 : vector<16xf32> to vector<1x16xf32>
        tpu.vector_store %arg11[%swap3A_1029, %swap3A_1030], %swap3A_1033 {strides = array<i32>} : memref<321x128xf32, #tpu.memory_space<vmem>>, vector<1x16xf32>,
        %get3A_1034 = arith.index_cast %select_n3A_963 : i32 to index
        %get3A_1035 = arith.constant 80 : index
        %get3A_1036 = tpu.vector_load %arg11[%get3A_1034, %get3A_1035] {strides = array<i32>} : memref<321x128xf32, #tpu.memory_space<vmem>>, vector<1x16xf32>,
        %get3A_1037 = vector.shape_cast %get3A_1036 : vector<1x16xf32> to vector<16xf32>
        %get3A_1038 = arith.index_cast %add3A_953 : i32 to index
        %get3A_1039 = arith.constant 80 : index
        %get3A_1040 = tpu.vector_load %arg10[%get3A_1038, %get3A_1039] {strides = array<i32>} : memref<128x128xf32, #tpu.memory_space<vmem>>, vector<1x16xf32>,
        %get3A_1041 = vector.shape_cast %get3A_1040 : vector<1x16xf32> to vector<16xf32>
        %min3A_1042 = arith.minimumf %get3A_1037, %get3A_1041 : vector<16xf32>
        %swap3A_1043 = arith.index_cast %select_n3A_963 : i32 to index
        %swap3A_1044 = arith.constant 80 : index
        %swap3A_1045 = tpu.vector_load %arg11[%swap3A_1043, %swap3A_1044] {strides = array<i32>} : memref<321x128xf32, #tpu.memory_space<vmem>>, vector<1x16xf32>,
        %swap3A_1046 = vector.shape_cast %swap3A_1045 : vector<1x16xf32> to vector<16xf32>
        %swap3A_1047 = vector.shape_cast %min3A_1042 : vector<16xf32> to vector<1x16xf32>
        tpu.vector_store %arg11[%swap3A_1043, %swap3A_1044], %swap3A_1047 {strides = array<i32>} : memref<321x128xf32, #tpu.memory_space<vmem>>, vector<1x16xf32>,
        %get3A_1048 = arith.index_cast %select_n3A_963 : i32 to index
        %get3A_1049 = arith.constant 96 : index
        %get3A_1050 = tpu.vector_load %arg11[%get3A_1048, %get3A_1049] {strides = array<i32>} : memref<321x128xf32, #tpu.memory_space<vmem>>, vector<1x16xf32>,
        %get3A_1051 = vector.shape_cast %get3A_1050 : vector<1x16xf32> to vector<16xf32>
        %get3A_1052 = arith.index_cast %add3A_953 : i32 to index
        %get3A_1053 = arith.constant 96 : index
        %get3A_1054 = tpu.vector_load %arg10[%get3A_1052, %get3A_1053] {strides = array<i32>} : memref<128x128xf32, #tpu.memory_space<vmem>>, vector<1x16xf32>,
        %get3A_1055 = vector.shape_cast %get3A_1054 : vector<1x16xf32> to vector<16xf32>
        %min3A_1056 = arith.minimumf %get3A_1051, %get3A_1055 : vector<16xf32>
        %swap3A_1057 = arith.index_cast %select_n3A_963 : i32 to index
        %swap3A_1058 = arith.constant 96 : index
        %swap3A_1059 = tpu.vector_load %arg11[%swap3A_1057, %swap3A_1058] {strides = array<i32>} : memref<321x128xf32, #tpu.memory_space<vmem>>, vector<1x16xf32>,
        %swap3A_1060 = vector.shape_cast %swap3A_1059 : vector<1x16xf32> to vector<16xf32>
        %swap3A_1061 = vector.shape_cast %min3A_1056 : vector<16xf32> to vector<1x16xf32>
        tpu.vector_store %arg11[%swap3A_1057, %swap3A_1058], %swap3A_1061 {strides = array<i32>} : memref<321x128xf32, #tpu.memory_space<vmem>>, vector<1x16xf32>,
        %get3A_1062 = arith.index_cast %select_n3A_963 : i32 to index
        %get3A_1063 = arith.constant 112 : index
        %get3A_1064 = tpu.vector_load %arg11[%get3A_1062, %get3A_1063] {strides = array<i32>} : memref<321x128xf32, #tpu.memory_space<vmem>>, vector<1x16xf32>,
        %get3A_1065 = vector.shape_cast %get3A_1064 : vector<1x16xf32> to vector<16xf32>
        %get3A_1066 = arith.index_cast %add3A_953 : i32 to index
        %get3A_1067 = arith.constant 112 : index
        %get3A_1068 = tpu.vector_load %arg10[%get3A_1066, %get3A_1067] {strides = array<i32>} : memref<128x128xf32, #tpu.memory_space<vmem>>, vector<1x16xf32>,
        %get3A_1069 = vector.shape_cast %get3A_1068 : vector<1x16xf32> to vector<16xf32>
        %min3A_1070 = arith.minimumf %get3A_1065, %get3A_1069 : vector<16xf32>
        %swap3A_1071 = arith.index_cast %select_n3A_963 : i32 to index
        %swap3A_1072 = arith.constant 112 : index
        %swap3A_1073 = tpu.vector_load %arg11[%swap3A_1071, %swap3A_1072] {strides = array<i32>} : memref<321x128xf32, #tpu.memory_space<vmem>>, vector<1x16xf32>,
        %swap3A_1074 = vector.shape_cast %swap3A_1073 : vector<1x16xf32> to vector<16xf32>
        %swap3A_1075 = vector.shape_cast %min3A_1070 : vector<16xf32> to vector<1x16xf32>
        tpu.vector_store %arg11[%swap3A_1071, %swap3A_1072], %swap3A_1075 {strides = array<i32>} : memref<321x128xf32, #tpu.memory_space<vmem>>, vector<1x16xf32>,
        %mul3A_1076 = arith.constant 16 : i32
        %mul3A_1077 = arith.muli %scan3A_65, %mul3A_1076 : i32
        %add3A_1078 = arith.constant 8 : i32
        %add3A_1079 = arith.addi %mul3A_1077, %add3A_1078 : i32
        %slice3A_1080 = vector.extract_strided_slice %get3A_71 {offsets = [8], sizes = [1], strides = [1]} : vector<16xi32> to vector<1xi32>
        %squeeze3A_1081 = vector.extract %slice3A_1080[0] : i32 from vector<1xi32>
        %sub3A_1082 = arith.subi %squeeze3A_1081, %mul3A_2 : i32
        %ge3A_1083 = arith.constant 0 : i32
        %ge3A_1084 = arith.cmpi sge, %sub3A_1082, %ge3A_1083 : i32
        %lt3A_1085 = arith.constant 320 : i32
        %lt3A_1086 = arith.cmpi slt, %sub3A_1082, %lt3A_1085 : i32
        %and3A_1087 = arith.andi %ge3A_1084, %lt3A_1086 : i1
        %jit3A_1088 = arith.constant 320 : i32
        %select_n3A_1089 = arith.select %and3A_1087, %sub3A_1082, %jit3A_1088 : i32
        %get3A_1090 = arith.index_cast %select_n3A_1089 : i32 to index
        %get3A_1091 = arith.constant 0 : index
        %get3A_1092 = tpu.vector_load %arg11[%get3A_1090, %get3A_1091] {strides = array<i32>} : memref<321x128xf32, #tpu.memory_space<vmem>>, vector<1x16xf32>,
        %get3A_1093 = vector.shape_cast %get3A_1092 : vector<1x16xf32> to vector<16xf32>
        %get3A_1094 = arith.index_cast %add3A_1079 : i32 to index
        %get3A_1095 = arith.constant 0 : index
        %get3A_1096 = tpu.vector_load %arg10[%get3A_1094, %get3A_1095] {strides = array<i32>} : memref<128x128xf32, #tpu.memory_space<vmem>>, vector<1x16xf32>,
        %get3A_1097 = vector.shape_cast %get3A_1096 : vector<1x16xf32> to vector<16xf32>
        %min3A_1098 = arith.minimumf %get3A_1093, %get3A_1097 : vector<16xf32>
        %swap3A_1099 = arith.index_cast %select_n3A_1089 : i32 to index
        %swap3A_1100 = arith.constant 0 : index
        %swap3A_1101 = tpu.vector_load %arg11[%swap3A_1099, %swap3A_1100] {strides = array<i32>} : memref<321x128xf32, #tpu.memory_space<vmem>>, vector<1x16xf32>,
        %swap3A_1102 = vector.shape_cast %swap3A_1101 : vector<1x16xf32> to vector<16xf32>
        %swap3A_1103 = vector.shape_cast %min3A_1098 : vector<16xf32> to vector<1x16xf32>
        tpu.vector_store %arg11[%swap3A_1099, %swap3A_1100], %swap3A_1103 {strides = array<i32>} : memref<321x128xf32, #tpu.memory_space<vmem>>, vector<1x16xf32>,
        %get3A_1104 = arith.index_cast %select_n3A_1089 : i32 to index
        %get3A_1105 = arith.constant 16 : index
        %get3A_1106 = tpu.vector_load %arg11[%get3A_1104, %get3A_1105] {strides = array<i32>} : memref<321x128xf32, #tpu.memory_space<vmem>>, vector<1x16xf32>,
        %get3A_1107 = vector.shape_cast %get3A_1106 : vector<1x16xf32> to vector<16xf32>
        %get3A_1108 = arith.index_cast %add3A_1079 : i32 to index
        %get3A_1109 = arith.constant 16 : index
        %get3A_1110 = tpu.vector_load %arg10[%get3A_1108, %get3A_1109] {strides = array<i32>} : memref<128x128xf32, #tpu.memory_space<vmem>>, vector<1x16xf32>,
        %get3A_1111 = vector.shape_cast %get3A_1110 : vector<1x16xf32> to vector<16xf32>
        %min3A_1112 = arith.minimumf %get3A_1107, %get3A_1111 : vector<16xf32>
        %swap3A_1113 = arith.index_cast %select_n3A_1089 : i32 to index
        %swap3A_1114 = arith.constant 16 : index
        %swap3A_1115 = tpu.vector_load %arg11[%swap3A_1113, %swap3A_1114] {strides = array<i32>} : memref<321x128xf32, #tpu.memory_space<vmem>>, vector<1x16xf32>,
        %swap3A_1116 = vector.shape_cast %swap3A_1115 : vector<1x16xf32> to vector<16xf32>
        %swap3A_1117 = vector.shape_cast %min3A_1112 : vector<16xf32> to vector<1x16xf32>
        tpu.vector_store %arg11[%swap3A_1113, %swap3A_1114], %swap3A_1117 {strides = array<i32>} : memref<321x128xf32, #tpu.memory_space<vmem>>, vector<1x16xf32>,
        %get3A_1118 = arith.index_cast %select_n3A_1089 : i32 to index
        %get3A_1119 = arith.constant 32 : index
        %get3A_1120 = tpu.vector_load %arg11[%get3A_1118, %get3A_1119] {strides = array<i32>} : memref<321x128xf32, #tpu.memory_space<vmem>>, vector<1x16xf32>,
        %get3A_1121 = vector.shape_cast %get3A_1120 : vector<1x16xf32> to vector<16xf32>
        %get3A_1122 = arith.index_cast %add3A_1079 : i32 to index
        %get3A_1123 = arith.constant 32 : index
        %get3A_1124 = tpu.vector_load %arg10[%get3A_1122, %get3A_1123] {strides = array<i32>} : memref<128x128xf32, #tpu.memory_space<vmem>>, vector<1x16xf32>,
        %get3A_1125 = vector.shape_cast %get3A_1124 : vector<1x16xf32> to vector<16xf32>
        %min3A_1126 = arith.minimumf %get3A_1121, %get3A_1125 : vector<16xf32>
        %swap3A_1127 = arith.index_cast %select_n3A_1089 : i32 to index
        %swap3A_1128 = arith.constant 32 : index
        %swap3A_1129 = tpu.vector_load %arg11[%swap3A_1127, %swap3A_1128] {strides = array<i32>} : memref<321x128xf32, #tpu.memory_space<vmem>>, vector<1x16xf32>,
        %swap3A_1130 = vector.shape_cast %swap3A_1129 : vector<1x16xf32> to vector<16xf32>
        %swap3A_1131 = vector.shape_cast %min3A_1126 : vector<16xf32> to vector<1x16xf32>
        tpu.vector_store %arg11[%swap3A_1127, %swap3A_1128], %swap3A_1131 {strides = array<i32>} : memref<321x128xf32, #tpu.memory_space<vmem>>, vector<1x16xf32>,
        %get3A_1132 = arith.index_cast %select_n3A_1089 : i32 to index
        %get3A_1133 = arith.constant 48 : index
        %get3A_1134 = tpu.vector_load %arg11[%get3A_1132, %get3A_1133] {strides = array<i32>} : memref<321x128xf32, #tpu.memory_space<vmem>>, vector<1x16xf32>,
        %get3A_1135 = vector.shape_cast %get3A_1134 : vector<1x16xf32> to vector<16xf32>
        %get3A_1136 = arith.index_cast %add3A_1079 : i32 to index
        %get3A_1137 = arith.constant 48 : index
        %get3A_1138 = tpu.vector_load %arg10[%get3A_1136, %get3A_1137] {strides = array<i32>} : memref<128x128xf32, #tpu.memory_space<vmem>>, vector<1x16xf32>,
        %get3A_1139 = vector.shape_cast %get3A_1138 : vector<1x16xf32> to vector<16xf32>
        %min3A_1140 = arith.minimumf %get3A_1135, %get3A_1139 : vector<16xf32>
        %swap3A_1141 = arith.index_cast %select_n3A_1089 : i32 to index
        %swap3A_1142 = arith.constant 48 : index
        %swap3A_1143 = tpu.vector_load %arg11[%swap3A_1141, %swap3A_1142] {strides = array<i32>} : memref<321x128xf32, #tpu.memory_space<vmem>>, vector<1x16xf32>,
        %swap3A_1144 = vector.shape_cast %swap3A_1143 : vector<1x16xf32> to vector<16xf32>
        %swap3A_1145 = vector.shape_cast %min3A_1140 : vector<16xf32> to vector<1x16xf32>
        tpu.vector_store %arg11[%swap3A_1141, %swap3A_1142], %swap3A_1145 {strides = array<i32>} : memref<321x128xf32, #tpu.memory_space<vmem>>, vector<1x16xf32>,
        %get3A_1146 = arith.index_cast %select_n3A_1089 : i32 to index
        %get3A_1147 = arith.constant 64 : index
        %get3A_1148 = tpu.vector_load %arg11[%get3A_1146, %get3A_1147] {strides = array<i32>} : memref<321x128xf32, #tpu.memory_space<vmem>>, vector<1x16xf32>,
        %get3A_1149 = vector.shape_cast %get3A_1148 : vector<1x16xf32> to vector<16xf32>
        %get3A_1150 = arith.index_cast %add3A_1079 : i32 to index
        %get3A_1151 = arith.constant 64 : index
        %get3A_1152 = tpu.vector_load %arg10[%get3A_1150, %get3A_1151] {strides = array<i32>} : memref<128x128xf32, #tpu.memory_space<vmem>>, vector<1x16xf32>,
        %get3A_1153 = vector.shape_cast %get3A_1152 : vector<1x16xf32> to vector<16xf32>
        %min3A_1154 = arith.minimumf %get3A_1149, %get3A_1153 : vector<16xf32>
        %swap3A_1155 = arith.index_cast %select_n3A_1089 : i32 to index
        %swap3A_1156 = arith.constant 64 : index
        %swap3A_1157 = tpu.vector_load %arg11[%swap3A_1155, %swap3A_1156] {strides = array<i32>} : memref<321x128xf32, #tpu.memory_space<vmem>>, vector<1x16xf32>,
        %swap3A_1158 = vector.shape_cast %swap3A_1157 : vector<1x16xf32> to vector<16xf32>
        %swap3A_1159 = vector.shape_cast %min3A_1154 : vector<16xf32> to vector<1x16xf32>
        tpu.vector_store %arg11[%swap3A_1155, %swap3A_1156], %swap3A_1159 {strides = array<i32>} : memref<321x128xf32, #tpu.memory_space<vmem>>, vector<1x16xf32>,
        %get3A_1160 = arith.index_cast %select_n3A_1089 : i32 to index
        %get3A_1161 = arith.constant 80 : index
        %get3A_1162 = tpu.vector_load %arg11[%get3A_1160, %get3A_1161] {strides = array<i32>} : memref<321x128xf32, #tpu.memory_space<vmem>>, vector<1x16xf32>,
        %get3A_1163 = vector.shape_cast %get3A_1162 : vector<1x16xf32> to vector<16xf32>
        %get3A_1164 = arith.index_cast %add3A_1079 : i32 to index
        %get3A_1165 = arith.constant 80 : index
        %get3A_1166 = tpu.vector_load %arg10[%get3A_1164, %get3A_1165] {strides = array<i32>} : memref<128x128xf32, #tpu.memory_space<vmem>>, vector<1x16xf32>,
        %get3A_1167 = vector.shape_cast %get3A_1166 : vector<1x16xf32> to vector<16xf32>
        %min3A_1168 = arith.minimumf %get3A_1163, %get3A_1167 : vector<16xf32>
        %swap3A_1169 = arith.index_cast %select_n3A_1089 : i32 to index
        %swap3A_1170 = arith.constant 80 : index
        %swap3A_1171 = tpu.vector_load %arg11[%swap3A_1169, %swap3A_1170] {strides = array<i32>} : memref<321x128xf32, #tpu.memory_space<vmem>>, vector<1x16xf32>,
        %swap3A_1172 = vector.shape_cast %swap3A_1171 : vector<1x16xf32> to vector<16xf32>
        %swap3A_1173 = vector.shape_cast %min3A_1168 : vector<16xf32> to vector<1x16xf32>
        tpu.vector_store %arg11[%swap3A_1169, %swap3A_1170], %swap3A_1173 {strides = array<i32>} : memref<321x128xf32, #tpu.memory_space<vmem>>, vector<1x16xf32>,
        %get3A_1174 = arith.index_cast %select_n3A_1089 : i32 to index
        %get3A_1175 = arith.constant 96 : index
        %get3A_1176 = tpu.vector_load %arg11[%get3A_1174, %get3A_1175] {strides = array<i32>} : memref<321x128xf32, #tpu.memory_space<vmem>>, vector<1x16xf32>,
        %get3A_1177 = vector.shape_cast %get3A_1176 : vector<1x16xf32> to vector<16xf32>
        %get3A_1178 = arith.index_cast %add3A_1079 : i32 to index
        %get3A_1179 = arith.constant 96 : index
        %get3A_1180 = tpu.vector_load %arg10[%get3A_1178, %get3A_1179] {strides = array<i32>} : memref<128x128xf32, #tpu.memory_space<vmem>>, vector<1x16xf32>,
        %get3A_1181 = vector.shape_cast %get3A_1180 : vector<1x16xf32> to vector<16xf32>
        %min3A_1182 = arith.minimumf %get3A_1177, %get3A_1181 : vector<16xf32>
        %swap3A_1183 = arith.index_cast %select_n3A_1089 : i32 to index
        %swap3A_1184 = arith.constant 96 : index
        %swap3A_1185 = tpu.vector_load %arg11[%swap3A_1183, %swap3A_1184] {strides = array<i32>} : memref<321x128xf32, #tpu.memory_space<vmem>>, vector<1x16xf32>,
        %swap3A_1186 = vector.shape_cast %swap3A_1185 : vector<1x16xf32> to vector<16xf32>
        %swap3A_1187 = vector.shape_cast %min3A_1182 : vector<16xf32> to vector<1x16xf32>
        tpu.vector_store %arg11[%swap3A_1183, %swap3A_1184], %swap3A_1187 {strides = array<i32>} : memref<321x128xf32, #tpu.memory_space<vmem>>, vector<1x16xf32>,
        %get3A_1188 = arith.index_cast %select_n3A_1089 : i32 to index
        %get3A_1189 = arith.constant 112 : index
        %get3A_1190 = tpu.vector_load %arg11[%get3A_1188, %get3A_1189] {strides = array<i32>} : memref<321x128xf32, #tpu.memory_space<vmem>>, vector<1x16xf32>,
        %get3A_1191 = vector.shape_cast %get3A_1190 : vector<1x16xf32> to vector<16xf32>
        %get3A_1192 = arith.index_cast %add3A_1079 : i32 to index
        %get3A_1193 = arith.constant 112 : index
        %get3A_1194 = tpu.vector_load %arg10[%get3A_1192, %get3A_1193] {strides = array<i32>} : memref<128x128xf32, #tpu.memory_space<vmem>>, vector<1x16xf32>,
        %get3A_1195 = vector.shape_cast %get3A_1194 : vector<1x16xf32> to vector<16xf32>
        %min3A_1196 = arith.minimumf %get3A_1191, %get3A_1195 : vector<16xf32>
        %swap3A_1197 = arith.index_cast %select_n3A_1089 : i32 to index
        %swap3A_1198 = arith.constant 112 : index
        %swap3A_1199 = tpu.vector_load %arg11[%swap3A_1197, %swap3A_1198] {strides = array<i32>} : memref<321x128xf32, #tpu.memory_space<vmem>>, vector<1x16xf32>,
        %swap3A_1200 = vector.shape_cast %swap3A_1199 : vector<1x16xf32> to vector<16xf32>
        %swap3A_1201 = vector.shape_cast %min3A_1196 : vector<16xf32> to vector<1x16xf32>
        tpu.vector_store %arg11[%swap3A_1197, %swap3A_1198], %swap3A_1201 {strides = array<i32>} : memref<321x128xf32, #tpu.memory_space<vmem>>, vector<1x16xf32>,
        %mul3A_1202 = arith.constant 16 : i32
        %mul3A_1203 = arith.muli %scan3A_65, %mul3A_1202 : i32
        %add3A_1204 = arith.constant 9 : i32
        %add3A_1205 = arith.addi %mul3A_1203, %add3A_1204 : i32
        %slice3A_1206 = vector.extract_strided_slice %get3A_71 {offsets = [9], sizes = [1], strides = [1]} : vector<16xi32> to vector<1xi32>
        %squeeze3A_1207 = vector.extract %slice3A_1206[0] : i32 from vector<1xi32>
        %sub3A_1208 = arith.subi %squeeze3A_1207, %mul3A_2 : i32
        %ge3A_1209 = arith.constant 0 : i32
        %ge3A_1210 = arith.cmpi sge, %sub3A_1208, %ge3A_1209 : i32
        %lt3A_1211 = arith.constant 320 : i32
        %lt3A_1212 = arith.cmpi slt, %sub3A_1208, %lt3A_1211 : i32
        %and3A_1213 = arith.andi %ge3A_1210, %lt3A_1212 : i1
        %jit3A_1214 = arith.constant 320 : i32
        %select_n3A_1215 = arith.select %and3A_1213, %sub3A_1208, %jit3A_1214 : i32
        %get3A_1216 = arith.index_cast %select_n3A_1215 : i32 to index
        %get3A_1217 = arith.constant 0 : index
        %get3A_1218 = tpu.vector_load %arg11[%get3A_1216, %get3A_1217] {strides = array<i32>} : memref<321x128xf32, #tpu.memory_space<vmem>>, vector<1x16xf32>,
        %get3A_1219 = vector.shape_cast %get3A_1218 : vector<1x16xf32> to vector<16xf32>
        %get3A_1220 = arith.index_cast %add3A_1205 : i32 to index
        %get3A_1221 = arith.constant 0 : index
        %get3A_1222 = tpu.vector_load %arg10[%get3A_1220, %get3A_1221] {strides = array<i32>} : memref<128x128xf32, #tpu.memory_space<vmem>>, vector<1x16xf32>,
        %get3A_1223 = vector.shape_cast %get3A_1222 : vector<1x16xf32> to vector<16xf32>
        %min3A_1224 = arith.minimumf %get3A_1219, %get3A_1223 : vector<16xf32>
        %swap3A_1225 = arith.index_cast %select_n3A_1215 : i32 to index
        %swap3A_1226 = arith.constant 0 : index
        %swap3A_1227 = tpu.vector_load %arg11[%swap3A_1225, %swap3A_1226] {strides = array<i32>} : memref<321x128xf32, #tpu.memory_space<vmem>>, vector<1x16xf32>,
        %swap3A_1228 = vector.shape_cast %swap3A_1227 : vector<1x16xf32> to vector<16xf32>
        %swap3A_1229 = vector.shape_cast %min3A_1224 : vector<16xf32> to vector<1x16xf32>
        tpu.vector_store %arg11[%swap3A_1225, %swap3A_1226], %swap3A_1229 {strides = array<i32>} : memref<321x128xf32, #tpu.memory_space<vmem>>, vector<1x16xf32>,
        %get3A_1230 = arith.index_cast %select_n3A_1215 : i32 to index
        %get3A_1231 = arith.constant 16 : index
        %get3A_1232 = tpu.vector_load %arg11[%get3A_1230, %get3A_1231] {strides = array<i32>} : memref<321x128xf32, #tpu.memory_space<vmem>>, vector<1x16xf32>,
        %get3A_1233 = vector.shape_cast %get3A_1232 : vector<1x16xf32> to vector<16xf32>
        %get3A_1234 = arith.index_cast %add3A_1205 : i32 to index
        %get3A_1235 = arith.constant 16 : index
        %get3A_1236 = tpu.vector_load %arg10[%get3A_1234, %get3A_1235] {strides = array<i32>} : memref<128x128xf32, #tpu.memory_space<vmem>>, vector<1x16xf32>,
        %get3A_1237 = vector.shape_cast %get3A_1236 : vector<1x16xf32> to vector<16xf32>
        %min3A_1238 = arith.minimumf %get3A_1233, %get3A_1237 : vector<16xf32>
        %swap3A_1239 = arith.index_cast %select_n3A_1215 : i32 to index
        %swap3A_1240 = arith.constant 16 : index
        %swap3A_1241 = tpu.vector_load %arg11[%swap3A_1239, %swap3A_1240] {strides = array<i32>} : memref<321x128xf32, #tpu.memory_space<vmem>>, vector<1x16xf32>,
        %swap3A_1242 = vector.shape_cast %swap3A_1241 : vector<1x16xf32> to vector<16xf32>
        %swap3A_1243 = vector.shape_cast %min3A_1238 : vector<16xf32> to vector<1x16xf32>
        tpu.vector_store %arg11[%swap3A_1239, %swap3A_1240], %swap3A_1243 {strides = array<i32>} : memref<321x128xf32, #tpu.memory_space<vmem>>, vector<1x16xf32>,
        %get3A_1244 = arith.index_cast %select_n3A_1215 : i32 to index
        %get3A_1245 = arith.constant 32 : index
        %get3A_1246 = tpu.vector_load %arg11[%get3A_1244, %get3A_1245] {strides = array<i32>} : memref<321x128xf32, #tpu.memory_space<vmem>>, vector<1x16xf32>,
        %get3A_1247 = vector.shape_cast %get3A_1246 : vector<1x16xf32> to vector<16xf32>
        %get3A_1248 = arith.index_cast %add3A_1205 : i32 to index
        %get3A_1249 = arith.constant 32 : index
        %get3A_1250 = tpu.vector_load %arg10[%get3A_1248, %get3A_1249] {strides = array<i32>} : memref<128x128xf32, #tpu.memory_space<vmem>>, vector<1x16xf32>,
        %get3A_1251 = vector.shape_cast %get3A_1250 : vector<1x16xf32> to vector<16xf32>
        %min3A_1252 = arith.minimumf %get3A_1247, %get3A_1251 : vector<16xf32>
        %swap3A_1253 = arith.index_cast %select_n3A_1215 : i32 to index
        %swap3A_1254 = arith.constant 32 : index
        %swap3A_1255 = tpu.vector_load %arg11[%swap3A_1253, %swap3A_1254] {strides = array<i32>} : memref<321x128xf32, #tpu.memory_space<vmem>>, vector<1x16xf32>,
        %swap3A_1256 = vector.shape_cast %swap3A_1255 : vector<1x16xf32> to vector<16xf32>
        %swap3A_1257 = vector.shape_cast %min3A_1252 : vector<16xf32> to vector<1x16xf32>
        tpu.vector_store %arg11[%swap3A_1253, %swap3A_1254], %swap3A_1257 {strides = array<i32>} : memref<321x128xf32, #tpu.memory_space<vmem>>, vector<1x16xf32>,
        %get3A_1258 = arith.index_cast %select_n3A_1215 : i32 to index
        %get3A_1259 = arith.constant 48 : index
        %get3A_1260 = tpu.vector_load %arg11[%get3A_1258, %get3A_1259] {strides = array<i32>} : memref<321x128xf32, #tpu.memory_space<vmem>>, vector<1x16xf32>,
        %get3A_1261 = vector.shape_cast %get3A_1260 : vector<1x16xf32> to vector<16xf32>
        %get3A_1262 = arith.index_cast %add3A_1205 : i32 to index
        %get3A_1263 = arith.constant 48 : index
        %get3A_1264 = tpu.vector_load %arg10[%get3A_1262, %get3A_1263] {strides = array<i32>} : memref<128x128xf32, #tpu.memory_space<vmem>>, vector<1x16xf32>,
        %get3A_1265 = vector.shape_cast %get3A_1264 : vector<1x16xf32> to vector<16xf32>
        %min3A_1266 = arith.minimumf %get3A_1261, %get3A_1265 : vector<16xf32>
        %swap3A_1267 = arith.index_cast %select_n3A_1215 : i32 to index
        %swap3A_1268 = arith.constant 48 : index
        %swap3A_1269 = tpu.vector_load %arg11[%swap3A_1267, %swap3A_1268] {strides = array<i32>} : memref<321x128xf32, #tpu.memory_space<vmem>>, vector<1x16xf32>,
        %swap3A_1270 = vector.shape_cast %swap3A_1269 : vector<1x16xf32> to vector<16xf32>
        %swap3A_1271 = vector.shape_cast %min3A_1266 : vector<16xf32> to vector<1x16xf32>
        tpu.vector_store %arg11[%swap3A_1267, %swap3A_1268], %swap3A_1271 {strides = array<i32>} : memref<321x128xf32, #tpu.memory_space<vmem>>, vector<1x16xf32>,
        %get3A_1272 = arith.index_cast %select_n3A_1215 : i32 to index
        %get3A_1273 = arith.constant 64 : index
        %get3A_1274 = tpu.vector_load %arg11[%get3A_1272, %get3A_1273] {strides = array<i32>} : memref<321x128xf32, #tpu.memory_space<vmem>>, vector<1x16xf32>,
        %get3A_1275 = vector.shape_cast %get3A_1274 : vector<1x16xf32> to vector<16xf32>
        %get3A_1276 = arith.index_cast %add3A_1205 : i32 to index
        %get3A_1277 = arith.constant 64 : index
        %get3A_1278 = tpu.vector_load %arg10[%get3A_1276, %get3A_1277] {strides = array<i32>} : memref<128x128xf32, #tpu.memory_space<vmem>>, vector<1x16xf32>,
        %get3A_1279 = vector.shape_cast %get3A_1278 : vector<1x16xf32> to vector<16xf32>
        %min3A_1280 = arith.minimumf %get3A_1275, %get3A_1279 : vector<16xf32>
        %swap3A_1281 = arith.index_cast %select_n3A_1215 : i32 to index
        %swap3A_1282 = arith.constant 64 : index
        %swap3A_1283 = tpu.vector_load %arg11[%swap3A_1281, %swap3A_1282] {strides = array<i32>} : memref<321x128xf32, #tpu.memory_space<vmem>>, vector<1x16xf32>,
        %swap3A_1284 = vector.shape_cast %swap3A_1283 : vector<1x16xf32> to vector<16xf32>
        %swap3A_1285 = vector.shape_cast %min3A_1280 : vector<16xf32> to vector<1x16xf32>
        tpu.vector_store %arg11[%swap3A_1281, %swap3A_1282], %swap3A_1285 {strides = array<i32>} : memref<321x128xf32, #tpu.memory_space<vmem>>, vector<1x16xf32>,
        %get3A_1286 = arith.index_cast %select_n3A_1215 : i32 to index
        %get3A_1287 = arith.constant 80 : index
        %get3A_1288 = tpu.vector_load %arg11[%get3A_1286, %get3A_1287] {strides = array<i32>} : memref<321x128xf32, #tpu.memory_space<vmem>>, vector<1x16xf32>,
        %get3A_1289 = vector.shape_cast %get3A_1288 : vector<1x16xf32> to vector<16xf32>
        %get3A_1290 = arith.index_cast %add3A_1205 : i32 to index
        %get3A_1291 = arith.constant 80 : index
        %get3A_1292 = tpu.vector_load %arg10[%get3A_1290, %get3A_1291] {strides = array<i32>} : memref<128x128xf32, #tpu.memory_space<vmem>>, vector<1x16xf32>,
        %get3A_1293 = vector.shape_cast %get3A_1292 : vector<1x16xf32> to vector<16xf32>
        %min3A_1294 = arith.minimumf %get3A_1289, %get3A_1293 : vector<16xf32>
        %swap3A_1295 = arith.index_cast %select_n3A_1215 : i32 to index
        %swap3A_1296 = arith.constant 80 : index
        %swap3A_1297 = tpu.vector_load %arg11[%swap3A_1295, %swap3A_1296] {strides = array<i32>} : memref<321x128xf32, #tpu.memory_space<vmem>>, vector<1x16xf32>,
        %swap3A_1298 = vector.shape_cast %swap3A_1297 : vector<1x16xf32> to vector<16xf32>
        %swap3A_1299 = vector.shape_cast %min3A_1294 : vector<16xf32> to vector<1x16xf32>
        tpu.vector_store %arg11[%swap3A_1295, %swap3A_1296], %swap3A_1299 {strides = array<i32>} : memref<321x128xf32, #tpu.memory_space<vmem>>, vector<1x16xf32>,
        %get3A_1300 = arith.index_cast %select_n3A_1215 : i32 to index
        %get3A_1301 = arith.constant 96 : index
        %get3A_1302 = tpu.vector_load %arg11[%get3A_1300, %get3A_1301] {strides = array<i32>} : memref<321x128xf32, #tpu.memory_space<vmem>>, vector<1x16xf32>,
        %get3A_1303 = vector.shape_cast %get3A_1302 : vector<1x16xf32> to vector<16xf32>
        %get3A_1304 = arith.index_cast %add3A_1205 : i32 to index
        %get3A_1305 = arith.constant 96 : index
        %get3A_1306 = tpu.vector_load %arg10[%get3A_1304, %get3A_1305] {strides = array<i32>} : memref<128x128xf32, #tpu.memory_space<vmem>>, vector<1x16xf32>,
        %get3A_1307 = vector.shape_cast %get3A_1306 : vector<1x16xf32> to vector<16xf32>
        %min3A_1308 = arith.minimumf %get3A_1303, %get3A_1307 : vector<16xf32>
        %swap3A_1309 = arith.index_cast %select_n3A_1215 : i32 to index
        %swap3A_1310 = arith.constant 96 : index
        %swap3A_1311 = tpu.vector_load %arg11[%swap3A_1309, %swap3A_1310] {strides = array<i32>} : memref<321x128xf32, #tpu.memory_space<vmem>>, vector<1x16xf32>,
        %swap3A_1312 = vector.shape_cast %swap3A_1311 : vector<1x16xf32> to vector<16xf32>
        %swap3A_1313 = vector.shape_cast %min3A_1308 : vector<16xf32> to vector<1x16xf32>
        tpu.vector_store %arg11[%swap3A_1309, %swap3A_1310], %swap3A_1313 {strides = array<i32>} : memref<321x128xf32, #tpu.memory_space<vmem>>, vector<1x16xf32>,
        %get3A_1314 = arith.index_cast %select_n3A_1215 : i32 to index
        %get3A_1315 = arith.constant 112 : index
        %get3A_1316 = tpu.vector_load %arg11[%get3A_1314, %get3A_1315] {strides = array<i32>} : memref<321x128xf32, #tpu.memory_space<vmem>>, vector<1x16xf32>,
        %get3A_1317 = vector.shape_cast %get3A_1316 : vector<1x16xf32> to vector<16xf32>
        %get3A_1318 = arith.index_cast %add3A_1205 : i32 to index
        %get3A_1319 = arith.constant 112 : index
        %get3A_1320 = tpu.vector_load %arg10[%get3A_1318, %get3A_1319] {strides = array<i32>} : memref<128x128xf32, #tpu.memory_space<vmem>>, vector<1x16xf32>,
        %get3A_1321 = vector.shape_cast %get3A_1320 : vector<1x16xf32> to vector<16xf32>
        %min3A_1322 = arith.minimumf %get3A_1317, %get3A_1321 : vector<16xf32>
        %swap3A_1323 = arith.index_cast %select_n3A_1215 : i32 to index
        %swap3A_1324 = arith.constant 112 : index
        %swap3A_1325 = tpu.vector_load %arg11[%swap3A_1323, %swap3A_1324] {strides = array<i32>} : memref<321x128xf32, #tpu.memory_space<vmem>>, vector<1x16xf32>,
        %swap3A_1326 = vector.shape_cast %swap3A_1325 : vector<1x16xf32> to vector<16xf32>
        %swap3A_1327 = vector.shape_cast %min3A_1322 : vector<16xf32> to vector<1x16xf32>
        tpu.vector_store %arg11[%swap3A_1323, %swap3A_1324], %swap3A_1327 {strides = array<i32>} : memref<321x128xf32, #tpu.memory_space<vmem>>, vector<1x16xf32>,
        %mul3A_1328 = arith.constant 16 : i32
        %mul3A_1329 = arith.muli %scan3A_65, %mul3A_1328 : i32
        %add3A_1330 = arith.constant 10 : i32
        %add3A_1331 = arith.addi %mul3A_1329, %add3A_1330 : i32
        %slice3A_1332 = vector.extract_strided_slice %get3A_71 {offsets = [10], sizes = [1], strides = [1]} : vector<16xi32> to vector<1xi32>
        %squeeze3A_1333 = vector.extract %slice3A_1332[0] : i32 from vector<1xi32>
        %sub3A_1334 = arith.subi %squeeze3A_1333, %mul3A_2 : i32
        %ge3A_1335 = arith.constant 0 : i32
        %ge3A_1336 = arith.cmpi sge, %sub3A_1334, %ge3A_1335 : i32
        %lt3A_1337 = arith.constant 320 : i32
        %lt3A_1338 = arith.cmpi slt, %sub3A_1334, %lt3A_1337 : i32
        %and3A_1339 = arith.andi %ge3A_1336, %lt3A_1338 : i1
        %jit3A_1340 = arith.constant 320 : i32
        %select_n3A_1341 = arith.select %and3A_1339, %sub3A_1334, %jit3A_1340 : i32
        %get3A_1342 = arith.index_cast %select_n3A_1341 : i32 to index
        %get3A_1343 = arith.constant 0 : index
        %get3A_1344 = tpu.vector_load %arg11[%get3A_1342, %get3A_1343] {strides = array<i32>} : memref<321x128xf32, #tpu.memory_space<vmem>>, vector<1x16xf32>,
        %get3A_1345 = vector.shape_cast %get3A_1344 : vector<1x16xf32> to vector<16xf32>
        %get3A_1346 = arith.index_cast %add3A_1331 : i32 to index
        %get3A_1347 = arith.constant 0 : index
        %get3A_1348 = tpu.vector_load %arg10[%get3A_1346, %get3A_1347] {strides = array<i32>} : memref<128x128xf32, #tpu.memory_space<vmem>>, vector<1x16xf32>,
        %get3A_1349 = vector.shape_cast %get3A_1348 : vector<1x16xf32> to vector<16xf32>
        %min3A_1350 = arith.minimumf %get3A_1345, %get3A_1349 : vector<16xf32>
        %swap3A_1351 = arith.index_cast %select_n3A_1341 : i32 to index
        %swap3A_1352 = arith.constant 0 : index
        %swap3A_1353 = tpu.vector_load %arg11[%swap3A_1351, %swap3A_1352] {strides = array<i32>} : memref<321x128xf32, #tpu.memory_space<vmem>>, vector<1x16xf32>,
        %swap3A_1354 = vector.shape_cast %swap3A_1353 : vector<1x16xf32> to vector<16xf32>
        %swap3A_1355 = vector.shape_cast %min3A_1350 : vector<16xf32> to vector<1x16xf32>
        tpu.vector_store %arg11[%swap3A_1351, %swap3A_1352], %swap3A_1355 {strides = array<i32>} : memref<321x128xf32, #tpu.memory_space<vmem>>, vector<1x16xf32>,
        %get3A_1356 = arith.index_cast %select_n3A_1341 : i32 to index
        %get3A_1357 = arith.constant 16 : index
        %get3A_1358 = tpu.vector_load %arg11[%get3A_1356, %get3A_1357] {strides = array<i32>} : memref<321x128xf32, #tpu.memory_space<vmem>>, vector<1x16xf32>,
        %get3A_1359 = vector.shape_cast %get3A_1358 : vector<1x16xf32> to vector<16xf32>
        %get3A_1360 = arith.index_cast %add3A_1331 : i32 to index
        %get3A_1361 = arith.constant 16 : index
        %get3A_1362 = tpu.vector_load %arg10[%get3A_1360, %get3A_1361] {strides = array<i32>} : memref<128x128xf32, #tpu.memory_space<vmem>>, vector<1x16xf32>,
        %get3A_1363 = vector.shape_cast %get3A_1362 : vector<1x16xf32> to vector<16xf32>
        %min3A_1364 = arith.minimumf %get3A_1359, %get3A_1363 : vector<16xf32>
        %swap3A_1365 = arith.index_cast %select_n3A_1341 : i32 to index
        %swap3A_1366 = arith.constant 16 : index
        %swap3A_1367 = tpu.vector_load %arg11[%swap3A_1365, %swap3A_1366] {strides = array<i32>} : memref<321x128xf32, #tpu.memory_space<vmem>>, vector<1x16xf32>,
        %swap3A_1368 = vector.shape_cast %swap3A_1367 : vector<1x16xf32> to vector<16xf32>
        %swap3A_1369 = vector.shape_cast %min3A_1364 : vector<16xf32> to vector<1x16xf32>
        tpu.vector_store %arg11[%swap3A_1365, %swap3A_1366], %swap3A_1369 {strides = array<i32>} : memref<321x128xf32, #tpu.memory_space<vmem>>, vector<1x16xf32>,
        %get3A_1370 = arith.index_cast %select_n3A_1341 : i32 to index
        %get3A_1371 = arith.constant 32 : index
        %get3A_1372 = tpu.vector_load %arg11[%get3A_1370, %get3A_1371] {strides = array<i32>} : memref<321x128xf32, #tpu.memory_space<vmem>>, vector<1x16xf32>,
        %get3A_1373 = vector.shape_cast %get3A_1372 : vector<1x16xf32> to vector<16xf32>
        %get3A_1374 = arith.index_cast %add3A_1331 : i32 to index
        %get3A_1375 = arith.constant 32 : index
        %get3A_1376 = tpu.vector_load %arg10[%get3A_1374, %get3A_1375] {strides = array<i32>} : memref<128x128xf32, #tpu.memory_space<vmem>>, vector<1x16xf32>,
        %get3A_1377 = vector.shape_cast %get3A_1376 : vector<1x16xf32> to vector<16xf32>
        %min3A_1378 = arith.minimumf %get3A_1373, %get3A_1377 : vector<16xf32>
        %swap3A_1379 = arith.index_cast %select_n3A_1341 : i32 to index
        %swap3A_1380 = arith.constant 32 : index
        %swap3A_1381 = tpu.vector_load %arg11[%swap3A_1379, %swap3A_1380] {strides = array<i32>} : memref<321x128xf32, #tpu.memory_space<vmem>>, vector<1x16xf32>,
        %swap3A_1382 = vector.shape_cast %swap3A_1381 : vector<1x16xf32> to vector<16xf32>
        %swap3A_1383 = vector.shape_cast %min3A_1378 : vector<16xf32> to vector<1x16xf32>
        tpu.vector_store %arg11[%swap3A_1379, %swap3A_1380], %swap3A_1383 {strides = array<i32>} : memref<321x128xf32, #tpu.memory_space<vmem>>, vector<1x16xf32>,
        %get3A_1384 = arith.index_cast %select_n3A_1341 : i32 to index
        %get3A_1385 = arith.constant 48 : index
        %get3A_1386 = tpu.vector_load %arg11[%get3A_1384, %get3A_1385] {strides = array<i32>} : memref<321x128xf32, #tpu.memory_space<vmem>>, vector<1x16xf32>,
        %get3A_1387 = vector.shape_cast %get3A_1386 : vector<1x16xf32> to vector<16xf32>
        %get3A_1388 = arith.index_cast %add3A_1331 : i32 to index
        %get3A_1389 = arith.constant 48 : index
        %get3A_1390 = tpu.vector_load %arg10[%get3A_1388, %get3A_1389] {strides = array<i32>} : memref<128x128xf32, #tpu.memory_space<vmem>>, vector<1x16xf32>,
        %get3A_1391 = vector.shape_cast %get3A_1390 : vector<1x16xf32> to vector<16xf32>
        %min3A_1392 = arith.minimumf %get3A_1387, %get3A_1391 : vector<16xf32>
        %swap3A_1393 = arith.index_cast %select_n3A_1341 : i32 to index
        %swap3A_1394 = arith.constant 48 : index
        %swap3A_1395 = tpu.vector_load %arg11[%swap3A_1393, %swap3A_1394] {strides = array<i32>} : memref<321x128xf32, #tpu.memory_space<vmem>>, vector<1x16xf32>,
        %swap3A_1396 = vector.shape_cast %swap3A_1395 : vector<1x16xf32> to vector<16xf32>
        %swap3A_1397 = vector.shape_cast %min3A_1392 : vector<16xf32> to vector<1x16xf32>
        tpu.vector_store %arg11[%swap3A_1393, %swap3A_1394], %swap3A_1397 {strides = array<i32>} : memref<321x128xf32, #tpu.memory_space<vmem>>, vector<1x16xf32>,
        %get3A_1398 = arith.index_cast %select_n3A_1341 : i32 to index
        %get3A_1399 = arith.constant 64 : index
        %get3A_1400 = tpu.vector_load %arg11[%get3A_1398, %get3A_1399] {strides = array<i32>} : memref<321x128xf32, #tpu.memory_space<vmem>>, vector<1x16xf32>,
        %get3A_1401 = vector.shape_cast %get3A_1400 : vector<1x16xf32> to vector<16xf32>
        %get3A_1402 = arith.index_cast %add3A_1331 : i32 to index
        %get3A_1403 = arith.constant 64 : index
        %get3A_1404 = tpu.vector_load %arg10[%get3A_1402, %get3A_1403] {strides = array<i32>} : memref<128x128xf32, #tpu.memory_space<vmem>>, vector<1x16xf32>,
        %get3A_1405 = vector.shape_cast %get3A_1404 : vector<1x16xf32> to vector<16xf32>
        %min3A_1406 = arith.minimumf %get3A_1401, %get3A_1405 : vector<16xf32>
        %swap3A_1407 = arith.index_cast %select_n3A_1341 : i32 to index
        %swap3A_1408 = arith.constant 64 : index
        %swap3A_1409 = tpu.vector_load %arg11[%swap3A_1407, %swap3A_1408] {strides = array<i32>} : memref<321x128xf32, #tpu.memory_space<vmem>>, vector<1x16xf32>,
        %swap3A_1410 = vector.shape_cast %swap3A_1409 : vector<1x16xf32> to vector<16xf32>
        %swap3A_1411 = vector.shape_cast %min3A_1406 : vector<16xf32> to vector<1x16xf32>
        tpu.vector_store %arg11[%swap3A_1407, %swap3A_1408], %swap3A_1411 {strides = array<i32>} : memref<321x128xf32, #tpu.memory_space<vmem>>, vector<1x16xf32>,
        %get3A_1412 = arith.index_cast %select_n3A_1341 : i32 to index
        %get3A_1413 = arith.constant 80 : index
        %get3A_1414 = tpu.vector_load %arg11[%get3A_1412, %get3A_1413] {strides = array<i32>} : memref<321x128xf32, #tpu.memory_space<vmem>>, vector<1x16xf32>,
        %get3A_1415 = vector.shape_cast %get3A_1414 : vector<1x16xf32> to vector<16xf32>
        %get3A_1416 = arith.index_cast %add3A_1331 : i32 to index
        %get3A_1417 = arith.constant 80 : index
        %get3A_1418 = tpu.vector_load %arg10[%get3A_1416, %get3A_1417] {strides = array<i32>} : memref<128x128xf32, #tpu.memory_space<vmem>>, vector<1x16xf32>,
        %get3A_1419 = vector.shape_cast %get3A_1418 : vector<1x16xf32> to vector<16xf32>
        %min3A_1420 = arith.minimumf %get3A_1415, %get3A_1419 : vector<16xf32>
        %swap3A_1421 = arith.index_cast %select_n3A_1341 : i32 to index
        %swap3A_1422 = arith.constant 80 : index
        %swap3A_1423 = tpu.vector_load %arg11[%swap3A_1421, %swap3A_1422] {strides = array<i32>} : memref<321x128xf32, #tpu.memory_space<vmem>>, vector<1x16xf32>,
        %swap3A_1424 = vector.shape_cast %swap3A_1423 : vector<1x16xf32> to vector<16xf32>
        %swap3A_1425 = vector.shape_cast %min3A_1420 : vector<16xf32> to vector<1x16xf32>
        tpu.vector_store %arg11[%swap3A_1421, %swap3A_1422], %swap3A_1425 {strides = array<i32>} : memref<321x128xf32, #tpu.memory_space<vmem>>, vector<1x16xf32>,
        %get3A_1426 = arith.index_cast %select_n3A_1341 : i32 to index
        %get3A_1427 = arith.constant 96 : index
        %get3A_1428 = tpu.vector_load %arg11[%get3A_1426, %get3A_1427] {strides = array<i32>} : memref<321x128xf32, #tpu.memory_space<vmem>>, vector<1x16xf32>,
        %get3A_1429 = vector.shape_cast %get3A_1428 : vector<1x16xf32> to vector<16xf32>
        %get3A_1430 = arith.index_cast %add3A_1331 : i32 to index
        %get3A_1431 = arith.constant 96 : index
        %get3A_1432 = tpu.vector_load %arg10[%get3A_1430, %get3A_1431] {strides = array<i32>} : memref<128x128xf32, #tpu.memory_space<vmem>>, vector<1x16xf32>,
        %get3A_1433 = vector.shape_cast %get3A_1432 : vector<1x16xf32> to vector<16xf32>
        %min3A_1434 = arith.minimumf %get3A_1429, %get3A_1433 : vector<16xf32>
        %swap3A_1435 = arith.index_cast %select_n3A_1341 : i32 to index
        %swap3A_1436 = arith.constant 96 : index
        %swap3A_1437 = tpu.vector_load %arg11[%swap3A_1435, %swap3A_1436] {strides = array<i32>} : memref<321x128xf32, #tpu.memory_space<vmem>>, vector<1x16xf32>,
        %swap3A_1438 = vector.shape_cast %swap3A_1437 : vector<1x16xf32> to vector<16xf32>
        %swap3A_1439 = vector.shape_cast %min3A_1434 : vector<16xf32> to vector<1x16xf32>
        tpu.vector_store %arg11[%swap3A_1435, %swap3A_1436], %swap3A_1439 {strides = array<i32>} : memref<321x128xf32, #tpu.memory_space<vmem>>, vector<1x16xf32>,
        %get3A_1440 = arith.index_cast %select_n3A_1341 : i32 to index
        %get3A_1441 = arith.constant 112 : index
        %get3A_1442 = tpu.vector_load %arg11[%get3A_1440, %get3A_1441] {strides = array<i32>} : memref<321x128xf32, #tpu.memory_space<vmem>>, vector<1x16xf32>,
        %get3A_1443 = vector.shape_cast %get3A_1442 : vector<1x16xf32> to vector<16xf32>
        %get3A_1444 = arith.index_cast %add3A_1331 : i32 to index
        %get3A_1445 = arith.constant 112 : index
        %get3A_1446 = tpu.vector_load %arg10[%get3A_1444, %get3A_1445] {strides = array<i32>} : memref<128x128xf32, #tpu.memory_space<vmem>>, vector<1x16xf32>,
        %get3A_1447 = vector.shape_cast %get3A_1446 : vector<1x16xf32> to vector<16xf32>
        %min3A_1448 = arith.minimumf %get3A_1443, %get3A_1447 : vector<16xf32>
        %swap3A_1449 = arith.index_cast %select_n3A_1341 : i32 to index
        %swap3A_1450 = arith.constant 112 : index
        %swap3A_1451 = tpu.vector_load %arg11[%swap3A_1449, %swap3A_1450] {strides = array<i32>} : memref<321x128xf32, #tpu.memory_space<vmem>>, vector<1x16xf32>,
        %swap3A_1452 = vector.shape_cast %swap3A_1451 : vector<1x16xf32> to vector<16xf32>
        %swap3A_1453 = vector.shape_cast %min3A_1448 : vector<16xf32> to vector<1x16xf32>
        tpu.vector_store %arg11[%swap3A_1449, %swap3A_1450], %swap3A_1453 {strides = array<i32>} : memref<321x128xf32, #tpu.memory_space<vmem>>, vector<1x16xf32>,
        %mul3A_1454 = arith.constant 16 : i32
        %mul3A_1455 = arith.muli %scan3A_65, %mul3A_1454 : i32
        %add3A_1456 = arith.constant 11 : i32
        %add3A_1457 = arith.addi %mul3A_1455, %add3A_1456 : i32
        %slice3A_1458 = vector.extract_strided_slice %get3A_71 {offsets = [11], sizes = [1], strides = [1]} : vector<16xi32> to vector<1xi32>
        %squeeze3A_1459 = vector.extract %slice3A_1458[0] : i32 from vector<1xi32>
        %sub3A_1460 = arith.subi %squeeze3A_1459, %mul3A_2 : i32
        %ge3A_1461 = arith.constant 0 : i32
        %ge3A_1462 = arith.cmpi sge, %sub3A_1460, %ge3A_1461 : i32
        %lt3A_1463 = arith.constant 320 : i32
        %lt3A_1464 = arith.cmpi slt, %sub3A_1460, %lt3A_1463 : i32
        %and3A_1465 = arith.andi %ge3A_1462, %lt3A_1464 : i1
        %jit3A_1466 = arith.constant 320 : i32
        %select_n3A_1467 = arith.select %and3A_1465, %sub3A_1460, %jit3A_1466 : i32
        %get3A_1468 = arith.index_cast %select_n3A_1467 : i32 to index
        %get3A_1469 = arith.constant 0 : index
        %get3A_1470 = tpu.vector_load %arg11[%get3A_1468, %get3A_1469] {strides = array<i32>} : memref<321x128xf32, #tpu.memory_space<vmem>>, vector<1x16xf32>,
        %get3A_1471 = vector.shape_cast %get3A_1470 : vector<1x16xf32> to vector<16xf32>
        %get3A_1472 = arith.index_cast %add3A_1457 : i32 to index
        %get3A_1473 = arith.constant 0 : index
        %get3A_1474 = tpu.vector_load %arg10[%get3A_1472, %get3A_1473] {strides = array<i32>} : memref<128x128xf32, #tpu.memory_space<vmem>>, vector<1x16xf32>,
        %get3A_1475 = vector.shape_cast %get3A_1474 : vector<1x16xf32> to vector<16xf32>
        %min3A_1476 = arith.minimumf %get3A_1471, %get3A_1475 : vector<16xf32>
        %swap3A_1477 = arith.index_cast %select_n3A_1467 : i32 to index
        %swap3A_1478 = arith.constant 0 : index
        %swap3A_1479 = tpu.vector_load %arg11[%swap3A_1477, %swap3A_1478] {strides = array<i32>} : memref<321x128xf32, #tpu.memory_space<vmem>>, vector<1x16xf32>,
        %swap3A_1480 = vector.shape_cast %swap3A_1479 : vector<1x16xf32> to vector<16xf32>
        %swap3A_1481 = vector.shape_cast %min3A_1476 : vector<16xf32> to vector<1x16xf32>
        tpu.vector_store %arg11[%swap3A_1477, %swap3A_1478], %swap3A_1481 {strides = array<i32>} : memref<321x128xf32, #tpu.memory_space<vmem>>, vector<1x16xf32>,
        %get3A_1482 = arith.index_cast %select_n3A_1467 : i32 to index
        %get3A_1483 = arith.constant 16 : index
        %get3A_1484 = tpu.vector_load %arg11[%get3A_1482, %get3A_1483] {strides = array<i32>} : memref<321x128xf32, #tpu.memory_space<vmem>>, vector<1x16xf32>,
        %get3A_1485 = vector.shape_cast %get3A_1484 : vector<1x16xf32> to vector<16xf32>
        %get3A_1486 = arith.index_cast %add3A_1457 : i32 to index
        %get3A_1487 = arith.constant 16 : index
        %get3A_1488 = tpu.vector_load %arg10[%get3A_1486, %get3A_1487] {strides = array<i32>} : memref<128x128xf32, #tpu.memory_space<vmem>>, vector<1x16xf32>,
        %get3A_1489 = vector.shape_cast %get3A_1488 : vector<1x16xf32> to vector<16xf32>
        %min3A_1490 = arith.minimumf %get3A_1485, %get3A_1489 : vector<16xf32>
        %swap3A_1491 = arith.index_cast %select_n3A_1467 : i32 to index
        %swap3A_1492 = arith.constant 16 : index
        %swap3A_1493 = tpu.vector_load %arg11[%swap3A_1491, %swap3A_1492] {strides = array<i32>} : memref<321x128xf32, #tpu.memory_space<vmem>>, vector<1x16xf32>,
        %swap3A_1494 = vector.shape_cast %swap3A_1493 : vector<1x16xf32> to vector<16xf32>
        %swap3A_1495 = vector.shape_cast %min3A_1490 : vector<16xf32> to vector<1x16xf32>
        tpu.vector_store %arg11[%swap3A_1491, %swap3A_1492], %swap3A_1495 {strides = array<i32>} : memref<321x128xf32, #tpu.memory_space<vmem>>, vector<1x16xf32>,
        %get3A_1496 = arith.index_cast %select_n3A_1467 : i32 to index
        %get3A_1497 = arith.constant 32 : index
        %get3A_1498 = tpu.vector_load %arg11[%get3A_1496, %get3A_1497] {strides = array<i32>} : memref<321x128xf32, #tpu.memory_space<vmem>>, vector<1x16xf32>,
        %get3A_1499 = vector.shape_cast %get3A_1498 : vector<1x16xf32> to vector<16xf32>
        %get3A_1500 = arith.index_cast %add3A_1457 : i32 to index
        %get3A_1501 = arith.constant 32 : index
        %get3A_1502 = tpu.vector_load %arg10[%get3A_1500, %get3A_1501] {strides = array<i32>} : memref<128x128xf32, #tpu.memory_space<vmem>>, vector<1x16xf32>,
        %get3A_1503 = vector.shape_cast %get3A_1502 : vector<1x16xf32> to vector<16xf32>
        %min3A_1504 = arith.minimumf %get3A_1499, %get3A_1503 : vector<16xf32>
        %swap3A_1505 = arith.index_cast %select_n3A_1467 : i32 to index
        %swap3A_1506 = arith.constant 32 : index
        %swap3A_1507 = tpu.vector_load %arg11[%swap3A_1505, %swap3A_1506] {strides = array<i32>} : memref<321x128xf32, #tpu.memory_space<vmem>>, vector<1x16xf32>,
        %swap3A_1508 = vector.shape_cast %swap3A_1507 : vector<1x16xf32> to vector<16xf32>
        %swap3A_1509 = vector.shape_cast %min3A_1504 : vector<16xf32> to vector<1x16xf32>
        tpu.vector_store %arg11[%swap3A_1505, %swap3A_1506], %swap3A_1509 {strides = array<i32>} : memref<321x128xf32, #tpu.memory_space<vmem>>, vector<1x16xf32>,
        %get3A_1510 = arith.index_cast %select_n3A_1467 : i32 to index
        %get3A_1511 = arith.constant 48 : index
        %get3A_1512 = tpu.vector_load %arg11[%get3A_1510, %get3A_1511] {strides = array<i32>} : memref<321x128xf32, #tpu.memory_space<vmem>>, vector<1x16xf32>,
        %get3A_1513 = vector.shape_cast %get3A_1512 : vector<1x16xf32> to vector<16xf32>
        %get3A_1514 = arith.index_cast %add3A_1457 : i32 to index
        %get3A_1515 = arith.constant 48 : index
        %get3A_1516 = tpu.vector_load %arg10[%get3A_1514, %get3A_1515] {strides = array<i32>} : memref<128x128xf32, #tpu.memory_space<vmem>>, vector<1x16xf32>,
        %get3A_1517 = vector.shape_cast %get3A_1516 : vector<1x16xf32> to vector<16xf32>
        %min3A_1518 = arith.minimumf %get3A_1513, %get3A_1517 : vector<16xf32>
        %swap3A_1519 = arith.index_cast %select_n3A_1467 : i32 to index
        %swap3A_1520 = arith.constant 48 : index
        %swap3A_1521 = tpu.vector_load %arg11[%swap3A_1519, %swap3A_1520] {strides = array<i32>} : memref<321x128xf32, #tpu.memory_space<vmem>>, vector<1x16xf32>,
        %swap3A_1522 = vector.shape_cast %swap3A_1521 : vector<1x16xf32> to vector<16xf32>
        %swap3A_1523 = vector.shape_cast %min3A_1518 : vector<16xf32> to vector<1x16xf32>
        tpu.vector_store %arg11[%swap3A_1519, %swap3A_1520], %swap3A_1523 {strides = array<i32>} : memref<321x128xf32, #tpu.memory_space<vmem>>, vector<1x16xf32>,
        %get3A_1524 = arith.index_cast %select_n3A_1467 : i32 to index
        %get3A_1525 = arith.constant 64 : index
        %get3A_1526 = tpu.vector_load %arg11[%get3A_1524, %get3A_1525] {strides = array<i32>} : memref<321x128xf32, #tpu.memory_space<vmem>>, vector<1x16xf32>,
        %get3A_1527 = vector.shape_cast %get3A_1526 : vector<1x16xf32> to vector<16xf32>
        %get3A_1528 = arith.index_cast %add3A_1457 : i32 to index
        %get3A_1529 = arith.constant 64 : index
        %get3A_1530 = tpu.vector_load %arg10[%get3A_1528, %get3A_1529] {strides = array<i32>} : memref<128x128xf32, #tpu.memory_space<vmem>>, vector<1x16xf32>,
        %get3A_1531 = vector.shape_cast %get3A_1530 : vector<1x16xf32> to vector<16xf32>
        %min3A_1532 = arith.minimumf %get3A_1527, %get3A_1531 : vector<16xf32>
        %swap3A_1533 = arith.index_cast %select_n3A_1467 : i32 to index
        %swap3A_1534 = arith.constant 64 : index
        %swap3A_1535 = tpu.vector_load %arg11[%swap3A_1533, %swap3A_1534] {strides = array<i32>} : memref<321x128xf32, #tpu.memory_space<vmem>>, vector<1x16xf32>,
        %swap3A_1536 = vector.shape_cast %swap3A_1535 : vector<1x16xf32> to vector<16xf32>
        %swap3A_1537 = vector.shape_cast %min3A_1532 : vector<16xf32> to vector<1x16xf32>
        tpu.vector_store %arg11[%swap3A_1533, %swap3A_1534], %swap3A_1537 {strides = array<i32>} : memref<321x128xf32, #tpu.memory_space<vmem>>, vector<1x16xf32>,
        %get3A_1538 = arith.index_cast %select_n3A_1467 : i32 to index
        %get3A_1539 = arith.constant 80 : index
        %get3A_1540 = tpu.vector_load %arg11[%get3A_1538, %get3A_1539] {strides = array<i32>} : memref<321x128xf32, #tpu.memory_space<vmem>>, vector<1x16xf32>,
        %get3A_1541 = vector.shape_cast %get3A_1540 : vector<1x16xf32> to vector<16xf32>
        %get3A_1542 = arith.index_cast %add3A_1457 : i32 to index
        %get3A_1543 = arith.constant 80 : index
        %get3A_1544 = tpu.vector_load %arg10[%get3A_1542, %get3A_1543] {strides = array<i32>} : memref<128x128xf32, #tpu.memory_space<vmem>>, vector<1x16xf32>,
        %get3A_1545 = vector.shape_cast %get3A_1544 : vector<1x16xf32> to vector<16xf32>
        %min3A_1546 = arith.minimumf %get3A_1541, %get3A_1545 : vector<16xf32>
        %swap3A_1547 = arith.index_cast %select_n3A_1467 : i32 to index
        %swap3A_1548 = arith.constant 80 : index
        %swap3A_1549 = tpu.vector_load %arg11[%swap3A_1547, %swap3A_1548] {strides = array<i32>} : memref<321x128xf32, #tpu.memory_space<vmem>>, vector<1x16xf32>,
        %swap3A_1550 = vector.shape_cast %swap3A_1549 : vector<1x16xf32> to vector<16xf32>
        %swap3A_1551 = vector.shape_cast %min3A_1546 : vector<16xf32> to vector<1x16xf32>
        tpu.vector_store %arg11[%swap3A_1547, %swap3A_1548], %swap3A_1551 {strides = array<i32>} : memref<321x128xf32, #tpu.memory_space<vmem>>, vector<1x16xf32>,
        %get3A_1552 = arith.index_cast %select_n3A_1467 : i32 to index
        %get3A_1553 = arith.constant 96 : index
        %get3A_1554 = tpu.vector_load %arg11[%get3A_1552, %get3A_1553] {strides = array<i32>} : memref<321x128xf32, #tpu.memory_space<vmem>>, vector<1x16xf32>,
        %get3A_1555 = vector.shape_cast %get3A_1554 : vector<1x16xf32> to vector<16xf32>
        %get3A_1556 = arith.index_cast %add3A_1457 : i32 to index
        %get3A_1557 = arith.constant 96 : index
        %get3A_1558 = tpu.vector_load %arg10[%get3A_1556, %get3A_1557] {strides = array<i32>} : memref<128x128xf32, #tpu.memory_space<vmem>>, vector<1x16xf32>,
        %get3A_1559 = vector.shape_cast %get3A_1558 : vector<1x16xf32> to vector<16xf32>
        %min3A_1560 = arith.minimumf %get3A_1555, %get3A_1559 : vector<16xf32>
        %swap3A_1561 = arith.index_cast %select_n3A_1467 : i32 to index
        %swap3A_1562 = arith.constant 96 : index
        %swap3A_1563 = tpu.vector_load %arg11[%swap3A_1561, %swap3A_1562] {strides = array<i32>} : memref<321x128xf32, #tpu.memory_space<vmem>>, vector<1x16xf32>,
        %swap3A_1564 = vector.shape_cast %swap3A_1563 : vector<1x16xf32> to vector<16xf32>
        %swap3A_1565 = vector.shape_cast %min3A_1560 : vector<16xf32> to vector<1x16xf32>
        tpu.vector_store %arg11[%swap3A_1561, %swap3A_1562], %swap3A_1565 {strides = array<i32>} : memref<321x128xf32, #tpu.memory_space<vmem>>, vector<1x16xf32>,
        %get3A_1566 = arith.index_cast %select_n3A_1467 : i32 to index
        %get3A_1567 = arith.constant 112 : index
        %get3A_1568 = tpu.vector_load %arg11[%get3A_1566, %get3A_1567] {strides = array<i32>} : memref<321x128xf32, #tpu.memory_space<vmem>>, vector<1x16xf32>,
        %get3A_1569 = vector.shape_cast %get3A_1568 : vector<1x16xf32> to vector<16xf32>
        %get3A_1570 = arith.index_cast %add3A_1457 : i32 to index
        %get3A_1571 = arith.constant 112 : index
        %get3A_1572 = tpu.vector_load %arg10[%get3A_1570, %get3A_1571] {strides = array<i32>} : memref<128x128xf32, #tpu.memory_space<vmem>>, vector<1x16xf32>,
        %get3A_1573 = vector.shape_cast %get3A_1572 : vector<1x16xf32> to vector<16xf32>
        %min3A_1574 = arith.minimumf %get3A_1569, %get3A_1573 : vector<16xf32>
        %swap3A_1575 = arith.index_cast %select_n3A_1467 : i32 to index
        %swap3A_1576 = arith.constant 112 : index
        %swap3A_1577 = tpu.vector_load %arg11[%swap3A_1575, %swap3A_1576] {strides = array<i32>} : memref<321x128xf32, #tpu.memory_space<vmem>>, vector<1x16xf32>,
        %swap3A_1578 = vector.shape_cast %swap3A_1577 : vector<1x16xf32> to vector<16xf32>
        %swap3A_1579 = vector.shape_cast %min3A_1574 : vector<16xf32> to vector<1x16xf32>
        tpu.vector_store %arg11[%swap3A_1575, %swap3A_1576], %swap3A_1579 {strides = array<i32>} : memref<321x128xf32, #tpu.memory_space<vmem>>, vector<1x16xf32>,
        %mul3A_1580 = arith.constant 16 : i32
        %mul3A_1581 = arith.muli %scan3A_65, %mul3A_1580 : i32
        %add3A_1582 = arith.constant 12 : i32
        %add3A_1583 = arith.addi %mul3A_1581, %add3A_1582 : i32
        %slice3A_1584 = vector.extract_strided_slice %get3A_71 {offsets = [12], sizes = [1], strides = [1]} : vector<16xi32> to vector<1xi32>
        %squeeze3A_1585 = vector.extract %slice3A_1584[0] : i32 from vector<1xi32>
        %sub3A_1586 = arith.subi %squeeze3A_1585, %mul3A_2 : i32
        %ge3A_1587 = arith.constant 0 : i32
        %ge3A_1588 = arith.cmpi sge, %sub3A_1586, %ge3A_1587 : i32
        %lt3A_1589 = arith.constant 320 : i32
        %lt3A_1590 = arith.cmpi slt, %sub3A_1586, %lt3A_1589 : i32
        %and3A_1591 = arith.andi %ge3A_1588, %lt3A_1590 : i1
        %jit3A_1592 = arith.constant 320 : i32
        %select_n3A_1593 = arith.select %and3A_1591, %sub3A_1586, %jit3A_1592 : i32
        %get3A_1594 = arith.index_cast %select_n3A_1593 : i32 to index
        %get3A_1595 = arith.constant 0 : index
        %get3A_1596 = tpu.vector_load %arg11[%get3A_1594, %get3A_1595] {strides = array<i32>} : memref<321x128xf32, #tpu.memory_space<vmem>>, vector<1x16xf32>,
        %get3A_1597 = vector.shape_cast %get3A_1596 : vector<1x16xf32> to vector<16xf32>
        %get3A_1598 = arith.index_cast %add3A_1583 : i32 to index
        %get3A_1599 = arith.constant 0 : index
        %get3A_1600 = tpu.vector_load %arg10[%get3A_1598, %get3A_1599] {strides = array<i32>} : memref<128x128xf32, #tpu.memory_space<vmem>>, vector<1x16xf32>,
        %get3A_1601 = vector.shape_cast %get3A_1600 : vector<1x16xf32> to vector<16xf32>
        %min3A_1602 = arith.minimumf %get3A_1597, %get3A_1601 : vector<16xf32>
        %swap3A_1603 = arith.index_cast %select_n3A_1593 : i32 to index
        %swap3A_1604 = arith.constant 0 : index
        %swap3A_1605 = tpu.vector_load %arg11[%swap3A_1603, %swap3A_1604] {strides = array<i32>} : memref<321x128xf32, #tpu.memory_space<vmem>>, vector<1x16xf32>,
        %swap3A_1606 = vector.shape_cast %swap3A_1605 : vector<1x16xf32> to vector<16xf32>
        %swap3A_1607 = vector.shape_cast %min3A_1602 : vector<16xf32> to vector<1x16xf32>
        tpu.vector_store %arg11[%swap3A_1603, %swap3A_1604], %swap3A_1607 {strides = array<i32>} : memref<321x128xf32, #tpu.memory_space<vmem>>, vector<1x16xf32>,
        %get3A_1608 = arith.index_cast %select_n3A_1593 : i32 to index
        %get3A_1609 = arith.constant 16 : index
        %get3A_1610 = tpu.vector_load %arg11[%get3A_1608, %get3A_1609] {strides = array<i32>} : memref<321x128xf32, #tpu.memory_space<vmem>>, vector<1x16xf32>,
        %get3A_1611 = vector.shape_cast %get3A_1610 : vector<1x16xf32> to vector<16xf32>
        %get3A_1612 = arith.index_cast %add3A_1583 : i32 to index
        %get3A_1613 = arith.constant 16 : index
        %get3A_1614 = tpu.vector_load %arg10[%get3A_1612, %get3A_1613] {strides = array<i32>} : memref<128x128xf32, #tpu.memory_space<vmem>>, vector<1x16xf32>,
        %get3A_1615 = vector.shape_cast %get3A_1614 : vector<1x16xf32> to vector<16xf32>
        %min3A_1616 = arith.minimumf %get3A_1611, %get3A_1615 : vector<16xf32>
        %swap3A_1617 = arith.index_cast %select_n3A_1593 : i32 to index
        %swap3A_1618 = arith.constant 16 : index
        %swap3A_1619 = tpu.vector_load %arg11[%swap3A_1617, %swap3A_1618] {strides = array<i32>} : memref<321x128xf32, #tpu.memory_space<vmem>>, vector<1x16xf32>,
        %swap3A_1620 = vector.shape_cast %swap3A_1619 : vector<1x16xf32> to vector<16xf32>
        %swap3A_1621 = vector.shape_cast %min3A_1616 : vector<16xf32> to vector<1x16xf32>
        tpu.vector_store %arg11[%swap3A_1617, %swap3A_1618], %swap3A_1621 {strides = array<i32>} : memref<321x128xf32, #tpu.memory_space<vmem>>, vector<1x16xf32>,
        %get3A_1622 = arith.index_cast %select_n3A_1593 : i32 to index
        %get3A_1623 = arith.constant 32 : index
        %get3A_1624 = tpu.vector_load %arg11[%get3A_1622, %get3A_1623] {strides = array<i32>} : memref<321x128xf32, #tpu.memory_space<vmem>>, vector<1x16xf32>,
        %get3A_1625 = vector.shape_cast %get3A_1624 : vector<1x16xf32> to vector<16xf32>
        %get3A_1626 = arith.index_cast %add3A_1583 : i32 to index
        %get3A_1627 = arith.constant 32 : index
        %get3A_1628 = tpu.vector_load %arg10[%get3A_1626, %get3A_1627] {strides = array<i32>} : memref<128x128xf32, #tpu.memory_space<vmem>>, vector<1x16xf32>,
        %get3A_1629 = vector.shape_cast %get3A_1628 : vector<1x16xf32> to vector<16xf32>
        %min3A_1630 = arith.minimumf %get3A_1625, %get3A_1629 : vector<16xf32>
        %swap3A_1631 = arith.index_cast %select_n3A_1593 : i32 to index
        %swap3A_1632 = arith.constant 32 : index
        %swap3A_1633 = tpu.vector_load %arg11[%swap3A_1631, %swap3A_1632] {strides = array<i32>} : memref<321x128xf32, #tpu.memory_space<vmem>>, vector<1x16xf32>,
        %swap3A_1634 = vector.shape_cast %swap3A_1633 : vector<1x16xf32> to vector<16xf32>
        %swap3A_1635 = vector.shape_cast %min3A_1630 : vector<16xf32> to vector<1x16xf32>
        tpu.vector_store %arg11[%swap3A_1631, %swap3A_1632], %swap3A_1635 {strides = array<i32>} : memref<321x128xf32, #tpu.memory_space<vmem>>, vector<1x16xf32>,
        %get3A_1636 = arith.index_cast %select_n3A_1593 : i32 to index
        %get3A_1637 = arith.constant 48 : index
        %get3A_1638 = tpu.vector_load %arg11[%get3A_1636, %get3A_1637] {strides = array<i32>} : memref<321x128xf32, #tpu.memory_space<vmem>>, vector<1x16xf32>,
        %get3A_1639 = vector.shape_cast %get3A_1638 : vector<1x16xf32> to vector<16xf32>
        %get3A_1640 = arith.index_cast %add3A_1583 : i32 to index
        %get3A_1641 = arith.constant 48 : index
        %get3A_1642 = tpu.vector_load %arg10[%get3A_1640, %get3A_1641] {strides = array<i32>} : memref<128x128xf32, #tpu.memory_space<vmem>>, vector<1x16xf32>,
        %get3A_1643 = vector.shape_cast %get3A_1642 : vector<1x16xf32> to vector<16xf32>
        %min3A_1644 = arith.minimumf %get3A_1639, %get3A_1643 : vector<16xf32>
        %swap3A_1645 = arith.index_cast %select_n3A_1593 : i32 to index
        %swap3A_1646 = arith.constant 48 : index
        %swap3A_1647 = tpu.vector_load %arg11[%swap3A_1645, %swap3A_1646] {strides = array<i32>} : memref<321x128xf32, #tpu.memory_space<vmem>>, vector<1x16xf32>,
        %swap3A_1648 = vector.shape_cast %swap3A_1647 : vector<1x16xf32> to vector<16xf32>
        %swap3A_1649 = vector.shape_cast %min3A_1644 : vector<16xf32> to vector<1x16xf32>
        tpu.vector_store %arg11[%swap3A_1645, %swap3A_1646], %swap3A_1649 {strides = array<i32>} : memref<321x128xf32, #tpu.memory_space<vmem>>, vector<1x16xf32>,
        %get3A_1650 = arith.index_cast %select_n3A_1593 : i32 to index
        %get3A_1651 = arith.constant 64 : index
        %get3A_1652 = tpu.vector_load %arg11[%get3A_1650, %get3A_1651] {strides = array<i32>} : memref<321x128xf32, #tpu.memory_space<vmem>>, vector<1x16xf32>,
        %get3A_1653 = vector.shape_cast %get3A_1652 : vector<1x16xf32> to vector<16xf32>
        %get3A_1654 = arith.index_cast %add3A_1583 : i32 to index
        %get3A_1655 = arith.constant 64 : index
        %get3A_1656 = tpu.vector_load %arg10[%get3A_1654, %get3A_1655] {strides = array<i32>} : memref<128x128xf32, #tpu.memory_space<vmem>>, vector<1x16xf32>,
        %get3A_1657 = vector.shape_cast %get3A_1656 : vector<1x16xf32> to vector<16xf32>
        %min3A_1658 = arith.minimumf %get3A_1653, %get3A_1657 : vector<16xf32>
        %swap3A_1659 = arith.index_cast %select_n3A_1593 : i32 to index
        %swap3A_1660 = arith.constant 64 : index
        %swap3A_1661 = tpu.vector_load %arg11[%swap3A_1659, %swap3A_1660] {strides = array<i32>} : memref<321x128xf32, #tpu.memory_space<vmem>>, vector<1x16xf32>,
        %swap3A_1662 = vector.shape_cast %swap3A_1661 : vector<1x16xf32> to vector<16xf32>
        %swap3A_1663 = vector.shape_cast %min3A_1658 : vector<16xf32> to vector<1x16xf32>
        tpu.vector_store %arg11[%swap3A_1659, %swap3A_1660], %swap3A_1663 {strides = array<i32>} : memref<321x128xf32, #tpu.memory_space<vmem>>, vector<1x16xf32>,
        %get3A_1664 = arith.index_cast %select_n3A_1593 : i32 to index
        %get3A_1665 = arith.constant 80 : index
        %get3A_1666 = tpu.vector_load %arg11[%get3A_1664, %get3A_1665] {strides = array<i32>} : memref<321x128xf32, #tpu.memory_space<vmem>>, vector<1x16xf32>,
        %get3A_1667 = vector.shape_cast %get3A_1666 : vector<1x16xf32> to vector<16xf32>
        %get3A_1668 = arith.index_cast %add3A_1583 : i32 to index
        %get3A_1669 = arith.constant 80 : index
        %get3A_1670 = tpu.vector_load %arg10[%get3A_1668, %get3A_1669] {strides = array<i32>} : memref<128x128xf32, #tpu.memory_space<vmem>>, vector<1x16xf32>,
        %get3A_1671 = vector.shape_cast %get3A_1670 : vector<1x16xf32> to vector<16xf32>
        %min3A_1672 = arith.minimumf %get3A_1667, %get3A_1671 : vector<16xf32>
        %swap3A_1673 = arith.index_cast %select_n3A_1593 : i32 to index
        %swap3A_1674 = arith.constant 80 : index
        %swap3A_1675 = tpu.vector_load %arg11[%swap3A_1673, %swap3A_1674] {strides = array<i32>} : memref<321x128xf32, #tpu.memory_space<vmem>>, vector<1x16xf32>,
        %swap3A_1676 = vector.shape_cast %swap3A_1675 : vector<1x16xf32> to vector<16xf32>
        %swap3A_1677 = vector.shape_cast %min3A_1672 : vector<16xf32> to vector<1x16xf32>
        tpu.vector_store %arg11[%swap3A_1673, %swap3A_1674], %swap3A_1677 {strides = array<i32>} : memref<321x128xf32, #tpu.memory_space<vmem>>, vector<1x16xf32>,
        %get3A_1678 = arith.index_cast %select_n3A_1593 : i32 to index
        %get3A_1679 = arith.constant 96 : index
        %get3A_1680 = tpu.vector_load %arg11[%get3A_1678, %get3A_1679] {strides = array<i32>} : memref<321x128xf32, #tpu.memory_space<vmem>>, vector<1x16xf32>,
        %get3A_1681 = vector.shape_cast %get3A_1680 : vector<1x16xf32> to vector<16xf32>
        %get3A_1682 = arith.index_cast %add3A_1583 : i32 to index
        %get3A_1683 = arith.constant 96 : index
        %get3A_1684 = tpu.vector_load %arg10[%get3A_1682, %get3A_1683] {strides = array<i32>} : memref<128x128xf32, #tpu.memory_space<vmem>>, vector<1x16xf32>,
        %get3A_1685 = vector.shape_cast %get3A_1684 : vector<1x16xf32> to vector<16xf32>
        %min3A_1686 = arith.minimumf %get3A_1681, %get3A_1685 : vector<16xf32>
        %swap3A_1687 = arith.index_cast %select_n3A_1593 : i32 to index
        %swap3A_1688 = arith.constant 96 : index
        %swap3A_1689 = tpu.vector_load %arg11[%swap3A_1687, %swap3A_1688] {strides = array<i32>} : memref<321x128xf32, #tpu.memory_space<vmem>>, vector<1x16xf32>,
        %swap3A_1690 = vector.shape_cast %swap3A_1689 : vector<1x16xf32> to vector<16xf32>
        %swap3A_1691 = vector.shape_cast %min3A_1686 : vector<16xf32> to vector<1x16xf32>
        tpu.vector_store %arg11[%swap3A_1687, %swap3A_1688], %swap3A_1691 {strides = array<i32>} : memref<321x128xf32, #tpu.memory_space<vmem>>, vector<1x16xf32>,
        %get3A_1692 = arith.index_cast %select_n3A_1593 : i32 to index
        %get3A_1693 = arith.constant 112 : index
        %get3A_1694 = tpu.vector_load %arg11[%get3A_1692, %get3A_1693] {strides = array<i32>} : memref<321x128xf32, #tpu.memory_space<vmem>>, vector<1x16xf32>,
        %get3A_1695 = vector.shape_cast %get3A_1694 : vector<1x16xf32> to vector<16xf32>
        %get3A_1696 = arith.index_cast %add3A_1583 : i32 to index
        %get3A_1697 = arith.constant 112 : index
        %get3A_1698 = tpu.vector_load %arg10[%get3A_1696, %get3A_1697] {strides = array<i32>} : memref<128x128xf32, #tpu.memory_space<vmem>>, vector<1x16xf32>,
        %get3A_1699 = vector.shape_cast %get3A_1698 : vector<1x16xf32> to vector<16xf32>
        %min3A_1700 = arith.minimumf %get3A_1695, %get3A_1699 : vector<16xf32>
        %swap3A_1701 = arith.index_cast %select_n3A_1593 : i32 to index
        %swap3A_1702 = arith.constant 112 : index
        %swap3A_1703 = tpu.vector_load %arg11[%swap3A_1701, %swap3A_1702] {strides = array<i32>} : memref<321x128xf32, #tpu.memory_space<vmem>>, vector<1x16xf32>,
        %swap3A_1704 = vector.shape_cast %swap3A_1703 : vector<1x16xf32> to vector<16xf32>
        %swap3A_1705 = vector.shape_cast %min3A_1700 : vector<16xf32> to vector<1x16xf32>
        tpu.vector_store %arg11[%swap3A_1701, %swap3A_1702], %swap3A_1705 {strides = array<i32>} : memref<321x128xf32, #tpu.memory_space<vmem>>, vector<1x16xf32>,
        %mul3A_1706 = arith.constant 16 : i32
        %mul3A_1707 = arith.muli %scan3A_65, %mul3A_1706 : i32
        %add3A_1708 = arith.constant 13 : i32
        %add3A_1709 = arith.addi %mul3A_1707, %add3A_1708 : i32
        %slice3A_1710 = vector.extract_strided_slice %get3A_71 {offsets = [13], sizes = [1], strides = [1]} : vector<16xi32> to vector<1xi32>
        %squeeze3A_1711 = vector.extract %slice3A_1710[0] : i32 from vector<1xi32>
        %sub3A_1712 = arith.subi %squeeze3A_1711, %mul3A_2 : i32
        %ge3A_1713 = arith.constant 0 : i32
        %ge3A_1714 = arith.cmpi sge, %sub3A_1712, %ge3A_1713 : i32
        %lt3A_1715 = arith.constant 320 : i32
        %lt3A_1716 = arith.cmpi slt, %sub3A_1712, %lt3A_1715 : i32
        %and3A_1717 = arith.andi %ge3A_1714, %lt3A_1716 : i1
        %jit3A_1718 = arith.constant 320 : i32
        %select_n3A_1719 = arith.select %and3A_1717, %sub3A_1712, %jit3A_1718 : i32
        %get3A_1720 = arith.index_cast %select_n3A_1719 : i32 to index
        %get3A_1721 = arith.constant 0 : index
        %get3A_1722 = tpu.vector_load %arg11[%get3A_1720, %get3A_1721] {strides = array<i32>} : memref<321x128xf32, #tpu.memory_space<vmem>>, vector<1x16xf32>,
        %get3A_1723 = vector.shape_cast %get3A_1722 : vector<1x16xf32> to vector<16xf32>
        %get3A_1724 = arith.index_cast %add3A_1709 : i32 to index
        %get3A_1725 = arith.constant 0 : index
        %get3A_1726 = tpu.vector_load %arg10[%get3A_1724, %get3A_1725] {strides = array<i32>} : memref<128x128xf32, #tpu.memory_space<vmem>>, vector<1x16xf32>,
        %get3A_1727 = vector.shape_cast %get3A_1726 : vector<1x16xf32> to vector<16xf32>
        %min3A_1728 = arith.minimumf %get3A_1723, %get3A_1727 : vector<16xf32>
        %swap3A_1729 = arith.index_cast %select_n3A_1719 : i32 to index
        %swap3A_1730 = arith.constant 0 : index
        %swap3A_1731 = tpu.vector_load %arg11[%swap3A_1729, %swap3A_1730] {strides = array<i32>} : memref<321x128xf32, #tpu.memory_space<vmem>>, vector<1x16xf32>,
        %swap3A_1732 = vector.shape_cast %swap3A_1731 : vector<1x16xf32> to vector<16xf32>
        %swap3A_1733 = vector.shape_cast %min3A_1728 : vector<16xf32> to vector<1x16xf32>
        tpu.vector_store %arg11[%swap3A_1729, %swap3A_1730], %swap3A_1733 {strides = array<i32>} : memref<321x128xf32, #tpu.memory_space<vmem>>, vector<1x16xf32>,
        %get3A_1734 = arith.index_cast %select_n3A_1719 : i32 to index
        %get3A_1735 = arith.constant 16 : index
        %get3A_1736 = tpu.vector_load %arg11[%get3A_1734, %get3A_1735] {strides = array<i32>} : memref<321x128xf32, #tpu.memory_space<vmem>>, vector<1x16xf32>,
        %get3A_1737 = vector.shape_cast %get3A_1736 : vector<1x16xf32> to vector<16xf32>
        %get3A_1738 = arith.index_cast %add3A_1709 : i32 to index
        %get3A_1739 = arith.constant 16 : index
        %get3A_1740 = tpu.vector_load %arg10[%get3A_1738, %get3A_1739] {strides = array<i32>} : memref<128x128xf32, #tpu.memory_space<vmem>>, vector<1x16xf32>,
        %get3A_1741 = vector.shape_cast %get3A_1740 : vector<1x16xf32> to vector<16xf32>
        %min3A_1742 = arith.minimumf %get3A_1737, %get3A_1741 : vector<16xf32>
        %swap3A_1743 = arith.index_cast %select_n3A_1719 : i32 to index
        %swap3A_1744 = arith.constant 16 : index
        %swap3A_1745 = tpu.vector_load %arg11[%swap3A_1743, %swap3A_1744] {strides = array<i32>} : memref<321x128xf32, #tpu.memory_space<vmem>>, vector<1x16xf32>,
        %swap3A_1746 = vector.shape_cast %swap3A_1745 : vector<1x16xf32> to vector<16xf32>
        %swap3A_1747 = vector.shape_cast %min3A_1742 : vector<16xf32> to vector<1x16xf32>
        tpu.vector_store %arg11[%swap3A_1743, %swap3A_1744], %swap3A_1747 {strides = array<i32>} : memref<321x128xf32, #tpu.memory_space<vmem>>, vector<1x16xf32>,
        %get3A_1748 = arith.index_cast %select_n3A_1719 : i32 to index
        %get3A_1749 = arith.constant 32 : index
        %get3A_1750 = tpu.vector_load %arg11[%get3A_1748, %get3A_1749] {strides = array<i32>} : memref<321x128xf32, #tpu.memory_space<vmem>>, vector<1x16xf32>,
        %get3A_1751 = vector.shape_cast %get3A_1750 : vector<1x16xf32> to vector<16xf32>
        %get3A_1752 = arith.index_cast %add3A_1709 : i32 to index
        %get3A_1753 = arith.constant 32 : index
        %get3A_1754 = tpu.vector_load %arg10[%get3A_1752, %get3A_1753] {strides = array<i32>} : memref<128x128xf32, #tpu.memory_space<vmem>>, vector<1x16xf32>,
        %get3A_1755 = vector.shape_cast %get3A_1754 : vector<1x16xf32> to vector<16xf32>
        %min3A_1756 = arith.minimumf %get3A_1751, %get3A_1755 : vector<16xf32>
        %swap3A_1757 = arith.index_cast %select_n3A_1719 : i32 to index
        %swap3A_1758 = arith.constant 32 : index
        %swap3A_1759 = tpu.vector_load %arg11[%swap3A_1757, %swap3A_1758] {strides = array<i32>} : memref<321x128xf32, #tpu.memory_space<vmem>>, vector<1x16xf32>,
        %swap3A_1760 = vector.shape_cast %swap3A_1759 : vector<1x16xf32> to vector<16xf32>
        %swap3A_1761 = vector.shape_cast %min3A_1756 : vector<16xf32> to vector<1x16xf32>
        tpu.vector_store %arg11[%swap3A_1757, %swap3A_1758], %swap3A_1761 {strides = array<i32>} : memref<321x128xf32, #tpu.memory_space<vmem>>, vector<1x16xf32>,
        %get3A_1762 = arith.index_cast %select_n3A_1719 : i32 to index
        %get3A_1763 = arith.constant 48 : index
        %get3A_1764 = tpu.vector_load %arg11[%get3A_1762, %get3A_1763] {strides = array<i32>} : memref<321x128xf32, #tpu.memory_space<vmem>>, vector<1x16xf32>,
        %get3A_1765 = vector.shape_cast %get3A_1764 : vector<1x16xf32> to vector<16xf32>
        %get3A_1766 = arith.index_cast %add3A_1709 : i32 to index
        %get3A_1767 = arith.constant 48 : index
        %get3A_1768 = tpu.vector_load %arg10[%get3A_1766, %get3A_1767] {strides = array<i32>} : memref<128x128xf32, #tpu.memory_space<vmem>>, vector<1x16xf32>,
        %get3A_1769 = vector.shape_cast %get3A_1768 : vector<1x16xf32> to vector<16xf32>
        %min3A_1770 = arith.minimumf %get3A_1765, %get3A_1769 : vector<16xf32>
        %swap3A_1771 = arith.index_cast %select_n3A_1719 : i32 to index
        %swap3A_1772 = arith.constant 48 : index
        %swap3A_1773 = tpu.vector_load %arg11[%swap3A_1771, %swap3A_1772] {strides = array<i32>} : memref<321x128xf32, #tpu.memory_space<vmem>>, vector<1x16xf32>,
        %swap3A_1774 = vector.shape_cast %swap3A_1773 : vector<1x16xf32> to vector<16xf32>
        %swap3A_1775 = vector.shape_cast %min3A_1770 : vector<16xf32> to vector<1x16xf32>
        tpu.vector_store %arg11[%swap3A_1771, %swap3A_1772], %swap3A_1775 {strides = array<i32>} : memref<321x128xf32, #tpu.memory_space<vmem>>, vector<1x16xf32>,
        %get3A_1776 = arith.index_cast %select_n3A_1719 : i32 to index
        %get3A_1777 = arith.constant 64 : index
        %get3A_1778 = tpu.vector_load %arg11[%get3A_1776, %get3A_1777] {strides = array<i32>} : memref<321x128xf32, #tpu.memory_space<vmem>>, vector<1x16xf32>,
        %get3A_1779 = vector.shape_cast %get3A_1778 : vector<1x16xf32> to vector<16xf32>
        %get3A_1780 = arith.index_cast %add3A_1709 : i32 to index
        %get3A_1781 = arith.constant 64 : index
        %get3A_1782 = tpu.vector_load %arg10[%get3A_1780, %get3A_1781] {strides = array<i32>} : memref<128x128xf32, #tpu.memory_space<vmem>>, vector<1x16xf32>,
        %get3A_1783 = vector.shape_cast %get3A_1782 : vector<1x16xf32> to vector<16xf32>
        %min3A_1784 = arith.minimumf %get3A_1779, %get3A_1783 : vector<16xf32>
        %swap3A_1785 = arith.index_cast %select_n3A_1719 : i32 to index
        %swap3A_1786 = arith.constant 64 : index
        %swap3A_1787 = tpu.vector_load %arg11[%swap3A_1785, %swap3A_1786] {strides = array<i32>} : memref<321x128xf32, #tpu.memory_space<vmem>>, vector<1x16xf32>,
        %swap3A_1788 = vector.shape_cast %swap3A_1787 : vector<1x16xf32> to vector<16xf32>
        %swap3A_1789 = vector.shape_cast %min3A_1784 : vector<16xf32> to vector<1x16xf32>
        tpu.vector_store %arg11[%swap3A_1785, %swap3A_1786], %swap3A_1789 {strides = array<i32>} : memref<321x128xf32, #tpu.memory_space<vmem>>, vector<1x16xf32>,
        %get3A_1790 = arith.index_cast %select_n3A_1719 : i32 to index
        %get3A_1791 = arith.constant 80 : index
        %get3A_1792 = tpu.vector_load %arg11[%get3A_1790, %get3A_1791] {strides = array<i32>} : memref<321x128xf32, #tpu.memory_space<vmem>>, vector<1x16xf32>,
        %get3A_1793 = vector.shape_cast %get3A_1792 : vector<1x16xf32> to vector<16xf32>
        %get3A_1794 = arith.index_cast %add3A_1709 : i32 to index
        %get3A_1795 = arith.constant 80 : index
        %get3A_1796 = tpu.vector_load %arg10[%get3A_1794, %get3A_1795] {strides = array<i32>} : memref<128x128xf32, #tpu.memory_space<vmem>>, vector<1x16xf32>,
        %get3A_1797 = vector.shape_cast %get3A_1796 : vector<1x16xf32> to vector<16xf32>
        %min3A_1798 = arith.minimumf %get3A_1793, %get3A_1797 : vector<16xf32>
        %swap3A_1799 = arith.index_cast %select_n3A_1719 : i32 to index
        %swap3A_1800 = arith.constant 80 : index
        %swap3A_1801 = tpu.vector_load %arg11[%swap3A_1799, %swap3A_1800] {strides = array<i32>} : memref<321x128xf32, #tpu.memory_space<vmem>>, vector<1x16xf32>,
        %swap3A_1802 = vector.shape_cast %swap3A_1801 : vector<1x16xf32> to vector<16xf32>
        %swap3A_1803 = vector.shape_cast %min3A_1798 : vector<16xf32> to vector<1x16xf32>
        tpu.vector_store %arg11[%swap3A_1799, %swap3A_1800], %swap3A_1803 {strides = array<i32>} : memref<321x128xf32, #tpu.memory_space<vmem>>, vector<1x16xf32>,
        %get3A_1804 = arith.index_cast %select_n3A_1719 : i32 to index
        %get3A_1805 = arith.constant 96 : index
        %get3A_1806 = tpu.vector_load %arg11[%get3A_1804, %get3A_1805] {strides = array<i32>} : memref<321x128xf32, #tpu.memory_space<vmem>>, vector<1x16xf32>,
        %get3A_1807 = vector.shape_cast %get3A_1806 : vector<1x16xf32> to vector<16xf32>
        %get3A_1808 = arith.index_cast %add3A_1709 : i32 to index
        %get3A_1809 = arith.constant 96 : index
        %get3A_1810 = tpu.vector_load %arg10[%get3A_1808, %get3A_1809] {strides = array<i32>} : memref<128x128xf32, #tpu.memory_space<vmem>>, vector<1x16xf32>,
        %get3A_1811 = vector.shape_cast %get3A_1810 : vector<1x16xf32> to vector<16xf32>
        %min3A_1812 = arith.minimumf %get3A_1807, %get3A_1811 : vector<16xf32>
        %swap3A_1813 = arith.index_cast %select_n3A_1719 : i32 to index
        %swap3A_1814 = arith.constant 96 : index
        %swap3A_1815 = tpu.vector_load %arg11[%swap3A_1813, %swap3A_1814] {strides = array<i32>} : memref<321x128xf32, #tpu.memory_space<vmem>>, vector<1x16xf32>,
        %swap3A_1816 = vector.shape_cast %swap3A_1815 : vector<1x16xf32> to vector<16xf32>
        %swap3A_1817 = vector.shape_cast %min3A_1812 : vector<16xf32> to vector<1x16xf32>
        tpu.vector_store %arg11[%swap3A_1813, %swap3A_1814], %swap3A_1817 {strides = array<i32>} : memref<321x128xf32, #tpu.memory_space<vmem>>, vector<1x16xf32>,
        %get3A_1818 = arith.index_cast %select_n3A_1719 : i32 to index
        %get3A_1819 = arith.constant 112 : index
        %get3A_1820 = tpu.vector_load %arg11[%get3A_1818, %get3A_1819] {strides = array<i32>} : memref<321x128xf32, #tpu.memory_space<vmem>>, vector<1x16xf32>,
        %get3A_1821 = vector.shape_cast %get3A_1820 : vector<1x16xf32> to vector<16xf32>
        %get3A_1822 = arith.index_cast %add3A_1709 : i32 to index
        %get3A_1823 = arith.constant 112 : index
        %get3A_1824 = tpu.vector_load %arg10[%get3A_1822, %get3A_1823] {strides = array<i32>} : memref<128x128xf32, #tpu.memory_space<vmem>>, vector<1x16xf32>,
        %get3A_1825 = vector.shape_cast %get3A_1824 : vector<1x16xf32> to vector<16xf32>
        %min3A_1826 = arith.minimumf %get3A_1821, %get3A_1825 : vector<16xf32>
        %swap3A_1827 = arith.index_cast %select_n3A_1719 : i32 to index
        %swap3A_1828 = arith.constant 112 : index
        %swap3A_1829 = tpu.vector_load %arg11[%swap3A_1827, %swap3A_1828] {strides = array<i32>} : memref<321x128xf32, #tpu.memory_space<vmem>>, vector<1x16xf32>,
        %swap3A_1830 = vector.shape_cast %swap3A_1829 : vector<1x16xf32> to vector<16xf32>
        %swap3A_1831 = vector.shape_cast %min3A_1826 : vector<16xf32> to vector<1x16xf32>
        tpu.vector_store %arg11[%swap3A_1827, %swap3A_1828], %swap3A_1831 {strides = array<i32>} : memref<321x128xf32, #tpu.memory_space<vmem>>, vector<1x16xf32>,
        %mul3A_1832 = arith.constant 16 : i32
        %mul3A_1833 = arith.muli %scan3A_65, %mul3A_1832 : i32
        %add3A_1834 = arith.constant 14 : i32
        %add3A_1835 = arith.addi %mul3A_1833, %add3A_1834 : i32
        %slice3A_1836 = vector.extract_strided_slice %get3A_71 {offsets = [14], sizes = [1], strides = [1]} : vector<16xi32> to vector<1xi32>
        %squeeze3A_1837 = vector.extract %slice3A_1836[0] : i32 from vector<1xi32>
        %sub3A_1838 = arith.subi %squeeze3A_1837, %mul3A_2 : i32
        %ge3A_1839 = arith.constant 0 : i32
        %ge3A_1840 = arith.cmpi sge, %sub3A_1838, %ge3A_1839 : i32
        %lt3A_1841 = arith.constant 320 : i32
        %lt3A_1842 = arith.cmpi slt, %sub3A_1838, %lt3A_1841 : i32
        %and3A_1843 = arith.andi %ge3A_1840, %lt3A_1842 : i1
        %jit3A_1844 = arith.constant 320 : i32
        %select_n3A_1845 = arith.select %and3A_1843, %sub3A_1838, %jit3A_1844 : i32
        %get3A_1846 = arith.index_cast %select_n3A_1845 : i32 to index
        %get3A_1847 = arith.constant 0 : index
        %get3A_1848 = tpu.vector_load %arg11[%get3A_1846, %get3A_1847] {strides = array<i32>} : memref<321x128xf32, #tpu.memory_space<vmem>>, vector<1x16xf32>,
        %get3A_1849 = vector.shape_cast %get3A_1848 : vector<1x16xf32> to vector<16xf32>
        %get3A_1850 = arith.index_cast %add3A_1835 : i32 to index
        %get3A_1851 = arith.constant 0 : index
        %get3A_1852 = tpu.vector_load %arg10[%get3A_1850, %get3A_1851] {strides = array<i32>} : memref<128x128xf32, #tpu.memory_space<vmem>>, vector<1x16xf32>,
        %get3A_1853 = vector.shape_cast %get3A_1852 : vector<1x16xf32> to vector<16xf32>
        %min3A_1854 = arith.minimumf %get3A_1849, %get3A_1853 : vector<16xf32>
        %swap3A_1855 = arith.index_cast %select_n3A_1845 : i32 to index
        %swap3A_1856 = arith.constant 0 : index
        %swap3A_1857 = tpu.vector_load %arg11[%swap3A_1855, %swap3A_1856] {strides = array<i32>} : memref<321x128xf32, #tpu.memory_space<vmem>>, vector<1x16xf32>,
        %swap3A_1858 = vector.shape_cast %swap3A_1857 : vector<1x16xf32> to vector<16xf32>
        %swap3A_1859 = vector.shape_cast %min3A_1854 : vector<16xf32> to vector<1x16xf32>
        tpu.vector_store %arg11[%swap3A_1855, %swap3A_1856], %swap3A_1859 {strides = array<i32>} : memref<321x128xf32, #tpu.memory_space<vmem>>, vector<1x16xf32>,
        %get3A_1860 = arith.index_cast %select_n3A_1845 : i32 to index
        %get3A_1861 = arith.constant 16 : index
        %get3A_1862 = tpu.vector_load %arg11[%get3A_1860, %get3A_1861] {strides = array<i32>} : memref<321x128xf32, #tpu.memory_space<vmem>>, vector<1x16xf32>,
        %get3A_1863 = vector.shape_cast %get3A_1862 : vector<1x16xf32> to vector<16xf32>
        %get3A_1864 = arith.index_cast %add3A_1835 : i32 to index
        %get3A_1865 = arith.constant 16 : index
        %get3A_1866 = tpu.vector_load %arg10[%get3A_1864, %get3A_1865] {strides = array<i32>} : memref<128x128xf32, #tpu.memory_space<vmem>>, vector<1x16xf32>,
        %get3A_1867 = vector.shape_cast %get3A_1866 : vector<1x16xf32> to vector<16xf32>
        %min3A_1868 = arith.minimumf %get3A_1863, %get3A_1867 : vector<16xf32>
        %swap3A_1869 = arith.index_cast %select_n3A_1845 : i32 to index
        %swap3A_1870 = arith.constant 16 : index
        %swap3A_1871 = tpu.vector_load %arg11[%swap3A_1869, %swap3A_1870] {strides = array<i32>} : memref<321x128xf32, #tpu.memory_space<vmem>>, vector<1x16xf32>,
        %swap3A_1872 = vector.shape_cast %swap3A_1871 : vector<1x16xf32> to vector<16xf32>
        %swap3A_1873 = vector.shape_cast %min3A_1868 : vector<16xf32> to vector<1x16xf32>
        tpu.vector_store %arg11[%swap3A_1869, %swap3A_1870], %swap3A_1873 {strides = array<i32>} : memref<321x128xf32, #tpu.memory_space<vmem>>, vector<1x16xf32>,
        %get3A_1874 = arith.index_cast %select_n3A_1845 : i32 to index
        %get3A_1875 = arith.constant 32 : index
        %get3A_1876 = tpu.vector_load %arg11[%get3A_1874, %get3A_1875] {strides = array<i32>} : memref<321x128xf32, #tpu.memory_space<vmem>>, vector<1x16xf32>,
        %get3A_1877 = vector.shape_cast %get3A_1876 : vector<1x16xf32> to vector<16xf32>
        %get3A_1878 = arith.index_cast %add3A_1835 : i32 to index
        %get3A_1879 = arith.constant 32 : index
        %get3A_1880 = tpu.vector_load %arg10[%get3A_1878, %get3A_1879] {strides = array<i32>} : memref<128x128xf32, #tpu.memory_space<vmem>>, vector<1x16xf32>,
        %get3A_1881 = vector.shape_cast %get3A_1880 : vector<1x16xf32> to vector<16xf32>
        %min3A_1882 = arith.minimumf %get3A_1877, %get3A_1881 : vector<16xf32>
        %swap3A_1883 = arith.index_cast %select_n3A_1845 : i32 to index
        %swap3A_1884 = arith.constant 32 : index
        %swap3A_1885 = tpu.vector_load %arg11[%swap3A_1883, %swap3A_1884] {strides = array<i32>} : memref<321x128xf32, #tpu.memory_space<vmem>>, vector<1x16xf32>,
        %swap3A_1886 = vector.shape_cast %swap3A_1885 : vector<1x16xf32> to vector<16xf32>
        %swap3A_1887 = vector.shape_cast %min3A_1882 : vector<16xf32> to vector<1x16xf32>
        tpu.vector_store %arg11[%swap3A_1883, %swap3A_1884], %swap3A_1887 {strides = array<i32>} : memref<321x128xf32, #tpu.memory_space<vmem>>, vector<1x16xf32>,
        %get3A_1888 = arith.index_cast %select_n3A_1845 : i32 to index
        %get3A_1889 = arith.constant 48 : index
        %get3A_1890 = tpu.vector_load %arg11[%get3A_1888, %get3A_1889] {strides = array<i32>} : memref<321x128xf32, #tpu.memory_space<vmem>>, vector<1x16xf32>,
        %get3A_1891 = vector.shape_cast %get3A_1890 : vector<1x16xf32> to vector<16xf32>
        %get3A_1892 = arith.index_cast %add3A_1835 : i32 to index
        %get3A_1893 = arith.constant 48 : index
        %get3A_1894 = tpu.vector_load %arg10[%get3A_1892, %get3A_1893] {strides = array<i32>} : memref<128x128xf32, #tpu.memory_space<vmem>>, vector<1x16xf32>,
        %get3A_1895 = vector.shape_cast %get3A_1894 : vector<1x16xf32> to vector<16xf32>
        %min3A_1896 = arith.minimumf %get3A_1891, %get3A_1895 : vector<16xf32>
        %swap3A_1897 = arith.index_cast %select_n3A_1845 : i32 to index
        %swap3A_1898 = arith.constant 48 : index
        %swap3A_1899 = tpu.vector_load %arg11[%swap3A_1897, %swap3A_1898] {strides = array<i32>} : memref<321x128xf32, #tpu.memory_space<vmem>>, vector<1x16xf32>,
        %swap3A_1900 = vector.shape_cast %swap3A_1899 : vector<1x16xf32> to vector<16xf32>
        %swap3A_1901 = vector.shape_cast %min3A_1896 : vector<16xf32> to vector<1x16xf32>
        tpu.vector_store %arg11[%swap3A_1897, %swap3A_1898], %swap3A_1901 {strides = array<i32>} : memref<321x128xf32, #tpu.memory_space<vmem>>, vector<1x16xf32>,
        %get3A_1902 = arith.index_cast %select_n3A_1845 : i32 to index
        %get3A_1903 = arith.constant 64 : index
        %get3A_1904 = tpu.vector_load %arg11[%get3A_1902, %get3A_1903] {strides = array<i32>} : memref<321x128xf32, #tpu.memory_space<vmem>>, vector<1x16xf32>,
        %get3A_1905 = vector.shape_cast %get3A_1904 : vector<1x16xf32> to vector<16xf32>
        %get3A_1906 = arith.index_cast %add3A_1835 : i32 to index
        %get3A_1907 = arith.constant 64 : index
        %get3A_1908 = tpu.vector_load %arg10[%get3A_1906, %get3A_1907] {strides = array<i32>} : memref<128x128xf32, #tpu.memory_space<vmem>>, vector<1x16xf32>,
        %get3A_1909 = vector.shape_cast %get3A_1908 : vector<1x16xf32> to vector<16xf32>
        %min3A_1910 = arith.minimumf %get3A_1905, %get3A_1909 : vector<16xf32>
        %swap3A_1911 = arith.index_cast %select_n3A_1845 : i32 to index
        %swap3A_1912 = arith.constant 64 : index
        %swap3A_1913 = tpu.vector_load %arg11[%swap3A_1911, %swap3A_1912] {strides = array<i32>} : memref<321x128xf32, #tpu.memory_space<vmem>>, vector<1x16xf32>,
        %swap3A_1914 = vector.shape_cast %swap3A_1913 : vector<1x16xf32> to vector<16xf32>
        %swap3A_1915 = vector.shape_cast %min3A_1910 : vector<16xf32> to vector<1x16xf32>
        tpu.vector_store %arg11[%swap3A_1911, %swap3A_1912], %swap3A_1915 {strides = array<i32>} : memref<321x128xf32, #tpu.memory_space<vmem>>, vector<1x16xf32>,
        %get3A_1916 = arith.index_cast %select_n3A_1845 : i32 to index
        %get3A_1917 = arith.constant 80 : index
        %get3A_1918 = tpu.vector_load %arg11[%get3A_1916, %get3A_1917] {strides = array<i32>} : memref<321x128xf32, #tpu.memory_space<vmem>>, vector<1x16xf32>,
        %get3A_1919 = vector.shape_cast %get3A_1918 : vector<1x16xf32> to vector<16xf32>
        %get3A_1920 = arith.index_cast %add3A_1835 : i32 to index
        %get3A_1921 = arith.constant 80 : index
        %get3A_1922 = tpu.vector_load %arg10[%get3A_1920, %get3A_1921] {strides = array<i32>} : memref<128x128xf32, #tpu.memory_space<vmem>>, vector<1x16xf32>,
        %get3A_1923 = vector.shape_cast %get3A_1922 : vector<1x16xf32> to vector<16xf32>
        %min3A_1924 = arith.minimumf %get3A_1919, %get3A_1923 : vector<16xf32>
        %swap3A_1925 = arith.index_cast %select_n3A_1845 : i32 to index
        %swap3A_1926 = arith.constant 80 : index
        %swap3A_1927 = tpu.vector_load %arg11[%swap3A_1925, %swap3A_1926] {strides = array<i32>} : memref<321x128xf32, #tpu.memory_space<vmem>>, vector<1x16xf32>,
        %swap3A_1928 = vector.shape_cast %swap3A_1927 : vector<1x16xf32> to vector<16xf32>
        %swap3A_1929 = vector.shape_cast %min3A_1924 : vector<16xf32> to vector<1x16xf32>
        tpu.vector_store %arg11[%swap3A_1925, %swap3A_1926], %swap3A_1929 {strides = array<i32>} : memref<321x128xf32, #tpu.memory_space<vmem>>, vector<1x16xf32>,
        %get3A_1930 = arith.index_cast %select_n3A_1845 : i32 to index
        %get3A_1931 = arith.constant 96 : index
        %get3A_1932 = tpu.vector_load %arg11[%get3A_1930, %get3A_1931] {strides = array<i32>} : memref<321x128xf32, #tpu.memory_space<vmem>>, vector<1x16xf32>,
        %get3A_1933 = vector.shape_cast %get3A_1932 : vector<1x16xf32> to vector<16xf32>
        %get3A_1934 = arith.index_cast %add3A_1835 : i32 to index
        %get3A_1935 = arith.constant 96 : index
        %get3A_1936 = tpu.vector_load %arg10[%get3A_1934, %get3A_1935] {strides = array<i32>} : memref<128x128xf32, #tpu.memory_space<vmem>>, vector<1x16xf32>,
        %get3A_1937 = vector.shape_cast %get3A_1936 : vector<1x16xf32> to vector<16xf32>
        %min3A_1938 = arith.minimumf %get3A_1933, %get3A_1937 : vector<16xf32>
        %swap3A_1939 = arith.index_cast %select_n3A_1845 : i32 to index
        %swap3A_1940 = arith.constant 96 : index
        %swap3A_1941 = tpu.vector_load %arg11[%swap3A_1939, %swap3A_1940] {strides = array<i32>} : memref<321x128xf32, #tpu.memory_space<vmem>>, vector<1x16xf32>,
        %swap3A_1942 = vector.shape_cast %swap3A_1941 : vector<1x16xf32> to vector<16xf32>
        %swap3A_1943 = vector.shape_cast %min3A_1938 : vector<16xf32> to vector<1x16xf32>
        tpu.vector_store %arg11[%swap3A_1939, %swap3A_1940], %swap3A_1943 {strides = array<i32>} : memref<321x128xf32, #tpu.memory_space<vmem>>, vector<1x16xf32>,
        %get3A_1944 = arith.index_cast %select_n3A_1845 : i32 to index
        %get3A_1945 = arith.constant 112 : index
        %get3A_1946 = tpu.vector_load %arg11[%get3A_1944, %get3A_1945] {strides = array<i32>} : memref<321x128xf32, #tpu.memory_space<vmem>>, vector<1x16xf32>,
        %get3A_1947 = vector.shape_cast %get3A_1946 : vector<1x16xf32> to vector<16xf32>
        %get3A_1948 = arith.index_cast %add3A_1835 : i32 to index
        %get3A_1949 = arith.constant 112 : index
        %get3A_1950 = tpu.vector_load %arg10[%get3A_1948, %get3A_1949] {strides = array<i32>} : memref<128x128xf32, #tpu.memory_space<vmem>>, vector<1x16xf32>,
        %get3A_1951 = vector.shape_cast %get3A_1950 : vector<1x16xf32> to vector<16xf32>
        %min3A_1952 = arith.minimumf %get3A_1947, %get3A_1951 : vector<16xf32>
        %swap3A_1953 = arith.index_cast %select_n3A_1845 : i32 to index
        %swap3A_1954 = arith.constant 112 : index
        %swap3A_1955 = tpu.vector_load %arg11[%swap3A_1953, %swap3A_1954] {strides = array<i32>} : memref<321x128xf32, #tpu.memory_space<vmem>>, vector<1x16xf32>,
        %swap3A_1956 = vector.shape_cast %swap3A_1955 : vector<1x16xf32> to vector<16xf32>
        %swap3A_1957 = vector.shape_cast %min3A_1952 : vector<16xf32> to vector<1x16xf32>
        tpu.vector_store %arg11[%swap3A_1953, %swap3A_1954], %swap3A_1957 {strides = array<i32>} : memref<321x128xf32, #tpu.memory_space<vmem>>, vector<1x16xf32>,
        %mul3A_1958 = arith.constant 16 : i32
        %mul3A_1959 = arith.muli %scan3A_65, %mul3A_1958 : i32
        %add3A_1960 = arith.constant 15 : i32
        %add3A_1961 = arith.addi %mul3A_1959, %add3A_1960 : i32
        %slice3A_1962 = vector.extract_strided_slice %get3A_71 {offsets = [15], sizes = [1], strides = [1]} : vector<16xi32> to vector<1xi32>
        %squeeze3A_1963 = vector.extract %slice3A_1962[0] : i32 from vector<1xi32>
        %sub3A_1964 = arith.subi %squeeze3A_1963, %mul3A_2 : i32
        %ge3A_1965 = arith.constant 0 : i32
        %ge3A_1966 = arith.cmpi sge, %sub3A_1964, %ge3A_1965 : i32
        %lt3A_1967 = arith.constant 320 : i32
        %lt3A_1968 = arith.cmpi slt, %sub3A_1964, %lt3A_1967 : i32
        %and3A_1969 = arith.andi %ge3A_1966, %lt3A_1968 : i1
        %jit3A_1970 = arith.constant 320 : i32
        %select_n3A_1971 = arith.select %and3A_1969, %sub3A_1964, %jit3A_1970 : i32
        %get3A_1972 = arith.index_cast %select_n3A_1971 : i32 to index
        %get3A_1973 = arith.constant 0 : index
        %get3A_1974 = tpu.vector_load %arg11[%get3A_1972, %get3A_1973] {strides = array<i32>} : memref<321x128xf32, #tpu.memory_space<vmem>>, vector<1x16xf32>,
        %get3A_1975 = vector.shape_cast %get3A_1974 : vector<1x16xf32> to vector<16xf32>
        %get3A_1976 = arith.index_cast %add3A_1961 : i32 to index
        %get3A_1977 = arith.constant 0 : index
        %get3A_1978 = tpu.vector_load %arg10[%get3A_1976, %get3A_1977] {strides = array<i32>} : memref<128x128xf32, #tpu.memory_space<vmem>>, vector<1x16xf32>,
        %get3A_1979 = vector.shape_cast %get3A_1978 : vector<1x16xf32> to vector<16xf32>
        %min3A_1980 = arith.minimumf %get3A_1975, %get3A_1979 : vector<16xf32>
        %swap3A_1981 = arith.index_cast %select_n3A_1971 : i32 to index
        %swap3A_1982 = arith.constant 0 : index
        %swap3A_1983 = tpu.vector_load %arg11[%swap3A_1981, %swap3A_1982] {strides = array<i32>} : memref<321x128xf32, #tpu.memory_space<vmem>>, vector<1x16xf32>,
        %swap3A_1984 = vector.shape_cast %swap3A_1983 : vector<1x16xf32> to vector<16xf32>
        %swap3A_1985 = vector.shape_cast %min3A_1980 : vector<16xf32> to vector<1x16xf32>
        tpu.vector_store %arg11[%swap3A_1981, %swap3A_1982], %swap3A_1985 {strides = array<i32>} : memref<321x128xf32, #tpu.memory_space<vmem>>, vector<1x16xf32>,
        %get3A_1986 = arith.index_cast %select_n3A_1971 : i32 to index
        %get3A_1987 = arith.constant 16 : index
        %get3A_1988 = tpu.vector_load %arg11[%get3A_1986, %get3A_1987] {strides = array<i32>} : memref<321x128xf32, #tpu.memory_space<vmem>>, vector<1x16xf32>,
        %get3A_1989 = vector.shape_cast %get3A_1988 : vector<1x16xf32> to vector<16xf32>
        %get3A_1990 = arith.index_cast %add3A_1961 : i32 to index
        %get3A_1991 = arith.constant 16 : index
        %get3A_1992 = tpu.vector_load %arg10[%get3A_1990, %get3A_1991] {strides = array<i32>} : memref<128x128xf32, #tpu.memory_space<vmem>>, vector<1x16xf32>,
        %get3A_1993 = vector.shape_cast %get3A_1992 : vector<1x16xf32> to vector<16xf32>
        %min3A_1994 = arith.minimumf %get3A_1989, %get3A_1993 : vector<16xf32>
        %swap3A_1995 = arith.index_cast %select_n3A_1971 : i32 to index
        %swap3A_1996 = arith.constant 16 : index
        %swap3A_1997 = tpu.vector_load %arg11[%swap3A_1995, %swap3A_1996] {strides = array<i32>} : memref<321x128xf32, #tpu.memory_space<vmem>>, vector<1x16xf32>,
        %swap3A_1998 = vector.shape_cast %swap3A_1997 : vector<1x16xf32> to vector<16xf32>
        %swap3A_1999 = vector.shape_cast %min3A_1994 : vector<16xf32> to vector<1x16xf32>
        tpu.vector_store %arg11[%swap3A_1995, %swap3A_1996], %swap3A_1999 {strides = array<i32>} : memref<321x128xf32, #tpu.memory_space<vmem>>, vector<1x16xf32>,
        %get3A_2000 = arith.index_cast %select_n3A_1971 : i32 to index
        %get3A_2001 = arith.constant 32 : index
        %get3A_2002 = tpu.vector_load %arg11[%get3A_2000, %get3A_2001] {strides = array<i32>} : memref<321x128xf32, #tpu.memory_space<vmem>>, vector<1x16xf32>,
        %get3A_2003 = vector.shape_cast %get3A_2002 : vector<1x16xf32> to vector<16xf32>
        %get3A_2004 = arith.index_cast %add3A_1961 : i32 to index
        %get3A_2005 = arith.constant 32 : index
        %get3A_2006 = tpu.vector_load %arg10[%get3A_2004, %get3A_2005] {strides = array<i32>} : memref<128x128xf32, #tpu.memory_space<vmem>>, vector<1x16xf32>,
        %get3A_2007 = vector.shape_cast %get3A_2006 : vector<1x16xf32> to vector<16xf32>
        %min3A_2008 = arith.minimumf %get3A_2003, %get3A_2007 : vector<16xf32>
        %swap3A_2009 = arith.index_cast %select_n3A_1971 : i32 to index
        %swap3A_2010 = arith.constant 32 : index
        %swap3A_2011 = tpu.vector_load %arg11[%swap3A_2009, %swap3A_2010] {strides = array<i32>} : memref<321x128xf32, #tpu.memory_space<vmem>>, vector<1x16xf32>,
        %swap3A_2012 = vector.shape_cast %swap3A_2011 : vector<1x16xf32> to vector<16xf32>
        %swap3A_2013 = vector.shape_cast %min3A_2008 : vector<16xf32> to vector<1x16xf32>
        tpu.vector_store %arg11[%swap3A_2009, %swap3A_2010], %swap3A_2013 {strides = array<i32>} : memref<321x128xf32, #tpu.memory_space<vmem>>, vector<1x16xf32>,
        %get3A_2014 = arith.index_cast %select_n3A_1971 : i32 to index
        %get3A_2015 = arith.constant 48 : index
        %get3A_2016 = tpu.vector_load %arg11[%get3A_2014, %get3A_2015] {strides = array<i32>} : memref<321x128xf32, #tpu.memory_space<vmem>>, vector<1x16xf32>,
        %get3A_2017 = vector.shape_cast %get3A_2016 : vector<1x16xf32> to vector<16xf32>
        %get3A_2018 = arith.index_cast %add3A_1961 : i32 to index
        %get3A_2019 = arith.constant 48 : index
        %get3A_2020 = tpu.vector_load %arg10[%get3A_2018, %get3A_2019] {strides = array<i32>} : memref<128x128xf32, #tpu.memory_space<vmem>>, vector<1x16xf32>,
        %get3A_2021 = vector.shape_cast %get3A_2020 : vector<1x16xf32> to vector<16xf32>
        %min3A_2022 = arith.minimumf %get3A_2017, %get3A_2021 : vector<16xf32>
        %swap3A_2023 = arith.index_cast %select_n3A_1971 : i32 to index
        %swap3A_2024 = arith.constant 48 : index
        %swap3A_2025 = tpu.vector_load %arg11[%swap3A_2023, %swap3A_2024] {strides = array<i32>} : memref<321x128xf32, #tpu.memory_space<vmem>>, vector<1x16xf32>,
        %swap3A_2026 = vector.shape_cast %swap3A_2025 : vector<1x16xf32> to vector<16xf32>
        %swap3A_2027 = vector.shape_cast %min3A_2022 : vector<16xf32> to vector<1x16xf32>
        tpu.vector_store %arg11[%swap3A_2023, %swap3A_2024], %swap3A_2027 {strides = array<i32>} : memref<321x128xf32, #tpu.memory_space<vmem>>, vector<1x16xf32>,
        %get3A_2028 = arith.index_cast %select_n3A_1971 : i32 to index
        %get3A_2029 = arith.constant 64 : index
        %get3A_2030 = tpu.vector_load %arg11[%get3A_2028, %get3A_2029] {strides = array<i32>} : memref<321x128xf32, #tpu.memory_space<vmem>>, vector<1x16xf32>,
        %get3A_2031 = vector.shape_cast %get3A_2030 : vector<1x16xf32> to vector<16xf32>
        %get3A_2032 = arith.index_cast %add3A_1961 : i32 to index
        %get3A_2033 = arith.constant 64 : index
        %get3A_2034 = tpu.vector_load %arg10[%get3A_2032, %get3A_2033] {strides = array<i32>} : memref<128x128xf32, #tpu.memory_space<vmem>>, vector<1x16xf32>,
        %get3A_2035 = vector.shape_cast %get3A_2034 : vector<1x16xf32> to vector<16xf32>
        %min3A_2036 = arith.minimumf %get3A_2031, %get3A_2035 : vector<16xf32>
        %swap3A_2037 = arith.index_cast %select_n3A_1971 : i32 to index
        %swap3A_2038 = arith.constant 64 : index
        %swap3A_2039 = tpu.vector_load %arg11[%swap3A_2037, %swap3A_2038] {strides = array<i32>} : memref<321x128xf32, #tpu.memory_space<vmem>>, vector<1x16xf32>,
        %swap3A_2040 = vector.shape_cast %swap3A_2039 : vector<1x16xf32> to vector<16xf32>
        %swap3A_2041 = vector.shape_cast %min3A_2036 : vector<16xf32> to vector<1x16xf32>
        tpu.vector_store %arg11[%swap3A_2037, %swap3A_2038], %swap3A_2041 {strides = array<i32>} : memref<321x128xf32, #tpu.memory_space<vmem>>, vector<1x16xf32>,
        %get3A_2042 = arith.index_cast %select_n3A_1971 : i32 to index
        %get3A_2043 = arith.constant 80 : index
        %get3A_2044 = tpu.vector_load %arg11[%get3A_2042, %get3A_2043] {strides = array<i32>} : memref<321x128xf32, #tpu.memory_space<vmem>>, vector<1x16xf32>,
        %get3A_2045 = vector.shape_cast %get3A_2044 : vector<1x16xf32> to vector<16xf32>
        %get3A_2046 = arith.index_cast %add3A_1961 : i32 to index
        %get3A_2047 = arith.constant 80 : index
        %get3A_2048 = tpu.vector_load %arg10[%get3A_2046, %get3A_2047] {strides = array<i32>} : memref<128x128xf32, #tpu.memory_space<vmem>>, vector<1x16xf32>,
        %get3A_2049 = vector.shape_cast %get3A_2048 : vector<1x16xf32> to vector<16xf32>
        %min3A_2050 = arith.minimumf %get3A_2045, %get3A_2049 : vector<16xf32>
        %swap3A_2051 = arith.index_cast %select_n3A_1971 : i32 to index
        %swap3A_2052 = arith.constant 80 : index
        %swap3A_2053 = tpu.vector_load %arg11[%swap3A_2051, %swap3A_2052] {strides = array<i32>} : memref<321x128xf32, #tpu.memory_space<vmem>>, vector<1x16xf32>,
        %swap3A_2054 = vector.shape_cast %swap3A_2053 : vector<1x16xf32> to vector<16xf32>
        %swap3A_2055 = vector.shape_cast %min3A_2050 : vector<16xf32> to vector<1x16xf32>
        tpu.vector_store %arg11[%swap3A_2051, %swap3A_2052], %swap3A_2055 {strides = array<i32>} : memref<321x128xf32, #tpu.memory_space<vmem>>, vector<1x16xf32>,
        %get3A_2056 = arith.index_cast %select_n3A_1971 : i32 to index
        %get3A_2057 = arith.constant 96 : index
        %get3A_2058 = tpu.vector_load %arg11[%get3A_2056, %get3A_2057] {strides = array<i32>} : memref<321x128xf32, #tpu.memory_space<vmem>>, vector<1x16xf32>,
        %get3A_2059 = vector.shape_cast %get3A_2058 : vector<1x16xf32> to vector<16xf32>
        %get3A_2060 = arith.index_cast %add3A_1961 : i32 to index
        %get3A_2061 = arith.constant 96 : index
        %get3A_2062 = tpu.vector_load %arg10[%get3A_2060, %get3A_2061] {strides = array<i32>} : memref<128x128xf32, #tpu.memory_space<vmem>>, vector<1x16xf32>,
        %get3A_2063 = vector.shape_cast %get3A_2062 : vector<1x16xf32> to vector<16xf32>
        %min3A_2064 = arith.minimumf %get3A_2059, %get3A_2063 : vector<16xf32>
        %swap3A_2065 = arith.index_cast %select_n3A_1971 : i32 to index
        %swap3A_2066 = arith.constant 96 : index
        %swap3A_2067 = tpu.vector_load %arg11[%swap3A_2065, %swap3A_2066] {strides = array<i32>} : memref<321x128xf32, #tpu.memory_space<vmem>>, vector<1x16xf32>,
        %swap3A_2068 = vector.shape_cast %swap3A_2067 : vector<1x16xf32> to vector<16xf32>
        %swap3A_2069 = vector.shape_cast %min3A_2064 : vector<16xf32> to vector<1x16xf32>
        tpu.vector_store %arg11[%swap3A_2065, %swap3A_2066], %swap3A_2069 {strides = array<i32>} : memref<321x128xf32, #tpu.memory_space<vmem>>, vector<1x16xf32>,
        %get3A_2070 = arith.index_cast %select_n3A_1971 : i32 to index
        %get3A_2071 = arith.constant 112 : index
        %get3A_2072 = tpu.vector_load %arg11[%get3A_2070, %get3A_2071] {strides = array<i32>} : memref<321x128xf32, #tpu.memory_space<vmem>>, vector<1x16xf32>,
        %get3A_2073 = vector.shape_cast %get3A_2072 : vector<1x16xf32> to vector<16xf32>
        %get3A_2074 = arith.index_cast %add3A_1961 : i32 to index
        %get3A_2075 = arith.constant 112 : index
        %get3A_2076 = tpu.vector_load %arg10[%get3A_2074, %get3A_2075] {strides = array<i32>} : memref<128x128xf32, #tpu.memory_space<vmem>>, vector<1x16xf32>,
        %get3A_2077 = vector.shape_cast %get3A_2076 : vector<1x16xf32> to vector<16xf32>
        %min3A_2078 = arith.minimumf %get3A_2073, %get3A_2077 : vector<16xf32>
        %swap3A_2079 = arith.index_cast %select_n3A_1971 : i32 to index
        %swap3A_2080 = arith.constant 112 : index
        %swap3A_2081 = tpu.vector_load %arg11[%swap3A_2079, %swap3A_2080] {strides = array<i32>} : memref<321x128xf32, #tpu.memory_space<vmem>>, vector<1x16xf32>,
        %swap3A_2082 = vector.shape_cast %swap3A_2081 : vector<1x16xf32> to vector<16xf32>
        %swap3A_2083 = vector.shape_cast %min3A_2078 : vector<16xf32> to vector<1x16xf32>
        tpu.vector_store %arg11[%swap3A_2079, %swap3A_2080], %swap3A_2083 {strides = array<i32>} : memref<321x128xf32, #tpu.memory_space<vmem>>, vector<1x16xf32>,
        %scan3A_2084 = arith.constant 0 : i32
        scf.yield %scan3A_2084 : i32
      }
      %scan3A_63 = arith.constant 8 : i32
      %while3A_64 = arith.constant 0 : i32
      scf.yield %while3A_64 : i32
    }
    "tpu.region"() ({
      %run_scoped3A = tpu.sem_alloc : memref<!tpu.dma_semaphore, #tpu.memory_space<semaphore_mem>>
      %dma_start3A = arith.constant 0 : i32
      %dma_start3A_48 = arith.constant 0 : i32
      %dma_start3A_49 = tpu.memref_slice %arg11[%dma_start3A, %dma_start3A_48] : memref<321x128xf32, #tpu.memory_space<vmem>> -> memref<320x128xf32, #tpu.memory_space<vmem>>
      %dma_start3A_50 = arith.constant 0 : i32
      %dma_start3A_51 = tpu.memref_slice %arg6[%mul3A_2, %dma_start3A_50] : memref<10240x128xf32, #tpu.memory_space<hbm>> -> memref<320x128xf32, #tpu.memory_space<hbm>>
      %dma_start3A_52 = arith.constant 0 : i32
      %dma_start3A_53 = tpu.memref_slice %arg6[%mul3A_2, %dma_start3A_52] : memref<10240x128xf32, #tpu.memory_space<hbm>> -> memref<320x128xf32, #tpu.memory_space<hbm>>
      %dma_start3A_54 = arith.constant 0 : i32
      %dma_start3A_55 = arith.constant 0 : i32
      %dma_start3A_56 = tpu.memref_slice %arg11[%dma_start3A_54, %dma_start3A_55] : memref<321x128xf32, #tpu.memory_space<vmem>> -> memref<320x128xf32, #tpu.memory_space<vmem>>
      tpu.enqueue_dma source(%dma_start3A_56 : memref<320x128xf32, #tpu.memory_space<vmem>>) target(%dma_start3A_53 : memref<320x128xf32, #tpu.memory_space<hbm>>) target_semaphore(%run_scoped3A : memref<!tpu.dma_semaphore, #tpu.memory_space<semaphore_mem>>)
      %dma_wait3A = arith.constant 0 : i32
      %dma_wait3A_57 = arith.constant 0 : i32
      %dma_wait3A_58 = tpu.memref_slice %arg11[%dma_wait3A, %dma_wait3A_57] : memref<321x128xf32, #tpu.memory_space<vmem>> -> memref<320x128xf32, #tpu.memory_space<vmem>>
      %dma_wait3A_59 = arith.constant 0 : i32
      %dma_wait3A_60 = tpu.memref_slice %arg6[%mul3A_2, %dma_wait3A_59] : memref<10240x128xf32, #tpu.memory_space<hbm>> -> memref<320x128xf32, #tpu.memory_space<hbm>>
      %dma_wait3A_61 = arith.constant 0 : i32
      %dma_wait3A_62 = tpu.memref_slice %arg6[%mul3A_2, %dma_wait3A_61] : memref<10240x128xf32, #tpu.memory_space<hbm>> -> memref<320x128xf32, #tpu.memory_space<hbm>>
      %dma_wait3A_63 = arith.constant 0 : i32
      %dma_wait3A_64 = arith.constant 0 : i32
      %dma_wait3A_65 = tpu.memref_slice %arg11[%dma_wait3A_63, %dma_wait3A_64] : memref<321x128xf32, #tpu.memory_space<vmem>> -> memref<320x128xf32, #tpu.memory_space<vmem>>
      tpu.wait_dma2 semaphore(%run_scoped3A : memref<!tpu.dma_semaphore, #tpu.memory_space<semaphore_mem>>) src(%dma_wait3A_65 : memref<320x128xf32, #tpu.memory_space<vmem>>) dst(%dma_wait3A_62 : memref<320x128xf32, #tpu.memory_space<hbm>>)
      tpu.yield
    }) : () -> ()
    return
  }
}

</mosaic_0001>

<sc_bundles>
// kernel: kernel.3.cloned.1.call-start
scs
__scs_entry_jumppad:
0x0: {  	(pc) =	sbr.rel $0x88, $3  }
0x1: {  	(tag) =	ssettag $0x0;
	lr =	simm.s32 $0x1  }
0x2: {  	[smem:$0x3F9E] =	sst lr;
	_ =	strace $0xD0000000  }
0x3: {  	_ = 	snop  }
0x4: {  	_ = 	snop  }
0x5: {  	_ = 	snop  }
0x6: {  	_ = 	snop  }
0x7: {  	_ = 	snop  }
__scs_overlays_trampoline_lowered:
0x8: {  	[smem:$0x3FAD] =	sst s0  }
0x9: {  	[smem:$0x3FAE] =	sst s1  }
0xa: {  	[smem:$0x3FAF] =	sst s2  }
0xb: {  	[smem:$0x3FB0] =	sst s3  }
0xc: {  	[smem:$0x3FB1] =	sst s4  }
0xd: {  	[smem:$0x3FB2] =	sst s5  }
0xe: {  	[smem:$0x3FB3] =	sst s6  }
0xf: {  	[smem:$0x3FB4] =	sst s7  }
0x10: {  	[smem:$0x3FB5] =	sst s8  }
0x11: {  	[smem:$0x3FB6] =	sst s9;
	s0 =	simm.s32 @!p0 $0x0  }
0x12: {  	s1 =	sld [smem:$0x3F9C];
	s0 =	simm.s32 @p0 $0x1  }
0x13: {  	[smem:$0x3FB7] =	sst s0;
	s0 =	simm.s32 @!p1 $0x0  }
0x14: {  	s2 =	sld [smem:$0x3F9B];
	s0 =	simm.s32 @p1 $0x1  }
0x15: {  	[smem:$0x3FB8] =	sst s0;
	s0 =	simm.s32 @!p2 $0x0  }
0x16: {  	s3 =	sld [smem:$0x3FDB];
	s0 =	simm.s32 @p2 $0x1  }
0x17: {  	s4 =	simm.s32 $0x1BF5;
	[smem:$0x3FBA] =	sst s0  }
0x18: {  	s0 =	sld [smem:$0x3F9D];
	_ =	swait.ge [sflag:s4], $0x0  }
0x19: {  	s7 =	sld [smem:$0x3F9E]  }
0x1a: {  	s8 =	sadd.s32 $0xFFFFE003, lr  }
0x1b: {  	s9 =	sadd.s32 $0xFFFFFEF7, lr;
	s5 =	simm.s32 $0xFFFFFFFF;
	p2 =	slt.u32 s8, $0xFFFFF086  }
0x1c: {  	p1 =	slt.u32 s9, $0xF7A;
	s5 =	simm.s32 @!p2 $0x0  }
0x1d: {  	s5 =	simm.s32 @p1 $0x1;
	p0 =	seq.s32 s7, s2  }
0x1e: {  	s7 =	smul.u32 @!p0 $0xF7A, s2;
	p2 =	seq.s32 @!p0 s5, $0x0  }
0x1f: {  	s9 =	smul.u32 $0xF7A, s1;
	s8 =	simm.s32 @!p0 $0x1BF5;
	p2 =	por !p2, p0  }
0x20: {  	[sflag:s8] =	ssyncset.s32 @!p0 $0xFFFFF086;
	s6 =	sadd.s32 @!p0 s3, s7;
	s7 =	simm.s32 @!p0 $0x108  }
0x21: {  	s3 =	sadd.s32 s3, s9;
	s6 =	sadd.s32 @!p0 $0x88, s6;
	s7 =	simm.s32 @p2 $0x1082  }
0x22: {  	[simem:s7], [sflag:s8] =	dma.local @!p0 [hbm:s6], $0xF7A  }
0x23: {  	s9 =	sor.u32 $0xD0000000, s2;
	s6 =	simm.s32 $0x108;
	_ =	swait.ge @!p0 [sflag:s8], $0x0  }
0x24: {  	s3 =	sadd.s32 $0x88, s3;
	s6 =	simm.s32 @!p1 $0x1082;
	[sflag:s4] =	ssyncset.s32 $0xFFFFF086  }
0x25: {  	[simem:s6], [sflag:s4] =	dma.local [hbm:s3], $0xF7A  }
0x26: {  	[smem:$0x3F9E] =	sst s1;
	(tag) =	ssettag s2;
	_ =	strace s9  }
0x27: {  	s1 =	sld [smem:$0x3FAE]  }
0x28: {  	s2 =	sld [smem:$0x3FAF]  }
0x29: {  	s4 =	sld [smem:$0x3FB1]  }
0x2a: {  	p0 =	seq.s32 s5, $0x0;
	s5 =	sld [smem:$0x3FB2]  }
0x2b: {  	s6 =	sld [smem:$0x3FB3]  }
0x2c: {  	s7 =	sld [smem:$0x3FB4]  }
0x2d: {  	s3 =	simm.s32 $0x108;
	s8 =	sld [smem:$0x3FB5]  }
0x2e: {  	s3 =	simm.s32 @!p0 $0x1082;
	s9 =	sld [smem:$0x3FB6]  }
0x2f: {  	lr =	sadd.s32 s0, s3;
	s0 =	sld [smem:$0x3FAD]  }
0x30: {  	s3 =	sld [smem:$0x3FB0]  }
0x31: {  	[smem:$0x3FB9] =	sst s10  }
0x32: {  	s10 =	sld [smem:$0x3FB7];
	_ =	sdelay $0x3  }
0x33: {  	p0 =	seq.s32 s10, $0x1;
	s10 =	sld [smem:$0x3FB9];
	_ =	sdelay $0x3  }
0x34: {  	[smem:$0x3FB9] =	sst s10  }
0x35: {  	s10 =	sld [smem:$0x3FB8];
	_ =	sdelay $0x3  }
0x36: {  	p1 =	seq.s32 s10, $0x1;
	s10 =	sld [smem:$0x3FB9];
	_ =	sdelay $0x3  }
0x37: {  	[smem:$0x3FB9] =	sst s10  }
0x38: {  	s10 =	sld [smem:$0x3FBA]  }
0x39: {  	_ = 	snop;
	(pc) =	sbr.ind lr, $3  }
0x3a: {  	_ = 	snop  }
0x3b: {  	_ = 	snop  }
0x3c: {  	p2 =	seq.s32 s10, $0x1;
	s10 =	sld [smem:$0x3FB9]  }
0x3d: {  	_ =	shalt  }
0x3e: {  	_ =	shalt  }
0x3f: {  	_ =	shalt  }
0x40: {  	_ =	shalt  }
0x41: {  	_ =	shalt  }
0x42: {  	_ =	shalt  }
0x43: {  	_ =	shalt  }
0x44: {  	_ =	shalt  }
0x45: {  	_ =	shalt  }
0x46: {  	_ =	shalt  }
0x47: {  	_ =	shalt  }
0x48: {  	_ =	shalt  }
0x49: {  	_ =	shalt  }
0x4a: {  	_ =	shalt  }
0x4b: {  	_ =	shalt  }
0x4c: {  	_ =	shalt  }
0x4d: {  	_ =	shalt  }
0x4e: {  	_ =	shalt  }
0x4f: {  	_ =	shalt  }
0x50: {  	_ =	shalt  }
0x51: {  	_ =	shalt  }
0x52: {  	_ =	shalt  }
0x53: {  	_ =	shalt  }
0x54: {  	_ =	shalt  }
0x55: {  	_ =	shalt  }
0x56: {  	_ =	shalt  }
0x57: {  	_ =	shalt  }
0x58: {  	_ =	shalt  }
0x59: {  	_ =	shalt  }
0x5a: {  	_ =	shalt  }
0x5b: {  	_ =	shalt  }
0x5c: {  	_ =	shalt  }
0x5d: {  	_ =	shalt  }
0x5e: {  	_ =	shalt  }
0x5f: {  	_ =	shalt  }
0x60: {  	_ =	shalt  }
0x61: {  	_ =	shalt  }
0x62: {  	_ =	shalt  }
0x63: {  	_ =	shalt  }
0x64: {  	_ =	shalt  }
0x65: {  	_ =	shalt  }
0x66: {  	_ =	shalt  }
0x67: {  	_ =	shalt  }
0x68: {  	_ =	shalt  }
0x69: {  	_ =	shalt  }
0x6a: {  	_ =	shalt  }
0x6b: {  	_ =	shalt  }
0x6c: {  	_ =	shalt  }
0x6d: {  	_ =	shalt  }
0x6e: {  	_ =	shalt  }
0x6f: {  	_ =	shalt  }
0x70: {  	_ =	shalt  }
0x71: {  	_ =	shalt  }
0x72: {  	_ =	shalt  }
0x73: {  	_ =	shalt  }
0x74: {  	_ =	shalt  }
0x75: {  	_ =	shalt  }
0x76: {  	_ =	shalt  }
0x77: {  	_ =	shalt  }
0x78: {  	_ =	shalt  }
0x79: {  	_ =	shalt  }
0x7a: {  	_ =	shalt  }
0x7b: {  	_ =	shalt  }
0x7c: {  	_ =	shalt  }
0x7d: {  	_ =	shalt  }
0x7e: {  	_ =	shalt  }
0x7f: {  	_ =	shalt  }
0x80: {  	_ =	shalt  }
0x81: {  	_ =	shalt  }
0x82: {  	_ =	shalt  }
0x83: {  	_ =	shalt  }
0x84: {  	_ =	shalt  }
0x85: {  	_ =	shalt  }
0x86: {  	_ =	shalt  }
0x87: {  	_ =	shalt  }
.Lfunc_end0:
.L_simem_size_0:
called_computation_lowered:
.L_overlay_start_0:
0x88: {  	s2 =	sld [smem:$0x3FD9]  }
0x89: {  	s3 =	sld [smem:$0x3FFE];
	_ =	sdelay $0x1  }
0x8a: {  	s1 =	srdreg.scid  }
0x8b: {  	s0 =	sand.u32 $0x1, s1  }
0x8c: {  	s17 =	sshll.u32 s0, $0xA;
	s2 =	sadd.s32 s3, s2  }
0x8d: {  	s2 =	sadd.s32 s2, s17  }
0x8e: {  	[smem:$0x3FC5] =	sst s2  }
0x8f: {  	_ = 	snop  }
0x90: {  	s2 =	sld [smem:$0x3FC9]  }
0x91: {  	s18 =	sld [smem:$0x3FD0];
	(tm) =	ssettm $0x1  }
0x92: {  	s4 =	sld [smem:$0x3FFB];
	_ =	sdelay $0x3  }
0x93: {  	_ =	strace s4  }
0x94: {  	s4 =	sld [smem:$0x3FFC];
	_ =	sdelay $0x3  }
0x95: {  	_ =	strace s4  }
0x96: {  	s4 =	sld [smem:$0x3FFD];
	_ =	sdelay $0x3  }
0x97: {  	_ =	strace s4  }
0x98: {  	_ =	strace $0x8FFFFFFF  }
0x99: {  	s19 =	sld [smem:$0x3FDB];
	_ =	sdelay $0x1  }
0x9a: {  	s5 =	simm.s32 $_scs_section_size  }
0x9b: {  	s6 =	simm.s32 $_size__tile_overlayer_lowered;
	s7 =	simm.s32 $_tile_overlayer_lowered  }
0x9c: {  	s22 =	simm.s32 $0x1BFF;
	s21 =	sshll.u32 s7, $0x1;
	s4 =	sadd.s32 s5, s19  }
0x9d: {  	s8 =	simm.s32 $0x0;
	s20 =	sshll.u32 s6, $0x1;
	s6 =	sadd.s32 s21, s4  }
0x9e: {  	[timem:s8], [sflag:s22] =	dma.local [hbm:s6], s20  }
0x9f: {  	_ =	swait.ge [sflag:s22], s20  }
0xa0: {  	s5 =	ssub.s32 $0x0, s20;
	[sflag:s22] =	ssyncset.done $0x0  }
0xa1: {  	[sflag:s22] =	ssyncadd.s32 s5;
	_ =	sdelay $0x1  }
0xa2: {  	s23 =	simm.s32 $0x1B8B  }
0xa3: {  	_ =	swait.ge [sflag:s23], $0x1  }
0xa4: {  	[sflag:s23] =	ssyncset.done $0x0  }
0xa5: {  	s25 =	simm.s32 $0x1B8E;
	s24 =	sld [smem:$0x3FFE];
	[sflag:s23] =	ssyncadd.s32 $0xFFFFFFFF  }
0xa6: {  	s26 =	simm.s32 $execute0_lowered;
	[smem:$0x3FD2] =	sst s25  }
0xa7: {  	s6 =	sshll.u32 s26, $0x1;
	_ =	strace $0x80000046;
	[dreg:$0x1] =	wrdreg $0xFFFFFFFF  }
0xa8: {  	s28 =	simm.s32 $_size_execute0_lowered;
	s4 =	sadd.s32 s4, s6;
	[dreg:$0x0] =	wrdreg $0x0  }
0xa9: {  	s6 =	sshll.u32 s28, $0x1;
	[dreg:$0x2] =	wrdreg s4  }
0xaa: {  	[dreg:$0x3] =	wrdreg s6  }
0xab: {  	[dreg:$0x4] =	wrdreg $0xC0  }
0xac: {  	_ =	task [dreg:s8], $0x5FFFF  }
0xad: {  	[dreg:$0x1] =	wrdreg $0xFFFFFFFF  }
0xae: {  	[dreg:$0x0] =	wrdreg $0x60  }
0xaf: {  	[dreg:$0x2] =	wrdreg s2  }
0xb0: {  	[dreg:$0x3] =	wrdreg s18  }
0xb1: {  	[dreg:$0x4] =	wrdreg s24  }
0xb2: {  	[dreg:$0x5] =	wrdreg $0x9  }
0xb3: {  	_ =	task.clear_ibuf [dreg:s8], $0x6FFFF;
	_ =	strace $0x90000046  }
0xb4: {  	s29 =	simm.s32 $0x9;
	_ =	strace $0x80000048  }
0xb5: {  	_ =	swait.ge [sflag:s29], $0x1  }
0xb6: {  	[sflag:s29] =	ssyncadd.s32 $0xFFFFFFFF  }
0xb7: {  	_ =	strace $0x90000048  }
0xb8: {  	_ =	sfence  }
0xb9: {  	s30 =	sld [smem:$0x0];
	_ =	sdelay $0x2  }
0xba: {  	s31 =	sshll.u32 s1, $0xD;
	s1 =	sshrl.u32 s1, $0x2  }
0xbb: {  	s3 =	sand.u32 $0x4000, s31;
	s1 =	sadd.s32 s1, s30  }
0xbc: {  	s0 =	sor.u32 s3, s0;
	s1 =	sshll.u32 s1, $0x11  }
0xbd: {  	s0 =	sor.u32 s1, s0  }
0xbe: {  	s0 =	sadd.s32 $0x8F2B, s0  }
0xbf: {  	[sflag:s0] =	ssyncadd.remote.s32 $0x1  }
0xc0: {  	_ =	sfence.sel $0xFFFF  }
0xc1: {  	[dreg:$0x0] =	wrdreg $0xFFFFFFFF;
	(pc) =	sbr.abs _section_cstart, $3  }
0xc2: {  	[dreg:$0x1] =	wrdreg $0xFFFFFFFF  }
0xc3: {  	_ =	task.clear_ibuf [dreg:s8], $0x2FFFF;
	_ =	strace $0x9FFFFFFF  }
0xc4: {  	(tm) =	ssettm $0x7FFFFFFF  }
0xc5: {  	_ =	shalt  }
tec
execute0_lowered:
.L_overlay_start_1:
0x0: {  	(tag) =	ssettag $0x1  }
0x1: {  	s1 =	rddreg [dreg:$0x0]  }
0x2: {  	s3 =	rddreg [dreg:$0x1]  }
0x3: {  	s8 =	rddreg [dreg:$0x2]  }
0x4: {  	s0 =	rddreg [dreg:$0x3]  }
0x5: {  	s5 =	srdreg.scid;
	s2 =	stileid.u32  }
0x6: {  	s4 =	simm.s32 $0x0;
	s12 =	simm.s32 $0x80;
	s13 =	simm.s32 $0x100  }
0x7: {  	s14 =	simm.s32 $0x180;
	s16 =	simm.s32 $0x0;
	s6 =	sand.u32 $0x1, s5  }
0x8: {  	s30 =	sshll.u32 s2, $0x1;
	[smem:$0x7FF] =	sst s4;
	s7 =	sadd.s32 $0x800, s8  }
.Ltmp0:
0x9: {  	s5 =	sor.u32 s6, s30;
	s10 =	ssub.s32 $0x2, s6;
	(pc) =	sbr.rel .LBB2_1-.Ltmp0, $4  }
0xa: {  	_ =	strace $0x80000047;
	s9 =	smul.u32 $0x1400, s5;
	s11 =	sshrl.u32 s10, $0x1  }
0xb: {  	s6 =	sadd.s32 $0xA00, s8;
	s15 =	smul.u32 $0x140, s5;
	s31 =	ssub.s32 s10, s11  }
0xc: {  	s10 =	simm.s32 $0x2;
	s11 =	simm.s32 $0x1;
	s8 =	sadd.s32 s9, s8  }
0xd: {  	v0 =	vimm.f32 $+Inf;
	s9 =	smax.u32 s31, $0x1;
	v1 =	vmov s15;
	s15 =	simm.s32 $0x4180;
	s8 =	sadd.s32 $0x5A00, s8  }
.LBB2_7:
0xe: {  	s16 =	sadd.s32 $0x1, s16  }
0xf: {  	p0 =	sne.s32 s16, s9  }
.Ltmp1:
0x10: {  	_ = 	snop;
	(pc) =	sbr.rel @!p0 .LBB2_8-.Ltmp1, $4  }
0x11: {  	[hbm4b:s8+s4] =	stream.linear.scatter [tilespmem:s15], [sflag:$0x2], $0xA000, $0x38;
	[tilespmem:$0xE580] =	vst v63  }
0x12: {  	_ =	swait.ge [sflag:s10], $0xA000  }
0x13: {  	[sflag:s10] =	ssyncset.done $0x0  }
0x14: {  	[sflag:s10] =	ssyncadd.s32 $0xFFFF6000  }
.LBB2_1:
0x15: {  	[tilespmem:s4], [sflag:$0x2] =	stream.linear.gather [hbm4b:s7+s4], $0x80, $0x38;
	[tilespmem:$0xE580] =	vst v63  }
0x16: {  	_ =	swait.ge [sflag:s10], $0x80  }
0x17: {  	[sflag:s10] =	ssyncset.done $0x0  }
0x18: {  	[sflag:s10] =	ssyncadd.s32 $0xFFFFFF80  }
0x19: {  	s17 =	simm.s32 $0x0;
	s18 =	simm.s32 $0x200;
	v2 =	vld [tilespmem:s5+$0x0]  }
.LBB2_2:
0x1a: {  	p0 =	seq.s32 s18, $0x28000;
	[tilespmem:s17+$0x41F0] =	vst v0  }
0x1b: {  	[tilespmem:s17+$0x4180] =	vst v0  }
0x1c: {  	[tilespmem:s17+$0x4190] =	vst v0  }
.Ltmp2:
0x1d: {  	[tilespmem:s17+$0x41A0] =	vst v0;
	(pc) =	sbr.rel @!p0 .LBB2_2-.Ltmp2, $4  }
0x1e: {  	[tilespmem:s17+$0x41B0] =	vst v0  }
0x1f: {  	[tilespmem:s17+$0x41C0] =	vst v0  }
0x20: {  	[tilespmem:s17+$0x41D0] =	vst v0  }
0x21: {  	[tilespmem:s17+$0x41E0] =	vst v0;
	s17 =	sshra.s32 s18, $0x2;
	s18 =	sadd.s32 $0x200, s18  }
0x22: {  	(v2sf) =	vpush v2, $0x0  }
0x23: {  	(v2sf) =	vpush v2, $0x1;
	_ =	sdelay $0x6  }
0x24: {  	[tilespmem:s17+$0x41F0] =	vst v0  }
0x25: {  	[tilespmem:s17+$0x4180] =	vst v0  }
0x26: {  	[tilespmem:s17+$0x4190] =	vst v0  }
0x27: {  	[tilespmem:s17+$0x41A0] =	vst v0  }
0x28: {  	[tilespmem:s17+$0x41B0] =	vst v0  }
0x29: {  	[tilespmem:s17+$0x41C0] =	vst v0  }
0x2a: {  	[tilespmem:s17+$0x41D0] =	vst v0  }
0x2b: {  	[tilespmem:s17+$0x41E0] =	vst v0;
	s17 =	spop (v2sf)  }
0x2c: {  	s18 =	spop (v2sf);
	s19 =	sand.u32 $0xFFFFFFF8, s17  }
0x2d: {  	s18 =	ssub.s32 s18, s19  }
0x2e: {  	s18 =	sadd.s32 $0x7F, s18  }
0x2f: {  	s30 =	sand.u32 $0x7F, s18  }
0x30: {  	s20 =	sshra.s32 s18, $0x1F;
	p0 =	slt.s32 s18, $0x1;
	p1 =	sne.s32 s30, $0x0  }
0x31: {  	s31 =	sshrl.u32 s20, $0x19;
	p0 =	por !p0, !p1  }
0x32: {  	s19 =	simm.s32 $0x1;
	s18 =	sadd.s32 s31, s18;
	p0 =	por !p0, !p0  }
0x33: {  	s18 =	sshra.s32 s18, $0x7;
	s19 =	simm.s32 @!p0 $0x0  }
0x34: {  	s18 =	ssub.s32 s18, s19  }
0x35: {  	p0 =	sgt.s32 s18, $0x0  }
.Ltmp3:
0x36: {  	_ = 	snop;
	(pc) =	sbr.rel @!p0 .LBB2_7-.Ltmp3, $2  }
0x37: {  	_ =	sdelay $0x2  }
0x38: {  	s20 =	simm.s32 $0x0;
	s19 =	simm.s32 $0x0  }
.LBB2_4:
0x39: {  	s21 =	sshll.u32 s20, $0x7  }
0x3a: {  	s21 =	sadd.s32 s17, s21  }
0x3b: {  	s21 =	sshrl.u32 s21, $0x3  }
0x3c: {  	s22 =	sadd.s32 s3, s21  }
0x3d: {  	[tilespmem:s12], [sflag:$0x2] =	stream.linear.gather [hbm4b:s22+s19], $0x80, $0x38;
	[tilespmem:$0xE580] =	vst v63  }
0x3e: {  	_ =	swait.ge [sflag:s10], $0x80  }
0x3f: {  	[sflag:s10] =	ssyncset.done $0x0  }
0x40: {  	s21 =	sadd.s32 s6, s21;
	[sflag:s10] =	ssyncadd.s32 $0xFFFFFF80  }
0x41: {  	[tilespmem:s13], [sflag:$0x2] =	stream.linear.gather [hbm4b:s21+s19], $0x80, $0x38;
	[tilespmem:$0xE580] =	vst v63  }
0x42: {  	_ =	swait.ge [sflag:s10], $0x80  }
0x43: {  	[sflag:s10] =	ssyncset.done $0x0  }
0x44: {  	[sflag:s10] =	ssyncadd.s32 $0xFFFFFF80  }
0x45: {  	[tilespmem:s14], [sflag:$0x1] =	stream.indirect.gather [hbm4b:s1+s12], $0x80, s12, s12, $0xb8;
	[tilespmem:$0xE580] =	vst v63  }
0x46: {  	_ =	swait.ge [sflag:s11], $0x4000  }
0x47: {  	[sflag:s11] =	ssyncset.done $0x0  }
0x48: {  	s22 =	simm.s32 $0x0;
	s21 =	simm.s32 $0x580;
	[sflag:s11] =	ssyncadd.s32 $0xFFFFC000  }
.LBB2_5:
0x49: {  	s23 =	sshra.s32 s22, $0x2  }
0x4a: {  	v2 =	vld [tilespmem:s23+$0x100];
	_ =	sdelay $0x4  }
0x4b: {  	v2 =	vsub.s32 v2, v1  }
0x4c: {  	(v2sf) =	vpush v2, $0x0;
	_ =	sdelay $0xe  }
0x4d: {  	s25 =	spop (v2sf)  }
0x4e: {  	s23 =	smin.u32 s25, $0x140  }
0x4f: {  	v4 =	vld [tilespmem:s21+$0xFFFFFC00];
	s23 =	sshll.u32 s23, $0x7  }
0x50: {  	v3 =	vld [tilespmem:s23+$0x4180];
	_ =	sdelay $0x4  }
0x51: {  	v3 =	vmin.f32 v3, v4  }
0x52: {  	[tilespmem:s23+$0x4180] =	vst v3;
	v3 =	vld [tilespmem:s23+$0x4190]  }
0x53: {  	v59 =	vld [tilespmem:s21+$0xFFFFFC10];
	_ =	sdelay $0x4  }
0x54: {  	v3 =	vmin.f32 v3, v59  }
0x55: {  	[tilespmem:s23+$0x4190] =	vst v3;
	v3 =	vld [tilespmem:s23+$0x41A0]  }
0x56: {  	v60 =	vld [tilespmem:s21+$0xFFFFFC20];
	_ =	sdelay $0x4  }
0x57: {  	v3 =	vmin.f32 v3, v60  }
0x58: {  	[tilespmem:s23+$0x41A0] =	vst v3;
	v3 =	vld [tilespmem:s23+$0x41B0]  }
0x59: {  	v61 =	vld [tilespmem:s21+$0xFFFFFC30];
	_ =	sdelay $0x4  }
0x5a: {  	v3 =	vmin.f32 v3, v61  }
0x5b: {  	[tilespmem:s23+$0x41B0] =	vst v3;
	v3 =	vld [tilespmem:s23+$0x41C0]  }
0x5c: {  	v62 =	vld [tilespmem:s21+$0xFFFFFC40];
	_ =	sdelay $0x4  }
0x5d: {  	v3 =	vmin.f32 v3, v62  }
0x5e: {  	[tilespmem:s23+$0x41C0] =	vst v3;
	v3 =	vld [tilespmem:s23+$0x41D0]  }
0x5f: {  	v63 =	vld [tilespmem:s21+$0xFFFFFC50];
	_ =	sdelay $0x2  }
0x60: {  	(v2sf) =	vpush v2, $0x1;
	_ =	sdelay $0x1  }
0x61: {  	v3 =	vmin.f32 v3, v63  }
0x62: {  	[tilespmem:s23+$0x41D0] =	vst v3;
	v3 =	vld [tilespmem:s23+$0x41E0]  }
0x63: {  	v8 =	vld [tilespmem:s21+$0xFFFFFC60];
	_ =	sdelay $0x4  }
0x64: {  	v3 =	vmin.f32 v3, v8  }
0x65: {  	[tilespmem:s23+$0x41E0] =	vst v3;
	v3 =	vld [tilespmem:s23+$0x41F0]  }
0x66: {  	v9 =	vld [tilespmem:s21+$0xFFFFFC70];
	_ =	sdelay $0x3  }
0x67: {  	s24 =	spop (v2sf)  }
0x68: {  	s24 =	smin.u32 s24, $0x140;
	v3 =	vmin.f32 v3, v9  }
0x69: {  	s26 =	sshll.u32 s24, $0x7;
	[tilespmem:s23+$0x41F0] =	vst v3  }
0x6a: {  	v3 =	vld [tilespmem:s26+$0x4180]  }
0x6b: {  	v10 =	vld [tilespmem:s21+$0xFFFFFC80];
	_ =	sdelay $0x4  }
0x6c: {  	v3 =	vmin.f32 v3, v10  }
0x6d: {  	[tilespmem:s26+$0x4180] =	vst v3;
	v3 =	vld [tilespmem:s26+$0x4190]  }
0x6e: {  	v11 =	vld [tilespmem:s21+$0xFFFFFC90];
	_ =	sdelay $0x4  }
0x6f: {  	v3 =	vmin.f32 v3, v11  }
0x70: {  	[tilespmem:s26+$0x4190] =	vst v3;
	v3 =	vld [tilespmem:s26+$0x41A0]  }
0x71: {  	v12 =	vld [tilespmem:s21+$0xFFFFFCA0];
	_ =	sdelay $0x4  }
0x72: {  	v3 =	vmin.f32 v3, v12  }
0x73: {  	[tilespmem:s26+$0x41A0] =	vst v3;
	v3 =	vld [tilespmem:s26+$0x41B0]  }
0x74: {  	v13 =	vld [tilespmem:s21+$0xFFFFFCB0];
	_ =	sdelay $0x4  }
0x75: {  	v3 =	vmin.f32 v3, v13  }
0x76: {  	[tilespmem:s26+$0x41B0] =	vst v3;
	v3 =	vld [tilespmem:s26+$0x41C0]  }
0x77: {  	v14 =	vld [tilespmem:s21+$0xFFFFFCC0];
	_ =	sdelay $0x4  }
0x78: {  	v3 =	vmin.f32 v3, v14  }
0x79: {  	[tilespmem:s26+$0x41C0] =	vst v3;
	v3 =	vld [tilespmem:s26+$0x41D0]  }
0x7a: {  	v15 =	vld [tilespmem:s21+$0xFFFFFCD0];
	_ =	sdelay $0x2  }
0x7b: {  	(v2sf) =	vpush v2, $0x2;
	_ =	sdelay $0x1  }
0x7c: {  	v3 =	vmin.f32 v3, v15  }
0x7d: {  	[tilespmem:s26+$0x41D0] =	vst v3;
	v3 =	vld [tilespmem:s26+$0x41E0]  }
0x7e: {  	v16 =	vld [tilespmem:s21+$0xFFFFFCE0];
	_ =	sdelay $0x4  }
0x7f: {  	v3 =	vmin.f32 v3, v16  }
0x80: {  	[tilespmem:s26+$0x41E0] =	vst v3;
	v3 =	vld [tilespmem:s26+$0x41F0]  }
0x81: {  	v17 =	vld [tilespmem:s21+$0xFFFFFCF0];
	_ =	sdelay $0x3  }
0x82: {  	s28 =	spop (v2sf)  }
0x83: {  	s24 =	smin.u32 s28, $0x140;
	v3 =	vmin.f32 v3, v17  }
0x84: {  	s29 =	sshll.u32 s24, $0x7;
	[tilespmem:s26+$0x41F0] =	vst v3  }
0x85: {  	v3 =	vld [tilespmem:s29+$0x4180]  }
0x86: {  	v18 =	vld [tilespmem:s21+$0xFFFFFD00];
	_ =	sdelay $0x4  }
0x87: {  	v3 =	vmin.f32 v3, v18  }
0x88: {  	[tilespmem:s29+$0x4180] =	vst v3;
	v3 =	vld [tilespmem:s29+$0x4190]  }
0x89: {  	v19 =	vld [tilespmem:s21+$0xFFFFFD10];
	_ =	sdelay $0x4  }
0x8a: {  	v3 =	vmin.f32 v3, v19  }
0x8b: {  	[tilespmem:s29+$0x4190] =	vst v3;
	v3 =	vld [tilespmem:s29+$0x41A0]  }
0x8c: {  	v20 =	vld [tilespmem:s21+$0xFFFFFD20];
	_ =	sdelay $0x4  }
0x8d: {  	v3 =	vmin.f32 v3, v20  }
0x8e: {  	[tilespmem:s29+$0x41A0] =	vst v3;
	v3 =	vld [tilespmem:s29+$0x41B0]  }
0x8f: {  	v21 =	vld [tilespmem:s21+$0xFFFFFD30];
	_ =	sdelay $0x4  }
0x90: {  	v3 =	vmin.f32 v3, v21  }
0x91: {  	[tilespmem:s29+$0x41B0] =	vst v3;
	v3 =	vld [tilespmem:s29+$0x41C0]  }
0x92: {  	v22 =	vld [tilespmem:s21+$0xFFFFFD40];
	_ =	sdelay $0x4  }
0x93: {  	v3 =	vmin.f32 v3, v22  }
0x94: {  	[tilespmem:s29+$0x41C0] =	vst v3;
	v3 =	vld [tilespmem:s29+$0x41D0]  }
0x95: {  	v23 =	vld [tilespmem:s21+$0xFFFFFD50];
	_ =	sdelay $0x2  }
0x96: {  	(v2sf) =	vpush v2, $0x3;
	_ =	sdelay $0x1  }
0x97: {  	v3 =	vmin.f32 v3, v23  }
0x98: {  	[tilespmem:s29+$0x41D0] =	vst v3;
	v3 =	vld [tilespmem:s29+$0x41E0]  }
0x99: {  	v24 =	vld [tilespmem:s21+$0xFFFFFD60];
	_ =	sdelay $0x4  }
0x9a: {  	v3 =	vmin.f32 v3, v24  }
0x9b: {  	[tilespmem:s29+$0x41E0] =	vst v3;
	v3 =	vld [tilespmem:s29+$0x41F0]  }
0x9c: {  	v25 =	vld [tilespmem:s21+$0xFFFFFD70];
	_ =	sdelay $0x3  }
0x9d: {  	s30 =	spop (v2sf)  }
0x9e: {  	s24 =	smin.u32 s30, $0x140;
	v3 =	vmin.f32 v3, v25  }
0x9f: {  	s31 =	sshll.u32 s24, $0x7;
	[tilespmem:s29+$0x41F0] =	vst v3  }
0xa0: {  	v3 =	vld [tilespmem:s31+$0x4180]  }
0xa1: {  	v26 =	vld [tilespmem:s21+$0xFFFFFD80];
	_ =	sdelay $0x4  }
0xa2: {  	v3 =	vmin.f32 v3, v26  }
0xa3: {  	[tilespmem:s31+$0x4180] =	vst v3;
	v3 =	vld [tilespmem:s31+$0x4190]  }
0xa4: {  	v27 =	vld [tilespmem:s21+$0xFFFFFD90];
	_ =	sdelay $0x4  }
0xa5: {  	v3 =	vmin.f32 v3, v27  }
0xa6: {  	[tilespmem:s31+$0x4190] =	vst v3;
	v3 =	vld [tilespmem:s31+$0x41A0]  }
0xa7: {  	v28 =	vld [tilespmem:s21+$0xFFFFFDA0];
	_ =	sdelay $0x4  }
0xa8: {  	v3 =	vmin.f32 v3, v28  }
0xa9: {  	[tilespmem:s31+$0x41A0] =	vst v3;
	v3 =	vld [tilespmem:s31+$0x41B0]  }
0xaa: {  	v29 =	vld [tilespmem:s21+$0xFFFFFDB0];
	_ =	sdelay $0x4  }
0xab: {  	v3 =	vmin.f32 v3, v29  }
0xac: {  	[tilespmem:s31+$0x41B0] =	vst v3;
	v3 =	vld [tilespmem:s31+$0x41C0]  }
0xad: {  	v30 =	vld [tilespmem:s21+$0xFFFFFDC0];
	_ =	sdelay $0x4  }
0xae: {  	v3 =	vmin.f32 v3, v30  }
0xaf: {  	[tilespmem:s31+$0x41C0] =	vst v3;
	v3 =	vld [tilespmem:s31+$0x41D0]  }
0xb0: {  	v31 =	vld [tilespmem:s21+$0xFFFFFDD0];
	_ =	sdelay $0x2  }
0xb1: {  	(v2sf) =	vpush v2, $0x4;
	_ =	sdelay $0x1  }
0xb2: {  	v3 =	vmin.f32 v3, v31  }
0xb3: {  	[tilespmem:s31+$0x41D0] =	vst v3;
	v3 =	vld [tilespmem:s31+$0x41E0]  }
0xb4: {  	v32 =	vld [tilespmem:s21+$0xFFFFFDE0];
	_ =	sdelay $0x4  }
0xb5: {  	v3 =	vmin.f32 v3, v32  }
0xb6: {  	[tilespmem:s31+$0x41E0] =	vst v3;
	v3 =	vld [tilespmem:s31+$0x41F0]  }
0xb7: {  	v33 =	vld [tilespmem:s21+$0xFFFFFDF0];
	_ =	sdelay $0x3  }
0xb8: {  	s25 =	spop (v2sf)  }
0xb9: {  	s24 =	smin.u32 s25, $0x140;
	v3 =	vmin.f32 v3, v33  }
0xba: {  	s26 =	sshll.u32 s24, $0x7;
	[tilespmem:s31+$0x41F0] =	vst v3  }
0xbb: {  	v3 =	vld [tilespmem:s26+$0x4180]  }
0xbc: {  	v34 =	vld [tilespmem:s21+$0xFFFFFE00];
	_ =	sdelay $0x4  }
0xbd: {  	v3 =	vmin.f32 v3, v34  }
0xbe: {  	[tilespmem:s26+$0x4180] =	vst v3;
	v3 =	vld [tilespmem:s26+$0x4190]  }
0xbf: {  	v35 =	vld [tilespmem:s21+$0xFFFFFE10];
	_ =	sdelay $0x4  }
0xc0: {  	v3 =	vmin.f32 v3, v35  }
0xc1: {  	[tilespmem:s26+$0x4190] =	vst v3;
	v3 =	vld [tilespmem:s26+$0x41A0]  }
0xc2: {  	v36 =	vld [tilespmem:s21+$0xFFFFFE20];
	_ =	sdelay $0x4  }
0xc3: {  	v3 =	vmin.f32 v3, v36  }
0xc4: {  	[tilespmem:s26+$0x41A0] =	vst v3;
	v3 =	vld [tilespmem:s26+$0x41B0]  }
0xc5: {  	v37 =	vld [tilespmem:s21+$0xFFFFFE30];
	_ =	sdelay $0x4  }
0xc6: {  	v3 =	vmin.f32 v3, v37  }
0xc7: {  	[tilespmem:s26+$0x41B0] =	vst v3;
	v3 =	vld [tilespmem:s26+$0x41C0]  }
0xc8: {  	v38 =	vld [tilespmem:s21+$0xFFFFFE40];
	_ =	sdelay $0x4  }
0xc9: {  	v3 =	vmin.f32 v3, v38  }
0xca: {  	[tilespmem:s26+$0x41C0] =	vst v3;
	v3 =	vld [tilespmem:s26+$0x41D0]  }
0xcb: {  	v39 =	vld [tilespmem:s21+$0xFFFFFE50];
	_ =	sdelay $0x2  }
0xcc: {  	(v2sf) =	vpush v2, $0x5;
	_ =	sdelay $0x1  }
0xcd: {  	v3 =	vmin.f32 v3, v39  }
0xce: {  	[tilespmem:s26+$0x41D0] =	vst v3;
	v3 =	vld [tilespmem:s26+$0x41E0]  }
0xcf: {  	v40 =	vld [tilespmem:s21+$0xFFFFFE60];
	_ =	sdelay $0x4  }
0xd0: {  	v3 =	vmin.f32 v3, v40  }
0xd1: {  	[tilespmem:s26+$0x41E0] =	vst v3;
	v3 =	vld [tilespmem:s26+$0x41F0]  }
0xd2: {  	v41 =	vld [tilespmem:s21+$0xFFFFFE70];
	_ =	sdelay $0x3  }
0xd3: {  	s28 =	spop (v2sf)  }
0xd4: {  	s24 =	smin.u32 s28, $0x140;
	v3 =	vmin.f32 v3, v41  }
0xd5: {  	s29 =	sshll.u32 s24, $0x7;
	[tilespmem:s26+$0x41F0] =	vst v3  }
0xd6: {  	v3 =	vld [tilespmem:s29+$0x4180]  }
0xd7: {  	v42 =	vld [tilespmem:s21+$0xFFFFFE80];
	_ =	sdelay $0x4  }
0xd8: {  	v3 =	vmin.f32 v3, v42  }
0xd9: {  	[tilespmem:s29+$0x4180] =	vst v3;
	v3 =	vld [tilespmem:s29+$0x4190]  }
0xda: {  	v43 =	vld [tilespmem:s21+$0xFFFFFE90];
	_ =	sdelay $0x4  }
0xdb: {  	v3 =	vmin.f32 v3, v43  }
0xdc: {  	[tilespmem:s29+$0x4190] =	vst v3;
	v3 =	vld [tilespmem:s29+$0x41A0]  }
0xdd: {  	v44 =	vld [tilespmem:s21+$0xFFFFFEA0];
	_ =	sdelay $0x4  }
0xde: {  	v3 =	vmin.f32 v3, v44  }
0xdf: {  	[tilespmem:s29+$0x41A0] =	vst v3;
	v3 =	vld [tilespmem:s29+$0x41B0]  }
0xe0: {  	v45 =	vld [tilespmem:s21+$0xFFFFFEB0];
	_ =	sdelay $0x4  }
0xe1: {  	v3 =	vmin.f32 v3, v45  }
0xe2: {  	[tilespmem:s29+$0x41B0] =	vst v3;
	v3 =	vld [tilespmem:s29+$0x41C0]  }
0xe3: {  	v46 =	vld [tilespmem:s21+$0xFFFFFEC0];
	_ =	sdelay $0x4  }
0xe4: {  	v3 =	vmin.f32 v3, v46  }
0xe5: {  	[tilespmem:s29+$0x41C0] =	vst v3;
	v3 =	vld [tilespmem:s29+$0x41D0]  }
0xe6: {  	v47 =	vld [tilespmem:s21+$0xFFFFFED0];
	_ =	sdelay $0x2  }
0xe7: {  	(v2sf) =	vpush v2, $0x6;
	_ =	sdelay $0x1  }
0xe8: {  	v3 =	vmin.f32 v3, v47  }
0xe9: {  	[tilespmem:s29+$0x41D0] =	vst v3;
	v3 =	vld [tilespmem:s29+$0x41E0]  }
0xea: {  	v48 =	vld [tilespmem:s21+$0xFFFFFEE0];
	_ =	sdelay $0x4  }
0xeb: {  	v3 =	vmin.f32 v3, v48  }
0xec: {  	[tilespmem:s29+$0x41E0] =	vst v3;
	v3 =	vld [tilespmem:s29+$0x41F0]  }
0xed: {  	v49 =	vld [tilespmem:s21+$0xFFFFFEF0];
	_ =	sdelay $0x3  }
0xee: {  	s30 =	spop (v2sf)  }
0xef: {  	s24 =	smin.u32 s30, $0x140;
	v3 =	vmin.f32 v3, v49  }
0xf0: {  	s31 =	sshll.u32 s24, $0x7;
	[tilespmem:s29+$0x41F0] =	vst v3  }
0xf1: {  	v3 =	vld [tilespmem:s31+$0x4180]  }
0xf2: {  	v50 =	vld [tilespmem:s21+$0xFFFFFF00];
	_ =	sdelay $0x4  }
0xf3: {  	v3 =	vmin.f32 v3, v50  }
0xf4: {  	[tilespmem:s31+$0x4180] =	vst v3;
	v3 =	vld [tilespmem:s31+$0x4190]  }
0xf5: {  	v51 =	vld [tilespmem:s21+$0xFFFFFF10];
	_ =	sdelay $0x4  }
0xf6: {  	v3 =	vmin.f32 v3, v51  }
0xf7: {  	[tilespmem:s31+$0x4190] =	vst v3;
	v3 =	vld [tilespmem:s31+$0x41A0]  }
0xf8: {  	v52 =	vld [tilespmem:s21+$0xFFFFFF20];
	_ =	sdelay $0x4  }
0xf9: {  	v3 =	vmin.f32 v3, v52  }
0xfa: {  	[tilespmem:s31+$0x41A0] =	vst v3;
	v3 =	vld [tilespmem:s31+$0x41B0]  }
0xfb: {  	v53 =	vld [tilespmem:s21+$0xFFFFFF30];
	_ =	sdelay $0x4  }
0xfc: {  	v3 =	vmin.f32 v3, v53  }
0xfd: {  	[tilespmem:s31+$0x41B0] =	vst v3;
	v3 =	vld [tilespmem:s31+$0x41C0]  }
0xfe: {  	v54 =	vld [tilespmem:s21+$0xFFFFFF40];
	_ =	sdelay $0x4  }
0xff: {  	v3 =	vmin.f32 v3, v54  }
0x100: {  	[tilespmem:s31+$0x41C0] =	vst v3;
	v3 =	vld [tilespmem:s31+$0x41D0]  }
0x101: {  	v55 =	vld [tilespmem:s21+$0xFFFFFF50];
	_ =	sdelay $0x2  }
0x102: {  	(v2sf) =	vpush v2, $0x7;
	_ =	sdelay $0x1  }
0x103: {  	v3 =	vmin.f32 v3, v55  }
0x104: {  	[tilespmem:s31+$0x41D0] =	vst v3;
	v3 =	vld [tilespmem:s31+$0x41E0]  }
0x105: {  	v56 =	vld [tilespmem:s21+$0xFFFFFF60];
	_ =	sdelay $0x4  }
0x106: {  	v3 =	vmin.f32 v3, v56  }
0x107: {  	[tilespmem:s31+$0x41E0] =	vst v3;
	v3 =	vld [tilespmem:s31+$0x41F0]  }
0x108: {  	v57 =	vld [tilespmem:s21+$0xFFFFFF70];
	_ =	sdelay $0x3  }
0x109: {  	s25 =	spop (v2sf)  }
0x10a: {  	s24 =	smin.u32 s25, $0x140;
	v3 =	vmin.f32 v3, v57  }
0x10b: {  	s26 =	sshll.u32 s24, $0x7;
	[tilespmem:s31+$0x41F0] =	vst v3  }
0x10c: {  	v3 =	vld [tilespmem:s26+$0x4180]  }
0x10d: {  	v58 =	vld [tilespmem:s21+$0xFFFFFF80];
	_ =	sdelay $0x4  }
0x10e: {  	v3 =	vmin.f32 v3, v58  }
0x10f: {  	[tilespmem:s26+$0x4180] =	vst v3;
	v3 =	vld [tilespmem:s26+$0x4190]  }
0x110: {  	v59 =	vld [tilespmem:s21+$0xFFFFFF90];
	_ =	sdelay $0x4  }
0x111: {  	v3 =	vmin.f32 v3, v59  }
0x112: {  	[tilespmem:s26+$0x4190] =	vst v3;
	v3 =	vld [tilespmem:s26+$0x41A0]  }
0x113: {  	v60 =	vld [tilespmem:s21+$0xFFFFFFA0];
	_ =	sdelay $0x4  }
0x114: {  	v3 =	vmin.f32 v3, v60  }
0x115: {  	[tilespmem:s26+$0x41A0] =	vst v3;
	v3 =	vld [tilespmem:s26+$0x41B0]  }
0x116: {  	v61 =	vld [tilespmem:s21+$0xFFFFFFB0];
	_ =	sdelay $0x4  }
0x117: {  	v3 =	vmin.f32 v3, v61  }
0x118: {  	[tilespmem:s26+$0x41B0] =	vst v3;
	v3 =	vld [tilespmem:s26+$0x41C0]  }
0x119: {  	v62 =	vld [tilespmem:s21+$0xFFFFFFC0];
	_ =	sdelay $0x4  }
0x11a: {  	v3 =	vmin.f32 v3, v62  }
0x11b: {  	[tilespmem:s26+$0x41C0] =	vst v3;
	v3 =	vld [tilespmem:s26+$0x41D0]  }
0x11c: {  	v63 =	vld [tilespmem:s21+$0xFFFFFFD0];
	_ =	sdelay $0x2  }
0x11d: {  	(v2sf) =	vpush v2, $0x8;
	_ =	sdelay $0x1  }
0x11e: {  	v3 =	vmin.f32 v3, v63  }
0x11f: {  	[tilespmem:s26+$0x41D0] =	vst v3;
	v3 =	vld [tilespmem:s26+$0x41E0]  }
0x120: {  	v8 =	vld [tilespmem:s21+$0xFFFFFFE0];
	_ =	sdelay $0x4  }
0x121: {  	v3 =	vmin.f32 v3, v8  }
0x122: {  	[tilespmem:s26+$0x41E0] =	vst v3;
	v3 =	vld [tilespmem:s26+$0x41F0]  }
0x123: {  	v9 =	vld [tilespmem:s21+$0xFFFFFFF0];
	_ =	sdelay $0x3  }
0x124: {  	s28 =	spop (v2sf)  }
0x125: {  	s24 =	smin.u32 s28, $0x140;
	v3 =	vmin.f32 v3, v9  }
0x126: {  	s29 =	sshll.u32 s24, $0x7;
	[tilespmem:s26+$0x41F0] =	vst v3  }
0x127: {  	v3 =	vld [tilespmem:s29+$0x4180]  }
0x128: {  	v10 =	vld [tilespmem:s21+$0x0];
	_ =	sdelay $0x4  }
0x129: {  	v3 =	vmin.f32 v3, v10  }
0x12a: {  	[tilespmem:s29+$0x4180] =	vst v3;
	v3 =	vld [tilespmem:s29+$0x4190]  }
0x12b: {  	v11 =	vld [tilespmem:s21+$0x10];
	_ =	sdelay $0x4  }
0x12c: {  	v3 =	vmin.f32 v3, v11  }
0x12d: {  	[tilespmem:s29+$0x4190] =	vst v3;
	v3 =	vld [tilespmem:s29+$0x41A0]  }
0x12e: {  	v12 =	vld [tilespmem:s21+$0x20];
	_ =	sdelay $0x4  }
0x12f: {  	v3 =	vmin.f32 v3, v12  }
0x130: {  	[tilespmem:s29+$0x41A0] =	vst v3;
	v3 =	vld [tilespmem:s29+$0x41B0]  }
0x131: {  	v13 =	vld [tilespmem:s21+$0x30];
	_ =	sdelay $0x4  }
0x132: {  	v3 =	vmin.f32 v3, v13  }
0x133: {  	[tilespmem:s29+$0x41B0] =	vst v3;
	v3 =	vld [tilespmem:s29+$0x41C0]  }
0x134: {  	v14 =	vld [tilespmem:s21+$0x40];
	_ =	sdelay $0x4  }
0x135: {  	v3 =	vmin.f32 v3, v14  }
0x136: {  	[tilespmem:s29+$0x41C0] =	vst v3;
	v3 =	vld [tilespmem:s29+$0x41D0]  }
0x137: {  	v15 =	vld [tilespmem:s21+$0x50];
	_ =	sdelay $0x2  }
0x138: {  	(v2sf) =	vpush v2, $0x9;
	_ =	sdelay $0x1  }
0x139: {  	v3 =	vmin.f32 v3, v15  }
0x13a: {  	[tilespmem:s29+$0x41D0] =	vst v3;
	v3 =	vld [tilespmem:s29+$0x41E0]  }
0x13b: {  	v16 =	vld [tilespmem:s21+$0x60];
	_ =	sdelay $0x4  }
0x13c: {  	v3 =	vmin.f32 v3, v16  }
0x13d: {  	[tilespmem:s29+$0x41E0] =	vst v3;
	v3 =	vld [tilespmem:s29+$0x41F0]  }
0x13e: {  	v17 =	vld [tilespmem:s21+$0x70];
	_ =	sdelay $0x3  }
0x13f: {  	s30 =	spop (v2sf)  }
0x140: {  	s24 =	smin.u32 s30, $0x140;
	v3 =	vmin.f32 v3, v17  }
0x141: {  	s31 =	sshll.u32 s24, $0x7;
	[tilespmem:s29+$0x41F0] =	vst v3  }
0x142: {  	v3 =	vld [tilespmem:s31+$0x4180]  }
0x143: {  	v18 =	vld [tilespmem:s21+$0x80];
	_ =	sdelay $0x4  }
0x144: {  	v3 =	vmin.f32 v3, v18  }
0x145: {  	[tilespmem:s31+$0x4180] =	vst v3;
	v3 =	vld [tilespmem:s31+$0x4190]  }
0x146: {  	v19 =	vld [tilespmem:s21+$0x90];
	_ =	sdelay $0x4  }
0x147: {  	v3 =	vmin.f32 v3, v19  }
0x148: {  	[tilespmem:s31+$0x4190] =	vst v3;
	v3 =	vld [tilespmem:s31+$0x41A0]  }
0x149: {  	v20 =	vld [tilespmem:s21+$0xA0];
	_ =	sdelay $0x4  }
0x14a: {  	v3 =	vmin.f32 v3, v20  }
0x14b: {  	[tilespmem:s31+$0x41A0] =	vst v3;
	v3 =	vld [tilespmem:s31+$0x41B0]  }
0x14c: {  	v21 =	vld [tilespmem:s21+$0xB0];
	_ =	sdelay $0x4  }
0x14d: {  	v3 =	vmin.f32 v3, v21  }
0x14e: {  	[tilespmem:s31+$0x41B0] =	vst v3;
	v3 =	vld [tilespmem:s31+$0x41C0]  }
0x14f: {  	v22 =	vld [tilespmem:s21+$0xC0];
	_ =	sdelay $0x4  }
0x150: {  	v3 =	vmin.f32 v3, v22  }
0x151: {  	[tilespmem:s31+$0x41C0] =	vst v3;
	v3 =	vld [tilespmem:s31+$0x41D0]  }
0x152: {  	v23 =	vld [tilespmem:s21+$0xD0];
	_ =	sdelay $0x2  }
0x153: {  	(v2sf) =	vpush v2, $0xA;
	_ =	sdelay $0x1  }
0x154: {  	v3 =	vmin.f32 v3, v23  }
0x155: {  	[tilespmem:s31+$0x41D0] =	vst v3;
	v3 =	vld [tilespmem:s31+$0x41E0]  }
0x156: {  	v24 =	vld [tilespmem:s21+$0xE0];
	_ =	sdelay $0x4  }
0x157: {  	v3 =	vmin.f32 v3, v24  }
0x158: {  	[tilespmem:s31+$0x41E0] =	vst v3;
	v3 =	vld [tilespmem:s31+$0x41F0]  }
0x159: {  	v25 =	vld [tilespmem:s21+$0xF0];
	_ =	sdelay $0x3  }
0x15a: {  	s25 =	spop (v2sf)  }
0x15b: {  	s24 =	smin.u32 s25, $0x140;
	v3 =	vmin.f32 v3, v25  }
0x15c: {  	s26 =	sshll.u32 s24, $0x7;
	[tilespmem:s31+$0x41F0] =	vst v3  }
0x15d: {  	v3 =	vld [tilespmem:s26+$0x4180]  }
0x15e: {  	v26 =	vld [tilespmem:s21+$0x100];
	_ =	sdelay $0x4  }
0x15f: {  	v3 =	vmin.f32 v3, v26  }
0x160: {  	[tilespmem:s26+$0x4180] =	vst v3;
	v3 =	vld [tilespmem:s26+$0x4190]  }
0x161: {  	v27 =	vld [tilespmem:s21+$0x110];
	_ =	sdelay $0x4  }
0x162: {  	v3 =	vmin.f32 v3, v27  }
0x163: {  	[tilespmem:s26+$0x4190] =	vst v3;
	v3 =	vld [tilespmem:s26+$0x41A0]  }
0x164: {  	v28 =	vld [tilespmem:s21+$0x120];
	_ =	sdelay $0x4  }
0x165: {  	v3 =	vmin.f32 v3, v28  }
0x166: {  	[tilespmem:s26+$0x41A0] =	vst v3;
	v3 =	vld [tilespmem:s26+$0x41B0]  }
0x167: {  	v29 =	vld [tilespmem:s21+$0x130];
	_ =	sdelay $0x4  }
0x168: {  	v3 =	vmin.f32 v3, v29  }
0x169: {  	[tilespmem:s26+$0x41B0] =	vst v3;
	v3 =	vld [tilespmem:s26+$0x41C0]  }
0x16a: {  	v30 =	vld [tilespmem:s21+$0x140];
	_ =	sdelay $0x4  }
0x16b: {  	v3 =	vmin.f32 v3, v30  }
0x16c: {  	[tilespmem:s26+$0x41C0] =	vst v3;
	v3 =	vld [tilespmem:s26+$0x41D0]  }
0x16d: {  	v31 =	vld [tilespmem:s21+$0x150];
	_ =	sdelay $0x2  }
0x16e: {  	(v2sf) =	vpush v2, $0xB;
	_ =	sdelay $0x1  }
0x16f: {  	v3 =	vmin.f32 v3, v31  }
0x170: {  	[tilespmem:s26+$0x41D0] =	vst v3;
	v3 =	vld [tilespmem:s26+$0x41E0]  }
0x171: {  	v32 =	vld [tilespmem:s21+$0x160];
	_ =	sdelay $0x4  }
0x172: {  	v3 =	vmin.f32 v3, v32  }
0x173: {  	[tilespmem:s26+$0x41E0] =	vst v3;
	v3 =	vld [tilespmem:s26+$0x41F0]  }
0x174: {  	v33 =	vld [tilespmem:s21+$0x170];
	_ =	sdelay $0x3  }
0x175: {  	s28 =	spop (v2sf)  }
0x176: {  	s24 =	smin.u32 s28, $0x140;
	v3 =	vmin.f32 v3, v33  }
0x177: {  	s29 =	sshll.u32 s24, $0x7;
	[tilespmem:s26+$0x41F0] =	vst v3  }
0x178: {  	v3 =	vld [tilespmem:s29+$0x4180]  }
0x179: {  	v34 =	vld [tilespmem:s21+$0x180];
	_ =	sdelay $0x4  }
0x17a: {  	v3 =	vmin.f32 v3, v34  }
0x17b: {  	[tilespmem:s29+$0x4180] =	vst v3;
	v3 =	vld [tilespmem:s29+$0x4190]  }
0x17c: {  	v35 =	vld [tilespmem:s21+$0x190];
	_ =	sdelay $0x4  }
0x17d: {  	v3 =	vmin.f32 v3, v35  }
0x17e: {  	[tilespmem:s29+$0x4190] =	vst v3;
	v3 =	vld [tilespmem:s29+$0x41A0]  }
0x17f: {  	v36 =	vld [tilespmem:s21+$0x1A0];
	_ =	sdelay $0x4  }
0x180: {  	v3 =	vmin.f32 v3, v36  }
0x181: {  	[tilespmem:s29+$0x41A0] =	vst v3;
	v3 =	vld [tilespmem:s29+$0x41B0]  }
0x182: {  	v37 =	vld [tilespmem:s21+$0x1B0];
	_ =	sdelay $0x4  }
0x183: {  	v3 =	vmin.f32 v3, v37  }
0x184: {  	[tilespmem:s29+$0x41B0] =	vst v3;
	v3 =	vld [tilespmem:s29+$0x41C0]  }
0x185: {  	v38 =	vld [tilespmem:s21+$0x1C0];
	_ =	sdelay $0x4  }
0x186: {  	v3 =	vmin.f32 v3, v38  }
0x187: {  	[tilespmem:s29+$0x41C0] =	vst v3;
	v3 =	vld [tilespmem:s29+$0x41D0]  }
0x188: {  	v39 =	vld [tilespmem:s21+$0x1D0];
	_ =	sdelay $0x2  }
0x189: {  	(v2sf) =	vpush v2, $0xC;
	_ =	sdelay $0x1  }
0x18a: {  	v3 =	vmin.f32 v3, v39  }
0x18b: {  	[tilespmem:s29+$0x41D0] =	vst v3;
	v3 =	vld [tilespmem:s29+$0x41E0]  }
0x18c: {  	v40 =	vld [tilespmem:s21+$0x1E0];
	_ =	sdelay $0x4  }
0x18d: {  	v3 =	vmin.f32 v3, v40  }
0x18e: {  	[tilespmem:s29+$0x41E0] =	vst v3;
	v3 =	vld [tilespmem:s29+$0x41F0]  }
0x18f: {  	v41 =	vld [tilespmem:s21+$0x1F0];
	_ =	sdelay $0x3  }
0x190: {  	s30 =	spop (v2sf)  }
0x191: {  	s24 =	smin.u32 s30, $0x140;
	v3 =	vmin.f32 v3, v41  }
0x192: {  	s31 =	sshll.u32 s24, $0x7;
	[tilespmem:s29+$0x41F0] =	vst v3  }
0x193: {  	v3 =	vld [tilespmem:s31+$0x4180]  }
0x194: {  	v42 =	vld [tilespmem:s21+$0x200];
	_ =	sdelay $0x4  }
0x195: {  	v3 =	vmin.f32 v3, v42  }
0x196: {  	[tilespmem:s31+$0x4180] =	vst v3;
	v3 =	vld [tilespmem:s31+$0x4190]  }
0x197: {  	v43 =	vld [tilespmem:s21+$0x210];
	_ =	sdelay $0x4  }
0x198: {  	v3 =	vmin.f32 v3, v43  }
0x199: {  	[tilespmem:s31+$0x4190] =	vst v3;
	v3 =	vld [tilespmem:s31+$0x41A0]  }
0x19a: {  	v44 =	vld [tilespmem:s21+$0x220];
	_ =	sdelay $0x4  }
0x19b: {  	v3 =	vmin.f32 v3, v44  }
0x19c: {  	[tilespmem:s31+$0x41A0] =	vst v3;
	v3 =	vld [tilespmem:s31+$0x41B0]  }
0x19d: {  	v45 =	vld [tilespmem:s21+$0x230];
	_ =	sdelay $0x4  }
0x19e: {  	v3 =	vmin.f32 v3, v45  }
0x19f: {  	[tilespmem:s31+$0x41B0] =	vst v3;
	v3 =	vld [tilespmem:s31+$0x41C0]  }
0x1a0: {  	v46 =	vld [tilespmem:s21+$0x240];
	_ =	sdelay $0x4  }
0x1a1: {  	v3 =	vmin.f32 v3, v46  }
0x1a2: {  	[tilespmem:s31+$0x41C0] =	vst v3;
	v3 =	vld [tilespmem:s31+$0x41D0]  }
0x1a3: {  	v47 =	vld [tilespmem:s21+$0x250];
	_ =	sdelay $0x2  }
0x1a4: {  	(v2sf) =	vpush v2, $0xD;
	_ =	sdelay $0x1  }
0x1a5: {  	v3 =	vmin.f32 v3, v47  }
0x1a6: {  	[tilespmem:s31+$0x41D0] =	vst v3;
	v3 =	vld [tilespmem:s31+$0x41E0]  }
0x1a7: {  	v48 =	vld [tilespmem:s21+$0x260];
	_ =	sdelay $0x4  }
0x1a8: {  	v3 =	vmin.f32 v3, v48  }
0x1a9: {  	[tilespmem:s31+$0x41E0] =	vst v3;
	v3 =	vld [tilespmem:s31+$0x41F0]  }
0x1aa: {  	v49 =	vld [tilespmem:s21+$0x270];
	_ =	sdelay $0x3  }
0x1ab: {  	s25 =	spop (v2sf)  }
0x1ac: {  	s24 =	smin.u32 s25, $0x140;
	v3 =	vmin.f32 v3, v49  }
0x1ad: {  	s26 =	sshll.u32 s24, $0x7;
	[tilespmem:s31+$0x41F0] =	vst v3  }
0x1ae: {  	v3 =	vld [tilespmem:s26+$0x4180]  }
0x1af: {  	v50 =	vld [tilespmem:s21+$0x280];
	_ =	sdelay $0x4  }
0x1b0: {  	v3 =	vmin.f32 v3, v50  }
0x1b1: {  	[tilespmem:s26+$0x4180] =	vst v3;
	v3 =	vld [tilespmem:s26+$0x4190]  }
0x1b2: {  	v51 =	vld [tilespmem:s21+$0x290];
	_ =	sdelay $0x4  }
0x1b3: {  	v3 =	vmin.f32 v3, v51  }
0x1b4: {  	[tilespmem:s26+$0x4190] =	vst v3;
	v3 =	vld [tilespmem:s26+$0x41A0]  }
0x1b5: {  	v52 =	vld [tilespmem:s21+$0x2A0];
	_ =	sdelay $0x4  }
0x1b6: {  	v3 =	vmin.f32 v3, v52  }
0x1b7: {  	[tilespmem:s26+$0x41A0] =	vst v3;
	v3 =	vld [tilespmem:s26+$0x41B0]  }
0x1b8: {  	v53 =	vld [tilespmem:s21+$0x2B0];
	_ =	sdelay $0x4  }
0x1b9: {  	v3 =	vmin.f32 v3, v53  }
0x1ba: {  	[tilespmem:s26+$0x41B0] =	vst v3;
	v3 =	vld [tilespmem:s26+$0x41C0]  }
0x1bb: {  	v54 =	vld [tilespmem:s21+$0x2C0];
	_ =	sdelay $0x4  }
0x1bc: {  	v3 =	vmin.f32 v3, v54  }
0x1bd: {  	[tilespmem:s26+$0x41C0] =	vst v3;
	v3 =	vld [tilespmem:s26+$0x41D0]  }
0x1be: {  	v55 =	vld [tilespmem:s21+$0x2D0];
	_ =	sdelay $0x2  }
0x1bf: {  	(v2sf) =	vpush v2, $0xE;
	_ =	sdelay $0x1  }
0x1c0: {  	v3 =	vmin.f32 v3, v55  }
0x1c1: {  	[tilespmem:s26+$0x41D0] =	vst v3;
	v3 =	vld [tilespmem:s26+$0x41E0]  }
0x1c2: {  	v56 =	vld [tilespmem:s21+$0x2E0];
	_ =	sdelay $0x4  }
0x1c3: {  	v3 =	vmin.f32 v3, v56  }
0x1c4: {  	[tilespmem:s26+$0x41E0] =	vst v3;
	v3 =	vld [tilespmem:s26+$0x41F0]  }
0x1c5: {  	v57 =	vld [tilespmem:s21+$0x2F0];
	_ =	sdelay $0x3  }
0x1c6: {  	s28 =	spop (v2sf)  }
0x1c7: {  	s24 =	smin.u32 s28, $0x140;
	v3 =	vmin.f32 v3, v57  }
0x1c8: {  	s29 =	sshll.u32 s24, $0x7;
	[tilespmem:s26+$0x41F0] =	vst v3  }
0x1c9: {  	v3 =	vld [tilespmem:s29+$0x4180]  }
0x1ca: {  	v58 =	vld [tilespmem:s21+$0x300];
	_ =	sdelay $0x4  }
0x1cb: {  	v3 =	vmin.f32 v3, v58  }
0x1cc: {  	[tilespmem:s29+$0x4180] =	vst v3;
	v3 =	vld [tilespmem:s29+$0x4190]  }
0x1cd: {  	v59 =	vld [tilespmem:s21+$0x310];
	_ =	sdelay $0x4  }
0x1ce: {  	v3 =	vmin.f32 v3, v59  }
0x1cf: {  	[tilespmem:s29+$0x4190] =	vst v3;
	v3 =	vld [tilespmem:s29+$0x41A0]  }
0x1d0: {  	v60 =	vld [tilespmem:s21+$0x320];
	_ =	sdelay $0x4  }
0x1d1: {  	v3 =	vmin.f32 v3, v60  }
0x1d2: {  	[tilespmem:s29+$0x41A0] =	vst v3;
	v3 =	vld [tilespmem:s29+$0x41B0]  }
0x1d3: {  	v61 =	vld [tilespmem:s21+$0x330];
	_ =	sdelay $0x4  }
0x1d4: {  	v3 =	vmin.f32 v3, v61  }
0x1d5: {  	[tilespmem:s29+$0x41B0] =	vst v3;
	v3 =	vld [tilespmem:s29+$0x41C0]  }
0x1d6: {  	v62 =	vld [tilespmem:s21+$0x340];
	_ =	sdelay $0x4  }
0x1d7: {  	v3 =	vmin.f32 v3, v62  }
0x1d8: {  	[tilespmem:s29+$0x41C0] =	vst v3;
	v3 =	vld [tilespmem:s29+$0x41D0]  }
0x1d9: {  	v63 =	vld [tilespmem:s21+$0x350];
	_ =	sdelay $0x2  }
0x1da: {  	(v2sf) =	vpush v2, $0xF;
	_ =	sdelay $0x1  }
0x1db: {  	v2 =	vmin.f32 v3, v63  }
0x1dc: {  	[tilespmem:s29+$0x41D0] =	vst v2;
	v2 =	vld [tilespmem:s29+$0x41E0]  }
0x1dd: {  	v3 =	vld [tilespmem:s21+$0x360];
	_ =	sdelay $0x4  }
0x1de: {  	v2 =	vmin.f32 v2, v3  }
0x1df: {  	[tilespmem:s29+$0x41E0] =	vst v2;
	v2 =	vld [tilespmem:s29+$0x41F0]  }
0x1e0: {  	v3 =	vld [tilespmem:s21+$0x370];
	_ =	sdelay $0x3  }
0x1e1: {  	s30 =	spop (v2sf)  }
0x1e2: {  	s24 =	smin.u32 s30, $0x140;
	v2 =	vmin.f32 v2, v3  }
0x1e3: {  	s31 =	sshll.u32 s24, $0x7;
	[tilespmem:s29+$0x41F0] =	vst v2  }
0x1e4: {  	v2 =	vld [tilespmem:s31+$0x4180]  }
0x1e5: {  	v3 =	vld [tilespmem:s21+$0x380];
	_ =	sdelay $0x4  }
0x1e6: {  	v2 =	vmin.f32 v2, v3  }
0x1e7: {  	[tilespmem:s31+$0x4180] =	vst v2;
	v2 =	vld [tilespmem:s31+$0x4190]  }
0x1e8: {  	v3 =	vld [tilespmem:s21+$0x390];
	_ =	sdelay $0x4  }
0x1e9: {  	v2 =	vmin.f32 v2, v3  }
0x1ea: {  	[tilespmem:s31+$0x4190] =	vst v2;
	v2 =	vld [tilespmem:s31+$0x41A0]  }
0x1eb: {  	v3 =	vld [tilespmem:s21+$0x3A0];
	_ =	sdelay $0x4  }
0x1ec: {  	v2 =	vmin.f32 v2, v3  }
0x1ed: {  	[tilespmem:s31+$0x41A0] =	vst v2;
	v2 =	vld [tilespmem:s31+$0x41B0]  }
0x1ee: {  	v3 =	vld [tilespmem:s21+$0x3B0];
	_ =	sdelay $0x4  }
0x1ef: {  	v2 =	vmin.f32 v2, v3  }
0x1f0: {  	[tilespmem:s31+$0x41B0] =	vst v2;
	v2 =	vld [tilespmem:s31+$0x41C0]  }
0x1f1: {  	v3 =	vld [tilespmem:s21+$0x3C0];
	_ =	sdelay $0x4  }
0x1f2: {  	v2 =	vmin.f32 v2, v3  }
0x1f3: {  	[tilespmem:s31+$0x41C0] =	vst v2;
	v2 =	vld [tilespmem:s31+$0x41D0]  }
0x1f4: {  	v3 =	vld [tilespmem:s21+$0x3D0];
	_ =	sdelay $0x4  }
0x1f5: {  	v2 =	vmin.f32 v2, v3  }
0x1f6: {  	[tilespmem:s31+$0x41D0] =	vst v2;
	v2 =	vld [tilespmem:s31+$0x41E0]  }
0x1f7: {  	v3 =	vld [tilespmem:s21+$0x3E0];
	_ =	sdelay $0x4  }
0x1f8: {  	v2 =	vmin.f32 v2, v3  }
0x1f9: {  	[tilespmem:s31+$0x41E0] =	vst v2;
	v2 =	vld [tilespmem:s31+$0x41F0]  }
0x1fa: {  	v3 =	vld [tilespmem:s21+$0x3F0]  }
0x1fb: {  	p0 =	sne.s32 s22, $0x1C0  }
.Ltmp4:
0x1fc: {  	_ = 	snop;
	(pc) =	sbr.rel @p0 .LBB2_5-.Ltmp4, $3  }
0x1fd: {  	_ =	sdelay $0x1  }
0x1fe: {  	v2 =	vmin.f32 v2, v3  }
0x1ff: {  	s22 =	sadd.s32 $0x40, s22;
	s21 =	sadd.s32 $0x800, s21;
	[tilespmem:s31+$0x41F0] =	vst v2  }
0x200: {  	s20 =	sadd.s32 $0x1, s20  }
0x201: {  	p0 =	sne.s32 s20, s18  }
.Ltmp5:
0x202: {  	_ = 	snop;
	(pc) =	sbr.rel @p0 .LBB2_4-.Ltmp5, $4  }
.Ltmp6:
0x203: {  	_ = 	snop;
	(pc) =	sbr.rel @!p0 .LBB2_7-.Ltmp6, $4  }
0x204: {  	_ = 	snop  }
0x205: {  	_ = 	snop  }
0x206: {  	_ = 	snop  }
0x207: {  	_ = 	snop  }
.LBB2_8:
0x208: {  	_ =	sfence.sel $0x180000  }
0x209: {  	[bflag:$0x0] =	sbarrier.arrive $0xFFFF  }
0x20a: {  	p0 =	sne.s32 s2, $0x0;
	_ =	strace $0x90000047  }
0x20b: {  	s0 =	sadd.s32 @!p0 $0x100000, s0;
	[bflag:$0x2] =	sbarrier.arrive $0xFFFF  }
0x20c: {  	[sflag:s0] =	ssyncadd.tile.s32 @!p0 $0x1;
	_ =	shalt  }
.Lfunc_end2:
_tile_overlayer_lowered:
.L_overlay_start_2:
0x20d: {  	(tag) =	ssettag $0x2  }
0x20e: {  	s0 =	rddreg [dreg:$0x0];
	s2 =	stileid.u32  }
0x20f: {  	s1 =	rddreg [dreg:$0x1];
	p0 =	sne.s32 s2, $0x0  }
0x210: {  	s3 =	rddreg [dreg:$0x2];
	[bflag:$0x3] =	sbarrier.arrive $0xFFFF;
	s2 =	simm.s32 @!p0 $0x1C02  }
0x211: {  	[timem:s3], [sflag:s2] =	dma.local @!p0 [hbm:s0], s1  }
0x212: {  	s0 =	simm.s32 @!p0 $0x2  }
0x213: {  	_ =	swait.ge @!p0 [sflag:s0], s1  }
0x214: {  	s1 =	ssub.s32 @!p0 $0x0, s1;
	[sflag:s0] =	ssyncset.done @!p0 $0x0  }
0x215: {  	[sflag:s0] =	ssyncadd.s32 @!p0 s1  }
0x216: {  	[bflag:$0x3] =	sbarrier.arrive $0xFFFF  }
0x217: {  	_ =	shalt  }

</sc_bundles>
